<compile_context>
chip_gen: v7x
topology: tpu7x:2x2x1
jax: 0.10.2.dev20260603
libtpu: 0.0.44.dev20260713+nightly
codegen_flags: <defaults>
</compile_context>

<pallas_src>
import functools
import jax
import jax.numpy as jnp
from jax import lax
from jax.experimental import pallas as pl
from jax.experimental.pallas import tpu as pltpu
from jax.experimental.pallas import tpu_sc as plsc

B, L = 4096, 200
E = 64
FAN_H = 16
NUM_HOURS = 25
HN = 32
N_TOK = B * L
P = 1000000 + 1
NW = 32
NS = 8
N_SLAB = N_TOK // NS
PER_W = N_SLAB // NW
CHUNK = 320
N_CHUNKS = PER_W // CHUNK
NBUF = 2
T = 4096
G = N_TOK // T
GS = N_SLAB // T


@functools.lru_cache(maxsize=None)
def _make_sc_gather(slab):
    mesh = plsc.VectorSubcoreMesh(core_axis_name="c", subcore_axis_name="s")
    slab_base = slab * N_SLAB

    @functools.partial(
        pl.kernel,
        mesh=mesh,
        out_type=jax.ShapeDtypeStruct((N_SLAB, E), jnp.float32),
        scratch_types=[
            pltpu.VMEM((NBUF, CHUNK), jnp.int32),
            pltpu.VMEM((NBUF, CHUNK, E), jnp.float32),
            pltpu.SemaphoreType.DMA,
        ],
        compiler_params=pltpu.CompilerParams(use_tc_tiling_on_sc=False),
    )
    def _sc_gather(idx_hbm, table_hbm, out_hbm, idx_v, rows_v, sem):
        wid = lax.axis_index("s") * 2 + lax.axis_index("c")
        base = wid * PER_W

        def body(i, carry):
            slot = lax.rem(i, NBUF)
            off = pl.multiple_of(base + i * CHUNK, CHUNK)
            src = pl.multiple_of(slab_base + off, CHUNK)
            pltpu.sync_copy(idx_hbm.at[pl.ds(src, CHUNK)], idx_v.at[slot])
            pltpu.async_copy(table_hbm.at[idx_v.at[slot]], rows_v.at[slot],
                             sem).wait()
            pltpu.sync_copy(rows_v.at[slot], out_hbm.at[pl.ds(off, CHUNK)])
            return carry

        lax.fori_loop(0, N_CHUNKS, body, 0)

    return _sc_gather


def _dense_body(he_ref, ho_ref, x2_ref, fcw_ref, hpad_ref, b_ref, out_ref):
    x2 = x2_ref[...]
    w1 = fcw_ref[:, :E]
    acce = lax.dot_general(x2[:, :E], w1, (((1,), (1,)), ((), ())),
                           preferred_element_type=jnp.float32)
    acco = lax.dot_general(x2[:, E:], w1, (((1,), (1,)), ((), ())),
                           preferred_element_type=jnp.float32)
    w2 = fcw_ref[:, E:]
    hw = lax.dot_general(hpad_ref[...], w2, (((1,), (1,)), ((), ())),
                         preferred_element_type=jnp.float32)
    hw = hw + b_ref[...]
    ioh = lax.broadcasted_iota(jnp.int32, (HN, T // 2), 0)
    ohe = (ioh == he_ref[0]).astype(jnp.float32)
    oho = (ioh == ho_ref[0]).astype(jnp.float32)
    hce = lax.dot_general(ohe, hw, (((0,), (0,)), ((), ())),
                          preferred_element_type=jnp.float32)
    hco = lax.dot_general(oho, hw, (((0,), (0,)), ((), ())),
                          preferred_element_type=jnp.float32)
    ye = jnp.tanh(acce + hce)
    yo = jnp.tanh(acco + hco)
    out_ref[...] = jnp.stack([ye, yo], axis=1).reshape(T, E)


def _dense_slab(k, out_prev, he3, ho3, x2, fc_w, hour_pad, fc_b2):

    def body(prev_ref, he_ref, ho_ref, x2_ref, fcw_ref, hpad_ref, b_ref,
             out_ref):
        del prev_ref
        _dense_body(he_ref, ho_ref, x2_ref, fcw_ref, hpad_ref, b_ref, out_ref)

    return pl.pallas_call(
        body,
        grid=(GS,),
        in_specs=[
            pl.BlockSpec(memory_space=pl.ANY),
            pl.BlockSpec((1, 1, T // 2), lambda i: (i, 0, 0)),
            pl.BlockSpec((1, 1, T // 2), lambda i: (i, 0, 0)),
            pl.BlockSpec((T // 2, 2 * E), lambda i: (i, 0)),
            pl.BlockSpec((E, E + FAN_H), lambda i: (0, 0)),
            pl.BlockSpec((HN, FAN_H), lambda i: (0, 0)),
            pl.BlockSpec((1, E), lambda i: (0, 0)),
        ],
        out_specs=pl.BlockSpec((T, E), lambda i: (k * GS + i, 0)),
        out_shape=jax.ShapeDtypeStruct((N_TOK, E), jnp.float32),
        input_output_aliases={0: 0},
    )(out_prev, he3, ho3, x2, fc_w, hour_pad, fc_b2)


def _dense_first(he3, ho3, x2, fc_w, hour_pad, fc_b2):
    return pl.pallas_call(
        _dense_body,
        grid=(GS,),
        in_specs=[
            pl.BlockSpec((1, 1, T // 2), lambda i: (i, 0, 0)),
            pl.BlockSpec((1, 1, T // 2), lambda i: (i, 0, 0)),
            pl.BlockSpec((T // 2, 2 * E), lambda i: (i, 0)),
            pl.BlockSpec((E, E + FAN_H), lambda i: (0, 0)),
            pl.BlockSpec((HN, FAN_H), lambda i: (0, 0)),
            pl.BlockSpec((1, E), lambda i: (0, 0)),
        ],
        out_specs=pl.BlockSpec((T, E), lambda i: (i, 0)),
        out_shape=jax.ShapeDtypeStruct((N_TOK, E), jnp.float32),
    )(he3, ho3, x2, fc_w, hour_pad, fc_b2)


def kernel(token_seq, hour_seq, poi_table, hour_table, fc_w, fc_b):
    tok = jnp.asarray(token_seq, jnp.int32).reshape(N_TOK)
    hour = jnp.asarray(hour_seq, jnp.int32).reshape(N_TOK)
    he = hour[0::2]
    ho = hour[1::2]
    hour_pad = jnp.pad(hour_table.astype(jnp.float32),
                       ((0, HN - NUM_HOURS), (0, 0)))
    fc_b2 = fc_b.astype(jnp.float32).reshape(1, E)
    fcw = fc_w.astype(jnp.float32)
    tbl = poi_table.astype(jnp.float32)

    x2s, he3s, ho3s = [], [], []
    he4 = he.reshape(NS, GS, 1, T // 2)
    ho4 = ho.reshape(NS, GS, 1, T // 2)
    for k in range(NS):
        xk = _make_sc_gather(k)(tok, tbl)
        x2s.append(xk.reshape(N_SLAB // 2, 2 * E))
        he3s.append(he4[k])
        ho3s.append(ho4[k])

    out = _dense_first(he3s[0], ho3s[0], x2s[0], fcw, hour_pad, fc_b2)
    for k in range(1, NS):
        out = _dense_slab(k, out, he3s[k], ho3s[k], x2s[k], fcw, hour_pad,
                          fc_b2)
    return out.reshape(B, L, E)

# --- scband reference (transcript-rebuilt; emitter-appended) ---
"""Pipeline reference for scband-lstm-time-aware-embedding-2430951489774 (READ-ONLY COPY).

The authoritative reference and input builder live on the scoring server;
editing this copy changes nothing except your own understanding.
"""

import jax, jax.numpy as jnp
import numpy as np

B, L = 4096, 200
E = 64
H = E // 4  # 16
P = 1000000 + 1  # poi_nums + 1 (padding row 0)
NUM_HOURS = 24 + 1

def setup_inputs(seed: int = 0) -> dict:
    key = jax.random.key(seed)
    k1, k2, k3, k4, k5, k6 = jax.random.split(key, 6)
    token_seq = jax.random.randint(k1, (B, L), 0, P)
    hour_seq = jax.random.randint(k2, (B, L), 0, NUM_HOURS)
    poi_table = jax.random.normal(k3, (P, E), dtype=jnp.float32)
    poi_table = poi_table.at[0].set(0.0)  # padding_idx=0
    hour_table = jax.random.normal(k4, (NUM_HOURS, H), dtype=jnp.float32)
    hour_table = hour_table.at[0].set(0.0)  # padding_idx=0
    fan_in = E + H
    bound = 1.0 / np.sqrt(fan_in)
    fc_w = jax.random.uniform(k5, (E, fan_in), minval=-bound, maxval=bound, dtype=jnp.float32)
    fc_b = jax.random.uniform(k6, (E,), minval=-bound, maxval=bound, dtype=jnp.float32)
    return {"token_seq": token_seq, "hour_seq": hour_seq, "poi_table": poi_table,
            "hour_table": hour_table, "fc_w": fc_w, "fc_b": fc_b}

def reference(token_seq, hour_seq, poi_table, hour_table, fc_w, fc_b):
    # view == 'poi' branch
    token_emb = jnp.take(poi_table, token_seq, axis=0)      # [B, L, E]
    hour_emb = jnp.take(hour_table, hour_seq, axis=0)       # [B, L, E//4]
    x = jnp.concatenate([token_emb, hour_emb], axis=-1)     # [B, L, E + E//4]
    out = jnp.tanh(x @ fc_w.T + fc_b)                       # [B, L, E]
    # dropout is identity in eval mode
    return out

if __name__ == "__main__":
    import jax
    _d = setup_inputs()
    print(jax.jit(kernel)(*tuple(_d.values())))

</pallas_src>

<mosaic_0001>
#map = affine_map<(d0, d1) -> (0)>
#map1 = affine_map<(d0, d1) -> (0, 0)>
module attributes {stable_mosaic.version = 14 : i64} {
  func.func @_sc_gather(%arg0: i32, %arg1: i32, %arg2: memref<819200xi32, #tpu.memory_space<hbm>>, %arg3: memref<1000001x64xf32, #tpu.memory_space<hbm>>, %arg4: memref<102400x64xf32, #tpu.memory_space<hbm>>, %arg5: memref<2x320xi32, #tpu.memory_space<vmem>>, %arg6: memref<2x320x64xf32, #tpu.memory_space<vmem>>, %arg7: memref<!tpu.dma_semaphore, #tpu.memory_space<semaphore_mem>>) attributes {dimension_semantics = [#tpu.dimension_semantics<core_parallel>, #tpu.dimension_semantics<subcore_parallel>], iteration_bounds = array<i64: 2, 16>, scalar_prefetch = 0 : i64, scratch_operands = 3 : i64, tpu.core_type = #tpu.core_type<sc_vector_subcore>, window_params = [{transform_indices = #map}, {transform_indices = #map1}, {transform_indices = #map1}]} {
    %mul3A = arith.constant 2 : i32
    %mul3A_0 = arith.muli %arg1, %mul3A : i32
    %add3A = arith.addi %mul3A_0, %arg0 : i32
    %mul3A_1 = arith.constant 3200 : i32
    %mul3A_2 = arith.muli %add3A, %mul3A_1 : i32
    %scan3A = arith.constant 0 : i32
    %scan3A_3 = arith.constant 0 : i32
    %scan3A_4 = arith.constant 10 : i32
    %scan3A_5 = arith.addi %scan3A_3, %scan3A_4 : i32
    %scan3A_6 = arith.constant 1 : i32
    scf.for %scan3A_8 = %scan3A_3 to %scan3A_5 step %scan3A_6  : i32 {
      %rem3A = arith.constant 2 : i32
      %rem3A_9 = arith.remsi %scan3A_8, %rem3A : i32
      %mul3A_10 = arith.constant 320 : i32
      %mul3A_11 = arith.muli %scan3A_8, %mul3A_10 : i32
      %add3A_12 = arith.addi %mul3A_2, %mul3A_11 : i32
      %multiple_of3A = tpu.assume_multiple %add3A_12, 320 : i32
      %add3A_13 = arith.constant 0 : i32
      %add3A_14 = arith.addi %add3A_13, %multiple_of3A : i32
      %multiple_of3A_15 = tpu.assume_multiple %add3A_14, 320 : i32
      "tpu.region"() ({
        %run_scoped3A = tpu.sem_alloc : memref<!tpu.dma_semaphore, #tpu.memory_space<semaphore_mem>>
        %dma_start3A_34 = arith.constant 0 : i32
        %dma_start3A_35 = tpu.memref_slice %arg5[%rem3A_9, %dma_start3A_34] : memref<2x320xi32, #tpu.memory_space<vmem>> -> memref<1x320xi32, #tpu.memory_space<vmem>>
        %dma_start3A_36 = tpu.memref_squeeze %dma_start3A_35 : memref<1x320xi32, #tpu.memory_space<vmem>> -> memref<320xi32, #tpu.memory_space<vmem>>
        %dma_start3A_37 = tpu.memref_slice %arg2[%multiple_of3A_15] : memref<819200xi32, #tpu.memory_space<hbm>> -> memref<320xi32, #tpu.memory_space<hbm>>
        %dma_start3A_38 = arith.constant 0 : i32
        %dma_start3A_39 = tpu.memref_slice %arg5[%rem3A_9, %dma_start3A_38] : memref<2x320xi32, #tpu.memory_space<vmem>> -> memref<1x320xi32, #tpu.memory_space<vmem>>
        %dma_start3A_40 = tpu.memref_squeeze %dma_start3A_39 : memref<1x320xi32, #tpu.memory_space<vmem>> -> memref<320xi32, #tpu.memory_space<vmem>>
        %dma_start3A_41 = tpu.memref_slice %arg2[%multiple_of3A_15] : memref<819200xi32, #tpu.memory_space<hbm>> -> memref<320xi32, #tpu.memory_space<hbm>>
        tpu.enqueue_dma source(%dma_start3A_41 : memref<320xi32, #tpu.memory_space<hbm>>) target(%dma_start3A_40 : memref<320xi32, #tpu.memory_space<vmem>>) target_semaphore(%run_scoped3A : memref<!tpu.dma_semaphore, #tpu.memory_space<semaphore_mem>>)
        %dma_wait3A_42 = arith.constant 0 : i32
        %dma_wait3A_43 = tpu.memref_slice %arg5[%rem3A_9, %dma_wait3A_42] : memref<2x320xi32, #tpu.memory_space<vmem>> -> memref<1x320xi32, #tpu.memory_space<vmem>>
        %dma_wait3A_44 = tpu.memref_squeeze %dma_wait3A_43 : memref<1x320xi32, #tpu.memory_space<vmem>> -> memref<320xi32, #tpu.memory_space<vmem>>
        %dma_wait3A_45 = tpu.memref_slice %arg2[%multiple_of3A_15] : memref<819200xi32, #tpu.memory_space<hbm>> -> memref<320xi32, #tpu.memory_space<hbm>>
        %dma_wait3A_46 = arith.constant 0 : i32
        %dma_wait3A_47 = tpu.memref_slice %arg5[%rem3A_9, %dma_wait3A_46] : memref<2x320xi32, #tpu.memory_space<vmem>> -> memref<1x320xi32, #tpu.memory_space<vmem>>
        %dma_wait3A_48 = tpu.memref_squeeze %dma_wait3A_47 : memref<1x320xi32, #tpu.memory_space<vmem>> -> memref<320xi32, #tpu.memory_space<vmem>>
        %dma_wait3A_49 = tpu.memref_slice %arg2[%multiple_of3A_15] : memref<819200xi32, #tpu.memory_space<hbm>> -> memref<320xi32, #tpu.memory_space<hbm>>
        tpu.wait_dma2 semaphore(%run_scoped3A : memref<!tpu.dma_semaphore, #tpu.memory_space<semaphore_mem>>) src(%dma_wait3A_49 : memref<320xi32, #tpu.memory_space<hbm>>) dst(%dma_wait3A_48 : memref<320xi32, #tpu.memory_space<vmem>>)
        tpu.yield
      }) : () -> ()
      %dma_start3A = arith.constant 0 : i32
      %dma_start3A_16 = arith.constant 0 : i32
      %dma_start3A_17 = tpu.memref_slice %arg6[%rem3A_9, %dma_start3A, %dma_start3A_16] : memref<2x320x64xf32, #tpu.memory_space<vmem>> -> memref<1x320x64xf32, #tpu.memory_space<vmem>>
      %dma_start3A_18 = tpu.memref_squeeze %dma_start3A_17 : memref<1x320x64xf32, #tpu.memory_space<vmem>> -> memref<320x64xf32, #tpu.memory_space<vmem>>
      %dma_start3A_19 = arith.constant 0 : i32
      %dma_start3A_20 = tpu.memref_slice %arg5[%rem3A_9, %dma_start3A_19] : memref<2x320xi32, #tpu.memory_space<vmem>> -> memref<1x320xi32, #tpu.memory_space<vmem>>
      %dma_start3A_21 = tpu.memref_squeeze %dma_start3A_20 : memref<1x320xi32, #tpu.memory_space<vmem>> -> memref<320xi32, #tpu.memory_space<vmem>>
      %dma_start3A_22 = arith.constant 0 : i32
      %dma_start3A_23 = arith.constant 0 : i32
      %dma_start3A_24 = tpu.memref_slice %arg3[%dma_start3A_22, %dma_start3A_23] : memref<1000001x64xf32, #tpu.memory_space<hbm>> -> memref<1000001x64xf32, #tpu.memory_space<hbm>>
      tpu.enqueue_indirect_dma source(%dma_start3A_24 : memref<1000001x64xf32, #tpu.memory_space<hbm>>) target(%dma_start3A_18 : memref<320x64xf32, #tpu.memory_space<vmem>>) offsets(%dma_start3A_21 : memref<320xi32, #tpu.memory_space<vmem>>) semaphore(%arg7 : memref<!tpu.dma_semaphore, #tpu.memory_space<semaphore_mem>>)
      %dma_wait3A = arith.constant 0 : i32
      %dma_wait3A_25 = arith.constant 0 : i32
      %dma_wait3A_26 = tpu.memref_slice %arg6[%rem3A_9, %dma_wait3A, %dma_wait3A_25] : memref<2x320x64xf32, #tpu.memory_space<vmem>> -> memref<1x320x64xf32, #tpu.memory_space<vmem>>
      %dma_wait3A_27 = tpu.memref_squeeze %dma_wait3A_26 : memref<1x320x64xf32, #tpu.memory_space<vmem>> -> memref<320x64xf32, #tpu.memory_space<vmem>>
      %dma_wait3A_28 = arith.constant 0 : i32
      %dma_wait3A_29 = tpu.memref_slice %arg5[%rem3A_9, %dma_wait3A_28] : memref<2x320xi32, #tpu.memory_space<vmem>> -> memref<1x320xi32, #tpu.memory_space<vmem>>
      %dma_wait3A_30 = tpu.memref_squeeze %dma_wait3A_29 : memref<1x320xi32, #tpu.memory_space<vmem>> -> memref<320xi32, #tpu.memory_space<vmem>>
      %dma_wait3A_31 = arith.constant 0 : i32
      %dma_wait3A_32 = arith.constant 0 : i32
      %dma_wait3A_33 = tpu.memref_slice %arg3[%dma_wait3A_31, %dma_wait3A_32] : memref<1000001x64xf32, #tpu.memory_space<hbm>> -> memref<1000001x64xf32, #tpu.memory_space<hbm>>
      tpu.wait_indirect_dma semaphore(%arg7 : memref<!tpu.dma_semaphore, #tpu.memory_space<semaphore_mem>>) src(%dma_wait3A_33 : memref<1000001x64xf32, #tpu.memory_space<hbm>>) dst(%dma_wait3A_27 : memref<320x64xf32, #tpu.memory_space<vmem>>)
      "tpu.region"() ({
        %run_scoped3A = tpu.sem_alloc : memref<!tpu.dma_semaphore, #tpu.memory_space<semaphore_mem>>
        %dma_start3A_34 = arith.constant 0 : i32
        %dma_start3A_35 = arith.constant 0 : i32
        %dma_start3A_36 = tpu.memref_slice %arg6[%rem3A_9, %dma_start3A_34, %dma_start3A_35] : memref<2x320x64xf32, #tpu.memory_space<vmem>> -> memref<1x320x64xf32, #tpu.memory_space<vmem>>
        %dma_start3A_37 = tpu.memref_squeeze %dma_start3A_36 : memref<1x320x64xf32, #tpu.memory_space<vmem>> -> memref<320x64xf32, #tpu.memory_space<vmem>>
        %dma_start3A_38 = arith.constant 0 : i32
        %dma_start3A_39 = tpu.memref_slice %arg4[%multiple_of3A, %dma_start3A_38] : memref<102400x64xf32, #tpu.memory_space<hbm>> -> memref<320x64xf32, #tpu.memory_space<hbm>>
        %dma_start3A_40 = arith.constant 0 : i32
        %dma_start3A_41 = tpu.memref_slice %arg4[%multiple_of3A, %dma_start3A_40] : memref<102400x64xf32, #tpu.memory_space<hbm>> -> memref<320x64xf32, #tpu.memory_space<hbm>>
        %dma_start3A_42 = arith.constant 0 : i32
        %dma_start3A_43 = arith.constant 0 : i32
        %dma_start3A_44 = tpu.memref_slice %arg6[%rem3A_9, %dma_start3A_42, %dma_start3A_43] : memref<2x320x64xf32, #tpu.memory_space<vmem>> -> memref<1x320x64xf32, #tpu.memory_space<vmem>>
        %dma_start3A_45 = tpu.memref_squeeze %dma_start3A_44 : memref<1x320x64xf32, #tpu.memory_space<vmem>> -> memref<320x64xf32, #tpu.memory_space<vmem>>
        tpu.enqueue_dma source(%dma_start3A_45 : memref<320x64xf32, #tpu.memory_space<vmem>>) target(%dma_start3A_41 : memref<320x64xf32, #tpu.memory_space<hbm>>) target_semaphore(%run_scoped3A : memref<!tpu.dma_semaphore, #tpu.memory_space<semaphore_mem>>)
        %dma_wait3A_46 = arith.constant 0 : i32
        %dma_wait3A_47 = arith.constant 0 : i32
        %dma_wait3A_48 = tpu.memref_slice %arg6[%rem3A_9, %dma_wait3A_46, %dma_wait3A_47] : memref<2x320x64xf32, #tpu.memory_space<vmem>> -> memref<1x320x64xf32, #tpu.memory_space<vmem>>
        %dma_wait3A_49 = tpu.memref_squeeze %dma_wait3A_48 : memref<1x320x64xf32, #tpu.memory_space<vmem>> -> memref<320x64xf32, #tpu.memory_space<vmem>>
        %dma_wait3A_50 = arith.constant 0 : i32
        %dma_wait3A_51 = tpu.memref_slice %arg4[%multiple_of3A, %dma_wait3A_50] : memref<102400x64xf32, #tpu.memory_space<hbm>> -> memref<320x64xf32, #tpu.memory_space<hbm>>
        %dma_wait3A_52 = arith.constant 0 : i32
        %dma_wait3A_53 = tpu.memref_slice %arg4[%multiple_of3A, %dma_wait3A_52] : memref<102400x64xf32, #tpu.memory_space<hbm>> -> memref<320x64xf32, #tpu.memory_space<hbm>>
        %dma_wait3A_54 = arith.constant 0 : i32
        %dma_wait3A_55 = arith.constant 0 : i32
        %dma_wait3A_56 = tpu.memref_slice %arg6[%rem3A_9, %dma_wait3A_54, %dma_wait3A_55] : memref<2x320x64xf32, #tpu.memory_space<vmem>> -> memref<1x320x64xf32, #tpu.memory_space<vmem>>
        %dma_wait3A_57 = tpu.memref_squeeze %dma_wait3A_56 : memref<1x320x64xf32, #tpu.memory_space<vmem>> -> memref<320x64xf32, #tpu.memory_space<vmem>>
        tpu.wait_dma2 semaphore(%run_scoped3A : memref<!tpu.dma_semaphore, #tpu.memory_space<semaphore_mem>>) src(%dma_wait3A_57 : memref<320x64xf32, #tpu.memory_space<vmem>>) dst(%dma_wait3A_53 : memref<320x64xf32, #tpu.memory_space<hbm>>)
        tpu.yield
      }) : () -> ()
    }
    %scan3A_7 = arith.constant 10 : i32
    return
  }
}

#map = affine_map<(d0, d1) -> (0)>
#map1 = affine_map<(d0, d1) -> (0, 0)>
module attributes {stable_mosaic.version = 14 : i64} {
  func.func @_sc_gather(%arg0: i32, %arg1: i32, %arg2: memref<819200xi32, #tpu.memory_space<hbm>>, %arg3: memref<1000001x64xf32, #tpu.memory_space<hbm>>, %arg4: memref<102400x64xf32, #tpu.memory_space<hbm>>, %arg5: memref<2x320xi32, #tpu.memory_space<vmem>>, %arg6: memref<2x320x64xf32, #tpu.memory_space<vmem>>, %arg7: memref<!tpu.dma_semaphore, #tpu.memory_space<semaphore_mem>>) attributes {dimension_semantics = [#tpu.dimension_semantics<core_parallel>, #tpu.dimension_semantics<subcore_parallel>], iteration_bounds = array<i64: 2, 16>, scalar_prefetch = 0 : i64, scratch_operands = 3 : i64, tpu.core_type = #tpu.core_type<sc_vector_subcore>, window_params = [{transform_indices = #map}, {transform_indices = #map1}, {transform_indices = #map1}]} {
    %mul3A = arith.constant 2 : i32
    %mul3A_0 = arith.muli %arg1, %mul3A : i32
    %add3A = arith.addi %mul3A_0, %arg0 : i32
    %mul3A_1 = arith.constant 3200 : i32
    %mul3A_2 = arith.muli %add3A, %mul3A_1 : i32
    %scan3A = arith.constant 0 : i32
    %scan3A_3 = arith.constant 0 : i32
    %scan3A_4 = arith.constant 10 : i32
    %scan3A_5 = arith.addi %scan3A_3, %scan3A_4 : i32
    %scan3A_6 = arith.constant 1 : i32
    scf.for %scan3A_8 = %scan3A_3 to %scan3A_5 step %scan3A_6  : i32 {
      %rem3A = arith.constant 2 : i32
      %rem3A_9 = arith.remsi %scan3A_8, %rem3A : i32
      %mul3A_10 = arith.constant 320 : i32
      %mul3A_11 = arith.muli %scan3A_8, %mul3A_10 : i32
      %add3A_12 = arith.addi %mul3A_2, %mul3A_11 : i32
      %multiple_of3A = tpu.assume_multiple %add3A_12, 320 : i32
      %add3A_13 = arith.constant 204800 : i32
      %add3A_14 = arith.addi %add3A_13, %multiple_of3A : i32
      %multiple_of3A_15 = tpu.assume_multiple %add3A_14, 320 : i32
      "tpu.region"() ({
        %run_scoped3A = tpu.sem_alloc : memref<!tpu.dma_semaphore, #tpu.memory_space<semaphore_mem>>
        %dma_start3A_34 = arith.constant 0 : i32
        %dma_start3A_35 = tpu.memref_slice %arg5[%rem3A_9, %dma_start3A_34] : memref<2x320xi32, #tpu.memory_space<vmem>> -> memref<1x320xi32, #tpu.memory_space<vmem>>
        %dma_start3A_36 = tpu.memref_squeeze %dma_start3A_35 : memref<1x320xi32, #tpu.memory_space<vmem>> -> memref<320xi32, #tpu.memory_space<vmem>>
        %dma_start3A_37 = tpu.memref_slice %arg2[%multiple_of3A_15] : memref<819200xi32, #tpu.memory_space<hbm>> -> memref<320xi32, #tpu.memory_space<hbm>>
        %dma_start3A_38 = arith.constant 0 : i32
        %dma_start3A_39 = tpu.memref_slice %arg5[%rem3A_9, %dma_start3A_38] : memref<2x320xi32, #tpu.memory_space<vmem>> -> memref<1x320xi32, #tpu.memory_space<vmem>>
        %dma_start3A_40 = tpu.memref_squeeze %dma_start3A_39 : memref<1x320xi32, #tpu.memory_space<vmem>> -> memref<320xi32, #tpu.memory_space<vmem>>
        %dma_start3A_41 = tpu.memref_slice %arg2[%multiple_of3A_15] : memref<819200xi32, #tpu.memory_space<hbm>> -> memref<320xi32, #tpu.memory_space<hbm>>
        tpu.enqueue_dma source(%dma_start3A_41 : memref<320xi32, #tpu.memory_space<hbm>>) target(%dma_start3A_40 : memref<320xi32, #tpu.memory_space<vmem>>) target_semaphore(%run_scoped3A : memref<!tpu.dma_semaphore, #tpu.memory_space<semaphore_mem>>)
        %dma_wait3A_42 = arith.constant 0 : i32
        %dma_wait3A_43 = tpu.memref_slice %arg5[%rem3A_9, %dma_wait3A_42] : memref<2x320xi32, #tpu.memory_space<vmem>> -> memref<1x320xi32, #tpu.memory_space<vmem>>
        %dma_wait3A_44 = tpu.memref_squeeze %dma_wait3A_43 : memref<1x320xi32, #tpu.memory_space<vmem>> -> memref<320xi32, #tpu.memory_space<vmem>>
        %dma_wait3A_45 = tpu.memref_slice %arg2[%multiple_of3A_15] : memref<819200xi32, #tpu.memory_space<hbm>> -> memref<320xi32, #tpu.memory_space<hbm>>
        %dma_wait3A_46 = arith.constant 0 : i32
        %dma_wait3A_47 = tpu.memref_slice %arg5[%rem3A_9, %dma_wait3A_46] : memref<2x320xi32, #tpu.memory_space<vmem>> -> memref<1x320xi32, #tpu.memory_space<vmem>>
        %dma_wait3A_48 = tpu.memref_squeeze %dma_wait3A_47 : memref<1x320xi32, #tpu.memory_space<vmem>> -> memref<320xi32, #tpu.memory_space<vmem>>
        %dma_wait3A_49 = tpu.memref_slice %arg2[%multiple_of3A_15] : memref<819200xi32, #tpu.memory_space<hbm>> -> memref<320xi32, #tpu.memory_space<hbm>>
        tpu.wait_dma2 semaphore(%run_scoped3A : memref<!tpu.dma_semaphore, #tpu.memory_space<semaphore_mem>>) src(%dma_wait3A_49 : memref<320xi32, #tpu.memory_space<hbm>>) dst(%dma_wait3A_48 : memref<320xi32, #tpu.memory_space<vmem>>)
        tpu.yield
      }) : () -> ()
      %dma_start3A = arith.constant 0 : i32
      %dma_start3A_16 = arith.constant 0 : i32
      %dma_start3A_17 = tpu.memref_slice %arg6[%rem3A_9, %dma_start3A, %dma_start3A_16] : memref<2x320x64xf32, #tpu.memory_space<vmem>> -> memref<1x320x64xf32, #tpu.memory_space<vmem>>
      %dma_start3A_18 = tpu.memref_squeeze %dma_start3A_17 : memref<1x320x64xf32, #tpu.memory_space<vmem>> -> memref<320x64xf32, #tpu.memory_space<vmem>>
      %dma_start3A_19 = arith.constant 0 : i32
      %dma_start3A_20 = tpu.memref_slice %arg5[%rem3A_9, %dma_start3A_19] : memref<2x320xi32, #tpu.memory_space<vmem>> -> memref<1x320xi32, #tpu.memory_space<vmem>>
      %dma_start3A_21 = tpu.memref_squeeze %dma_start3A_20 : memref<1x320xi32, #tpu.memory_space<vmem>> -> memref<320xi32, #tpu.memory_space<vmem>>
      %dma_start3A_22 = arith.constant 0 : i32
      %dma_start3A_23 = arith.constant 0 : i32
      %dma_start3A_24 = tpu.memref_slice %arg3[%dma_start3A_22, %dma_start3A_23] : memref<1000001x64xf32, #tpu.memory_space<hbm>> -> memref<1000001x64xf32, #tpu.memory_space<hbm>>
      tpu.enqueue_indirect_dma source(%dma_start3A_24 : memref<1000001x64xf32, #tpu.memory_space<hbm>>) target(%dma_start3A_18 : memref<320x64xf32, #tpu.memory_space<vmem>>) offsets(%dma_start3A_21 : memref<320xi32, #tpu.memory_space<vmem>>) semaphore(%arg7 : memref<!tpu.dma_semaphore, #tpu.memory_space<semaphore_mem>>)
      %dma_wait3A = arith.constant 0 : i32
      %dma_wait3A_25 = arith.constant 0 : i32
      %dma_wait3A_26 = tpu.memref_slice %arg6[%rem3A_9, %dma_wait3A, %dma_wait3A_25] : memref<2x320x64xf32, #tpu.memory_space<vmem>> -> memref<1x320x64xf32, #tpu.memory_space<vmem>>
      %dma_wait3A_27 = tpu.memref_squeeze %dma_wait3A_26 : memref<1x320x64xf32, #tpu.memory_space<vmem>> -> memref<320x64xf32, #tpu.memory_space<vmem>>
      %dma_wait3A_28 = arith.constant 0 : i32
      %dma_wait3A_29 = tpu.memref_slice %arg5[%rem3A_9, %dma_wait3A_28] : memref<2x320xi32, #tpu.memory_space<vmem>> -> memref<1x320xi32, #tpu.memory_space<vmem>>
      %dma_wait3A_30 = tpu.memref_squeeze %dma_wait3A_29 : memref<1x320xi32, #tpu.memory_space<vmem>> -> memref<320xi32, #tpu.memory_space<vmem>>
      %dma_wait3A_31 = arith.constant 0 : i32
      %dma_wait3A_32 = arith.constant 0 : i32
      %dma_wait3A_33 = tpu.memref_slice %arg3[%dma_wait3A_31, %dma_wait3A_32] : memref<1000001x64xf32, #tpu.memory_space<hbm>> -> memref<1000001x64xf32, #tpu.memory_space<hbm>>
      tpu.wait_indirect_dma semaphore(%arg7 : memref<!tpu.dma_semaphore, #tpu.memory_space<semaphore_mem>>) src(%dma_wait3A_33 : memref<1000001x64xf32, #tpu.memory_space<hbm>>) dst(%dma_wait3A_27 : memref<320x64xf32, #tpu.memory_space<vmem>>)
      "tpu.region"() ({
        %run_scoped3A = tpu.sem_alloc : memref<!tpu.dma_semaphore, #tpu.memory_space<semaphore_mem>>
        %dma_start3A_34 = arith.constant 0 : i32
        %dma_start3A_35 = arith.constant 0 : i32
        %dma_start3A_36 = tpu.memref_slice %arg6[%rem3A_9, %dma_start3A_34, %dma_start3A_35] : memref<2x320x64xf32, #tpu.memory_space<vmem>> -> memref<1x320x64xf32, #tpu.memory_space<vmem>>
        %dma_start3A_37 = tpu.memref_squeeze %dma_start3A_36 : memref<1x320x64xf32, #tpu.memory_space<vmem>> -> memref<320x64xf32, #tpu.memory_space<vmem>>
        %dma_start3A_38 = arith.constant 0 : i32
        %dma_start3A_39 = tpu.memref_slice %arg4[%multiple_of3A, %dma_start3A_38] : memref<102400x64xf32, #tpu.memory_space<hbm>> -> memref<320x64xf32, #tpu.memory_space<hbm>>
        %dma_start3A_40 = arith.constant 0 : i32
        %dma_start3A_41 = tpu.memref_slice %arg4[%multiple_of3A, %dma_start3A_40] : memref<102400x64xf32, #tpu.memory_space<hbm>> -> memref<320x64xf32, #tpu.memory_space<hbm>>
        %dma_start3A_42 = arith.constant 0 : i32
        %dma_start3A_43 = arith.constant 0 : i32
        %dma_start3A_44 = tpu.memref_slice %arg6[%rem3A_9, %dma_start3A_42, %dma_start3A_43] : memref<2x320x64xf32, #tpu.memory_space<vmem>> -> memref<1x320x64xf32, #tpu.memory_space<vmem>>
        %dma_start3A_45 = tpu.memref_squeeze %dma_start3A_44 : memref<1x320x64xf32, #tpu.memory_space<vmem>> -> memref<320x64xf32, #tpu.memory_space<vmem>>
        tpu.enqueue_dma source(%dma_start3A_45 : memref<320x64xf32, #tpu.memory_space<vmem>>) target(%dma_start3A_41 : memref<320x64xf32, #tpu.memory_space<hbm>>) target_semaphore(%run_scoped3A : memref<!tpu.dma_semaphore, #tpu.memory_space<semaphore_mem>>)
        %dma_wait3A_46 = arith.constant 0 : i32
        %dma_wait3A_47 = arith.constant 0 : i32
        %dma_wait3A_48 = tpu.memref_slice %arg6[%rem3A_9, %dma_wait3A_46, %dma_wait3A_47] : memref<2x320x64xf32, #tpu.memory_space<vmem>> -> memref<1x320x64xf32, #tpu.memory_space<vmem>>
        %dma_wait3A_49 = tpu.memref_squeeze %dma_wait3A_48 : memref<1x320x64xf32, #tpu.memory_space<vmem>> -> memref<320x64xf32, #tpu.memory_space<vmem>>
        %dma_wait3A_50 = arith.constant 0 : i32
        %dma_wait3A_51 = tpu.memref_slice %arg4[%multiple_of3A, %dma_wait3A_50] : memref<102400x64xf32, #tpu.memory_space<hbm>> -> memref<320x64xf32, #tpu.memory_space<hbm>>
        %dma_wait3A_52 = arith.constant 0 : i32
        %dma_wait3A_53 = tpu.memref_slice %arg4[%multiple_of3A, %dma_wait3A_52] : memref<102400x64xf32, #tpu.memory_space<hbm>> -> memref<320x64xf32, #tpu.memory_space<hbm>>
        %dma_wait3A_54 = arith.constant 0 : i32
        %dma_wait3A_55 = arith.constant 0 : i32
        %dma_wait3A_56 = tpu.memref_slice %arg6[%rem3A_9, %dma_wait3A_54, %dma_wait3A_55] : memref<2x320x64xf32, #tpu.memory_space<vmem>> -> memref<1x320x64xf32, #tpu.memory_space<vmem>>
        %dma_wait3A_57 = tpu.memref_squeeze %dma_wait3A_56 : memref<1x320x64xf32, #tpu.memory_space<vmem>> -> memref<320x64xf32, #tpu.memory_space<vmem>>
        tpu.wait_dma2 semaphore(%run_scoped3A : memref<!tpu.dma_semaphore, #tpu.memory_space<semaphore_mem>>) src(%dma_wait3A_57 : memref<320x64xf32, #tpu.memory_space<vmem>>) dst(%dma_wait3A_53 : memref<320x64xf32, #tpu.memory_space<hbm>>)
        tpu.yield
      }) : () -> ()
    }
    %scan3A_7 = arith.constant 10 : i32
    return
  }
}

#map = affine_map<(d0, d1) -> (0)>
#map1 = affine_map<(d0, d1) -> (0, 0)>
module attributes {stable_mosaic.version = 14 : i64} {
  func.func @_sc_gather(%arg0: i32, %arg1: i32, %arg2: memref<819200xi32, #tpu.memory_space<hbm>>, %arg3: memref<1000001x64xf32, #tpu.memory_space<hbm>>, %arg4: memref<102400x64xf32, #tpu.memory_space<hbm>>, %arg5: memref<2x320xi32, #tpu.memory_space<vmem>>, %arg6: memref<2x320x64xf32, #tpu.memory_space<vmem>>, %arg7: memref<!tpu.dma_semaphore, #tpu.memory_space<semaphore_mem>>) attributes {dimension_semantics = [#tpu.dimension_semantics<core_parallel>, #tpu.dimension_semantics<subcore_parallel>], iteration_bounds = array<i64: 2, 16>, scalar_prefetch = 0 : i64, scratch_operands = 3 : i64, tpu.core_type = #tpu.core_type<sc_vector_subcore>, window_params = [{transform_indices = #map}, {transform_indices = #map1}, {transform_indices = #map1}]} {
    %mul3A = arith.constant 2 : i32
    %mul3A_0 = arith.muli %arg1, %mul3A : i32
    %add3A = arith.addi %mul3A_0, %arg0 : i32
    %mul3A_1 = arith.constant 3200 : i32
    %mul3A_2 = arith.muli %add3A, %mul3A_1 : i32
    %scan3A = arith.constant 0 : i32
    %scan3A_3 = arith.constant 0 : i32
    %scan3A_4 = arith.constant 10 : i32
    %scan3A_5 = arith.addi %scan3A_3, %scan3A_4 : i32
    %scan3A_6 = arith.constant 1 : i32
    scf.for %scan3A_8 = %scan3A_3 to %scan3A_5 step %scan3A_6  : i32 {
      %rem3A = arith.constant 2 : i32
      %rem3A_9 = arith.remsi %scan3A_8, %rem3A : i32
      %mul3A_10 = arith.constant 320 : i32
      %mul3A_11 = arith.muli %scan3A_8, %mul3A_10 : i32
      %add3A_12 = arith.addi %mul3A_2, %mul3A_11 : i32
      %multiple_of3A = tpu.assume_multiple %add3A_12, 320 : i32
      %add3A_13 = arith.constant 102400 : i32
      %add3A_14 = arith.addi %add3A_13, %multiple_of3A : i32
      %multiple_of3A_15 = tpu.assume_multiple %add3A_14, 320 : i32
      "tpu.region"() ({
        %run_scoped3A = tpu.sem_alloc : memref<!tpu.dma_semaphore, #tpu.memory_space<semaphore_mem>>
        %dma_start3A_34 = arith.constant 0 : i32
        %dma_start3A_35 = tpu.memref_slice %arg5[%rem3A_9, %dma_start3A_34] : memref<2x320xi32, #tpu.memory_space<vmem>> -> memref<1x320xi32, #tpu.memory_space<vmem>>
        %dma_start3A_36 = tpu.memref_squeeze %dma_start3A_35 : memref<1x320xi32, #tpu.memory_space<vmem>> -> memref<320xi32, #tpu.memory_space<vmem>>
        %dma_start3A_37 = tpu.memref_slice %arg2[%multiple_of3A_15] : memref<819200xi32, #tpu.memory_space<hbm>> -> memref<320xi32, #tpu.memory_space<hbm>>
        %dma_start3A_38 = arith.constant 0 : i32
        %dma_start3A_39 = tpu.memref_slice %arg5[%rem3A_9, %dma_start3A_38] : memref<2x320xi32, #tpu.memory_space<vmem>> -> memref<1x320xi32, #tpu.memory_space<vmem>>
        %dma_start3A_40 = tpu.memref_squeeze %dma_start3A_39 : memref<1x320xi32, #tpu.memory_space<vmem>> -> memref<320xi32, #tpu.memory_space<vmem>>
        %dma_start3A_41 = tpu.memref_slice %arg2[%multiple_of3A_15] : memref<819200xi32, #tpu.memory_space<hbm>> -> memref<320xi32, #tpu.memory_space<hbm>>
        tpu.enqueue_dma source(%dma_start3A_41 : memref<320xi32, #tpu.memory_space<hbm>>) target(%dma_start3A_40 : memref<320xi32, #tpu.memory_space<vmem>>) target_semaphore(%run_scoped3A : memref<!tpu.dma_semaphore, #tpu.memory_space<semaphore_mem>>)
        %dma_wait3A_42 = arith.constant 0 : i32
        %dma_wait3A_43 = tpu.memref_slice %arg5[%rem3A_9, %dma_wait3A_42] : memref<2x320xi32, #tpu.memory_space<vmem>> -> memref<1x320xi32, #tpu.memory_space<vmem>>
        %dma_wait3A_44 = tpu.memref_squeeze %dma_wait3A_43 : memref<1x320xi32, #tpu.memory_space<vmem>> -> memref<320xi32, #tpu.memory_space<vmem>>
        %dma_wait3A_45 = tpu.memref_slice %arg2[%multiple_of3A_15] : memref<819200xi32, #tpu.memory_space<hbm>> -> memref<320xi32, #tpu.memory_space<hbm>>
        %dma_wait3A_46 = arith.constant 0 : i32
        %dma_wait3A_47 = tpu.memref_slice %arg5[%rem3A_9, %dma_wait3A_46] : memref<2x320xi32, #tpu.memory_space<vmem>> -> memref<1x320xi32, #tpu.memory_space<vmem>>
        %dma_wait3A_48 = tpu.memref_squeeze %dma_wait3A_47 : memref<1x320xi32, #tpu.memory_space<vmem>> -> memref<320xi32, #tpu.memory_space<vmem>>
        %dma_wait3A_49 = tpu.memref_slice %arg2[%multiple_of3A_15] : memref<819200xi32, #tpu.memory_space<hbm>> -> memref<320xi32, #tpu.memory_space<hbm>>
        tpu.wait_dma2 semaphore(%run_scoped3A : memref<!tpu.dma_semaphore, #tpu.memory_space<semaphore_mem>>) src(%dma_wait3A_49 : memref<320xi32, #tpu.memory_space<hbm>>) dst(%dma_wait3A_48 : memref<320xi32, #tpu.memory_space<vmem>>)
        tpu.yield
      }) : () -> ()
      %dma_start3A = arith.constant 0 : i32
      %dma_start3A_16 = arith.constant 0 : i32
      %dma_start3A_17 = tpu.memref_slice %arg6[%rem3A_9, %dma_start3A, %dma_start3A_16] : memref<2x320x64xf32, #tpu.memory_space<vmem>> -> memref<1x320x64xf32, #tpu.memory_space<vmem>>
      %dma_start3A_18 = tpu.memref_squeeze %dma_start3A_17 : memref<1x320x64xf32, #tpu.memory_space<vmem>> -> memref<320x64xf32, #tpu.memory_space<vmem>>
      %dma_start3A_19 = arith.constant 0 : i32
      %dma_start3A_20 = tpu.memref_slice %arg5[%rem3A_9, %dma_start3A_19] : memref<2x320xi32, #tpu.memory_space<vmem>> -> memref<1x320xi32, #tpu.memory_space<vmem>>
      %dma_start3A_21 = tpu.memref_squeeze %dma_start3A_20 : memref<1x320xi32, #tpu.memory_space<vmem>> -> memref<320xi32, #tpu.memory_space<vmem>>
      %dma_start3A_22 = arith.constant 0 : i32
      %dma_start3A_23 = arith.constant 0 : i32
      %dma_start3A_24 = tpu.memref_slice %arg3[%dma_start3A_22, %dma_start3A_23] : memref<1000001x64xf32, #tpu.memory_space<hbm>> -> memref<1000001x64xf32, #tpu.memory_space<hbm>>
      tpu.enqueue_indirect_dma source(%dma_start3A_24 : memref<1000001x64xf32, #tpu.memory_space<hbm>>) target(%dma_start3A_18 : memref<320x64xf32, #tpu.memory_space<vmem>>) offsets(%dma_start3A_21 : memref<320xi32, #tpu.memory_space<vmem>>) semaphore(%arg7 : memref<!tpu.dma_semaphore, #tpu.memory_space<semaphore_mem>>)
      %dma_wait3A = arith.constant 0 : i32
      %dma_wait3A_25 = arith.constant 0 : i32
      %dma_wait3A_26 = tpu.memref_slice %arg6[%rem3A_9, %dma_wait3A, %dma_wait3A_25] : memref<2x320x64xf32, #tpu.memory_space<vmem>> -> memref<1x320x64xf32, #tpu.memory_space<vmem>>
      %dma_wait3A_27 = tpu.memref_squeeze %dma_wait3A_26 : memref<1x320x64xf32, #tpu.memory_space<vmem>> -> memref<320x64xf32, #tpu.memory_space<vmem>>
      %dma_wait3A_28 = arith.constant 0 : i32
      %dma_wait3A_29 = tpu.memref_slice %arg5[%rem3A_9, %dma_wait3A_28] : memref<2x320xi32, #tpu.memory_space<vmem>> -> memref<1x320xi32, #tpu.memory_space<vmem>>
      %dma_wait3A_30 = tpu.memref_squeeze %dma_wait3A_29 : memref<1x320xi32, #tpu.memory_space<vmem>> -> memref<320xi32, #tpu.memory_space<vmem>>
      %dma_wait3A_31 = arith.constant 0 : i32
      %dma_wait3A_32 = arith.constant 0 : i32
      %dma_wait3A_33 = tpu.memref_slice %arg3[%dma_wait3A_31, %dma_wait3A_32] : memref<1000001x64xf32, #tpu.memory_space<hbm>> -> memref<1000001x64xf32, #tpu.memory_space<hbm>>
      tpu.wait_indirect_dma semaphore(%arg7 : memref<!tpu.dma_semaphore, #tpu.memory_space<semaphore_mem>>) src(%dma_wait3A_33 : memref<1000001x64xf32, #tpu.memory_space<hbm>>) dst(%dma_wait3A_27 : memref<320x64xf32, #tpu.memory_space<vmem>>)
      "tpu.region"() ({
        %run_scoped3A = tpu.sem_alloc : memref<!tpu.dma_semaphore, #tpu.memory_space<semaphore_mem>>
        %dma_start3A_34 = arith.constant 0 : i32
        %dma_start3A_35 = arith.constant 0 : i32
        %dma_start3A_36 = tpu.memref_slice %arg6[%rem3A_9, %dma_start3A_34, %dma_start3A_35] : memref<2x320x64xf32, #tpu.memory_space<vmem>> -> memref<1x320x64xf32, #tpu.memory_space<vmem>>
        %dma_start3A_37 = tpu.memref_squeeze %dma_start3A_36 : memref<1x320x64xf32, #tpu.memory_space<vmem>> -> memref<320x64xf32, #tpu.memory_space<vmem>>
        %dma_start3A_38 = arith.constant 0 : i32
        %dma_start3A_39 = tpu.memref_slice %arg4[%multiple_of3A, %dma_start3A_38] : memref<102400x64xf32, #tpu.memory_space<hbm>> -> memref<320x64xf32, #tpu.memory_space<hbm>>
        %dma_start3A_40 = arith.constant 0 : i32
        %dma_start3A_41 = tpu.memref_slice %arg4[%multiple_of3A, %dma_start3A_40] : memref<102400x64xf32, #tpu.memory_space<hbm>> -> memref<320x64xf32, #tpu.memory_space<hbm>>
        %dma_start3A_42 = arith.constant 0 : i32
        %dma_start3A_43 = arith.constant 0 : i32
        %dma_start3A_44 = tpu.memref_slice %arg6[%rem3A_9, %dma_start3A_42, %dma_start3A_43] : memref<2x320x64xf32, #tpu.memory_space<vmem>> -> memref<1x320x64xf32, #tpu.memory_space<vmem>>
        %dma_start3A_45 = tpu.memref_squeeze %dma_start3A_44 : memref<1x320x64xf32, #tpu.memory_space<vmem>> -> memref<320x64xf32, #tpu.memory_space<vmem>>
        tpu.enqueue_dma source(%dma_start3A_45 : memref<320x64xf32, #tpu.memory_space<vmem>>) target(%dma_start3A_41 : memref<320x64xf32, #tpu.memory_space<hbm>>) target_semaphore(%run_scoped3A : memref<!tpu.dma_semaphore, #tpu.memory_space<semaphore_mem>>)
        %dma_wait3A_46 = arith.constant 0 : i32
        %dma_wait3A_47 = arith.constant 0 : i32
        %dma_wait3A_48 = tpu.memref_slice %arg6[%rem3A_9, %dma_wait3A_46, %dma_wait3A_47] : memref<2x320x64xf32, #tpu.memory_space<vmem>> -> memref<1x320x64xf32, #tpu.memory_space<vmem>>
        %dma_wait3A_49 = tpu.memref_squeeze %dma_wait3A_48 : memref<1x320x64xf32, #tpu.memory_space<vmem>> -> memref<320x64xf32, #tpu.memory_space<vmem>>
        %dma_wait3A_50 = arith.constant 0 : i32
        %dma_wait3A_51 = tpu.memref_slice %arg4[%multiple_of3A, %dma_wait3A_50] : memref<102400x64xf32, #tpu.memory_space<hbm>> -> memref<320x64xf32, #tpu.memory_space<hbm>>
        %dma_wait3A_52 = arith.constant 0 : i32
        %dma_wait3A_53 = tpu.memref_slice %arg4[%multiple_of3A, %dma_wait3A_52] : memref<102400x64xf32, #tpu.memory_space<hbm>> -> memref<320x64xf32, #tpu.memory_space<hbm>>
        %dma_wait3A_54 = arith.constant 0 : i32
        %dma_wait3A_55 = arith.constant 0 : i32
        %dma_wait3A_56 = tpu.memref_slice %arg6[%rem3A_9, %dma_wait3A_54, %dma_wait3A_55] : memref<2x320x64xf32, #tpu.memory_space<vmem>> -> memref<1x320x64xf32, #tpu.memory_space<vmem>>
        %dma_wait3A_57 = tpu.memref_squeeze %dma_wait3A_56 : memref<1x320x64xf32, #tpu.memory_space<vmem>> -> memref<320x64xf32, #tpu.memory_space<vmem>>
        tpu.wait_dma2 semaphore(%run_scoped3A : memref<!tpu.dma_semaphore, #tpu.memory_space<semaphore_mem>>) src(%dma_wait3A_57 : memref<320x64xf32, #tpu.memory_space<vmem>>) dst(%dma_wait3A_53 : memref<320x64xf32, #tpu.memory_space<hbm>>)
        tpu.yield
      }) : () -> ()
    }
    %scan3A_7 = arith.constant 10 : i32
    return
  }
}

#map = affine_map<(d0, d1) -> (0)>
#map1 = affine_map<(d0, d1) -> (0, 0)>
module attributes {stable_mosaic.version = 14 : i64} {
  func.func @_sc_gather(%arg0: i32, %arg1: i32, %arg2: memref<819200xi32, #tpu.memory_space<hbm>>, %arg3: memref<1000001x64xf32, #tpu.memory_space<hbm>>, %arg4: memref<102400x64xf32, #tpu.memory_space<hbm>>, %arg5: memref<2x320xi32, #tpu.memory_space<vmem>>, %arg6: memref<2x320x64xf32, #tpu.memory_space<vmem>>, %arg7: memref<!tpu.dma_semaphore, #tpu.memory_space<semaphore_mem>>) attributes {dimension_semantics = [#tpu.dimension_semantics<core_parallel>, #tpu.dimension_semantics<subcore_parallel>], iteration_bounds = array<i64: 2, 16>, scalar_prefetch = 0 : i64, scratch_operands = 3 : i64, tpu.core_type = #tpu.core_type<sc_vector_subcore>, window_params = [{transform_indices = #map}, {transform_indices = #map1}, {transform_indices = #map1}]} {
    %mul3A = arith.constant 2 : i32
    %mul3A_0 = arith.muli %arg1, %mul3A : i32
    %add3A = arith.addi %mul3A_0, %arg0 : i32
    %mul3A_1 = arith.constant 3200 : i32
    %mul3A_2 = arith.muli %add3A, %mul3A_1 : i32
    %scan3A = arith.constant 0 : i32
    %scan3A_3 = arith.constant 0 : i32
    %scan3A_4 = arith.constant 10 : i32
    %scan3A_5 = arith.addi %scan3A_3, %scan3A_4 : i32
    %scan3A_6 = arith.constant 1 : i32
    scf.for %scan3A_8 = %scan3A_3 to %scan3A_5 step %scan3A_6  : i32 {
      %rem3A = arith.constant 2 : i32
      %rem3A_9 = arith.remsi %scan3A_8, %rem3A : i32
      %mul3A_10 = arith.constant 320 : i32
      %mul3A_11 = arith.muli %scan3A_8, %mul3A_10 : i32
      %add3A_12 = arith.addi %mul3A_2, %mul3A_11 : i32
      %multiple_of3A = tpu.assume_multiple %add3A_12, 320 : i32
      %add3A_13 = arith.constant 307200 : i32
      %add3A_14 = arith.addi %add3A_13, %multiple_of3A : i32
      %multiple_of3A_15 = tpu.assume_multiple %add3A_14, 320 : i32
      "tpu.region"() ({
        %run_scoped3A = tpu.sem_alloc : memref<!tpu.dma_semaphore, #tpu.memory_space<semaphore_mem>>
        %dma_start3A_34 = arith.constant 0 : i32
        %dma_start3A_35 = tpu.memref_slice %arg5[%rem3A_9, %dma_start3A_34] : memref<2x320xi32, #tpu.memory_space<vmem>> -> memref<1x320xi32, #tpu.memory_space<vmem>>
        %dma_start3A_36 = tpu.memref_squeeze %dma_start3A_35 : memref<1x320xi32, #tpu.memory_space<vmem>> -> memref<320xi32, #tpu.memory_space<vmem>>
        %dma_start3A_37 = tpu.memref_slice %arg2[%multiple_of3A_15] : memref<819200xi32, #tpu.memory_space<hbm>> -> memref<320xi32, #tpu.memory_space<hbm>>
        %dma_start3A_38 = arith.constant 0 : i32
        %dma_start3A_39 = tpu.memref_slice %arg5[%rem3A_9, %dma_start3A_38] : memref<2x320xi32, #tpu.memory_space<vmem>> -> memref<1x320xi32, #tpu.memory_space<vmem>>
        %dma_start3A_40 = tpu.memref_squeeze %dma_start3A_39 : memref<1x320xi32, #tpu.memory_space<vmem>> -> memref<320xi32, #tpu.memory_space<vmem>>
        %dma_start3A_41 = tpu.memref_slice %arg2[%multiple_of3A_15] : memref<819200xi32, #tpu.memory_space<hbm>> -> memref<320xi32, #tpu.memory_space<hbm>>
        tpu.enqueue_dma source(%dma_start3A_41 : memref<320xi32, #tpu.memory_space<hbm>>) target(%dma_start3A_40 : memref<320xi32, #tpu.memory_space<vmem>>) target_semaphore(%run_scoped3A : memref<!tpu.dma_semaphore, #tpu.memory_space<semaphore_mem>>)
        %dma_wait3A_42 = arith.constant 0 : i32
        %dma_wait3A_43 = tpu.memref_slice %arg5[%rem3A_9, %dma_wait3A_42] : memref<2x320xi32, #tpu.memory_space<vmem>> -> memref<1x320xi32, #tpu.memory_space<vmem>>
        %dma_wait3A_44 = tpu.memref_squeeze %dma_wait3A_43 : memref<1x320xi32, #tpu.memory_space<vmem>> -> memref<320xi32, #tpu.memory_space<vmem>>
        %dma_wait3A_45 = tpu.memref_slice %arg2[%multiple_of3A_15] : memref<819200xi32, #tpu.memory_space<hbm>> -> memref<320xi32, #tpu.memory_space<hbm>>
        %dma_wait3A_46 = arith.constant 0 : i32
        %dma_wait3A_47 = tpu.memref_slice %arg5[%rem3A_9, %dma_wait3A_46] : memref<2x320xi32, #tpu.memory_space<vmem>> -> memref<1x320xi32, #tpu.memory_space<vmem>>
        %dma_wait3A_48 = tpu.memref_squeeze %dma_wait3A_47 : memref<1x320xi32, #tpu.memory_space<vmem>> -> memref<320xi32, #tpu.memory_space<vmem>>
        %dma_wait3A_49 = tpu.memref_slice %arg2[%multiple_of3A_15] : memref<819200xi32, #tpu.memory_space<hbm>> -> memref<320xi32, #tpu.memory_space<hbm>>
        tpu.wait_dma2 semaphore(%run_scoped3A : memref<!tpu.dma_semaphore, #tpu.memory_space<semaphore_mem>>) src(%dma_wait3A_49 : memref<320xi32, #tpu.memory_space<hbm>>) dst(%dma_wait3A_48 : memref<320xi32, #tpu.memory_space<vmem>>)
        tpu.yield
      }) : () -> ()
      %dma_start3A = arith.constant 0 : i32
      %dma_start3A_16 = arith.constant 0 : i32
      %dma_start3A_17 = tpu.memref_slice %arg6[%rem3A_9, %dma_start3A, %dma_start3A_16] : memref<2x320x64xf32, #tpu.memory_space<vmem>> -> memref<1x320x64xf32, #tpu.memory_space<vmem>>
      %dma_start3A_18 = tpu.memref_squeeze %dma_start3A_17 : memref<1x320x64xf32, #tpu.memory_space<vmem>> -> memref<320x64xf32, #tpu.memory_space<vmem>>
      %dma_start3A_19 = arith.constant 0 : i32
      %dma_start3A_20 = tpu.memref_slice %arg5[%rem3A_9, %dma_start3A_19] : memref<2x320xi32, #tpu.memory_space<vmem>> -> memref<1x320xi32, #tpu.memory_space<vmem>>
      %dma_start3A_21 = tpu.memref_squeeze %dma_start3A_20 : memref<1x320xi32, #tpu.memory_space<vmem>> -> memref<320xi32, #tpu.memory_space<vmem>>
      %dma_start3A_22 = arith.constant 0 : i32
      %dma_start3A_23 = arith.constant 0 : i32
      %dma_start3A_24 = tpu.memref_slice %arg3[%dma_start3A_22, %dma_start3A_23] : memref<1000001x64xf32, #tpu.memory_space<hbm>> -> memref<1000001x64xf32, #tpu.memory_space<hbm>>
      tpu.enqueue_indirect_dma source(%dma_start3A_24 : memref<1000001x64xf32, #tpu.memory_space<hbm>>) target(%dma_start3A_18 : memref<320x64xf32, #tpu.memory_space<vmem>>) offsets(%dma_start3A_21 : memref<320xi32, #tpu.memory_space<vmem>>) semaphore(%arg7 : memref<!tpu.dma_semaphore, #tpu.memory_space<semaphore_mem>>)
      %dma_wait3A = arith.constant 0 : i32
      %dma_wait3A_25 = arith.constant 0 : i32
      %dma_wait3A_26 = tpu.memref_slice %arg6[%rem3A_9, %dma_wait3A, %dma_wait3A_25] : memref<2x320x64xf32, #tpu.memory_space<vmem>> -> memref<1x320x64xf32, #tpu.memory_space<vmem>>
      %dma_wait3A_27 = tpu.memref_squeeze %dma_wait3A_26 : memref<1x320x64xf32, #tpu.memory_space<vmem>> -> memref<320x64xf32, #tpu.memory_space<vmem>>
      %dma_wait3A_28 = arith.constant 0 : i32
      %dma_wait3A_29 = tpu.memref_slice %arg5[%rem3A_9, %dma_wait3A_28] : memref<2x320xi32, #tpu.memory_space<vmem>> -> memref<1x320xi32, #tpu.memory_space<vmem>>
      %dma_wait3A_30 = tpu.memref_squeeze %dma_wait3A_29 : memref<1x320xi32, #tpu.memory_space<vmem>> -> memref<320xi32, #tpu.memory_space<vmem>>
      %dma_wait3A_31 = arith.constant 0 : i32
      %dma_wait3A_32 = arith.constant 0 : i32
      %dma_wait3A_33 = tpu.memref_slice %arg3[%dma_wait3A_31, %dma_wait3A_32] : memref<1000001x64xf32, #tpu.memory_space<hbm>> -> memref<1000001x64xf32, #tpu.memory_space<hbm>>
      tpu.wait_indirect_dma semaphore(%arg7 : memref<!tpu.dma_semaphore, #tpu.memory_space<semaphore_mem>>) src(%dma_wait3A_33 : memref<1000001x64xf32, #tpu.memory_space<hbm>>) dst(%dma_wait3A_27 : memref<320x64xf32, #tpu.memory_space<vmem>>)
      "tpu.region"() ({
        %run_scoped3A = tpu.sem_alloc : memref<!tpu.dma_semaphore, #tpu.memory_space<semaphore_mem>>
        %dma_start3A_34 = arith.constant 0 : i32
        %dma_start3A_35 = arith.constant 0 : i32
        %dma_start3A_36 = tpu.memref_slice %arg6[%rem3A_9, %dma_start3A_34, %dma_start3A_35] : memref<2x320x64xf32, #tpu.memory_space<vmem>> -> memref<1x320x64xf32, #tpu.memory_space<vmem>>
        %dma_start3A_37 = tpu.memref_squeeze %dma_start3A_36 : memref<1x320x64xf32, #tpu.memory_space<vmem>> -> memref<320x64xf32, #tpu.memory_space<vmem>>
        %dma_start3A_38 = arith.constant 0 : i32
        %dma_start3A_39 = tpu.memref_slice %arg4[%multiple_of3A, %dma_start3A_38] : memref<102400x64xf32, #tpu.memory_space<hbm>> -> memref<320x64xf32, #tpu.memory_space<hbm>>
        %dma_start3A_40 = arith.constant 0 : i32
        %dma_start3A_41 = tpu.memref_slice %arg4[%multiple_of3A, %dma_start3A_40] : memref<102400x64xf32, #tpu.memory_space<hbm>> -> memref<320x64xf32, #tpu.memory_space<hbm>>
        %dma_start3A_42 = arith.constant 0 : i32
        %dma_start3A_43 = arith.constant 0 : i32
        %dma_start3A_44 = tpu.memref_slice %arg6[%rem3A_9, %dma_start3A_42, %dma_start3A_43] : memref<2x320x64xf32, #tpu.memory_space<vmem>> -> memref<1x320x64xf32, #tpu.memory_space<vmem>>
        %dma_start3A_45 = tpu.memref_squeeze %dma_start3A_44 : memref<1x320x64xf32, #tpu.memory_space<vmem>> -> memref<320x64xf32, #tpu.memory_space<vmem>>
        tpu.enqueue_dma source(%dma_start3A_45 : memref<320x64xf32, #tpu.memory_space<vmem>>) target(%dma_start3A_41 : memref<320x64xf32, #tpu.memory_space<hbm>>) target_semaphore(%run_scoped3A : memref<!tpu.dma_semaphore, #tpu.memory_space<semaphore_mem>>)
        %dma_wait3A_46 = arith.constant 0 : i32
        %dma_wait3A_47 = arith.constant 0 : i32
        %dma_wait3A_48 = tpu.memref_slice %arg6[%rem3A_9, %dma_wait3A_46, %dma_wait3A_47] : memref<2x320x64xf32, #tpu.memory_space<vmem>> -> memref<1x320x64xf32, #tpu.memory_space<vmem>>
        %dma_wait3A_49 = tpu.memref_squeeze %dma_wait3A_48 : memref<1x320x64xf32, #tpu.memory_space<vmem>> -> memref<320x64xf32, #tpu.memory_space<vmem>>
        %dma_wait3A_50 = arith.constant 0 : i32
        %dma_wait3A_51 = tpu.memref_slice %arg4[%multiple_of3A, %dma_wait3A_50] : memref<102400x64xf32, #tpu.memory_space<hbm>> -> memref<320x64xf32, #tpu.memory_space<hbm>>
        %dma_wait3A_52 = arith.constant 0 : i32
        %dma_wait3A_53 = tpu.memref_slice %arg4[%multiple_of3A, %dma_wait3A_52] : memref<102400x64xf32, #tpu.memory_space<hbm>> -> memref<320x64xf32, #tpu.memory_space<hbm>>
        %dma_wait3A_54 = arith.constant 0 : i32
        %dma_wait3A_55 = arith.constant 0 : i32
        %dma_wait3A_56 = tpu.memref_slice %arg6[%rem3A_9, %dma_wait3A_54, %dma_wait3A_55] : memref<2x320x64xf32, #tpu.memory_space<vmem>> -> memref<1x320x64xf32, #tpu.memory_space<vmem>>
        %dma_wait3A_57 = tpu.memref_squeeze %dma_wait3A_56 : memref<1x320x64xf32, #tpu.memory_space<vmem>> -> memref<320x64xf32, #tpu.memory_space<vmem>>
        tpu.wait_dma2 semaphore(%run_scoped3A : memref<!tpu.dma_semaphore, #tpu.memory_space<semaphore_mem>>) src(%dma_wait3A_57 : memref<320x64xf32, #tpu.memory_space<vmem>>) dst(%dma_wait3A_53 : memref<320x64xf32, #tpu.memory_space<hbm>>)
        tpu.yield
      }) : () -> ()
    }
    %scan3A_7 = arith.constant 10 : i32
    return
  }
}

#map = affine_map<(d0, d1) -> (0)>
#map1 = affine_map<(d0, d1) -> (0, 0)>
module attributes {stable_mosaic.version = 14 : i64} {
  func.func @_sc_gather(%arg0: i32, %arg1: i32, %arg2: memref<819200xi32, #tpu.memory_space<hbm>>, %arg3: memref<1000001x64xf32, #tpu.memory_space<hbm>>, %arg4: memref<102400x64xf32, #tpu.memory_space<hbm>>, %arg5: memref<2x320xi32, #tpu.memory_space<vmem>>, %arg6: memref<2x320x64xf32, #tpu.memory_space<vmem>>, %arg7: memref<!tpu.dma_semaphore, #tpu.memory_space<semaphore_mem>>) attributes {dimension_semantics = [#tpu.dimension_semantics<core_parallel>, #tpu.dimension_semantics<subcore_parallel>], iteration_bounds = array<i64: 2, 16>, scalar_prefetch = 0 : i64, scratch_operands = 3 : i64, tpu.core_type = #tpu.core_type<sc_vector_subcore>, window_params = [{transform_indices = #map}, {transform_indices = #map1}, {transform_indices = #map1}]} {
    %mul3A = arith.constant 2 : i32
    %mul3A_0 = arith.muli %arg1, %mul3A : i32
    %add3A = arith.addi %mul3A_0, %arg0 : i32
    %mul3A_1 = arith.constant 3200 : i32
    %mul3A_2 = arith.muli %add3A, %mul3A_1 : i32
    %scan3A = arith.constant 0 : i32
    %scan3A_3 = arith.constant 0 : i32
    %scan3A_4 = arith.constant 10 : i32
    %scan3A_5 = arith.addi %scan3A_3, %scan3A_4 : i32
    %scan3A_6 = arith.constant 1 : i32
    scf.for %scan3A_8 = %scan3A_3 to %scan3A_5 step %scan3A_6  : i32 {
      %rem3A = arith.constant 2 : i32
      %rem3A_9 = arith.remsi %scan3A_8, %rem3A : i32
      %mul3A_10 = arith.constant 320 : i32
      %mul3A_11 = arith.muli %scan3A_8, %mul3A_10 : i32
      %add3A_12 = arith.addi %mul3A_2, %mul3A_11 : i32
      %multiple_of3A = tpu.assume_multiple %add3A_12, 320 : i32
      %add3A_13 = arith.constant 409600 : i32
      %add3A_14 = arith.addi %add3A_13, %multiple_of3A : i32
      %multiple_of3A_15 = tpu.assume_multiple %add3A_14, 320 : i32
      "tpu.region"() ({
        %run_scoped3A = tpu.sem_alloc : memref<!tpu.dma_semaphore, #tpu.memory_space<semaphore_mem>>
        %dma_start3A_34 = arith.constant 0 : i32
        %dma_start3A_35 = tpu.memref_slice %arg5[%rem3A_9, %dma_start3A_34] : memref<2x320xi32, #tpu.memory_space<vmem>> -> memref<1x320xi32, #tpu.memory_space<vmem>>
        %dma_start3A_36 = tpu.memref_squeeze %dma_start3A_35 : memref<1x320xi32, #tpu.memory_space<vmem>> -> memref<320xi32, #tpu.memory_space<vmem>>
        %dma_start3A_37 = tpu.memref_slice %arg2[%multiple_of3A_15] : memref<819200xi32, #tpu.memory_space<hbm>> -> memref<320xi32, #tpu.memory_space<hbm>>
        %dma_start3A_38 = arith.constant 0 : i32
        %dma_start3A_39 = tpu.memref_slice %arg5[%rem3A_9, %dma_start3A_38] : memref<2x320xi32, #tpu.memory_space<vmem>> -> memref<1x320xi32, #tpu.memory_space<vmem>>
        %dma_start3A_40 = tpu.memref_squeeze %dma_start3A_39 : memref<1x320xi32, #tpu.memory_space<vmem>> -> memref<320xi32, #tpu.memory_space<vmem>>
        %dma_start3A_41 = tpu.memref_slice %arg2[%multiple_of3A_15] : memref<819200xi32, #tpu.memory_space<hbm>> -> memref<320xi32, #tpu.memory_space<hbm>>
        tpu.enqueue_dma source(%dma_start3A_41 : memref<320xi32, #tpu.memory_space<hbm>>) target(%dma_start3A_40 : memref<320xi32, #tpu.memory_space<vmem>>) target_semaphore(%run_scoped3A : memref<!tpu.dma_semaphore, #tpu.memory_space<semaphore_mem>>)
        %dma_wait3A_42 = arith.constant 0 : i32
        %dma_wait3A_43 = tpu.memref_slice %arg5[%rem3A_9, %dma_wait3A_42] : memref<2x320xi32, #tpu.memory_space<vmem>> -> memref<1x320xi32, #tpu.memory_space<vmem>>
        %dma_wait3A_44 = tpu.memref_squeeze %dma_wait3A_43 : memref<1x320xi32, #tpu.memory_space<vmem>> -> memref<320xi32, #tpu.memory_space<vmem>>
        %dma_wait3A_45 = tpu.memref_slice %arg2[%multiple_of3A_15] : memref<819200xi32, #tpu.memory_space<hbm>> -> memref<320xi32, #tpu.memory_space<hbm>>
        %dma_wait3A_46 = arith.constant 0 : i32
        %dma_wait3A_47 = tpu.memref_slice %arg5[%rem3A_9, %dma_wait3A_46] : memref<2x320xi32, #tpu.memory_space<vmem>> -> memref<1x320xi32, #tpu.memory_space<vmem>>
        %dma_wait3A_48 = tpu.memref_squeeze %dma_wait3A_47 : memref<1x320xi32, #tpu.memory_space<vmem>> -> memref<320xi32, #tpu.memory_space<vmem>>
        %dma_wait3A_49 = tpu.memref_slice %arg2[%multiple_of3A_15] : memref<819200xi32, #tpu.memory_space<hbm>> -> memref<320xi32, #tpu.memory_space<hbm>>
        tpu.wait_dma2 semaphore(%run_scoped3A : memref<!tpu.dma_semaphore, #tpu.memory_space<semaphore_mem>>) src(%dma_wait3A_49 : memref<320xi32, #tpu.memory_space<hbm>>) dst(%dma_wait3A_48 : memref<320xi32, #tpu.memory_space<vmem>>)
        tpu.yield
      }) : () -> ()
      %dma_start3A = arith.constant 0 : i32
      %dma_start3A_16 = arith.constant 0 : i32
      %dma_start3A_17 = tpu.memref_slice %arg6[%rem3A_9, %dma_start3A, %dma_start3A_16] : memref<2x320x64xf32, #tpu.memory_space<vmem>> -> memref<1x320x64xf32, #tpu.memory_space<vmem>>
      %dma_start3A_18 = tpu.memref_squeeze %dma_start3A_17 : memref<1x320x64xf32, #tpu.memory_space<vmem>> -> memref<320x64xf32, #tpu.memory_space<vmem>>
      %dma_start3A_19 = arith.constant 0 : i32
      %dma_start3A_20 = tpu.memref_slice %arg5[%rem3A_9, %dma_start3A_19] : memref<2x320xi32, #tpu.memory_space<vmem>> -> memref<1x320xi32, #tpu.memory_space<vmem>>
      %dma_start3A_21 = tpu.memref_squeeze %dma_start3A_20 : memref<1x320xi32, #tpu.memory_space<vmem>> -> memref<320xi32, #tpu.memory_space<vmem>>
      %dma_start3A_22 = arith.constant 0 : i32
      %dma_start3A_23 = arith.constant 0 : i32
      %dma_start3A_24 = tpu.memref_slice %arg3[%dma_start3A_22, %dma_start3A_23] : memref<1000001x64xf32, #tpu.memory_space<hbm>> -> memref<1000001x64xf32, #tpu.memory_space<hbm>>
      tpu.enqueue_indirect_dma source(%dma_start3A_24 : memref<1000001x64xf32, #tpu.memory_space<hbm>>) target(%dma_start3A_18 : memref<320x64xf32, #tpu.memory_space<vmem>>) offsets(%dma_start3A_21 : memref<320xi32, #tpu.memory_space<vmem>>) semaphore(%arg7 : memref<!tpu.dma_semaphore, #tpu.memory_space<semaphore_mem>>)
      %dma_wait3A = arith.constant 0 : i32
      %dma_wait3A_25 = arith.constant 0 : i32
      %dma_wait3A_26 = tpu.memref_slice %arg6[%rem3A_9, %dma_wait3A, %dma_wait3A_25] : memref<2x320x64xf32, #tpu.memory_space<vmem>> -> memref<1x320x64xf32, #tpu.memory_space<vmem>>
      %dma_wait3A_27 = tpu.memref_squeeze %dma_wait3A_26 : memref<1x320x64xf32, #tpu.memory_space<vmem>> -> memref<320x64xf32, #tpu.memory_space<vmem>>
      %dma_wait3A_28 = arith.constant 0 : i32
      %dma_wait3A_29 = tpu.memref_slice %arg5[%rem3A_9, %dma_wait3A_28] : memref<2x320xi32, #tpu.memory_space<vmem>> -> memref<1x320xi32, #tpu.memory_space<vmem>>
      %dma_wait3A_30 = tpu.memref_squeeze %dma_wait3A_29 : memref<1x320xi32, #tpu.memory_space<vmem>> -> memref<320xi32, #tpu.memory_space<vmem>>
      %dma_wait3A_31 = arith.constant 0 : i32
      %dma_wait3A_32 = arith.constant 0 : i32
      %dma_wait3A_33 = tpu.memref_slice %arg3[%dma_wait3A_31, %dma_wait3A_32] : memref<1000001x64xf32, #tpu.memory_space<hbm>> -> memref<1000001x64xf32, #tpu.memory_space<hbm>>
      tpu.wait_indirect_dma semaphore(%arg7 : memref<!tpu.dma_semaphore, #tpu.memory_space<semaphore_mem>>) src(%dma_wait3A_33 : memref<1000001x64xf32, #tpu.memory_space<hbm>>) dst(%dma_wait3A_27 : memref<320x64xf32, #tpu.memory_space<vmem>>)
      "tpu.region"() ({
        %run_scoped3A = tpu.sem_alloc : memref<!tpu.dma_semaphore, #tpu.memory_space<semaphore_mem>>
        %dma_start3A_34 = arith.constant 0 : i32
        %dma_start3A_35 = arith.constant 0 : i32
        %dma_start3A_36 = tpu.memref_slice %arg6[%rem3A_9, %dma_start3A_34, %dma_start3A_35] : memref<2x320x64xf32, #tpu.memory_space<vmem>> -> memref<1x320x64xf32, #tpu.memory_space<vmem>>
        %dma_start3A_37 = tpu.memref_squeeze %dma_start3A_36 : memref<1x320x64xf32, #tpu.memory_space<vmem>> -> memref<320x64xf32, #tpu.memory_space<vmem>>
        %dma_start3A_38 = arith.constant 0 : i32
        %dma_start3A_39 = tpu.memref_slice %arg4[%multiple_of3A, %dma_start3A_38] : memref<102400x64xf32, #tpu.memory_space<hbm>> -> memref<320x64xf32, #tpu.memory_space<hbm>>
        %dma_start3A_40 = arith.constant 0 : i32
        %dma_start3A_41 = tpu.memref_slice %arg4[%multiple_of3A, %dma_start3A_40] : memref<102400x64xf32, #tpu.memory_space<hbm>> -> memref<320x64xf32, #tpu.memory_space<hbm>>
        %dma_start3A_42 = arith.constant 0 : i32
        %dma_start3A_43 = arith.constant 0 : i32
        %dma_start3A_44 = tpu.memref_slice %arg6[%rem3A_9, %dma_start3A_42, %dma_start3A_43] : memref<2x320x64xf32, #tpu.memory_space<vmem>> -> memref<1x320x64xf32, #tpu.memory_space<vmem>>
        %dma_start3A_45 = tpu.memref_squeeze %dma_start3A_44 : memref<1x320x64xf32, #tpu.memory_space<vmem>> -> memref<320x64xf32, #tpu.memory_space<vmem>>
        tpu.enqueue_dma source(%dma_start3A_45 : memref<320x64xf32, #tpu.memory_space<vmem>>) target(%dma_start3A_41 : memref<320x64xf32, #tpu.memory_space<hbm>>) target_semaphore(%run_scoped3A : memref<!tpu.dma_semaphore, #tpu.memory_space<semaphore_mem>>)
        %dma_wait3A_46 = arith.constant 0 : i32
        %dma_wait3A_47 = arith.constant 0 : i32
        %dma_wait3A_48 = tpu.memref_slice %arg6[%rem3A_9, %dma_wait3A_46, %dma_wait3A_47] : memref<2x320x64xf32, #tpu.memory_space<vmem>> -> memref<1x320x64xf32, #tpu.memory_space<vmem>>
        %dma_wait3A_49 = tpu.memref_squeeze %dma_wait3A_48 : memref<1x320x64xf32, #tpu.memory_space<vmem>> -> memref<320x64xf32, #tpu.memory_space<vmem>>
        %dma_wait3A_50 = arith.constant 0 : i32
        %dma_wait3A_51 = tpu.memref_slice %arg4[%multiple_of3A, %dma_wait3A_50] : memref<102400x64xf32, #tpu.memory_space<hbm>> -> memref<320x64xf32, #tpu.memory_space<hbm>>
        %dma_wait3A_52 = arith.constant 0 : i32
        %dma_wait3A_53 = tpu.memref_slice %arg4[%multiple_of3A, %dma_wait3A_52] : memref<102400x64xf32, #tpu.memory_space<hbm>> -> memref<320x64xf32, #tpu.memory_space<hbm>>
        %dma_wait3A_54 = arith.constant 0 : i32
        %dma_wait3A_55 = arith.constant 0 : i32
        %dma_wait3A_56 = tpu.memref_slice %arg6[%rem3A_9, %dma_wait3A_54, %dma_wait3A_55] : memref<2x320x64xf32, #tpu.memory_space<vmem>> -> memref<1x320x64xf32, #tpu.memory_space<vmem>>
        %dma_wait3A_57 = tpu.memref_squeeze %dma_wait3A_56 : memref<1x320x64xf32, #tpu.memory_space<vmem>> -> memref<320x64xf32, #tpu.memory_space<vmem>>
        tpu.wait_dma2 semaphore(%run_scoped3A : memref<!tpu.dma_semaphore, #tpu.memory_space<semaphore_mem>>) src(%dma_wait3A_57 : memref<320x64xf32, #tpu.memory_space<vmem>>) dst(%dma_wait3A_53 : memref<320x64xf32, #tpu.memory_space<hbm>>)
        tpu.yield
      }) : () -> ()
    }
    %scan3A_7 = arith.constant 10 : i32
    return
  }
}

#map = affine_map<(d0, d1) -> (0)>
#map1 = affine_map<(d0, d1) -> (0, 0)>
module attributes {stable_mosaic.version = 14 : i64} {
  func.func @_sc_gather(%arg0: i32, %arg1: i32, %arg2: memref<819200xi32, #tpu.memory_space<hbm>>, %arg3: memref<1000001x64xf32, #tpu.memory_space<hbm>>, %arg4: memref<102400x64xf32, #tpu.memory_space<hbm>>, %arg5: memref<2x320xi32, #tpu.memory_space<vmem>>, %arg6: memref<2x320x64xf32, #tpu.memory_space<vmem>>, %arg7: memref<!tpu.dma_semaphore, #tpu.memory_space<semaphore_mem>>) attributes {dimension_semantics = [#tpu.dimension_semantics<core_parallel>, #tpu.dimension_semantics<subcore_parallel>], iteration_bounds = array<i64: 2, 16>, scalar_prefetch = 0 : i64, scratch_operands = 3 : i64, tpu.core_type = #tpu.core_type<sc_vector_subcore>, window_params = [{transform_indices = #map}, {transform_indices = #map1}, {transform_indices = #map1}]} {
    %mul3A = arith.constant 2 : i32
    %mul3A_0 = arith.muli %arg1, %mul3A : i32
    %add3A = arith.addi %mul3A_0, %arg0 : i32
    %mul3A_1 = arith.constant 3200 : i32
    %mul3A_2 = arith.muli %add3A, %mul3A_1 : i32
    %scan3A = arith.constant 0 : i32
    %scan3A_3 = arith.constant 0 : i32
    %scan3A_4 = arith.constant 10 : i32
    %scan3A_5 = arith.addi %scan3A_3, %scan3A_4 : i32
    %scan3A_6 = arith.constant 1 : i32
    scf.for %scan3A_8 = %scan3A_3 to %scan3A_5 step %scan3A_6  : i32 {
      %rem3A = arith.constant 2 : i32
      %rem3A_9 = arith.remsi %scan3A_8, %rem3A : i32
      %mul3A_10 = arith.constant 320 : i32
      %mul3A_11 = arith.muli %scan3A_8, %mul3A_10 : i32
      %add3A_12 = arith.addi %mul3A_2, %mul3A_11 : i32
      %multiple_of3A = tpu.assume_multiple %add3A_12, 320 : i32
      %add3A_13 = arith.constant 512000 : i32
      %add3A_14 = arith.addi %add3A_13, %multiple_of3A : i32
      %multiple_of3A_15 = tpu.assume_multiple %add3A_14, 320 : i32
      "tpu.region"() ({
        %run_scoped3A = tpu.sem_alloc : memref<!tpu.dma_semaphore, #tpu.memory_space<semaphore_mem>>
        %dma_start3A_34 = arith.constant 0 : i32
        %dma_start3A_35 = tpu.memref_slice %arg5[%rem3A_9, %dma_start3A_34] : memref<2x320xi32, #tpu.memory_space<vmem>> -> memref<1x320xi32, #tpu.memory_space<vmem>>
        %dma_start3A_36 = tpu.memref_squeeze %dma_start3A_35 : memref<1x320xi32, #tpu.memory_space<vmem>> -> memref<320xi32, #tpu.memory_space<vmem>>
        %dma_start3A_37 = tpu.memref_slice %arg2[%multiple_of3A_15] : memref<819200xi32, #tpu.memory_space<hbm>> -> memref<320xi32, #tpu.memory_space<hbm>>
        %dma_start3A_38 = arith.constant 0 : i32
        %dma_start3A_39 = tpu.memref_slice %arg5[%rem3A_9, %dma_start3A_38] : memref<2x320xi32, #tpu.memory_space<vmem>> -> memref<1x320xi32, #tpu.memory_space<vmem>>
        %dma_start3A_40 = tpu.memref_squeeze %dma_start3A_39 : memref<1x320xi32, #tpu.memory_space<vmem>> -> memref<320xi32, #tpu.memory_space<vmem>>
        %dma_start3A_41 = tpu.memref_slice %arg2[%multiple_of3A_15] : memref<819200xi32, #tpu.memory_space<hbm>> -> memref<320xi32, #tpu.memory_space<hbm>>
        tpu.enqueue_dma source(%dma_start3A_41 : memref<320xi32, #tpu.memory_space<hbm>>) target(%dma_start3A_40 : memref<320xi32, #tpu.memory_space<vmem>>) target_semaphore(%run_scoped3A : memref<!tpu.dma_semaphore, #tpu.memory_space<semaphore_mem>>)
        %dma_wait3A_42 = arith.constant 0 : i32
        %dma_wait3A_43 = tpu.memref_slice %arg5[%rem3A_9, %dma_wait3A_42] : memref<2x320xi32, #tpu.memory_space<vmem>> -> memref<1x320xi32, #tpu.memory_space<vmem>>
        %dma_wait3A_44 = tpu.memref_squeeze %dma_wait3A_43 : memref<1x320xi32, #tpu.memory_space<vmem>> -> memref<320xi32, #tpu.memory_space<vmem>>
        %dma_wait3A_45 = tpu.memref_slice %arg2[%multiple_of3A_15] : memref<819200xi32, #tpu.memory_space<hbm>> -> memref<320xi32, #tpu.memory_space<hbm>>
        %dma_wait3A_46 = arith.constant 0 : i32
        %dma_wait3A_47 = tpu.memref_slice %arg5[%rem3A_9, %dma_wait3A_46] : memref<2x320xi32, #tpu.memory_space<vmem>> -> memref<1x320xi32, #tpu.memory_space<vmem>>
        %dma_wait3A_48 = tpu.memref_squeeze %dma_wait3A_47 : memref<1x320xi32, #tpu.memory_space<vmem>> -> memref<320xi32, #tpu.memory_space<vmem>>
        %dma_wait3A_49 = tpu.memref_slice %arg2[%multiple_of3A_15] : memref<819200xi32, #tpu.memory_space<hbm>> -> memref<320xi32, #tpu.memory_space<hbm>>
        tpu.wait_dma2 semaphore(%run_scoped3A : memref<!tpu.dma_semaphore, #tpu.memory_space<semaphore_mem>>) src(%dma_wait3A_49 : memref<320xi32, #tpu.memory_space<hbm>>) dst(%dma_wait3A_48 : memref<320xi32, #tpu.memory_space<vmem>>)
        tpu.yield
      }) : () -> ()
      %dma_start3A = arith.constant 0 : i32
      %dma_start3A_16 = arith.constant 0 : i32
      %dma_start3A_17 = tpu.memref_slice %arg6[%rem3A_9, %dma_start3A, %dma_start3A_16] : memref<2x320x64xf32, #tpu.memory_space<vmem>> -> memref<1x320x64xf32, #tpu.memory_space<vmem>>
      %dma_start3A_18 = tpu.memref_squeeze %dma_start3A_17 : memref<1x320x64xf32, #tpu.memory_space<vmem>> -> memref<320x64xf32, #tpu.memory_space<vmem>>
      %dma_start3A_19 = arith.constant 0 : i32
      %dma_start3A_20 = tpu.memref_slice %arg5[%rem3A_9, %dma_start3A_19] : memref<2x320xi32, #tpu.memory_space<vmem>> -> memref<1x320xi32, #tpu.memory_space<vmem>>
      %dma_start3A_21 = tpu.memref_squeeze %dma_start3A_20 : memref<1x320xi32, #tpu.memory_space<vmem>> -> memref<320xi32, #tpu.memory_space<vmem>>
      %dma_start3A_22 = arith.constant 0 : i32
      %dma_start3A_23 = arith.constant 0 : i32
      %dma_start3A_24 = tpu.memref_slice %arg3[%dma_start3A_22, %dma_start3A_23] : memref<1000001x64xf32, #tpu.memory_space<hbm>> -> memref<1000001x64xf32, #tpu.memory_space<hbm>>
      tpu.enqueue_indirect_dma source(%dma_start3A_24 : memref<1000001x64xf32, #tpu.memory_space<hbm>>) target(%dma_start3A_18 : memref<320x64xf32, #tpu.memory_space<vmem>>) offsets(%dma_start3A_21 : memref<320xi32, #tpu.memory_space<vmem>>) semaphore(%arg7 : memref<!tpu.dma_semaphore, #tpu.memory_space<semaphore_mem>>)
      %dma_wait3A = arith.constant 0 : i32
      %dma_wait3A_25 = arith.constant 0 : i32
      %dma_wait3A_26 = tpu.memref_slice %arg6[%rem3A_9, %dma_wait3A, %dma_wait3A_25] : memref<2x320x64xf32, #tpu.memory_space<vmem>> -> memref<1x320x64xf32, #tpu.memory_space<vmem>>
      %dma_wait3A_27 = tpu.memref_squeeze %dma_wait3A_26 : memref<1x320x64xf32, #tpu.memory_space<vmem>> -> memref<320x64xf32, #tpu.memory_space<vmem>>
      %dma_wait3A_28 = arith.constant 0 : i32
      %dma_wait3A_29 = tpu.memref_slice %arg5[%rem3A_9, %dma_wait3A_28] : memref<2x320xi32, #tpu.memory_space<vmem>> -> memref<1x320xi32, #tpu.memory_space<vmem>>
      %dma_wait3A_30 = tpu.memref_squeeze %dma_wait3A_29 : memref<1x320xi32, #tpu.memory_space<vmem>> -> memref<320xi32, #tpu.memory_space<vmem>>
      %dma_wait3A_31 = arith.constant 0 : i32
      %dma_wait3A_32 = arith.constant 0 : i32
      %dma_wait3A_33 = tpu.memref_slice %arg3[%dma_wait3A_31, %dma_wait3A_32] : memref<1000001x64xf32, #tpu.memory_space<hbm>> -> memref<1000001x64xf32, #tpu.memory_space<hbm>>
      tpu.wait_indirect_dma semaphore(%arg7 : memref<!tpu.dma_semaphore, #tpu.memory_space<semaphore_mem>>) src(%dma_wait3A_33 : memref<1000001x64xf32, #tpu.memory_space<hbm>>) dst(%dma_wait3A_27 : memref<320x64xf32, #tpu.memory_space<vmem>>)
      "tpu.region"() ({
        %run_scoped3A = tpu.sem_alloc : memref<!tpu.dma_semaphore, #tpu.memory_space<semaphore_mem>>
        %dma_start3A_34 = arith.constant 0 : i32
        %dma_start3A_35 = arith.constant 0 : i32
        %dma_start3A_36 = tpu.memref_slice %arg6[%rem3A_9, %dma_start3A_34, %dma_start3A_35] : memref<2x320x64xf32, #tpu.memory_space<vmem>> -> memref<1x320x64xf32, #tpu.memory_space<vmem>>
        %dma_start3A_37 = tpu.memref_squeeze %dma_start3A_36 : memref<1x320x64xf32, #tpu.memory_space<vmem>> -> memref<320x64xf32, #tpu.memory_space<vmem>>
        %dma_start3A_38 = arith.constant 0 : i32
        %dma_start3A_39 = tpu.memref_slice %arg4[%multiple_of3A, %dma_start3A_38] : memref<102400x64xf32, #tpu.memory_space<hbm>> -> memref<320x64xf32, #tpu.memory_space<hbm>>
        %dma_start3A_40 = arith.constant 0 : i32
        %dma_start3A_41 = tpu.memref_slice %arg4[%multiple_of3A, %dma_start3A_40] : memref<102400x64xf32, #tpu.memory_space<hbm>> -> memref<320x64xf32, #tpu.memory_space<hbm>>
        %dma_start3A_42 = arith.constant 0 : i32
        %dma_start3A_43 = arith.constant 0 : i32
        %dma_start3A_44 = tpu.memref_slice %arg6[%rem3A_9, %dma_start3A_42, %dma_start3A_43] : memref<2x320x64xf32, #tpu.memory_space<vmem>> -> memref<1x320x64xf32, #tpu.memory_space<vmem>>
        %dma_start3A_45 = tpu.memref_squeeze %dma_start3A_44 : memref<1x320x64xf32, #tpu.memory_space<vmem>> -> memref<320x64xf32, #tpu.memory_space<vmem>>
        tpu.enqueue_dma source(%dma_start3A_45 : memref<320x64xf32, #tpu.memory_space<vmem>>) target(%dma_start3A_41 : memref<320x64xf32, #tpu.memory_space<hbm>>) target_semaphore(%run_scoped3A : memref<!tpu.dma_semaphore, #tpu.memory_space<semaphore_mem>>)
        %dma_wait3A_46 = arith.constant 0 : i32
        %dma_wait3A_47 = arith.constant 0 : i32
        %dma_wait3A_48 = tpu.memref_slice %arg6[%rem3A_9, %dma_wait3A_46, %dma_wait3A_47] : memref<2x320x64xf32, #tpu.memory_space<vmem>> -> memref<1x320x64xf32, #tpu.memory_space<vmem>>
        %dma_wait3A_49 = tpu.memref_squeeze %dma_wait3A_48 : memref<1x320x64xf32, #tpu.memory_space<vmem>> -> memref<320x64xf32, #tpu.memory_space<vmem>>
        %dma_wait3A_50 = arith.constant 0 : i32
        %dma_wait3A_51 = tpu.memref_slice %arg4[%multiple_of3A, %dma_wait3A_50] : memref<102400x64xf32, #tpu.memory_space<hbm>> -> memref<320x64xf32, #tpu.memory_space<hbm>>
        %dma_wait3A_52 = arith.constant 0 : i32
        %dma_wait3A_53 = tpu.memref_slice %arg4[%multiple_of3A, %dma_wait3A_52] : memref<102400x64xf32, #tpu.memory_space<hbm>> -> memref<320x64xf32, #tpu.memory_space<hbm>>
        %dma_wait3A_54 = arith.constant 0 : i32
        %dma_wait3A_55 = arith.constant 0 : i32
        %dma_wait3A_56 = tpu.memref_slice %arg6[%rem3A_9, %dma_wait3A_54, %dma_wait3A_55] : memref<2x320x64xf32, #tpu.memory_space<vmem>> -> memref<1x320x64xf32, #tpu.memory_space<vmem>>
        %dma_wait3A_57 = tpu.memref_squeeze %dma_wait3A_56 : memref<1x320x64xf32, #tpu.memory_space<vmem>> -> memref<320x64xf32, #tpu.memory_space<vmem>>
        tpu.wait_dma2 semaphore(%run_scoped3A : memref<!tpu.dma_semaphore, #tpu.memory_space<semaphore_mem>>) src(%dma_wait3A_57 : memref<320x64xf32, #tpu.memory_space<vmem>>) dst(%dma_wait3A_53 : memref<320x64xf32, #tpu.memory_space<hbm>>)
        tpu.yield
      }) : () -> ()
    }
    %scan3A_7 = arith.constant 10 : i32
    return
  }
}

#map = affine_map<(d0, d1) -> (0)>
#map1 = affine_map<(d0, d1) -> (0, 0)>
module attributes {stable_mosaic.version = 14 : i64} {
  func.func @_sc_gather(%arg0: i32, %arg1: i32, %arg2: memref<819200xi32, #tpu.memory_space<hbm>>, %arg3: memref<1000001x64xf32, #tpu.memory_space<hbm>>, %arg4: memref<102400x64xf32, #tpu.memory_space<hbm>>, %arg5: memref<2x320xi32, #tpu.memory_space<vmem>>, %arg6: memref<2x320x64xf32, #tpu.memory_space<vmem>>, %arg7: memref<!tpu.dma_semaphore, #tpu.memory_space<semaphore_mem>>) attributes {dimension_semantics = [#tpu.dimension_semantics<core_parallel>, #tpu.dimension_semantics<subcore_parallel>], iteration_bounds = array<i64: 2, 16>, scalar_prefetch = 0 : i64, scratch_operands = 3 : i64, tpu.core_type = #tpu.core_type<sc_vector_subcore>, window_params = [{transform_indices = #map}, {transform_indices = #map1}, {transform_indices = #map1}]} {
    %mul3A = arith.constant 2 : i32
    %mul3A_0 = arith.muli %arg1, %mul3A : i32
    %add3A = arith.addi %mul3A_0, %arg0 : i32
    %mul3A_1 = arith.constant 3200 : i32
    %mul3A_2 = arith.muli %add3A, %mul3A_1 : i32
    %scan3A = arith.constant 0 : i32
    %scan3A_3 = arith.constant 0 : i32
    %scan3A_4 = arith.constant 10 : i32
    %scan3A_5 = arith.addi %scan3A_3, %scan3A_4 : i32
    %scan3A_6 = arith.constant 1 : i32
    scf.for %scan3A_8 = %scan3A_3 to %scan3A_5 step %scan3A_6  : i32 {
      %rem3A = arith.constant 2 : i32
      %rem3A_9 = arith.remsi %scan3A_8, %rem3A : i32
      %mul3A_10 = arith.constant 320 : i32
      %mul3A_11 = arith.muli %scan3A_8, %mul3A_10 : i32
      %add3A_12 = arith.addi %mul3A_2, %mul3A_11 : i32
      %multiple_of3A = tpu.assume_multiple %add3A_12, 320 : i32
      %add3A_13 = arith.constant 614400 : i32
      %add3A_14 = arith.addi %add3A_13, %multiple_of3A : i32
      %multiple_of3A_15 = tpu.assume_multiple %add3A_14, 320 : i32
      "tpu.region"() ({
        %run_scoped3A = tpu.sem_alloc : memref<!tpu.dma_semaphore, #tpu.memory_space<semaphore_mem>>
        %dma_start3A_34 = arith.constant 0 : i32
        %dma_start3A_35 = tpu.memref_slice %arg5[%rem3A_9, %dma_start3A_34] : memref<2x320xi32, #tpu.memory_space<vmem>> -> memref<1x320xi32, #tpu.memory_space<vmem>>
        %dma_start3A_36 = tpu.memref_squeeze %dma_start3A_35 : memref<1x320xi32, #tpu.memory_space<vmem>> -> memref<320xi32, #tpu.memory_space<vmem>>
        %dma_start3A_37 = tpu.memref_slice %arg2[%multiple_of3A_15] : memref<819200xi32, #tpu.memory_space<hbm>> -> memref<320xi32, #tpu.memory_space<hbm>>
        %dma_start3A_38 = arith.constant 0 : i32
        %dma_start3A_39 = tpu.memref_slice %arg5[%rem3A_9, %dma_start3A_38] : memref<2x320xi32, #tpu.memory_space<vmem>> -> memref<1x320xi32, #tpu.memory_space<vmem>>
        %dma_start3A_40 = tpu.memref_squeeze %dma_start3A_39 : memref<1x320xi32, #tpu.memory_space<vmem>> -> memref<320xi32, #tpu.memory_space<vmem>>
        %dma_start3A_41 = tpu.memref_slice %arg2[%multiple_of3A_15] : memref<819200xi32, #tpu.memory_space<hbm>> -> memref<320xi32, #tpu.memory_space<hbm>>
        tpu.enqueue_dma source(%dma_start3A_41 : memref<320xi32, #tpu.memory_space<hbm>>) target(%dma_start3A_40 : memref<320xi32, #tpu.memory_space<vmem>>) target_semaphore(%run_scoped3A : memref<!tpu.dma_semaphore, #tpu.memory_space<semaphore_mem>>)
        %dma_wait3A_42 = arith.constant 0 : i32
        %dma_wait3A_43 = tpu.memref_slice %arg5[%rem3A_9, %dma_wait3A_42] : memref<2x320xi32, #tpu.memory_space<vmem>> -> memref<1x320xi32, #tpu.memory_space<vmem>>
        %dma_wait3A_44 = tpu.memref_squeeze %dma_wait3A_43 : memref<1x320xi32, #tpu.memory_space<vmem>> -> memref<320xi32, #tpu.memory_space<vmem>>
        %dma_wait3A_45 = tpu.memref_slice %arg2[%multiple_of3A_15] : memref<819200xi32, #tpu.memory_space<hbm>> -> memref<320xi32, #tpu.memory_space<hbm>>
        %dma_wait3A_46 = arith.constant 0 : i32
        %dma_wait3A_47 = tpu.memref_slice %arg5[%rem3A_9, %dma_wait3A_46] : memref<2x320xi32, #tpu.memory_space<vmem>> -> memref<1x320xi32, #tpu.memory_space<vmem>>
        %dma_wait3A_48 = tpu.memref_squeeze %dma_wait3A_47 : memref<1x320xi32, #tpu.memory_space<vmem>> -> memref<320xi32, #tpu.memory_space<vmem>>
        %dma_wait3A_49 = tpu.memref_slice %arg2[%multiple_of3A_15] : memref<819200xi32, #tpu.memory_space<hbm>> -> memref<320xi32, #tpu.memory_space<hbm>>
        tpu.wait_dma2 semaphore(%run_scoped3A : memref<!tpu.dma_semaphore, #tpu.memory_space<semaphore_mem>>) src(%dma_wait3A_49 : memref<320xi32, #tpu.memory_space<hbm>>) dst(%dma_wait3A_48 : memref<320xi32, #tpu.memory_space<vmem>>)
        tpu.yield
      }) : () -> ()
      %dma_start3A = arith.constant 0 : i32
      %dma_start3A_16 = arith.constant 0 : i32
      %dma_start3A_17 = tpu.memref_slice %arg6[%rem3A_9, %dma_start3A, %dma_start3A_16] : memref<2x320x64xf32, #tpu.memory_space<vmem>> -> memref<1x320x64xf32, #tpu.memory_space<vmem>>
      %dma_start3A_18 = tpu.memref_squeeze %dma_start3A_17 : memref<1x320x64xf32, #tpu.memory_space<vmem>> -> memref<320x64xf32, #tpu.memory_space<vmem>>
      %dma_start3A_19 = arith.constant 0 : i32
      %dma_start3A_20 = tpu.memref_slice %arg5[%rem3A_9, %dma_start3A_19] : memref<2x320xi32, #tpu.memory_space<vmem>> -> memref<1x320xi32, #tpu.memory_space<vmem>>
      %dma_start3A_21 = tpu.memref_squeeze %dma_start3A_20 : memref<1x320xi32, #tpu.memory_space<vmem>> -> memref<320xi32, #tpu.memory_space<vmem>>
      %dma_start3A_22 = arith.constant 0 : i32
      %dma_start3A_23 = arith.constant 0 : i32
      %dma_start3A_24 = tpu.memref_slice %arg3[%dma_start3A_22, %dma_start3A_23] : memref<1000001x64xf32, #tpu.memory_space<hbm>> -> memref<1000001x64xf32, #tpu.memory_space<hbm>>
      tpu.enqueue_indirect_dma source(%dma_start3A_24 : memref<1000001x64xf32, #tpu.memory_space<hbm>>) target(%dma_start3A_18 : memref<320x64xf32, #tpu.memory_space<vmem>>) offsets(%dma_start3A_21 : memref<320xi32, #tpu.memory_space<vmem>>) semaphore(%arg7 : memref<!tpu.dma_semaphore, #tpu.memory_space<semaphore_mem>>)
      %dma_wait3A = arith.constant 0 : i32
      %dma_wait3A_25 = arith.constant 0 : i32
      %dma_wait3A_26 = tpu.memref_slice %arg6[%rem3A_9, %dma_wait3A, %dma_wait3A_25] : memref<2x320x64xf32, #tpu.memory_space<vmem>> -> memref<1x320x64xf32, #tpu.memory_space<vmem>>
      %dma_wait3A_27 = tpu.memref_squeeze %dma_wait3A_26 : memref<1x320x64xf32, #tpu.memory_space<vmem>> -> memref<320x64xf32, #tpu.memory_space<vmem>>
      %dma_wait3A_28 = arith.constant 0 : i32
      %dma_wait3A_29 = tpu.memref_slice %arg5[%rem3A_9, %dma_wait3A_28] : memref<2x320xi32, #tpu.memory_space<vmem>> -> memref<1x320xi32, #tpu.memory_space<vmem>>
      %dma_wait3A_30 = tpu.memref_squeeze %dma_wait3A_29 : memref<1x320xi32, #tpu.memory_space<vmem>> -> memref<320xi32, #tpu.memory_space<vmem>>
      %dma_wait3A_31 = arith.constant 0 : i32
      %dma_wait3A_32 = arith.constant 0 : i32
      %dma_wait3A_33 = tpu.memref_slice %arg3[%dma_wait3A_31, %dma_wait3A_32] : memref<1000001x64xf32, #tpu.memory_space<hbm>> -> memref<1000001x64xf32, #tpu.memory_space<hbm>>
      tpu.wait_indirect_dma semaphore(%arg7 : memref<!tpu.dma_semaphore, #tpu.memory_space<semaphore_mem>>) src(%dma_wait3A_33 : memref<1000001x64xf32, #tpu.memory_space<hbm>>) dst(%dma_wait3A_27 : memref<320x64xf32, #tpu.memory_space<vmem>>)
      "tpu.region"() ({
        %run_scoped3A = tpu.sem_alloc : memref<!tpu.dma_semaphore, #tpu.memory_space<semaphore_mem>>
        %dma_start3A_34 = arith.constant 0 : i32
        %dma_start3A_35 = arith.constant 0 : i32
        %dma_start3A_36 = tpu.memref_slice %arg6[%rem3A_9, %dma_start3A_34, %dma_start3A_35] : memref<2x320x64xf32, #tpu.memory_space<vmem>> -> memref<1x320x64xf32, #tpu.memory_space<vmem>>
        %dma_start3A_37 = tpu.memref_squeeze %dma_start3A_36 : memref<1x320x64xf32, #tpu.memory_space<vmem>> -> memref<320x64xf32, #tpu.memory_space<vmem>>
        %dma_start3A_38 = arith.constant 0 : i32
        %dma_start3A_39 = tpu.memref_slice %arg4[%multiple_of3A, %dma_start3A_38] : memref<102400x64xf32, #tpu.memory_space<hbm>> -> memref<320x64xf32, #tpu.memory_space<hbm>>
        %dma_start3A_40 = arith.constant 0 : i32
        %dma_start3A_41 = tpu.memref_slice %arg4[%multiple_of3A, %dma_start3A_40] : memref<102400x64xf32, #tpu.memory_space<hbm>> -> memref<320x64xf32, #tpu.memory_space<hbm>>
        %dma_start3A_42 = arith.constant 0 : i32
        %dma_start3A_43 = arith.constant 0 : i32
        %dma_start3A_44 = tpu.memref_slice %arg6[%rem3A_9, %dma_start3A_42, %dma_start3A_43] : memref<2x320x64xf32, #tpu.memory_space<vmem>> -> memref<1x320x64xf32, #tpu.memory_space<vmem>>
        %dma_start3A_45 = tpu.memref_squeeze %dma_start3A_44 : memref<1x320x64xf32, #tpu.memory_space<vmem>> -> memref<320x64xf32, #tpu.memory_space<vmem>>
        tpu.enqueue_dma source(%dma_start3A_45 : memref<320x64xf32, #tpu.memory_space<vmem>>) target(%dma_start3A_41 : memref<320x64xf32, #tpu.memory_space<hbm>>) target_semaphore(%run_scoped3A : memref<!tpu.dma_semaphore, #tpu.memory_space<semaphore_mem>>)
        %dma_wait3A_46 = arith.constant 0 : i32
        %dma_wait3A_47 = arith.constant 0 : i32
        %dma_wait3A_48 = tpu.memref_slice %arg6[%rem3A_9, %dma_wait3A_46, %dma_wait3A_47] : memref<2x320x64xf32, #tpu.memory_space<vmem>> -> memref<1x320x64xf32, #tpu.memory_space<vmem>>
        %dma_wait3A_49 = tpu.memref_squeeze %dma_wait3A_48 : memref<1x320x64xf32, #tpu.memory_space<vmem>> -> memref<320x64xf32, #tpu.memory_space<vmem>>
        %dma_wait3A_50 = arith.constant 0 : i32
        %dma_wait3A_51 = tpu.memref_slice %arg4[%multiple_of3A, %dma_wait3A_50] : memref<102400x64xf32, #tpu.memory_space<hbm>> -> memref<320x64xf32, #tpu.memory_space<hbm>>
        %dma_wait3A_52 = arith.constant 0 : i32
        %dma_wait3A_53 = tpu.memref_slice %arg4[%multiple_of3A, %dma_wait3A_52] : memref<102400x64xf32, #tpu.memory_space<hbm>> -> memref<320x64xf32, #tpu.memory_space<hbm>>
        %dma_wait3A_54 = arith.constant 0 : i32
        %dma_wait3A_55 = arith.constant 0 : i32
        %dma_wait3A_56 = tpu.memref_slice %arg6[%rem3A_9, %dma_wait3A_54, %dma_wait3A_55] : memref<2x320x64xf32, #tpu.memory_space<vmem>> -> memref<1x320x64xf32, #tpu.memory_space<vmem>>
        %dma_wait3A_57 = tpu.memref_squeeze %dma_wait3A_56 : memref<1x320x64xf32, #tpu.memory_space<vmem>> -> memref<320x64xf32, #tpu.memory_space<vmem>>
        tpu.wait_dma2 semaphore(%run_scoped3A : memref<!tpu.dma_semaphore, #tpu.memory_space<semaphore_mem>>) src(%dma_wait3A_57 : memref<320x64xf32, #tpu.memory_space<vmem>>) dst(%dma_wait3A_53 : memref<320x64xf32, #tpu.memory_space<hbm>>)
        tpu.yield
      }) : () -> ()
    }
    %scan3A_7 = arith.constant 10 : i32
    return
  }
}

#map = affine_map<(d0, d1) -> (0)>
#map1 = affine_map<(d0, d1) -> (0, 0)>
module attributes {stable_mosaic.version = 14 : i64} {
  func.func @_sc_gather(%arg0: i32, %arg1: i32, %arg2: memref<819200xi32, #tpu.memory_space<hbm>>, %arg3: memref<1000001x64xf32, #tpu.memory_space<hbm>>, %arg4: memref<102400x64xf32, #tpu.memory_space<hbm>>, %arg5: memref<2x320xi32, #tpu.memory_space<vmem>>, %arg6: memref<2x320x64xf32, #tpu.memory_space<vmem>>, %arg7: memref<!tpu.dma_semaphore, #tpu.memory_space<semaphore_mem>>) attributes {dimension_semantics = [#tpu.dimension_semantics<core_parallel>, #tpu.dimension_semantics<subcore_parallel>], iteration_bounds = array<i64: 2, 16>, scalar_prefetch = 0 : i64, scratch_operands = 3 : i64, tpu.core_type = #tpu.core_type<sc_vector_subcore>, window_params = [{transform_indices = #map}, {transform_indices = #map1}, {transform_indices = #map1}]} {
    %mul3A = arith.constant 2 : i32
    %mul3A_0 = arith.muli %arg1, %mul3A : i32
    %add3A = arith.addi %mul3A_0, %arg0 : i32
    %mul3A_1 = arith.constant 3200 : i32
    %mul3A_2 = arith.muli %add3A, %mul3A_1 : i32
    %scan3A = arith.constant 0 : i32
    %scan3A_3 = arith.constant 0 : i32
    %scan3A_4 = arith.constant 10 : i32
    %scan3A_5 = arith.addi %scan3A_3, %scan3A_4 : i32
    %scan3A_6 = arith.constant 1 : i32
    scf.for %scan3A_8 = %scan3A_3 to %scan3A_5 step %scan3A_6  : i32 {
      %rem3A = arith.constant 2 : i32
      %rem3A_9 = arith.remsi %scan3A_8, %rem3A : i32
      %mul3A_10 = arith.constant 320 : i32
      %mul3A_11 = arith.muli %scan3A_8, %mul3A_10 : i32
      %add3A_12 = arith.addi %mul3A_2, %mul3A_11 : i32
      %multiple_of3A = tpu.assume_multiple %add3A_12, 320 : i32
      %add3A_13 = arith.constant 716800 : i32
      %add3A_14 = arith.addi %add3A_13, %multiple_of3A : i32
      %multiple_of3A_15 = tpu.assume_multiple %add3A_14, 320 : i32
      "tpu.region"() ({
        %run_scoped3A = tpu.sem_alloc : memref<!tpu.dma_semaphore, #tpu.memory_space<semaphore_mem>>
        %dma_start3A_34 = arith.constant 0 : i32
        %dma_start3A_35 = tpu.memref_slice %arg5[%rem3A_9, %dma_start3A_34] : memref<2x320xi32, #tpu.memory_space<vmem>> -> memref<1x320xi32, #tpu.memory_space<vmem>>
        %dma_start3A_36 = tpu.memref_squeeze %dma_start3A_35 : memref<1x320xi32, #tpu.memory_space<vmem>> -> memref<320xi32, #tpu.memory_space<vmem>>
        %dma_start3A_37 = tpu.memref_slice %arg2[%multiple_of3A_15] : memref<819200xi32, #tpu.memory_space<hbm>> -> memref<320xi32, #tpu.memory_space<hbm>>
        %dma_start3A_38 = arith.constant 0 : i32
        %dma_start3A_39 = tpu.memref_slice %arg5[%rem3A_9, %dma_start3A_38] : memref<2x320xi32, #tpu.memory_space<vmem>> -> memref<1x320xi32, #tpu.memory_space<vmem>>
        %dma_start3A_40 = tpu.memref_squeeze %dma_start3A_39 : memref<1x320xi32, #tpu.memory_space<vmem>> -> memref<320xi32, #tpu.memory_space<vmem>>
        %dma_start3A_41 = tpu.memref_slice %arg2[%multiple_of3A_15] : memref<819200xi32, #tpu.memory_space<hbm>> -> memref<320xi32, #tpu.memory_space<hbm>>
        tpu.enqueue_dma source(%dma_start3A_41 : memref<320xi32, #tpu.memory_space<hbm>>) target(%dma_start3A_40 : memref<320xi32, #tpu.memory_space<vmem>>) target_semaphore(%run_scoped3A : memref<!tpu.dma_semaphore, #tpu.memory_space<semaphore_mem>>)
        %dma_wait3A_42 = arith.constant 0 : i32
        %dma_wait3A_43 = tpu.memref_slice %arg5[%rem3A_9, %dma_wait3A_42] : memref<2x320xi32, #tpu.memory_space<vmem>> -> memref<1x320xi32, #tpu.memory_space<vmem>>
        %dma_wait3A_44 = tpu.memref_squeeze %dma_wait3A_43 : memref<1x320xi32, #tpu.memory_space<vmem>> -> memref<320xi32, #tpu.memory_space<vmem>>
        %dma_wait3A_45 = tpu.memref_slice %arg2[%multiple_of3A_15] : memref<819200xi32, #tpu.memory_space<hbm>> -> memref<320xi32, #tpu.memory_space<hbm>>
        %dma_wait3A_46 = arith.constant 0 : i32
        %dma_wait3A_47 = tpu.memref_slice %arg5[%rem3A_9, %dma_wait3A_46] : memref<2x320xi32, #tpu.memory_space<vmem>> -> memref<1x320xi32, #tpu.memory_space<vmem>>
        %dma_wait3A_48 = tpu.memref_squeeze %dma_wait3A_47 : memref<1x320xi32, #tpu.memory_space<vmem>> -> memref<320xi32, #tpu.memory_space<vmem>>
        %dma_wait3A_49 = tpu.memref_slice %arg2[%multiple_of3A_15] : memref<819200xi32, #tpu.memory_space<hbm>> -> memref<320xi32, #tpu.memory_space<hbm>>
        tpu.wait_dma2 semaphore(%run_scoped3A : memref<!tpu.dma_semaphore, #tpu.memory_space<semaphore_mem>>) src(%dma_wait3A_49 : memref<320xi32, #tpu.memory_space<hbm>>) dst(%dma_wait3A_48 : memref<320xi32, #tpu.memory_space<vmem>>)
        tpu.yield
      }) : () -> ()
      %dma_start3A = arith.constant 0 : i32
      %dma_start3A_16 = arith.constant 0 : i32
      %dma_start3A_17 = tpu.memref_slice %arg6[%rem3A_9, %dma_start3A, %dma_start3A_16] : memref<2x320x64xf32, #tpu.memory_space<vmem>> -> memref<1x320x64xf32, #tpu.memory_space<vmem>>
      %dma_start3A_18 = tpu.memref_squeeze %dma_start3A_17 : memref<1x320x64xf32, #tpu.memory_space<vmem>> -> memref<320x64xf32, #tpu.memory_space<vmem>>
      %dma_start3A_19 = arith.constant 0 : i32
      %dma_start3A_20 = tpu.memref_slice %arg5[%rem3A_9, %dma_start3A_19] : memref<2x320xi32, #tpu.memory_space<vmem>> -> memref<1x320xi32, #tpu.memory_space<vmem>>
      %dma_start3A_21 = tpu.memref_squeeze %dma_start3A_20 : memref<1x320xi32, #tpu.memory_space<vmem>> -> memref<320xi32, #tpu.memory_space<vmem>>
      %dma_start3A_22 = arith.constant 0 : i32
      %dma_start3A_23 = arith.constant 0 : i32
      %dma_start3A_24 = tpu.memref_slice %arg3[%dma_start3A_22, %dma_start3A_23] : memref<1000001x64xf32, #tpu.memory_space<hbm>> -> memref<1000001x64xf32, #tpu.memory_space<hbm>>
      tpu.enqueue_indirect_dma source(%dma_start3A_24 : memref<1000001x64xf32, #tpu.memory_space<hbm>>) target(%dma_start3A_18 : memref<320x64xf32, #tpu.memory_space<vmem>>) offsets(%dma_start3A_21 : memref<320xi32, #tpu.memory_space<vmem>>) semaphore(%arg7 : memref<!tpu.dma_semaphore, #tpu.memory_space<semaphore_mem>>)
      %dma_wait3A = arith.constant 0 : i32
      %dma_wait3A_25 = arith.constant 0 : i32
      %dma_wait3A_26 = tpu.memref_slice %arg6[%rem3A_9, %dma_wait3A, %dma_wait3A_25] : memref<2x320x64xf32, #tpu.memory_space<vmem>> -> memref<1x320x64xf32, #tpu.memory_space<vmem>>
      %dma_wait3A_27 = tpu.memref_squeeze %dma_wait3A_26 : memref<1x320x64xf32, #tpu.memory_space<vmem>> -> memref<320x64xf32, #tpu.memory_space<vmem>>
      %dma_wait3A_28 = arith.constant 0 : i32
      %dma_wait3A_29 = tpu.memref_slice %arg5[%rem3A_9, %dma_wait3A_28] : memref<2x320xi32, #tpu.memory_space<vmem>> -> memref<1x320xi32, #tpu.memory_space<vmem>>
      %dma_wait3A_30 = tpu.memref_squeeze %dma_wait3A_29 : memref<1x320xi32, #tpu.memory_space<vmem>> -> memref<320xi32, #tpu.memory_space<vmem>>
      %dma_wait3A_31 = arith.constant 0 : i32
      %dma_wait3A_32 = arith.constant 0 : i32
      %dma_wait3A_33 = tpu.memref_slice %arg3[%dma_wait3A_31, %dma_wait3A_32] : memref<1000001x64xf32, #tpu.memory_space<hbm>> -> memref<1000001x64xf32, #tpu.memory_space<hbm>>
      tpu.wait_indirect_dma semaphore(%arg7 : memref<!tpu.dma_semaphore, #tpu.memory_space<semaphore_mem>>) src(%dma_wait3A_33 : memref<1000001x64xf32, #tpu.memory_space<hbm>>) dst(%dma_wait3A_27 : memref<320x64xf32, #tpu.memory_space<vmem>>)
      "tpu.region"() ({
        %run_scoped3A = tpu.sem_alloc : memref<!tpu.dma_semaphore, #tpu.memory_space<semaphore_mem>>
        %dma_start3A_34 = arith.constant 0 : i32
        %dma_start3A_35 = arith.constant 0 : i32
        %dma_start3A_36 = tpu.memref_slice %arg6[%rem3A_9, %dma_start3A_34, %dma_start3A_35] : memref<2x320x64xf32, #tpu.memory_space<vmem>> -> memref<1x320x64xf32, #tpu.memory_space<vmem>>
        %dma_start3A_37 = tpu.memref_squeeze %dma_start3A_36 : memref<1x320x64xf32, #tpu.memory_space<vmem>> -> memref<320x64xf32, #tpu.memory_space<vmem>>
        %dma_start3A_38 = arith.constant 0 : i32
        %dma_start3A_39 = tpu.memref_slice %arg4[%multiple_of3A, %dma_start3A_38] : memref<102400x64xf32, #tpu.memory_space<hbm>> -> memref<320x64xf32, #tpu.memory_space<hbm>>
        %dma_start3A_40 = arith.constant 0 : i32
        %dma_start3A_41 = tpu.memref_slice %arg4[%multiple_of3A, %dma_start3A_40] : memref<102400x64xf32, #tpu.memory_space<hbm>> -> memref<320x64xf32, #tpu.memory_space<hbm>>
        %dma_start3A_42 = arith.constant 0 : i32
        %dma_start3A_43 = arith.constant 0 : i32
        %dma_start3A_44 = tpu.memref_slice %arg6[%rem3A_9, %dma_start3A_42, %dma_start3A_43] : memref<2x320x64xf32, #tpu.memory_space<vmem>> -> memref<1x320x64xf32, #tpu.memory_space<vmem>>
        %dma_start3A_45 = tpu.memref_squeeze %dma_start3A_44 : memref<1x320x64xf32, #tpu.memory_space<vmem>> -> memref<320x64xf32, #tpu.memory_space<vmem>>
        tpu.enqueue_dma source(%dma_start3A_45 : memref<320x64xf32, #tpu.memory_space<vmem>>) target(%dma_start3A_41 : memref<320x64xf32, #tpu.memory_space<hbm>>) target_semaphore(%run_scoped3A : memref<!tpu.dma_semaphore, #tpu.memory_space<semaphore_mem>>)
        %dma_wait3A_46 = arith.constant 0 : i32
        %dma_wait3A_47 = arith.constant 0 : i32
        %dma_wait3A_48 = tpu.memref_slice %arg6[%rem3A_9, %dma_wait3A_46, %dma_wait3A_47] : memref<2x320x64xf32, #tpu.memory_space<vmem>> -> memref<1x320x64xf32, #tpu.memory_space<vmem>>
        %dma_wait3A_49 = tpu.memref_squeeze %dma_wait3A_48 : memref<1x320x64xf32, #tpu.memory_space<vmem>> -> memref<320x64xf32, #tpu.memory_space<vmem>>
        %dma_wait3A_50 = arith.constant 0 : i32
        %dma_wait3A_51 = tpu.memref_slice %arg4[%multiple_of3A, %dma_wait3A_50] : memref<102400x64xf32, #tpu.memory_space<hbm>> -> memref<320x64xf32, #tpu.memory_space<hbm>>
        %dma_wait3A_52 = arith.constant 0 : i32
        %dma_wait3A_53 = tpu.memref_slice %arg4[%multiple_of3A, %dma_wait3A_52] : memref<102400x64xf32, #tpu.memory_space<hbm>> -> memref<320x64xf32, #tpu.memory_space<hbm>>
        %dma_wait3A_54 = arith.constant 0 : i32
        %dma_wait3A_55 = arith.constant 0 : i32
        %dma_wait3A_56 = tpu.memref_slice %arg6[%rem3A_9, %dma_wait3A_54, %dma_wait3A_55] : memref<2x320x64xf32, #tpu.memory_space<vmem>> -> memref<1x320x64xf32, #tpu.memory_space<vmem>>
        %dma_wait3A_57 = tpu.memref_squeeze %dma_wait3A_56 : memref<1x320x64xf32, #tpu.memory_space<vmem>> -> memref<320x64xf32, #tpu.memory_space<vmem>>
        tpu.wait_dma2 semaphore(%run_scoped3A : memref<!tpu.dma_semaphore, #tpu.memory_space<semaphore_mem>>) src(%dma_wait3A_57 : memref<320x64xf32, #tpu.memory_space<vmem>>) dst(%dma_wait3A_53 : memref<320x64xf32, #tpu.memory_space<hbm>>)
        tpu.yield
      }) : () -> ()
    }
    %scan3A_7 = arith.constant 10 : i32
    return
  }
}

module attributes {stable_mosaic.version = 14 : i64} {
  func.func @_dense_body(%arg0: i32, %arg1: memref<1x1x2048xi32, #tpu.memory_space<vmem>>, %arg2: memref<1x1x2048xi32, #tpu.memory_space<vmem>>, %arg3: memref<2048x128xf32, #tpu.memory_space<vmem>>, %arg4: memref<64x80xf32, #tpu.memory_space<vmem>>, %arg5: memref<32x16xf32, #tpu.memory_space<vmem>>, %arg6: memref<1x64xf32, #tpu.memory_space<vmem>>, %arg7: memref<4096x64xf32, #tpu.memory_space<vmem>>) attributes {dimension_semantics = [#tpu.dimension_semantics<arbitrary>], iteration_bounds = array<i64: 25>, scalar_prefetch = 0 : i64, scratch_operands = 0 : i64, tpu.core_type = #tpu.core_type<tc>, window_params = [{transform_indices = @transform_0, window_bounds = array<i64: 1, 1, 2048>}, {transform_indices = @transform_1, window_bounds = array<i64: 1, 1, 2048>}, {transform_indices = @transform_2, window_bounds = array<i64: 2048, 128>}, {pipeline_mode = #tpu.pipeline_mode<synchronous>, transform_indices = @transform_3, window_bounds = array<i64: 64, 80>}, {pipeline_mode = #tpu.pipeline_mode<synchronous>, transform_indices = @transform_4, window_bounds = array<i64: 32, 16>}, {pipeline_mode = #tpu.pipeline_mode<synchronous>, transform_indices = @transform_5, window_bounds = array<i64: 1, 64>}, {transform_indices = @transform_6, window_bounds = array<i64: 4096, 64>}]} {
    %get3A = arith.constant 0 : index
    %get3A_0 = arith.constant 0 : index
    %get3A_1 = vector.load %arg3[%get3A, %get3A_0] : memref<2048x128xf32, #tpu.memory_space<vmem>>, vector<2048x128xf32>
    %get3A_2 = arith.constant 0 : index
    %get3A_3 = arith.constant 0 : index
    %get3A_4 = vector.load %arg4[%get3A_2, %get3A_3] : memref<64x80xf32, #tpu.memory_space<vmem>>, vector<64x64xf32>
    %slice3A = vector.extract_strided_slice %get3A_1 {offsets = [0, 0], sizes = [2048, 64], strides = [1, 1]} : vector<2048x128xf32> to vector<2048x64xf32>
    %dot_general3A = arith.constant dense<0.000000e+00> : vector<2048x64xf32>
    %dot_general3A_5 = tpu.matmul %slice3A, %get3A_4, %dot_general3A {dimension_numbers = #tpu.dot_dimension_numbers<[1], [1], [0], [0], [0, 0, 1, 0], [], []>, transpose_lhs_hint = false} : vector<2048x64xf32>, vector<64x64xf32>, vector<2048x64xf32> -> vector<2048x64xf32>
    %slice3A_6 = vector.extract_strided_slice %get3A_1 {offsets = [0, 64], sizes = [2048, 64], strides = [1, 1]} : vector<2048x128xf32> to vector<2048x64xf32>
    %dot_general3A_7 = arith.constant dense<0.000000e+00> : vector<2048x64xf32>
    %dot_general3A_8 = tpu.matmul %slice3A_6, %get3A_4, %dot_general3A_7 {dimension_numbers = #tpu.dot_dimension_numbers<[1], [1], [0], [0], [0, 0, 1, 0], [], []>, transpose_lhs_hint = false} : vector<2048x64xf32>, vector<64x64xf32>, vector<2048x64xf32> -> vector<2048x64xf32>
    %get3A_9 = arith.constant 0 : index
    %get3A_10 = arith.constant 64 : index
    %get3A_11 = vector.load %arg4[%get3A_9, %get3A_10] : memref<64x80xf32, #tpu.memory_space<vmem>>, vector<64x16xf32>
    %get3A_12 = arith.constant 0 : index
    %get3A_13 = arith.constant 0 : index
    %get3A_14 = vector.load %arg5[%get3A_12, %get3A_13] : memref<32x16xf32, #tpu.memory_space<vmem>>, vector<32x16xf32>
    %dot_general3A_15 = arith.constant dense<0.000000e+00> : vector<32x64xf32>
    %dot_general3A_16 = tpu.matmul %get3A_14, %get3A_11, %dot_general3A_15 {dimension_numbers = #tpu.dot_dimension_numbers<[1], [1], [0], [0], [0, 0, 1, 0], [], []>, transpose_lhs_hint = false} : vector<32x16xf32>, vector<64x16xf32>, vector<32x64xf32> -> vector<32x64xf32>
    %get3A_17 = arith.constant 0 : index
    %get3A_18 = arith.constant 0 : index
    %get3A_19 = vector.load %arg6[%get3A_17, %get3A_18] : memref<1x64xf32, #tpu.memory_space<vmem>>, vector<1x64xf32>
    %add3A = vector.broadcast %get3A_19 : vector<1x64xf32> to vector<32x64xf32>
    %add3A_20 = arith.addf %dot_general3A_16, %add3A : vector<32x64xf32>
    %iota3A = tpu.iota {dimensions = array<i32: 0>} : vector<32x2048xi32>
    %get3A_21 = arith.constant 0 : index
    %get3A_22 = arith.constant 0 : index
    %get3A_23 = arith.constant 0 : index
    %get3A_24 = vector.load %arg1[%get3A_21, %get3A_22, %get3A_23] : memref<1x1x2048xi32, #tpu.memory_space<vmem>>, vector<1x1x2048xi32>
    %get3A_25 = vector.shape_cast %get3A_24 : vector<1x1x2048xi32> to vector<1x2048xi32>
    %eq3A = vector.broadcast %get3A_25 : vector<1x2048xi32> to vector<32x2048xi32>
    %eq3A_26 = arith.cmpi eq, %iota3A, %eq3A : vector<32x2048xi32>
    %convert_element_type3A = arith.extui %eq3A_26 : vector<32x2048xi1> to vector<32x2048xi32>
    %convert_element_type3A_27 = arith.sitofp %convert_element_type3A : vector<32x2048xi32> to vector<32x2048xf32>
    %get3A_28 = arith.constant 0 : index
    %get3A_29 = arith.constant 0 : index
    %get3A_30 = arith.constant 0 : index
    %get3A_31 = vector.load %arg2[%get3A_28, %get3A_29, %get3A_30] : memref<1x1x2048xi32, #tpu.memory_space<vmem>>, vector<1x1x2048xi32>
    %get3A_32 = vector.shape_cast %get3A_31 : vector<1x1x2048xi32> to vector<1x2048xi32>
    %eq3A_33 = vector.broadcast %get3A_32 : vector<1x2048xi32> to vector<32x2048xi32>
    %eq3A_34 = arith.cmpi eq, %iota3A, %eq3A_33 : vector<32x2048xi32>
    %convert_element_type3A_35 = arith.extui %eq3A_34 : vector<32x2048xi1> to vector<32x2048xi32>
    %convert_element_type3A_36 = arith.sitofp %convert_element_type3A_35 : vector<32x2048xi32> to vector<32x2048xf32>
    %dot_general3A_37 = arith.constant dense<0.000000e+00> : vector<2048x64xf32>
    %dot_general3A_38 = tpu.matmul %convert_element_type3A_27, %add3A_20, %dot_general3A_37 {dimension_numbers = #tpu.dot_dimension_numbers<[0], [0], [1], [1], [0, 1, 1, 1], [], []>, transpose_lhs_hint = false} : vector<32x2048xf32>, vector<32x64xf32>, vector<2048x64xf32> -> vector<2048x64xf32>
    %dot_general3A_39 = arith.constant dense<0.000000e+00> : vector<2048x64xf32>
    %dot_general3A_40 = tpu.matmul %convert_element_type3A_36, %add3A_20, %dot_general3A_39 {dimension_numbers = #tpu.dot_dimension_numbers<[0], [0], [1], [1], [0, 1, 1, 1], [], []>, transpose_lhs_hint = false} : vector<32x2048xf32>, vector<32x64xf32>, vector<2048x64xf32> -> vector<2048x64xf32>
    %add3A_41 = arith.addf %dot_general3A_5, %dot_general3A_38 : vector<2048x64xf32>
    %tanh3A = math.tanh %add3A_41 : vector<2048x64xf32>
    %add3A_42 = arith.addf %dot_general3A_8, %dot_general3A_40 : vector<2048x64xf32>
    %tanh3A_43 = math.tanh %add3A_42 : vector<2048x64xf32>
    %stack3A = vector.shape_cast %tanh3A : vector<2048x64xf32> to vector<2048x1x64xf32>
    %stack3A_44 = vector.shape_cast %tanh3A_43 : vector<2048x64xf32> to vector<2048x1x64xf32>
    %stack3A_45 = tpu.concatenate %stack3A, %stack3A_44 in 1 : vector<2048x1x64xf32>, vector<2048x1x64xf32> -> vector<2048x2x64xf32>
    %reshape3A = vector.shape_cast %stack3A_45 : vector<2048x2x64xf32> to vector<4096x64xf32>
    %swap3A = arith.constant 0 : index
    %swap3A_46 = arith.constant 0 : index
    %swap3A_47 = vector.load %arg7[%swap3A, %swap3A_46] : memref<4096x64xf32, #tpu.memory_space<vmem>>, vector<4096x64xf32>
    tpu.vector_store %arg7[%swap3A, %swap3A_46], %reshape3A {strides = array<i32>} : memref<4096x64xf32, #tpu.memory_space<vmem>>, vector<4096x64xf32>,
    return
  }
  func.func @transform_0(%arg0: i32) -> (i32, i32, i32) {
    %c0_i32 = arith.constant 0 : i32
    %c0_i32_0 = arith.constant 0 : i32
    %c0_i32_1 = arith.constant 0 : i32
    return %arg0, %c0_i32, %c0_i32_0 : i32, i32, i32
  }
  func.func @transform_1(%arg0: i32) -> (i32, i32, i32) {
    %c0_i32 = arith.constant 0 : i32
    %c0_i32_0 = arith.constant 0 : i32
    %c0_i32_1 = arith.constant 0 : i32
    return %arg0, %c0_i32, %c0_i32_0 : i32, i32, i32
  }
  func.func @transform_2(%arg0: i32) -> (i32, i32) {
    %c0_i32 = arith.constant 0 : i32
    %c0_i32_0 = arith.constant 0 : i32
    return %arg0, %c0_i32 : i32, i32
  }
  func.func @transform_3(%arg0: i32) -> (i32, i32) {
    %c0_i32 = arith.constant 0 : i32
    %c0_i32_0 = arith.constant 0 : i32
    %c0_i32_1 = arith.constant 0 : i32
    return %c0_i32, %c0_i32_0 : i32, i32
  }
  func.func @transform_4(%arg0: i32) -> (i32, i32) {
    %c0_i32 = arith.constant 0 : i32
    %c0_i32_0 = arith.constant 0 : i32
    %c0_i32_1 = arith.constant 0 : i32
    return %c0_i32, %c0_i32_0 : i32, i32
  }
  func.func @transform_5(%arg0: i32) -> (i32, i32) {
    %c0_i32 = arith.constant 0 : i32
    %c0_i32_0 = arith.constant 0 : i32
    %c0_i32_1 = arith.constant 0 : i32
    return %c0_i32, %c0_i32_0 : i32, i32
  }
  func.func @transform_6(%arg0: i32) -> (i32, i32) {
    %c0_i32 = arith.constant 0 : i32
    %c0_i32_0 = arith.constant 0 : i32
    return %arg0, %c0_i32 : i32, i32
  }
}

module attributes {stable_mosaic.version = 14 : i64} {
  func.func @body(%arg0: i32, %arg1: memref<819200x64xf32, #tpu.memory_space<any>>, %arg2: memref<1x1x2048xi32, #tpu.memory_space<vmem>>, %arg3: memref<1x1x2048xi32, #tpu.memory_space<vmem>>, %arg4: memref<2048x128xf32, #tpu.memory_space<vmem>>, %arg5: memref<64x80xf32, #tpu.memory_space<vmem>>, %arg6: memref<32x16xf32, #tpu.memory_space<vmem>>, %arg7: memref<1x64xf32, #tpu.memory_space<vmem>>, %arg8: memref<4096x64xf32, #tpu.memory_space<vmem>>) attributes {dimension_semantics = [#tpu.dimension_semantics<arbitrary>], iteration_bounds = array<i64: 25>, scalar_prefetch = 0 : i64, scratch_operands = 0 : i64, tpu.core_type = #tpu.core_type<tc>, window_params = [{}, {transform_indices = @transform_1, window_bounds = array<i64: 1, 1, 2048>}, {transform_indices = @transform_2, window_bounds = array<i64: 1, 1, 2048>}, {transform_indices = @transform_3, window_bounds = array<i64: 2048, 128>}, {pipeline_mode = #tpu.pipeline_mode<synchronous>, transform_indices = @transform_4, window_bounds = array<i64: 64, 80>}, {pipeline_mode = #tpu.pipeline_mode<synchronous>, transform_indices = @transform_5, window_bounds = array<i64: 32, 16>}, {pipeline_mode = #tpu.pipeline_mode<synchronous>, transform_indices = @transform_6, window_bounds = array<i64: 1, 64>}, {transform_indices = @transform_7, window_bounds = array<i64: 4096, 64>}]} {
    %get3A = arith.constant 0 : index
    %get3A_0 = arith.constant 0 : index
    %get3A_1 = vector.load %arg4[%get3A, %get3A_0] : memref<2048x128xf32, #tpu.memory_space<vmem>>, vector<2048x128xf32>
    %get3A_2 = arith.constant 0 : index
    %get3A_3 = arith.constant 0 : index
    %get3A_4 = vector.load %arg5[%get3A_2, %get3A_3] : memref<64x80xf32, #tpu.memory_space<vmem>>, vector<64x64xf32>
    %slice3A = vector.extract_strided_slice %get3A_1 {offsets = [0, 0], sizes = [2048, 64], strides = [1, 1]} : vector<2048x128xf32> to vector<2048x64xf32>
    %dot_general3A = arith.constant dense<0.000000e+00> : vector<2048x64xf32>
    %dot_general3A_5 = tpu.matmul %slice3A, %get3A_4, %dot_general3A {dimension_numbers = #tpu.dot_dimension_numbers<[1], [1], [0], [0], [0, 0, 1, 0], [], []>, transpose_lhs_hint = false} : vector<2048x64xf32>, vector<64x64xf32>, vector<2048x64xf32> -> vector<2048x64xf32>
    %slice3A_6 = vector.extract_strided_slice %get3A_1 {offsets = [0, 64], sizes = [2048, 64], strides = [1, 1]} : vector<2048x128xf32> to vector<2048x64xf32>
    %dot_general3A_7 = arith.constant dense<0.000000e+00> : vector<2048x64xf32>
    %dot_general3A_8 = tpu.matmul %slice3A_6, %get3A_4, %dot_general3A_7 {dimension_numbers = #tpu.dot_dimension_numbers<[1], [1], [0], [0], [0, 0, 1, 0], [], []>, transpose_lhs_hint = false} : vector<2048x64xf32>, vector<64x64xf32>, vector<2048x64xf32> -> vector<2048x64xf32>
    %get3A_9 = arith.constant 0 : index
    %get3A_10 = arith.constant 64 : index
    %get3A_11 = vector.load %arg5[%get3A_9, %get3A_10] : memref<64x80xf32, #tpu.memory_space<vmem>>, vector<64x16xf32>
    %get3A_12 = arith.constant 0 : index
    %get3A_13 = arith.constant 0 : index
    %get3A_14 = vector.load %arg6[%get3A_12, %get3A_13] : memref<32x16xf32, #tpu.memory_space<vmem>>, vector<32x16xf32>
    %dot_general3A_15 = arith.constant dense<0.000000e+00> : vector<32x64xf32>
    %dot_general3A_16 = tpu.matmul %get3A_14, %get3A_11, %dot_general3A_15 {dimension_numbers = #tpu.dot_dimension_numbers<[1], [1], [0], [0], [0, 0, 1, 0], [], []>, transpose_lhs_hint = false} : vector<32x16xf32>, vector<64x16xf32>, vector<32x64xf32> -> vector<32x64xf32>
    %get3A_17 = arith.constant 0 : index
    %get3A_18 = arith.constant 0 : index
    %get3A_19 = vector.load %arg7[%get3A_17, %get3A_18] : memref<1x64xf32, #tpu.memory_space<vmem>>, vector<1x64xf32>
    %add3A = vector.broadcast %get3A_19 : vector<1x64xf32> to vector<32x64xf32>
    %add3A_20 = arith.addf %dot_general3A_16, %add3A : vector<32x64xf32>
    %iota3A = tpu.iota {dimensions = array<i32: 0>} : vector<32x2048xi32>
    %get3A_21 = arith.constant 0 : index
    %get3A_22 = arith.constant 0 : index
    %get3A_23 = arith.constant 0 : index
    %get3A_24 = vector.load %arg2[%get3A_21, %get3A_22, %get3A_23] : memref<1x1x2048xi32, #tpu.memory_space<vmem>>, vector<1x1x2048xi32>
    %get3A_25 = vector.shape_cast %get3A_24 : vector<1x1x2048xi32> to vector<1x2048xi32>
    %eq3A = vector.broadcast %get3A_25 : vector<1x2048xi32> to vector<32x2048xi32>
    %eq3A_26 = arith.cmpi eq, %iota3A, %eq3A : vector<32x2048xi32>
    %convert_element_type3A = arith.extui %eq3A_26 : vector<32x2048xi1> to vector<32x2048xi32>
    %convert_element_type3A_27 = arith.sitofp %convert_element_type3A : vector<32x2048xi32> to vector<32x2048xf32>
    %get3A_28 = arith.constant 0 : index
    %get3A_29 = arith.constant 0 : index
    %get3A_30 = arith.constant 0 : index
    %get3A_31 = vector.load %arg3[%get3A_28, %get3A_29, %get3A_30] : memref<1x1x2048xi32, #tpu.memory_space<vmem>>, vector<1x1x2048xi32>
    %get3A_32 = vector.shape_cast %get3A_31 : vector<1x1x2048xi32> to vector<1x2048xi32>
    %eq3A_33 = vector.broadcast %get3A_32 : vector<1x2048xi32> to vector<32x2048xi32>
    %eq3A_34 = arith.cmpi eq, %iota3A, %eq3A_33 : vector<32x2048xi32>
    %convert_element_type3A_35 = arith.extui %eq3A_34 : vector<32x2048xi1> to vector<32x2048xi32>
    %convert_element_type3A_36 = arith.sitofp %convert_element_type3A_35 : vector<32x2048xi32> to vector<32x2048xf32>
    %dot_general3A_37 = arith.constant dense<0.000000e+00> : vector<2048x64xf32>
    %dot_general3A_38 = tpu.matmul %convert_element_type3A_27, %add3A_20, %dot_general3A_37 {dimension_numbers = #tpu.dot_dimension_numbers<[0], [0], [1], [1], [0, 1, 1, 1], [], []>, transpose_lhs_hint = false} : vector<32x2048xf32>, vector<32x64xf32>, vector<2048x64xf32> -> vector<2048x64xf32>
    %dot_general3A_39 = arith.constant dense<0.000000e+00> : vector<2048x64xf32>
    %dot_general3A_40 = tpu.matmul %convert_element_type3A_36, %add3A_20, %dot_general3A_39 {dimension_numbers = #tpu.dot_dimension_numbers<[0], [0], [1], [1], [0, 1, 1, 1], [], []>, transpose_lhs_hint = false} : vector<32x2048xf32>, vector<32x64xf32>, vector<2048x64xf32> -> vector<2048x64xf32>
    %add3A_41 = arith.addf %dot_general3A_5, %dot_general3A_38 : vector<2048x64xf32>
    %tanh3A = math.tanh %add3A_41 : vector<2048x64xf32>
    %add3A_42 = arith.addf %dot_general3A_8, %dot_general3A_40 : vector<2048x64xf32>
    %tanh3A_43 = math.tanh %add3A_42 : vector<2048x64xf32>
    %stack3A = vector.shape_cast %tanh3A : vector<2048x64xf32> to vector<2048x1x64xf32>
    %stack3A_44 = vector.shape_cast %tanh3A_43 : vector<2048x64xf32> to vector<2048x1x64xf32>
    %stack3A_45 = tpu.concatenate %stack3A, %stack3A_44 in 1 : vector<2048x1x64xf32>, vector<2048x1x64xf32> -> vector<2048x2x64xf32>
    %reshape3A = vector.shape_cast %stack3A_45 : vector<2048x2x64xf32> to vector<4096x64xf32>
    %swap3A = arith.constant 0 : index
    %swap3A_46 = arith.constant 0 : index
    %swap3A_47 = vector.load %arg8[%swap3A, %swap3A_46] : memref<4096x64xf32, #tpu.memory_space<vmem>>, vector<4096x64xf32>
    tpu.vector_store %arg8[%swap3A, %swap3A_46], %reshape3A {strides = array<i32>} : memref<4096x64xf32, #tpu.memory_space<vmem>>, vector<4096x64xf32>,
    return
  }
  func.func @transform_1(%arg0: i32) -> (i32, i32, i32) {
    %c0_i32 = arith.constant 0 : i32
    %c0_i32_0 = arith.constant 0 : i32
    %c0_i32_1 = arith.constant 0 : i32
    return %arg0, %c0_i32, %c0_i32_0 : i32, i32, i32
  }
  func.func @transform_2(%arg0: i32) -> (i32, i32, i32) {
    %c0_i32 = arith.constant 0 : i32
    %c0_i32_0 = arith.constant 0 : i32
    %c0_i32_1 = arith.constant 0 : i32
    return %arg0, %c0_i32, %c0_i32_0 : i32, i32, i32
  }
  func.func @transform_3(%arg0: i32) -> (i32, i32) {
    %c0_i32 = arith.constant 0 : i32
    %c0_i32_0 = arith.constant 0 : i32
    return %arg0, %c0_i32 : i32, i32
  }
  func.func @transform_4(%arg0: i32) -> (i32, i32) {
    %c0_i32 = arith.constant 0 : i32
    %c0_i32_0 = arith.constant 0 : i32
    %c0_i32_1 = arith.constant 0 : i32
    return %c0_i32, %c0_i32_0 : i32, i32
  }
  func.func @transform_5(%arg0: i32) -> (i32, i32) {
    %c0_i32 = arith.constant 0 : i32
    %c0_i32_0 = arith.constant 0 : i32
    %c0_i32_1 = arith.constant 0 : i32
    return %c0_i32, %c0_i32_0 : i32, i32
  }
  func.func @transform_6(%arg0: i32) -> (i32, i32) {
    %c0_i32 = arith.constant 0 : i32
    %c0_i32_0 = arith.constant 0 : i32
    %c0_i32_1 = arith.constant 0 : i32
    return %c0_i32, %c0_i32_0 : i32, i32
  }
  func.func @transform_7(%arg0: i32) -> (i32, i32) {
    %add3A = arith.constant 25 : i32
    %add3A_0 = arith.addi %add3A, %arg0 : i32
    %c0_i32 = arith.constant 0 : i32
    %c0_i32_1 = arith.constant 0 : i32
    return %add3A_0, %c0_i32 : i32, i32
  }
}

module attributes {stable_mosaic.version = 14 : i64} {
  func.func @body(%arg0: i32, %arg1: memref<819200x64xf32, #tpu.memory_space<any>>, %arg2: memref<1x1x2048xi32, #tpu.memory_space<vmem>>, %arg3: memref<1x1x2048xi32, #tpu.memory_space<vmem>>, %arg4: memref<2048x128xf32, #tpu.memory_space<vmem>>, %arg5: memref<64x80xf32, #tpu.memory_space<vmem>>, %arg6: memref<32x16xf32, #tpu.memory_space<vmem>>, %arg7: memref<1x64xf32, #tpu.memory_space<vmem>>, %arg8: memref<4096x64xf32, #tpu.memory_space<vmem>>) attributes {dimension_semantics = [#tpu.dimension_semantics<arbitrary>], iteration_bounds = array<i64: 25>, scalar_prefetch = 0 : i64, scratch_operands = 0 : i64, tpu.core_type = #tpu.core_type<tc>, window_params = [{}, {transform_indices = @transform_1, window_bounds = array<i64: 1, 1, 2048>}, {transform_indices = @transform_2, window_bounds = array<i64: 1, 1, 2048>}, {transform_indices = @transform_3, window_bounds = array<i64: 2048, 128>}, {pipeline_mode = #tpu.pipeline_mode<synchronous>, transform_indices = @transform_4, window_bounds = array<i64: 64, 80>}, {pipeline_mode = #tpu.pipeline_mode<synchronous>, transform_indices = @transform_5, window_bounds = array<i64: 32, 16>}, {pipeline_mode = #tpu.pipeline_mode<synchronous>, transform_indices = @transform_6, window_bounds = array<i64: 1, 64>}, {transform_indices = @transform_7, window_bounds = array<i64: 4096, 64>}]} {
    %get3A = arith.constant 0 : index
    %get3A_0 = arith.constant 0 : index
    %get3A_1 = vector.load %arg4[%get3A, %get3A_0] : memref<2048x128xf32, #tpu.memory_space<vmem>>, vector<2048x128xf32>
    %get3A_2 = arith.constant 0 : index
    %get3A_3 = arith.constant 0 : index
    %get3A_4 = vector.load %arg5[%get3A_2, %get3A_3] : memref<64x80xf32, #tpu.memory_space<vmem>>, vector<64x64xf32>
    %slice3A = vector.extract_strided_slice %get3A_1 {offsets = [0, 0], sizes = [2048, 64], strides = [1, 1]} : vector<2048x128xf32> to vector<2048x64xf32>
    %dot_general3A = arith.constant dense<0.000000e+00> : vector<2048x64xf32>
    %dot_general3A_5 = tpu.matmul %slice3A, %get3A_4, %dot_general3A {dimension_numbers = #tpu.dot_dimension_numbers<[1], [1], [0], [0], [0, 0, 1, 0], [], []>, transpose_lhs_hint = false} : vector<2048x64xf32>, vector<64x64xf32>, vector<2048x64xf32> -> vector<2048x64xf32>
    %slice3A_6 = vector.extract_strided_slice %get3A_1 {offsets = [0, 64], sizes = [2048, 64], strides = [1, 1]} : vector<2048x128xf32> to vector<2048x64xf32>
    %dot_general3A_7 = arith.constant dense<0.000000e+00> : vector<2048x64xf32>
    %dot_general3A_8 = tpu.matmul %slice3A_6, %get3A_4, %dot_general3A_7 {dimension_numbers = #tpu.dot_dimension_numbers<[1], [1], [0], [0], [0, 0, 1, 0], [], []>, transpose_lhs_hint = false} : vector<2048x64xf32>, vector<64x64xf32>, vector<2048x64xf32> -> vector<2048x64xf32>
    %get3A_9 = arith.constant 0 : index
    %get3A_10 = arith.constant 64 : index
    %get3A_11 = vector.load %arg5[%get3A_9, %get3A_10] : memref<64x80xf32, #tpu.memory_space<vmem>>, vector<64x16xf32>
    %get3A_12 = arith.constant 0 : index
    %get3A_13 = arith.constant 0 : index
    %get3A_14 = vector.load %arg6[%get3A_12, %get3A_13] : memref<32x16xf32, #tpu.memory_space<vmem>>, vector<32x16xf32>
    %dot_general3A_15 = arith.constant dense<0.000000e+00> : vector<32x64xf32>
    %dot_general3A_16 = tpu.matmul %get3A_14, %get3A_11, %dot_general3A_15 {dimension_numbers = #tpu.dot_dimension_numbers<[1], [1], [0], [0], [0, 0, 1, 0], [], []>, transpose_lhs_hint = false} : vector<32x16xf32>, vector<64x16xf32>, vector<32x64xf32> -> vector<32x64xf32>
    %get3A_17 = arith.constant 0 : index
    %get3A_18 = arith.constant 0 : index
    %get3A_19 = vector.load %arg7[%get3A_17, %get3A_18] : memref<1x64xf32, #tpu.memory_space<vmem>>, vector<1x64xf32>
    %add3A = vector.broadcast %get3A_19 : vector<1x64xf32> to vector<32x64xf32>
    %add3A_20 = arith.addf %dot_general3A_16, %add3A : vector<32x64xf32>
    %iota3A = tpu.iota {dimensions = array<i32: 0>} : vector<32x2048xi32>
    %get3A_21 = arith.constant 0 : index
    %get3A_22 = arith.constant 0 : index
    %get3A_23 = arith.constant 0 : index
    %get3A_24 = vector.load %arg2[%get3A_21, %get3A_22, %get3A_23] : memref<1x1x2048xi32, #tpu.memory_space<vmem>>, vector<1x1x2048xi32>
    %get3A_25 = vector.shape_cast %get3A_24 : vector<1x1x2048xi32> to vector<1x2048xi32>
    %eq3A = vector.broadcast %get3A_25 : vector<1x2048xi32> to vector<32x2048xi32>
    %eq3A_26 = arith.cmpi eq, %iota3A, %eq3A : vector<32x2048xi32>
    %convert_element_type3A = arith.extui %eq3A_26 : vector<32x2048xi1> to vector<32x2048xi32>
    %convert_element_type3A_27 = arith.sitofp %convert_element_type3A : vector<32x2048xi32> to vector<32x2048xf32>
    %get3A_28 = arith.constant 0 : index
    %get3A_29 = arith.constant 0 : index
    %get3A_30 = arith.constant 0 : index
    %get3A_31 = vector.load %arg3[%get3A_28, %get3A_29, %get3A_30] : memref<1x1x2048xi32, #tpu.memory_space<vmem>>, vector<1x1x2048xi32>
    %get3A_32 = vector.shape_cast %get3A_31 : vector<1x1x2048xi32> to vector<1x2048xi32>
    %eq3A_33 = vector.broadcast %get3A_32 : vector<1x2048xi32> to vector<32x2048xi32>
    %eq3A_34 = arith.cmpi eq, %iota3A, %eq3A_33 : vector<32x2048xi32>
    %convert_element_type3A_35 = arith.extui %eq3A_34 : vector<32x2048xi1> to vector<32x2048xi32>
    %convert_element_type3A_36 = arith.sitofp %convert_element_type3A_35 : vector<32x2048xi32> to vector<32x2048xf32>
    %dot_general3A_37 = arith.constant dense<0.000000e+00> : vector<2048x64xf32>
    %dot_general3A_38 = tpu.matmul %convert_element_type3A_27, %add3A_20, %dot_general3A_37 {dimension_numbers = #tpu.dot_dimension_numbers<[0], [0], [1], [1], [0, 1, 1, 1], [], []>, transpose_lhs_hint = false} : vector<32x2048xf32>, vector<32x64xf32>, vector<2048x64xf32> -> vector<2048x64xf32>
    %dot_general3A_39 = arith.constant dense<0.000000e+00> : vector<2048x64xf32>
    %dot_general3A_40 = tpu.matmul %convert_element_type3A_36, %add3A_20, %dot_general3A_39 {dimension_numbers = #tpu.dot_dimension_numbers<[0], [0], [1], [1], [0, 1, 1, 1], [], []>, transpose_lhs_hint = false} : vector<32x2048xf32>, vector<32x64xf32>, vector<2048x64xf32> -> vector<2048x64xf32>
    %add3A_41 = arith.addf %dot_general3A_5, %dot_general3A_38 : vector<2048x64xf32>
    %tanh3A = math.tanh %add3A_41 : vector<2048x64xf32>
    %add3A_42 = arith.addf %dot_general3A_8, %dot_general3A_40 : vector<2048x64xf32>
    %tanh3A_43 = math.tanh %add3A_42 : vector<2048x64xf32>
    %stack3A = vector.shape_cast %tanh3A : vector<2048x64xf32> to vector<2048x1x64xf32>
    %stack3A_44 = vector.shape_cast %tanh3A_43 : vector<2048x64xf32> to vector<2048x1x64xf32>
    %stack3A_45 = tpu.concatenate %stack3A, %stack3A_44 in 1 : vector<2048x1x64xf32>, vector<2048x1x64xf32> -> vector<2048x2x64xf32>
    %reshape3A = vector.shape_cast %stack3A_45 : vector<2048x2x64xf32> to vector<4096x64xf32>
    %swap3A = arith.constant 0 : index
    %swap3A_46 = arith.constant 0 : index
    %swap3A_47 = vector.load %arg8[%swap3A, %swap3A_46] : memref<4096x64xf32, #tpu.memory_space<vmem>>, vector<4096x64xf32>
    tpu.vector_store %arg8[%swap3A, %swap3A_46], %reshape3A {strides = array<i32>} : memref<4096x64xf32, #tpu.memory_space<vmem>>, vector<4096x64xf32>,
    return
  }
  func.func @transform_1(%arg0: i32) -> (i32, i32, i32) {
    %c0_i32 = arith.constant 0 : i32
    %c0_i32_0 = arith.constant 0 : i32
    %c0_i32_1 = arith.constant 0 : i32
    return %arg0, %c0_i32, %c0_i32_0 : i32, i32, i32
  }
  func.func @transform_2(%arg0: i32) -> (i32, i32, i32) {
    %c0_i32 = arith.constant 0 : i32
    %c0_i32_0 = arith.constant 0 : i32
    %c0_i32_1 = arith.constant 0 : i32
    return %arg0, %c0_i32, %c0_i32_0 : i32, i32, i32
  }
  func.func @transform_3(%arg0: i32) -> (i32, i32) {
    %c0_i32 = arith.constant 0 : i32
    %c0_i32_0 = arith.constant 0 : i32
    return %arg0, %c0_i32 : i32, i32
  }
  func.func @transform_4(%arg0: i32) -> (i32, i32) {
    %c0_i32 = arith.constant 0 : i32
    %c0_i32_0 = arith.constant 0 : i32
    %c0_i32_1 = arith.constant 0 : i32
    return %c0_i32, %c0_i32_0 : i32, i32
  }
  func.func @transform_5(%arg0: i32) -> (i32, i32) {
    %c0_i32 = arith.constant 0 : i32
    %c0_i32_0 = arith.constant 0 : i32
    %c0_i32_1 = arith.constant 0 : i32
    return %c0_i32, %c0_i32_0 : i32, i32
  }
  func.func @transform_6(%arg0: i32) -> (i32, i32) {
    %c0_i32 = arith.constant 0 : i32
    %c0_i32_0 = arith.constant 0 : i32
    %c0_i32_1 = arith.constant 0 : i32
    return %c0_i32, %c0_i32_0 : i32, i32
  }
  func.func @transform_7(%arg0: i32) -> (i32, i32) {
    %add3A = arith.constant 50 : i32
    %add3A_0 = arith.addi %add3A, %arg0 : i32
    %c0_i32 = arith.constant 0 : i32
    %c0_i32_1 = arith.constant 0 : i32
    return %add3A_0, %c0_i32 : i32, i32
  }
}

module attributes {stable_mosaic.version = 14 : i64} {
  func.func @body(%arg0: i32, %arg1: memref<819200x64xf32, #tpu.memory_space<any>>, %arg2: memref<1x1x2048xi32, #tpu.memory_space<vmem>>, %arg3: memref<1x1x2048xi32, #tpu.memory_space<vmem>>, %arg4: memref<2048x128xf32, #tpu.memory_space<vmem>>, %arg5: memref<64x80xf32, #tpu.memory_space<vmem>>, %arg6: memref<32x16xf32, #tpu.memory_space<vmem>>, %arg7: memref<1x64xf32, #tpu.memory_space<vmem>>, %arg8: memref<4096x64xf32, #tpu.memory_space<vmem>>) attributes {dimension_semantics = [#tpu.dimension_semantics<arbitrary>], iteration_bounds = array<i64: 25>, scalar_prefetch = 0 : i64, scratch_operands = 0 : i64, tpu.core_type = #tpu.core_type<tc>, window_params = [{}, {transform_indices = @transform_1, window_bounds = array<i64: 1, 1, 2048>}, {transform_indices = @transform_2, window_bounds = array<i64: 1, 1, 2048>}, {transform_indices = @transform_3, window_bounds = array<i64: 2048, 128>}, {pipeline_mode = #tpu.pipeline_mode<synchronous>, transform_indices = @transform_4, window_bounds = array<i64: 64, 80>}, {pipeline_mode = #tpu.pipeline_mode<synchronous>, transform_indices = @transform_5, window_bounds = array<i64: 32, 16>}, {pipeline_mode = #tpu.pipeline_mode<synchronous>, transform_indices = @transform_6, window_bounds = array<i64: 1, 64>}, {transform_indices = @transform_7, window_bounds = array<i64: 4096, 64>}]} {
    %get3A = arith.constant 0 : index
    %get3A_0 = arith.constant 0 : index
    %get3A_1 = vector.load %arg4[%get3A, %get3A_0] : memref<2048x128xf32, #tpu.memory_space<vmem>>, vector<2048x128xf32>
    %get3A_2 = arith.constant 0 : index
    %get3A_3 = arith.constant 0 : index
    %get3A_4 = vector.load %arg5[%get3A_2, %get3A_3] : memref<64x80xf32, #tpu.memory_space<vmem>>, vector<64x64xf32>
    %slice3A = vector.extract_strided_slice %get3A_1 {offsets = [0, 0], sizes = [2048, 64], strides = [1, 1]} : vector<2048x128xf32> to vector<2048x64xf32>
    %dot_general3A = arith.constant dense<0.000000e+00> : vector<2048x64xf32>
    %dot_general3A_5 = tpu.matmul %slice3A, %get3A_4, %dot_general3A {dimension_numbers = #tpu.dot_dimension_numbers<[1], [1], [0], [0], [0, 0, 1, 0], [], []>, transpose_lhs_hint = false} : vector<2048x64xf32>, vector<64x64xf32>, vector<2048x64xf32> -> vector<2048x64xf32>
    %slice3A_6 = vector.extract_strided_slice %get3A_1 {offsets = [0, 64], sizes = [2048, 64], strides = [1, 1]} : vector<2048x128xf32> to vector<2048x64xf32>
    %dot_general3A_7 = arith.constant dense<0.000000e+00> : vector<2048x64xf32>
    %dot_general3A_8 = tpu.matmul %slice3A_6, %get3A_4, %dot_general3A_7 {dimension_numbers = #tpu.dot_dimension_numbers<[1], [1], [0], [0], [0, 0, 1, 0], [], []>, transpose_lhs_hint = false} : vector<2048x64xf32>, vector<64x64xf32>, vector<2048x64xf32> -> vector<2048x64xf32>
    %get3A_9 = arith.constant 0 : index
    %get3A_10 = arith.constant 64 : index
    %get3A_11 = vector.load %arg5[%get3A_9, %get3A_10] : memref<64x80xf32, #tpu.memory_space<vmem>>, vector<64x16xf32>
    %get3A_12 = arith.constant 0 : index
    %get3A_13 = arith.constant 0 : index
    %get3A_14 = vector.load %arg6[%get3A_12, %get3A_13] : memref<32x16xf32, #tpu.memory_space<vmem>>, vector<32x16xf32>
    %dot_general3A_15 = arith.constant dense<0.000000e+00> : vector<32x64xf32>
    %dot_general3A_16 = tpu.matmul %get3A_14, %get3A_11, %dot_general3A_15 {dimension_numbers = #tpu.dot_dimension_numbers<[1], [1], [0], [0], [0, 0, 1, 0], [], []>, transpose_lhs_hint = false} : vector<32x16xf32>, vector<64x16xf32>, vector<32x64xf32> -> vector<32x64xf32>
    %get3A_17 = arith.constant 0 : index
    %get3A_18 = arith.constant 0 : index
    %get3A_19 = vector.load %arg7[%get3A_17, %get3A_18] : memref<1x64xf32, #tpu.memory_space<vmem>>, vector<1x64xf32>
    %add3A = vector.broadcast %get3A_19 : vector<1x64xf32> to vector<32x64xf32>
    %add3A_20 = arith.addf %dot_general3A_16, %add3A : vector<32x64xf32>
    %iota3A = tpu.iota {dimensions = array<i32: 0>} : vector<32x2048xi32>
    %get3A_21 = arith.constant 0 : index
    %get3A_22 = arith.constant 0 : index
    %get3A_23 = arith.constant 0 : index
    %get3A_24 = vector.load %arg2[%get3A_21, %get3A_22, %get3A_23] : memref<1x1x2048xi32, #tpu.memory_space<vmem>>, vector<1x1x2048xi32>
    %get3A_25 = vector.shape_cast %get3A_24 : vector<1x1x2048xi32> to vector<1x2048xi32>
    %eq3A = vector.broadcast %get3A_25 : vector<1x2048xi32> to vector<32x2048xi32>
    %eq3A_26 = arith.cmpi eq, %iota3A, %eq3A : vector<32x2048xi32>
    %convert_element_type3A = arith.extui %eq3A_26 : vector<32x2048xi1> to vector<32x2048xi32>
    %convert_element_type3A_27 = arith.sitofp %convert_element_type3A : vector<32x2048xi32> to vector<32x2048xf32>
    %get3A_28 = arith.constant 0 : index
    %get3A_29 = arith.constant 0 : index
    %get3A_30 = arith.constant 0 : index
    %get3A_31 = vector.load %arg3[%get3A_28, %get3A_29, %get3A_30] : memref<1x1x2048xi32, #tpu.memory_space<vmem>>, vector<1x1x2048xi32>
    %get3A_32 = vector.shape_cast %get3A_31 : vector<1x1x2048xi32> to vector<1x2048xi32>
    %eq3A_33 = vector.broadcast %get3A_32 : vector<1x2048xi32> to vector<32x2048xi32>
    %eq3A_34 = arith.cmpi eq, %iota3A, %eq3A_33 : vector<32x2048xi32>
    %convert_element_type3A_35 = arith.extui %eq3A_34 : vector<32x2048xi1> to vector<32x2048xi32>
    %convert_element_type3A_36 = arith.sitofp %convert_element_type3A_35 : vector<32x2048xi32> to vector<32x2048xf32>
    %dot_general3A_37 = arith.constant dense<0.000000e+00> : vector<2048x64xf32>
    %dot_general3A_38 = tpu.matmul %convert_element_type3A_27, %add3A_20, %dot_general3A_37 {dimension_numbers = #tpu.dot_dimension_numbers<[0], [0], [1], [1], [0, 1, 1, 1], [], []>, transpose_lhs_hint = false} : vector<32x2048xf32>, vector<32x64xf32>, vector<2048x64xf32> -> vector<2048x64xf32>
    %dot_general3A_39 = arith.constant dense<0.000000e+00> : vector<2048x64xf32>
    %dot_general3A_40 = tpu.matmul %convert_element_type3A_36, %add3A_20, %dot_general3A_39 {dimension_numbers = #tpu.dot_dimension_numbers<[0], [0], [1], [1], [0, 1, 1, 1], [], []>, transpose_lhs_hint = false} : vector<32x2048xf32>, vector<32x64xf32>, vector<2048x64xf32> -> vector<2048x64xf32>
    %add3A_41 = arith.addf %dot_general3A_5, %dot_general3A_38 : vector<2048x64xf32>
    %tanh3A = math.tanh %add3A_41 : vector<2048x64xf32>
    %add3A_42 = arith.addf %dot_general3A_8, %dot_general3A_40 : vector<2048x64xf32>
    %tanh3A_43 = math.tanh %add3A_42 : vector<2048x64xf32>
    %stack3A = vector.shape_cast %tanh3A : vector<2048x64xf32> to vector<2048x1x64xf32>
    %stack3A_44 = vector.shape_cast %tanh3A_43 : vector<2048x64xf32> to vector<2048x1x64xf32>
    %stack3A_45 = tpu.concatenate %stack3A, %stack3A_44 in 1 : vector<2048x1x64xf32>, vector<2048x1x64xf32> -> vector<2048x2x64xf32>
    %reshape3A = vector.shape_cast %stack3A_45 : vector<2048x2x64xf32> to vector<4096x64xf32>
    %swap3A = arith.constant 0 : index
    %swap3A_46 = arith.constant 0 : index
    %swap3A_47 = vector.load %arg8[%swap3A, %swap3A_46] : memref<4096x64xf32, #tpu.memory_space<vmem>>, vector<4096x64xf32>
    tpu.vector_store %arg8[%swap3A, %swap3A_46], %reshape3A {strides = array<i32>} : memref<4096x64xf32, #tpu.memory_space<vmem>>, vector<4096x64xf32>,
    return
  }
  func.func @transform_1(%arg0: i32) -> (i32, i32, i32) {
    %c0_i32 = arith.constant 0 : i32
    %c0_i32_0 = arith.constant 0 : i32
    %c0_i32_1 = arith.constant 0 : i32
    return %arg0, %c0_i32, %c0_i32_0 : i32, i32, i32
  }
  func.func @transform_2(%arg0: i32) -> (i32, i32, i32) {
    %c0_i32 = arith.constant 0 : i32
    %c0_i32_0 = arith.constant 0 : i32
    %c0_i32_1 = arith.constant 0 : i32
    return %arg0, %c0_i32, %c0_i32_0 : i32, i32, i32
  }
  func.func @transform_3(%arg0: i32) -> (i32, i32) {
    %c0_i32 = arith.constant 0 : i32
    %c0_i32_0 = arith.constant 0 : i32
    return %arg0, %c0_i32 : i32, i32
  }
  func.func @transform_4(%arg0: i32) -> (i32, i32) {
    %c0_i32 = arith.constant 0 : i32
    %c0_i32_0 = arith.constant 0 : i32
    %c0_i32_1 = arith.constant 0 : i32
    return %c0_i32, %c0_i32_0 : i32, i32
  }
  func.func @transform_5(%arg0: i32) -> (i32, i32) {
    %c0_i32 = arith.constant 0 : i32
    %c0_i32_0 = arith.constant 0 : i32
    %c0_i32_1 = arith.constant 0 : i32
    return %c0_i32, %c0_i32_0 : i32, i32
  }
  func.func @transform_6(%arg0: i32) -> (i32, i32) {
    %c0_i32 = arith.constant 0 : i32
    %c0_i32_0 = arith.constant 0 : i32
    %c0_i32_1 = arith.constant 0 : i32
    return %c0_i32, %c0_i32_0 : i32, i32
  }
  func.func @transform_7(%arg0: i32) -> (i32, i32) {
    %add3A = arith.constant 75 : i32
    %add3A_0 = arith.addi %add3A, %arg0 : i32
    %c0_i32 = arith.constant 0 : i32
    %c0_i32_1 = arith.constant 0 : i32
    return %add3A_0, %c0_i32 : i32, i32
  }
}

module attributes {stable_mosaic.version = 14 : i64} {
  func.func @body(%arg0: i32, %arg1: memref<819200x64xf32, #tpu.memory_space<any>>, %arg2: memref<1x1x2048xi32, #tpu.memory_space<vmem>>, %arg3: memref<1x1x2048xi32, #tpu.memory_space<vmem>>, %arg4: memref<2048x128xf32, #tpu.memory_space<vmem>>, %arg5: memref<64x80xf32, #tpu.memory_space<vmem>>, %arg6: memref<32x16xf32, #tpu.memory_space<vmem>>, %arg7: memref<1x64xf32, #tpu.memory_space<vmem>>, %arg8: memref<4096x64xf32, #tpu.memory_space<vmem>>) attributes {dimension_semantics = [#tpu.dimension_semantics<arbitrary>], iteration_bounds = array<i64: 25>, scalar_prefetch = 0 : i64, scratch_operands = 0 : i64, tpu.core_type = #tpu.core_type<tc>, window_params = [{}, {transform_indices = @transform_1, window_bounds = array<i64: 1, 1, 2048>}, {transform_indices = @transform_2, window_bounds = array<i64: 1, 1, 2048>}, {transform_indices = @transform_3, window_bounds = array<i64: 2048, 128>}, {pipeline_mode = #tpu.pipeline_mode<synchronous>, transform_indices = @transform_4, window_bounds = array<i64: 64, 80>}, {pipeline_mode = #tpu.pipeline_mode<synchronous>, transform_indices = @transform_5, window_bounds = array<i64: 32, 16>}, {pipeline_mode = #tpu.pipeline_mode<synchronous>, transform_indices = @transform_6, window_bounds = array<i64: 1, 64>}, {transform_indices = @transform_7, window_bounds = array<i64: 4096, 64>}]} {
    %get3A = arith.constant 0 : index
    %get3A_0 = arith.constant 0 : index
    %get3A_1 = vector.load %arg4[%get3A, %get3A_0] : memref<2048x128xf32, #tpu.memory_space<vmem>>, vector<2048x128xf32>
    %get3A_2 = arith.constant 0 : index
    %get3A_3 = arith.constant 0 : index
    %get3A_4 = vector.load %arg5[%get3A_2, %get3A_3] : memref<64x80xf32, #tpu.memory_space<vmem>>, vector<64x64xf32>
    %slice3A = vector.extract_strided_slice %get3A_1 {offsets = [0, 0], sizes = [2048, 64], strides = [1, 1]} : vector<2048x128xf32> to vector<2048x64xf32>
    %dot_general3A = arith.constant dense<0.000000e+00> : vector<2048x64xf32>
    %dot_general3A_5 = tpu.matmul %slice3A, %get3A_4, %dot_general3A {dimension_numbers = #tpu.dot_dimension_numbers<[1], [1], [0], [0], [0, 0, 1, 0], [], []>, transpose_lhs_hint = false} : vector<2048x64xf32>, vector<64x64xf32>, vector<2048x64xf32> -> vector<2048x64xf32>
    %slice3A_6 = vector.extract_strided_slice %get3A_1 {offsets = [0, 64], sizes = [2048, 64], strides = [1, 1]} : vector<2048x128xf32> to vector<2048x64xf32>
    %dot_general3A_7 = arith.constant dense<0.000000e+00> : vector<2048x64xf32>
    %dot_general3A_8 = tpu.matmul %slice3A_6, %get3A_4, %dot_general3A_7 {dimension_numbers = #tpu.dot_dimension_numbers<[1], [1], [0], [0], [0, 0, 1, 0], [], []>, transpose_lhs_hint = false} : vector<2048x64xf32>, vector<64x64xf32>, vector<2048x64xf32> -> vector<2048x64xf32>
    %get3A_9 = arith.constant 0 : index
    %get3A_10 = arith.constant 64 : index
    %get3A_11 = vector.load %arg5[%get3A_9, %get3A_10] : memref<64x80xf32, #tpu.memory_space<vmem>>, vector<64x16xf32>
    %get3A_12 = arith.constant 0 : index
    %get3A_13 = arith.constant 0 : index
    %get3A_14 = vector.load %arg6[%get3A_12, %get3A_13] : memref<32x16xf32, #tpu.memory_space<vmem>>, vector<32x16xf32>
    %dot_general3A_15 = arith.constant dense<0.000000e+00> : vector<32x64xf32>
    %dot_general3A_16 = tpu.matmul %get3A_14, %get3A_11, %dot_general3A_15 {dimension_numbers = #tpu.dot_dimension_numbers<[1], [1], [0], [0], [0, 0, 1, 0], [], []>, transpose_lhs_hint = false} : vector<32x16xf32>, vector<64x16xf32>, vector<32x64xf32> -> vector<32x64xf32>
    %get3A_17 = arith.constant 0 : index
    %get3A_18 = arith.constant 0 : index
    %get3A_19 = vector.load %arg7[%get3A_17, %get3A_18] : memref<1x64xf32, #tpu.memory_space<vmem>>, vector<1x64xf32>
    %add3A = vector.broadcast %get3A_19 : vector<1x64xf32> to vector<32x64xf32>
    %add3A_20 = arith.addf %dot_general3A_16, %add3A : vector<32x64xf32>
    %iota3A = tpu.iota {dimensions = array<i32: 0>} : vector<32x2048xi32>
    %get3A_21 = arith.constant 0 : index
    %get3A_22 = arith.constant 0 : index
    %get3A_23 = arith.constant 0 : index
    %get3A_24 = vector.load %arg2[%get3A_21, %get3A_22, %get3A_23] : memref<1x1x2048xi32, #tpu.memory_space<vmem>>, vector<1x1x2048xi32>
    %get3A_25 = vector.shape_cast %get3A_24 : vector<1x1x2048xi32> to vector<1x2048xi32>
    %eq3A = vector.broadcast %get3A_25 : vector<1x2048xi32> to vector<32x2048xi32>
    %eq3A_26 = arith.cmpi eq, %iota3A, %eq3A : vector<32x2048xi32>
    %convert_element_type3A = arith.extui %eq3A_26 : vector<32x2048xi1> to vector<32x2048xi32>
    %convert_element_type3A_27 = arith.sitofp %convert_element_type3A : vector<32x2048xi32> to vector<32x2048xf32>
    %get3A_28 = arith.constant 0 : index
    %get3A_29 = arith.constant 0 : index
    %get3A_30 = arith.constant 0 : index
    %get3A_31 = vector.load %arg3[%get3A_28, %get3A_29, %get3A_30] : memref<1x1x2048xi32, #tpu.memory_space<vmem>>, vector<1x1x2048xi32>
    %get3A_32 = vector.shape_cast %get3A_31 : vector<1x1x2048xi32> to vector<1x2048xi32>
    %eq3A_33 = vector.broadcast %get3A_32 : vector<1x2048xi32> to vector<32x2048xi32>
    %eq3A_34 = arith.cmpi eq, %iota3A, %eq3A_33 : vector<32x2048xi32>
    %convert_element_type3A_35 = arith.extui %eq3A_34 : vector<32x2048xi1> to vector<32x2048xi32>
    %convert_element_type3A_36 = arith.sitofp %convert_element_type3A_35 : vector<32x2048xi32> to vector<32x2048xf32>
    %dot_general3A_37 = arith.constant dense<0.000000e+00> : vector<2048x64xf32>
    %dot_general3A_38 = tpu.matmul %convert_element_type3A_27, %add3A_20, %dot_general3A_37 {dimension_numbers = #tpu.dot_dimension_numbers<[0], [0], [1], [1], [0, 1, 1, 1], [], []>, transpose_lhs_hint = false} : vector<32x2048xf32>, vector<32x64xf32>, vector<2048x64xf32> -> vector<2048x64xf32>
    %dot_general3A_39 = arith.constant dense<0.000000e+00> : vector<2048x64xf32>
    %dot_general3A_40 = tpu.matmul %convert_element_type3A_36, %add3A_20, %dot_general3A_39 {dimension_numbers = #tpu.dot_dimension_numbers<[0], [0], [1], [1], [0, 1, 1, 1], [], []>, transpose_lhs_hint = false} : vector<32x2048xf32>, vector<32x64xf32>, vector<2048x64xf32> -> vector<2048x64xf32>
    %add3A_41 = arith.addf %dot_general3A_5, %dot_general3A_38 : vector<2048x64xf32>
    %tanh3A = math.tanh %add3A_41 : vector<2048x64xf32>
    %add3A_42 = arith.addf %dot_general3A_8, %dot_general3A_40 : vector<2048x64xf32>
    %tanh3A_43 = math.tanh %add3A_42 : vector<2048x64xf32>
    %stack3A = vector.shape_cast %tanh3A : vector<2048x64xf32> to vector<2048x1x64xf32>
    %stack3A_44 = vector.shape_cast %tanh3A_43 : vector<2048x64xf32> to vector<2048x1x64xf32>
    %stack3A_45 = tpu.concatenate %stack3A, %stack3A_44 in 1 : vector<2048x1x64xf32>, vector<2048x1x64xf32> -> vector<2048x2x64xf32>
    %reshape3A = vector.shape_cast %stack3A_45 : vector<2048x2x64xf32> to vector<4096x64xf32>
    %swap3A = arith.constant 0 : index
    %swap3A_46 = arith.constant 0 : index
    %swap3A_47 = vector.load %arg8[%swap3A, %swap3A_46] : memref<4096x64xf32, #tpu.memory_space<vmem>>, vector<4096x64xf32>
    tpu.vector_store %arg8[%swap3A, %swap3A_46], %reshape3A {strides = array<i32>} : memref<4096x64xf32, #tpu.memory_space<vmem>>, vector<4096x64xf32>,
    return
  }
  func.func @transform_1(%arg0: i32) -> (i32, i32, i32) {
    %c0_i32 = arith.constant 0 : i32
    %c0_i32_0 = arith.constant 0 : i32
    %c0_i32_1 = arith.constant 0 : i32
    return %arg0, %c0_i32, %c0_i32_0 : i32, i32, i32
  }
  func.func @transform_2(%arg0: i32) -> (i32, i32, i32) {
    %c0_i32 = arith.constant 0 : i32
    %c0_i32_0 = arith.constant 0 : i32
    %c0_i32_1 = arith.constant 0 : i32
    return %arg0, %c0_i32, %c0_i32_0 : i32, i32, i32
  }
  func.func @transform_3(%arg0: i32) -> (i32, i32) {
    %c0_i32 = arith.constant 0 : i32
    %c0_i32_0 = arith.constant 0 : i32
    return %arg0, %c0_i32 : i32, i32
  }
  func.func @transform_4(%arg0: i32) -> (i32, i32) {
    %c0_i32 = arith.constant 0 : i32
    %c0_i32_0 = arith.constant 0 : i32
    %c0_i32_1 = arith.constant 0 : i32
    return %c0_i32, %c0_i32_0 : i32, i32
  }
  func.func @transform_5(%arg0: i32) -> (i32, i32) {
    %c0_i32 = arith.constant 0 : i32
    %c0_i32_0 = arith.constant 0 : i32
    %c0_i32_1 = arith.constant 0 : i32
    return %c0_i32, %c0_i32_0 : i32, i32
  }
  func.func @transform_6(%arg0: i32) -> (i32, i32) {
    %c0_i32 = arith.constant 0 : i32
    %c0_i32_0 = arith.constant 0 : i32
    %c0_i32_1 = arith.constant 0 : i32
    return %c0_i32, %c0_i32_0 : i32, i32
  }
  func.func @transform_7(%arg0: i32) -> (i32, i32) {
    %add3A = arith.constant 100 : i32
    %add3A_0 = arith.addi %add3A, %arg0 : i32
    %c0_i32 = arith.constant 0 : i32
    %c0_i32_1 = arith.constant 0 : i32
    return %add3A_0, %c0_i32 : i32, i32
  }
}

module attributes {stable_mosaic.version = 14 : i64} {
  func.func @body(%arg0: i32, %arg1: memref<819200x64xf32, #tpu.memory_space<any>>, %arg2: memref<1x1x2048xi32, #tpu.memory_space<vmem>>, %arg3: memref<1x1x2048xi32, #tpu.memory_space<vmem>>, %arg4: memref<2048x128xf32, #tpu.memory_space<vmem>>, %arg5: memref<64x80xf32, #tpu.memory_space<vmem>>, %arg6: memref<32x16xf32, #tpu.memory_space<vmem>>, %arg7: memref<1x64xf32, #tpu.memory_space<vmem>>, %arg8: memref<4096x64xf32, #tpu.memory_space<vmem>>) attributes {dimension_semantics = [#tpu.dimension_semantics<arbitrary>], iteration_bounds = array<i64: 25>, scalar_prefetch = 0 : i64, scratch_operands = 0 : i64, tpu.core_type = #tpu.core_type<tc>, window_params = [{}, {transform_indices = @transform_1, window_bounds = array<i64: 1, 1, 2048>}, {transform_indices = @transform_2, window_bounds = array<i64: 1, 1, 2048>}, {transform_indices = @transform_3, window_bounds = array<i64: 2048, 128>}, {pipeline_mode = #tpu.pipeline_mode<synchronous>, transform_indices = @transform_4, window_bounds = array<i64: 64, 80>}, {pipeline_mode = #tpu.pipeline_mode<synchronous>, transform_indices = @transform_5, window_bounds = array<i64: 32, 16>}, {pipeline_mode = #tpu.pipeline_mode<synchronous>, transform_indices = @transform_6, window_bounds = array<i64: 1, 64>}, {transform_indices = @transform_7, window_bounds = array<i64: 4096, 64>}]} {
    %get3A = arith.constant 0 : index
    %get3A_0 = arith.constant 0 : index
    %get3A_1 = vector.load %arg4[%get3A, %get3A_0] : memref<2048x128xf32, #tpu.memory_space<vmem>>, vector<2048x128xf32>
    %get3A_2 = arith.constant 0 : index
    %get3A_3 = arith.constant 0 : index
    %get3A_4 = vector.load %arg5[%get3A_2, %get3A_3] : memref<64x80xf32, #tpu.memory_space<vmem>>, vector<64x64xf32>
    %slice3A = vector.extract_strided_slice %get3A_1 {offsets = [0, 0], sizes = [2048, 64], strides = [1, 1]} : vector<2048x128xf32> to vector<2048x64xf32>
    %dot_general3A = arith.constant dense<0.000000e+00> : vector<2048x64xf32>
    %dot_general3A_5 = tpu.matmul %slice3A, %get3A_4, %dot_general3A {dimension_numbers = #tpu.dot_dimension_numbers<[1], [1], [0], [0], [0, 0, 1, 0], [], []>, transpose_lhs_hint = false} : vector<2048x64xf32>, vector<64x64xf32>, vector<2048x64xf32> -> vector<2048x64xf32>
    %slice3A_6 = vector.extract_strided_slice %get3A_1 {offsets = [0, 64], sizes = [2048, 64], strides = [1, 1]} : vector<2048x128xf32> to vector<2048x64xf32>
    %dot_general3A_7 = arith.constant dense<0.000000e+00> : vector<2048x64xf32>
    %dot_general3A_8 = tpu.matmul %slice3A_6, %get3A_4, %dot_general3A_7 {dimension_numbers = #tpu.dot_dimension_numbers<[1], [1], [0], [0], [0, 0, 1, 0], [], []>, transpose_lhs_hint = false} : vector<2048x64xf32>, vector<64x64xf32>, vector<2048x64xf32> -> vector<2048x64xf32>
    %get3A_9 = arith.constant 0 : index
    %get3A_10 = arith.constant 64 : index
    %get3A_11 = vector.load %arg5[%get3A_9, %get3A_10] : memref<64x80xf32, #tpu.memory_space<vmem>>, vector<64x16xf32>
    %get3A_12 = arith.constant 0 : index
    %get3A_13 = arith.constant 0 : index
    %get3A_14 = vector.load %arg6[%get3A_12, %get3A_13] : memref<32x16xf32, #tpu.memory_space<vmem>>, vector<32x16xf32>
    %dot_general3A_15 = arith.constant dense<0.000000e+00> : vector<32x64xf32>
    %dot_general3A_16 = tpu.matmul %get3A_14, %get3A_11, %dot_general3A_15 {dimension_numbers = #tpu.dot_dimension_numbers<[1], [1], [0], [0], [0, 0, 1, 0], [], []>, transpose_lhs_hint = false} : vector<32x16xf32>, vector<64x16xf32>, vector<32x64xf32> -> vector<32x64xf32>
    %get3A_17 = arith.constant 0 : index
    %get3A_18 = arith.constant 0 : index
    %get3A_19 = vector.load %arg7[%get3A_17, %get3A_18] : memref<1x64xf32, #tpu.memory_space<vmem>>, vector<1x64xf32>
    %add3A = vector.broadcast %get3A_19 : vector<1x64xf32> to vector<32x64xf32>
    %add3A_20 = arith.addf %dot_general3A_16, %add3A : vector<32x64xf32>
    %iota3A = tpu.iota {dimensions = array<i32: 0>} : vector<32x2048xi32>
    %get3A_21 = arith.constant 0 : index
    %get3A_22 = arith.constant 0 : index
    %get3A_23 = arith.constant 0 : index
    %get3A_24 = vector.load %arg2[%get3A_21, %get3A_22, %get3A_23] : memref<1x1x2048xi32, #tpu.memory_space<vmem>>, vector<1x1x2048xi32>
    %get3A_25 = vector.shape_cast %get3A_24 : vector<1x1x2048xi32> to vector<1x2048xi32>
    %eq3A = vector.broadcast %get3A_25 : vector<1x2048xi32> to vector<32x2048xi32>
    %eq3A_26 = arith.cmpi eq, %iota3A, %eq3A : vector<32x2048xi32>
    %convert_element_type3A = arith.extui %eq3A_26 : vector<32x2048xi1> to vector<32x2048xi32>
    %convert_element_type3A_27 = arith.sitofp %convert_element_type3A : vector<32x2048xi32> to vector<32x2048xf32>
    %get3A_28 = arith.constant 0 : index
    %get3A_29 = arith.constant 0 : index
    %get3A_30 = arith.constant 0 : index
    %get3A_31 = vector.load %arg3[%get3A_28, %get3A_29, %get3A_30] : memref<1x1x2048xi32, #tpu.memory_space<vmem>>, vector<1x1x2048xi32>
    %get3A_32 = vector.shape_cast %get3A_31 : vector<1x1x2048xi32> to vector<1x2048xi32>
    %eq3A_33 = vector.broadcast %get3A_32 : vector<1x2048xi32> to vector<32x2048xi32>
    %eq3A_34 = arith.cmpi eq, %iota3A, %eq3A_33 : vector<32x2048xi32>
    %convert_element_type3A_35 = arith.extui %eq3A_34 : vector<32x2048xi1> to vector<32x2048xi32>
    %convert_element_type3A_36 = arith.sitofp %convert_element_type3A_35 : vector<32x2048xi32> to vector<32x2048xf32>
    %dot_general3A_37 = arith.constant dense<0.000000e+00> : vector<2048x64xf32>
    %dot_general3A_38 = tpu.matmul %convert_element_type3A_27, %add3A_20, %dot_general3A_37 {dimension_numbers = #tpu.dot_dimension_numbers<[0], [0], [1], [1], [0, 1, 1, 1], [], []>, transpose_lhs_hint = false} : vector<32x2048xf32>, vector<32x64xf32>, vector<2048x64xf32> -> vector<2048x64xf32>
    %dot_general3A_39 = arith.constant dense<0.000000e+00> : vector<2048x64xf32>
    %dot_general3A_40 = tpu.matmul %convert_element_type3A_36, %add3A_20, %dot_general3A_39 {dimension_numbers = #tpu.dot_dimension_numbers<[0], [0], [1], [1], [0, 1, 1, 1], [], []>, transpose_lhs_hint = false} : vector<32x2048xf32>, vector<32x64xf32>, vector<2048x64xf32> -> vector<2048x64xf32>
    %add3A_41 = arith.addf %dot_general3A_5, %dot_general3A_38 : vector<2048x64xf32>
    %tanh3A = math.tanh %add3A_41 : vector<2048x64xf32>
    %add3A_42 = arith.addf %dot_general3A_8, %dot_general3A_40 : vector<2048x64xf32>
    %tanh3A_43 = math.tanh %add3A_42 : vector<2048x64xf32>
    %stack3A = vector.shape_cast %tanh3A : vector<2048x64xf32> to vector<2048x1x64xf32>
    %stack3A_44 = vector.shape_cast %tanh3A_43 : vector<2048x64xf32> to vector<2048x1x64xf32>
    %stack3A_45 = tpu.concatenate %stack3A, %stack3A_44 in 1 : vector<2048x1x64xf32>, vector<2048x1x64xf32> -> vector<2048x2x64xf32>
    %reshape3A = vector.shape_cast %stack3A_45 : vector<2048x2x64xf32> to vector<4096x64xf32>
    %swap3A = arith.constant 0 : index
    %swap3A_46 = arith.constant 0 : index
    %swap3A_47 = vector.load %arg8[%swap3A, %swap3A_46] : memref<4096x64xf32, #tpu.memory_space<vmem>>, vector<4096x64xf32>
    tpu.vector_store %arg8[%swap3A, %swap3A_46], %reshape3A {strides = array<i32>} : memref<4096x64xf32, #tpu.memory_space<vmem>>, vector<4096x64xf32>,
    return
  }
  func.func @transform_1(%arg0: i32) -> (i32, i32, i32) {
    %c0_i32 = arith.constant 0 : i32
    %c0_i32_0 = arith.constant 0 : i32
    %c0_i32_1 = arith.constant 0 : i32
    return %arg0, %c0_i32, %c0_i32_0 : i32, i32, i32
  }
  func.func @transform_2(%arg0: i32) -> (i32, i32, i32) {
    %c0_i32 = arith.constant 0 : i32
    %c0_i32_0 = arith.constant 0 : i32
    %c0_i32_1 = arith.constant 0 : i32
    return %arg0, %c0_i32, %c0_i32_0 : i32, i32, i32
  }
  func.func @transform_3(%arg0: i32) -> (i32, i32) {
    %c0_i32 = arith.constant 0 : i32
    %c0_i32_0 = arith.constant 0 : i32
    return %arg0, %c0_i32 : i32, i32
  }
  func.func @transform_4(%arg0: i32) -> (i32, i32) {
    %c0_i32 = arith.constant 0 : i32
    %c0_i32_0 = arith.constant 0 : i32
    %c0_i32_1 = arith.constant 0 : i32
    return %c0_i32, %c0_i32_0 : i32, i32
  }
  func.func @transform_5(%arg0: i32) -> (i32, i32) {
    %c0_i32 = arith.constant 0 : i32
    %c0_i32_0 = arith.constant 0 : i32
    %c0_i32_1 = arith.constant 0 : i32
    return %c0_i32, %c0_i32_0 : i32, i32
  }
  func.func @transform_6(%arg0: i32) -> (i32, i32) {
    %c0_i32 = arith.constant 0 : i32
    %c0_i32_0 = arith.constant 0 : i32
    %c0_i32_1 = arith.constant 0 : i32
    return %c0_i32, %c0_i32_0 : i32, i32
  }
  func.func @transform_7(%arg0: i32) -> (i32, i32) {
    %add3A = arith.constant 125 : i32
    %add3A_0 = arith.addi %add3A, %arg0 : i32
    %c0_i32 = arith.constant 0 : i32
    %c0_i32_1 = arith.constant 0 : i32
    return %add3A_0, %c0_i32 : i32, i32
  }
}

module attributes {stable_mosaic.version = 14 : i64} {
  func.func @body(%arg0: i32, %arg1: memref<819200x64xf32, #tpu.memory_space<any>>, %arg2: memref<1x1x2048xi32, #tpu.memory_space<vmem>>, %arg3: memref<1x1x2048xi32, #tpu.memory_space<vmem>>, %arg4: memref<2048x128xf32, #tpu.memory_space<vmem>>, %arg5: memref<64x80xf32, #tpu.memory_space<vmem>>, %arg6: memref<32x16xf32, #tpu.memory_space<vmem>>, %arg7: memref<1x64xf32, #tpu.memory_space<vmem>>, %arg8: memref<4096x64xf32, #tpu.memory_space<vmem>>) attributes {dimension_semantics = [#tpu.dimension_semantics<arbitrary>], iteration_bounds = array<i64: 25>, scalar_prefetch = 0 : i64, scratch_operands = 0 : i64, tpu.core_type = #tpu.core_type<tc>, window_params = [{}, {transform_indices = @transform_1, window_bounds = array<i64: 1, 1, 2048>}, {transform_indices = @transform_2, window_bounds = array<i64: 1, 1, 2048>}, {transform_indices = @transform_3, window_bounds = array<i64: 2048, 128>}, {pipeline_mode = #tpu.pipeline_mode<synchronous>, transform_indices = @transform_4, window_bounds = array<i64: 64, 80>}, {pipeline_mode = #tpu.pipeline_mode<synchronous>, transform_indices = @transform_5, window_bounds = array<i64: 32, 16>}, {pipeline_mode = #tpu.pipeline_mode<synchronous>, transform_indices = @transform_6, window_bounds = array<i64: 1, 64>}, {transform_indices = @transform_7, window_bounds = array<i64: 4096, 64>}]} {
    %get3A = arith.constant 0 : index
    %get3A_0 = arith.constant 0 : index
    %get3A_1 = vector.load %arg4[%get3A, %get3A_0] : memref<2048x128xf32, #tpu.memory_space<vmem>>, vector<2048x128xf32>
    %get3A_2 = arith.constant 0 : index
    %get3A_3 = arith.constant 0 : index
    %get3A_4 = vector.load %arg5[%get3A_2, %get3A_3] : memref<64x80xf32, #tpu.memory_space<vmem>>, vector<64x64xf32>
    %slice3A = vector.extract_strided_slice %get3A_1 {offsets = [0, 0], sizes = [2048, 64], strides = [1, 1]} : vector<2048x128xf32> to vector<2048x64xf32>
    %dot_general3A = arith.constant dense<0.000000e+00> : vector<2048x64xf32>
    %dot_general3A_5 = tpu.matmul %slice3A, %get3A_4, %dot_general3A {dimension_numbers = #tpu.dot_dimension_numbers<[1], [1], [0], [0], [0, 0, 1, 0], [], []>, transpose_lhs_hint = false} : vector<2048x64xf32>, vector<64x64xf32>, vector<2048x64xf32> -> vector<2048x64xf32>
    %slice3A_6 = vector.extract_strided_slice %get3A_1 {offsets = [0, 64], sizes = [2048, 64], strides = [1, 1]} : vector<2048x128xf32> to vector<2048x64xf32>
    %dot_general3A_7 = arith.constant dense<0.000000e+00> : vector<2048x64xf32>
    %dot_general3A_8 = tpu.matmul %slice3A_6, %get3A_4, %dot_general3A_7 {dimension_numbers = #tpu.dot_dimension_numbers<[1], [1], [0], [0], [0, 0, 1, 0], [], []>, transpose_lhs_hint = false} : vector<2048x64xf32>, vector<64x64xf32>, vector<2048x64xf32> -> vector<2048x64xf32>
    %get3A_9 = arith.constant 0 : index
    %get3A_10 = arith.constant 64 : index
    %get3A_11 = vector.load %arg5[%get3A_9, %get3A_10] : memref<64x80xf32, #tpu.memory_space<vmem>>, vector<64x16xf32>
    %get3A_12 = arith.constant 0 : index
    %get3A_13 = arith.constant 0 : index
    %get3A_14 = vector.load %arg6[%get3A_12, %get3A_13] : memref<32x16xf32, #tpu.memory_space<vmem>>, vector<32x16xf32>
    %dot_general3A_15 = arith.constant dense<0.000000e+00> : vector<32x64xf32>
    %dot_general3A_16 = tpu.matmul %get3A_14, %get3A_11, %dot_general3A_15 {dimension_numbers = #tpu.dot_dimension_numbers<[1], [1], [0], [0], [0, 0, 1, 0], [], []>, transpose_lhs_hint = false} : vector<32x16xf32>, vector<64x16xf32>, vector<32x64xf32> -> vector<32x64xf32>
    %get3A_17 = arith.constant 0 : index
    %get3A_18 = arith.constant 0 : index
    %get3A_19 = vector.load %arg7[%get3A_17, %get3A_18] : memref<1x64xf32, #tpu.memory_space<vmem>>, vector<1x64xf32>
    %add3A = vector.broadcast %get3A_19 : vector<1x64xf32> to vector<32x64xf32>
    %add3A_20 = arith.addf %dot_general3A_16, %add3A : vector<32x64xf32>
    %iota3A = tpu.iota {dimensions = array<i32: 0>} : vector<32x2048xi32>
    %get3A_21 = arith.constant 0 : index
    %get3A_22 = arith.constant 0 : index
    %get3A_23 = arith.constant 0 : index
    %get3A_24 = vector.load %arg2[%get3A_21, %get3A_22, %get3A_23] : memref<1x1x2048xi32, #tpu.memory_space<vmem>>, vector<1x1x2048xi32>
    %get3A_25 = vector.shape_cast %get3A_24 : vector<1x1x2048xi32> to vector<1x2048xi32>
    %eq3A = vector.broadcast %get3A_25 : vector<1x2048xi32> to vector<32x2048xi32>
    %eq3A_26 = arith.cmpi eq, %iota3A, %eq3A : vector<32x2048xi32>
    %convert_element_type3A = arith.extui %eq3A_26 : vector<32x2048xi1> to vector<32x2048xi32>
    %convert_element_type3A_27 = arith.sitofp %convert_element_type3A : vector<32x2048xi32> to vector<32x2048xf32>
    %get3A_28 = arith.constant 0 : index
    %get3A_29 = arith.constant 0 : index
    %get3A_30 = arith.constant 0 : index
    %get3A_31 = vector.load %arg3[%get3A_28, %get3A_29, %get3A_30] : memref<1x1x2048xi32, #tpu.memory_space<vmem>>, vector<1x1x2048xi32>
    %get3A_32 = vector.shape_cast %get3A_31 : vector<1x1x2048xi32> to vector<1x2048xi32>
    %eq3A_33 = vector.broadcast %get3A_32 : vector<1x2048xi32> to vector<32x2048xi32>
    %eq3A_34 = arith.cmpi eq, %iota3A, %eq3A_33 : vector<32x2048xi32>
    %convert_element_type3A_35 = arith.extui %eq3A_34 : vector<32x2048xi1> to vector<32x2048xi32>
    %convert_element_type3A_36 = arith.sitofp %convert_element_type3A_35 : vector<32x2048xi32> to vector<32x2048xf32>
    %dot_general3A_37 = arith.constant dense<0.000000e+00> : vector<2048x64xf32>
    %dot_general3A_38 = tpu.matmul %convert_element_type3A_27, %add3A_20, %dot_general3A_37 {dimension_numbers = #tpu.dot_dimension_numbers<[0], [0], [1], [1], [0, 1, 1, 1], [], []>, transpose_lhs_hint = false} : vector<32x2048xf32>, vector<32x64xf32>, vector<2048x64xf32> -> vector<2048x64xf32>
    %dot_general3A_39 = arith.constant dense<0.000000e+00> : vector<2048x64xf32>
    %dot_general3A_40 = tpu.matmul %convert_element_type3A_36, %add3A_20, %dot_general3A_39 {dimension_numbers = #tpu.dot_dimension_numbers<[0], [0], [1], [1], [0, 1, 1, 1], [], []>, transpose_lhs_hint = false} : vector<32x2048xf32>, vector<32x64xf32>, vector<2048x64xf32> -> vector<2048x64xf32>
    %add3A_41 = arith.addf %dot_general3A_5, %dot_general3A_38 : vector<2048x64xf32>
    %tanh3A = math.tanh %add3A_41 : vector<2048x64xf32>
    %add3A_42 = arith.addf %dot_general3A_8, %dot_general3A_40 : vector<2048x64xf32>
    %tanh3A_43 = math.tanh %add3A_42 : vector<2048x64xf32>
    %stack3A = vector.shape_cast %tanh3A : vector<2048x64xf32> to vector<2048x1x64xf32>
    %stack3A_44 = vector.shape_cast %tanh3A_43 : vector<2048x64xf32> to vector<2048x1x64xf32>
    %stack3A_45 = tpu.concatenate %stack3A, %stack3A_44 in 1 : vector<2048x1x64xf32>, vector<2048x1x64xf32> -> vector<2048x2x64xf32>
    %reshape3A = vector.shape_cast %stack3A_45 : vector<2048x2x64xf32> to vector<4096x64xf32>
    %swap3A = arith.constant 0 : index
    %swap3A_46 = arith.constant 0 : index
    %swap3A_47 = vector.load %arg8[%swap3A, %swap3A_46] : memref<4096x64xf32, #tpu.memory_space<vmem>>, vector<4096x64xf32>
    tpu.vector_store %arg8[%swap3A, %swap3A_46], %reshape3A {strides = array<i32>} : memref<4096x64xf32, #tpu.memory_space<vmem>>, vector<4096x64xf32>,
    return
  }
  func.func @transform_1(%arg0: i32) -> (i32, i32, i32) {
    %c0_i32 = arith.constant 0 : i32
    %c0_i32_0 = arith.constant 0 : i32
    %c0_i32_1 = arith.constant 0 : i32
    return %arg0, %c0_i32, %c0_i32_0 : i32, i32, i32
  }
  func.func @transform_2(%arg0: i32) -> (i32, i32, i32) {
    %c0_i32 = arith.constant 0 : i32
    %c0_i32_0 = arith.constant 0 : i32
    %c0_i32_1 = arith.constant 0 : i32
    return %arg0, %c0_i32, %c0_i32_0 : i32, i32, i32
  }
  func.func @transform_3(%arg0: i32) -> (i32, i32) {
    %c0_i32 = arith.constant 0 : i32
    %c0_i32_0 = arith.constant 0 : i32
    return %arg0, %c0_i32 : i32, i32
  }
  func.func @transform_4(%arg0: i32) -> (i32, i32) {
    %c0_i32 = arith.constant 0 : i32
    %c0_i32_0 = arith.constant 0 : i32
    %c0_i32_1 = arith.constant 0 : i32
    return %c0_i32, %c0_i32_0 : i32, i32
  }
  func.func @transform_5(%arg0: i32) -> (i32, i32) {
    %c0_i32 = arith.constant 0 : i32
    %c0_i32_0 = arith.constant 0 : i32
    %c0_i32_1 = arith.constant 0 : i32
    return %c0_i32, %c0_i32_0 : i32, i32
  }
  func.func @transform_6(%arg0: i32) -> (i32, i32) {
    %c0_i32 = arith.constant 0 : i32
    %c0_i32_0 = arith.constant 0 : i32
    %c0_i32_1 = arith.constant 0 : i32
    return %c0_i32, %c0_i32_0 : i32, i32
  }
  func.func @transform_7(%arg0: i32) -> (i32, i32) {
    %add3A = arith.constant 150 : i32
    %add3A_0 = arith.addi %add3A, %arg0 : i32
    %c0_i32 = arith.constant 0 : i32
    %c0_i32_1 = arith.constant 0 : i32
    return %add3A_0, %c0_i32 : i32, i32
  }
}

module attributes {stable_mosaic.version = 14 : i64} {
  func.func @body(%arg0: i32, %arg1: memref<819200x64xf32, #tpu.memory_space<any>>, %arg2: memref<1x1x2048xi32, #tpu.memory_space<vmem>>, %arg3: memref<1x1x2048xi32, #tpu.memory_space<vmem>>, %arg4: memref<2048x128xf32, #tpu.memory_space<vmem>>, %arg5: memref<64x80xf32, #tpu.memory_space<vmem>>, %arg6: memref<32x16xf32, #tpu.memory_space<vmem>>, %arg7: memref<1x64xf32, #tpu.memory_space<vmem>>, %arg8: memref<4096x64xf32, #tpu.memory_space<vmem>>) attributes {dimension_semantics = [#tpu.dimension_semantics<arbitrary>], iteration_bounds = array<i64: 25>, scalar_prefetch = 0 : i64, scratch_operands = 0 : i64, tpu.core_type = #tpu.core_type<tc>, window_params = [{}, {transform_indices = @transform_1, window_bounds = array<i64: 1, 1, 2048>}, {transform_indices = @transform_2, window_bounds = array<i64: 1, 1, 2048>}, {transform_indices = @transform_3, window_bounds = array<i64: 2048, 128>}, {pipeline_mode = #tpu.pipeline_mode<synchronous>, transform_indices = @transform_4, window_bounds = array<i64: 64, 80>}, {pipeline_mode = #tpu.pipeline_mode<synchronous>, transform_indices = @transform_5, window_bounds = array<i64: 32, 16>}, {pipeline_mode = #tpu.pipeline_mode<synchronous>, transform_indices = @transform_6, window_bounds = array<i64: 1, 64>}, {transform_indices = @transform_7, window_bounds = array<i64: 4096, 64>}]} {
    %get3A = arith.constant 0 : index
    %get3A_0 = arith.constant 0 : index
    %get3A_1 = vector.load %arg4[%get3A, %get3A_0] : memref<2048x128xf32, #tpu.memory_space<vmem>>, vector<2048x128xf32>
    %get3A_2 = arith.constant 0 : index
    %get3A_3 = arith.constant 0 : index
    %get3A_4 = vector.load %arg5[%get3A_2, %get3A_3] : memref<64x80xf32, #tpu.memory_space<vmem>>, vector<64x64xf32>
    %slice3A = vector.extract_strided_slice %get3A_1 {offsets = [0, 0], sizes = [2048, 64], strides = [1, 1]} : vector<2048x128xf32> to vector<2048x64xf32>
    %dot_general3A = arith.constant dense<0.000000e+00> : vector<2048x64xf32>
    %dot_general3A_5 = tpu.matmul %slice3A, %get3A_4, %dot_general3A {dimension_numbers = #tpu.dot_dimension_numbers<[1], [1], [0], [0], [0, 0, 1, 0], [], []>, transpose_lhs_hint = false} : vector<2048x64xf32>, vector<64x64xf32>, vector<2048x64xf32> -> vector<2048x64xf32>
    %slice3A_6 = vector.extract_strided_slice %get3A_1 {offsets = [0, 64], sizes = [2048, 64], strides = [1, 1]} : vector<2048x128xf32> to vector<2048x64xf32>
    %dot_general3A_7 = arith.constant dense<0.000000e+00> : vector<2048x64xf32>
    %dot_general3A_8 = tpu.matmul %slice3A_6, %get3A_4, %dot_general3A_7 {dimension_numbers = #tpu.dot_dimension_numbers<[1], [1], [0], [0], [0, 0, 1, 0], [], []>, transpose_lhs_hint = false} : vector<2048x64xf32>, vector<64x64xf32>, vector<2048x64xf32> -> vector<2048x64xf32>
    %get3A_9 = arith.constant 0 : index
    %get3A_10 = arith.constant 64 : index
    %get3A_11 = vector.load %arg5[%get3A_9, %get3A_10] : memref<64x80xf32, #tpu.memory_space<vmem>>, vector<64x16xf32>
    %get3A_12 = arith.constant 0 : index
    %get3A_13 = arith.constant 0 : index
    %get3A_14 = vector.load %arg6[%get3A_12, %get3A_13] : memref<32x16xf32, #tpu.memory_space<vmem>>, vector<32x16xf32>
    %dot_general3A_15 = arith.constant dense<0.000000e+00> : vector<32x64xf32>
    %dot_general3A_16 = tpu.matmul %get3A_14, %get3A_11, %dot_general3A_15 {dimension_numbers = #tpu.dot_dimension_numbers<[1], [1], [0], [0], [0, 0, 1, 0], [], []>, transpose_lhs_hint = false} : vector<32x16xf32>, vector<64x16xf32>, vector<32x64xf32> -> vector<32x64xf32>
    %get3A_17 = arith.constant 0 : index
    %get3A_18 = arith.constant 0 : index
    %get3A_19 = vector.load %arg7[%get3A_17, %get3A_18] : memref<1x64xf32, #tpu.memory_space<vmem>>, vector<1x64xf32>
    %add3A = vector.broadcast %get3A_19 : vector<1x64xf32> to vector<32x64xf32>
    %add3A_20 = arith.addf %dot_general3A_16, %add3A : vector<32x64xf32>
    %iota3A = tpu.iota {dimensions = array<i32: 0>} : vector<32x2048xi32>
    %get3A_21 = arith.constant 0 : index
    %get3A_22 = arith.constant 0 : index
    %get3A_23 = arith.constant 0 : index
    %get3A_24 = vector.load %arg2[%get3A_21, %get3A_22, %get3A_23] : memref<1x1x2048xi32, #tpu.memory_space<vmem>>, vector<1x1x2048xi32>
    %get3A_25 = vector.shape_cast %get3A_24 : vector<1x1x2048xi32> to vector<1x2048xi32>
    %eq3A = vector.broadcast %get3A_25 : vector<1x2048xi32> to vector<32x2048xi32>
    %eq3A_26 = arith.cmpi eq, %iota3A, %eq3A : vector<32x2048xi32>
    %convert_element_type3A = arith.extui %eq3A_26 : vector<32x2048xi1> to vector<32x2048xi32>
    %convert_element_type3A_27 = arith.sitofp %convert_element_type3A : vector<32x2048xi32> to vector<32x2048xf32>
    %get3A_28 = arith.constant 0 : index
    %get3A_29 = arith.constant 0 : index
    %get3A_30 = arith.constant 0 : index
    %get3A_31 = vector.load %arg3[%get3A_28, %get3A_29, %get3A_30] : memref<1x1x2048xi32, #tpu.memory_space<vmem>>, vector<1x1x2048xi32>
    %get3A_32 = vector.shape_cast %get3A_31 : vector<1x1x2048xi32> to vector<1x2048xi32>
    %eq3A_33 = vector.broadcast %get3A_32 : vector<1x2048xi32> to vector<32x2048xi32>
    %eq3A_34 = arith.cmpi eq, %iota3A, %eq3A_33 : vector<32x2048xi32>
    %convert_element_type3A_35 = arith.extui %eq3A_34 : vector<32x2048xi1> to vector<32x2048xi32>
    %convert_element_type3A_36 = arith.sitofp %convert_element_type3A_35 : vector<32x2048xi32> to vector<32x2048xf32>
    %dot_general3A_37 = arith.constant dense<0.000000e+00> : vector<2048x64xf32>
    %dot_general3A_38 = tpu.matmul %convert_element_type3A_27, %add3A_20, %dot_general3A_37 {dimension_numbers = #tpu.dot_dimension_numbers<[0], [0], [1], [1], [0, 1, 1, 1], [], []>, transpose_lhs_hint = false} : vector<32x2048xf32>, vector<32x64xf32>, vector<2048x64xf32> -> vector<2048x64xf32>
    %dot_general3A_39 = arith.constant dense<0.000000e+00> : vector<2048x64xf32>
    %dot_general3A_40 = tpu.matmul %convert_element_type3A_36, %add3A_20, %dot_general3A_39 {dimension_numbers = #tpu.dot_dimension_numbers<[0], [0], [1], [1], [0, 1, 1, 1], [], []>, transpose_lhs_hint = false} : vector<32x2048xf32>, vector<32x64xf32>, vector<2048x64xf32> -> vector<2048x64xf32>
    %add3A_41 = arith.addf %dot_general3A_5, %dot_general3A_38 : vector<2048x64xf32>
    %tanh3A = math.tanh %add3A_41 : vector<2048x64xf32>
    %add3A_42 = arith.addf %dot_general3A_8, %dot_general3A_40 : vector<2048x64xf32>
    %tanh3A_43 = math.tanh %add3A_42 : vector<2048x64xf32>
    %stack3A = vector.shape_cast %tanh3A : vector<2048x64xf32> to vector<2048x1x64xf32>
    %stack3A_44 = vector.shape_cast %tanh3A_43 : vector<2048x64xf32> to vector<2048x1x64xf32>
    %stack3A_45 = tpu.concatenate %stack3A, %stack3A_44 in 1 : vector<2048x1x64xf32>, vector<2048x1x64xf32> -> vector<2048x2x64xf32>
    %reshape3A = vector.shape_cast %stack3A_45 : vector<2048x2x64xf32> to vector<4096x64xf32>
    %swap3A = arith.constant 0 : index
    %swap3A_46 = arith.constant 0 : index
    %swap3A_47 = vector.load %arg8[%swap3A, %swap3A_46] : memref<4096x64xf32, #tpu.memory_space<vmem>>, vector<4096x64xf32>
    tpu.vector_store %arg8[%swap3A, %swap3A_46], %reshape3A {strides = array<i32>} : memref<4096x64xf32, #tpu.memory_space<vmem>>, vector<4096x64xf32>,
    return
  }
  func.func @transform_1(%arg0: i32) -> (i32, i32, i32) {
    %c0_i32 = arith.constant 0 : i32
    %c0_i32_0 = arith.constant 0 : i32
    %c0_i32_1 = arith.constant 0 : i32
    return %arg0, %c0_i32, %c0_i32_0 : i32, i32, i32
  }
  func.func @transform_2(%arg0: i32) -> (i32, i32, i32) {
    %c0_i32 = arith.constant 0 : i32
    %c0_i32_0 = arith.constant 0 : i32
    %c0_i32_1 = arith.constant 0 : i32
    return %arg0, %c0_i32, %c0_i32_0 : i32, i32, i32
  }
  func.func @transform_3(%arg0: i32) -> (i32, i32) {
    %c0_i32 = arith.constant 0 : i32
    %c0_i32_0 = arith.constant 0 : i32
    return %arg0, %c0_i32 : i32, i32
  }
  func.func @transform_4(%arg0: i32) -> (i32, i32) {
    %c0_i32 = arith.constant 0 : i32
    %c0_i32_0 = arith.constant 0 : i32
    %c0_i32_1 = arith.constant 0 : i32
    return %c0_i32, %c0_i32_0 : i32, i32
  }
  func.func @transform_5(%arg0: i32) -> (i32, i32) {
    %c0_i32 = arith.constant 0 : i32
    %c0_i32_0 = arith.constant 0 : i32
    %c0_i32_1 = arith.constant 0 : i32
    return %c0_i32, %c0_i32_0 : i32, i32
  }
  func.func @transform_6(%arg0: i32) -> (i32, i32) {
    %c0_i32 = arith.constant 0 : i32
    %c0_i32_0 = arith.constant 0 : i32
    %c0_i32_1 = arith.constant 0 : i32
    return %c0_i32, %c0_i32_0 : i32, i32
  }
  func.func @transform_7(%arg0: i32) -> (i32, i32) {
    %add3A = arith.constant 175 : i32
    %add3A_0 = arith.addi %add3A, %arg0 : i32
    %c0_i32 = arith.constant 0 : i32
    %c0_i32_1 = arith.constant 0 : i32
    return %add3A_0, %c0_i32 : i32, i32
  }
}

</mosaic_0001>

<sc_bundles>
// kernel: kernel.18.cloned.1.call-start
scs
__scs_entry_jumppad:
0x0: {  	(pc) =	sbr.rel $0x88, $3  }
0x1: {  	(tag) =	ssettag $0x0;
	lr =	simm.s32 $0x1  }
0x2: {  	[smem:$0x3F9B] =	sst lr;
	_ =	strace $0xD0000000  }
0x3: {  	_ = 	snop  }
0x4: {  	_ = 	snop  }
0x5: {  	_ = 	snop  }
0x6: {  	_ = 	snop  }
0x7: {  	_ = 	snop  }
__scs_overlays_trampoline_lowered:
0x8: {  	[smem:$0x3FAA] =	sst s0  }
0x9: {  	[smem:$0x3FAB] =	sst s1  }
0xa: {  	[smem:$0x3FAC] =	sst s2  }
0xb: {  	[smem:$0x3FAD] =	sst s3  }
0xc: {  	[smem:$0x3FAE] =	sst s4  }
0xd: {  	[smem:$0x3FAF] =	sst s5  }
0xe: {  	[smem:$0x3FB0] =	sst s6  }
0xf: {  	[smem:$0x3FB1] =	sst s7  }
0x10: {  	[smem:$0x3FB2] =	sst s8  }
0x11: {  	[smem:$0x3FB3] =	sst s9;
	s0 =	simm.s32 @!p0 $0x0  }
0x12: {  	s1 =	sld [smem:$0x3F99];
	s0 =	simm.s32 @p0 $0x1  }
0x13: {  	[smem:$0x3FB4] =	sst s0;
	s0 =	simm.s32 @!p1 $0x0  }
0x14: {  	s2 =	sld [smem:$0x3F98];
	s0 =	simm.s32 @p1 $0x1  }
0x15: {  	[smem:$0x3FB5] =	sst s0;
	s0 =	simm.s32 @!p2 $0x0  }
0x16: {  	s3 =	sld [smem:$0x3FDB];
	s0 =	simm.s32 @p2 $0x1  }
0x17: {  	s4 =	simm.s32 $0x1BF5;
	[smem:$0x3FB7] =	sst s0  }
0x18: {  	s0 =	sld [smem:$0x3F9A];
	_ =	swait.ge [sflag:s4], $0x0  }
0x19: {  	s7 =	sld [smem:$0x3F9B]  }
0x1a: {  	s8 =	sadd.s32 $0xFFFFE003, lr  }
0x1b: {  	s9 =	sadd.s32 $0xFFFFFEF7, lr;
	s5 =	simm.s32 $0xFFFFFFFF;
	p2 =	slt.u32 s8, $0xFFFFF086  }
0x1c: {  	p1 =	slt.u32 s9, $0xF7A;
	s5 =	simm.s32 @!p2 $0x0  }
0x1d: {  	s5 =	simm.s32 @p1 $0x1;
	p0 =	seq.s32 s7, s2  }
0x1e: {  	s7 =	smul.u32 @!p0 $0xF7A, s2;
	p2 =	seq.s32 @!p0 s5, $0x0  }
0x1f: {  	s9 =	smul.u32 $0xF7A, s1;
	s8 =	simm.s32 @!p0 $0x1BF5;
	p2 =	por !p2, p0  }
0x20: {  	[sflag:s8] =	ssyncset.s32 @!p0 $0xFFFFF086;
	s6 =	sadd.s32 @!p0 s3, s7;
	s7 =	simm.s32 @!p0 $0x108  }
0x21: {  	s3 =	sadd.s32 s3, s9;
	s6 =	sadd.s32 @!p0 $0x88, s6;
	s7 =	simm.s32 @p2 $0x1082  }
0x22: {  	[simem:s7], [sflag:s8] =	dma.local @!p0 [hbm:s6], $0xF7A  }
0x23: {  	s9 =	sor.u32 $0xD0000000, s2;
	s6 =	simm.s32 $0x108;
	_ =	swait.ge @!p0 [sflag:s8], $0x0  }
0x24: {  	s3 =	sadd.s32 $0x88, s3;
	s6 =	simm.s32 @!p1 $0x1082;
	[sflag:s4] =	ssyncset.s32 $0xFFFFF086  }
0x25: {  	[simem:s6], [sflag:s4] =	dma.local [hbm:s3], $0xF7A  }
0x26: {  	[smem:$0x3F9B] =	sst s1;
	(tag) =	ssettag s2;
	_ =	strace s9  }
0x27: {  	s1 =	sld [smem:$0x3FAB]  }
0x28: {  	s2 =	sld [smem:$0x3FAC]  }
0x29: {  	s4 =	sld [smem:$0x3FAE]  }
0x2a: {  	p0 =	seq.s32 s5, $0x0;
	s5 =	sld [smem:$0x3FAF]  }
0x2b: {  	s6 =	sld [smem:$0x3FB0]  }
0x2c: {  	s7 =	sld [smem:$0x3FB1]  }
0x2d: {  	s3 =	simm.s32 $0x108;
	s8 =	sld [smem:$0x3FB2]  }
0x2e: {  	s3 =	simm.s32 @!p0 $0x1082;
	s9 =	sld [smem:$0x3FB3]  }
0x2f: {  	lr =	sadd.s32 s0, s3;
	s0 =	sld [smem:$0x3FAA]  }
0x30: {  	s3 =	sld [smem:$0x3FAD]  }
0x31: {  	[smem:$0x3FB6] =	sst s10  }
0x32: {  	s10 =	sld [smem:$0x3FB4];
	_ =	sdelay $0x3  }
0x33: {  	p0 =	seq.s32 s10, $0x1;
	s10 =	sld [smem:$0x3FB6];
	_ =	sdelay $0x3  }
0x34: {  	[smem:$0x3FB6] =	sst s10  }
0x35: {  	s10 =	sld [smem:$0x3FB5];
	_ =	sdelay $0x3  }
0x36: {  	p1 =	seq.s32 s10, $0x1;
	s10 =	sld [smem:$0x3FB6];
	_ =	sdelay $0x3  }
0x37: {  	[smem:$0x3FB6] =	sst s10  }
0x38: {  	s10 =	sld [smem:$0x3FB7]  }
0x39: {  	_ = 	snop;
	(pc) =	sbr.ind lr, $3  }
0x3a: {  	_ = 	snop  }
0x3b: {  	_ = 	snop  }
0x3c: {  	p2 =	seq.s32 s10, $0x1;
	s10 =	sld [smem:$0x3FB6]  }
0x3d: {  	_ =	shalt  }
0x3e: {  	_ =	shalt  }
0x3f: {  	_ =	shalt  }
0x40: {  	_ =	shalt  }
0x41: {  	_ =	shalt  }
0x42: {  	_ =	shalt  }
0x43: {  	_ =	shalt  }
0x44: {  	_ =	shalt  }
0x45: {  	_ =	shalt  }
0x46: {  	_ =	shalt  }
0x47: {  	_ =	shalt  }
0x48: {  	_ =	shalt  }
0x49: {  	_ =	shalt  }
0x4a: {  	_ =	shalt  }
0x4b: {  	_ =	shalt  }
0x4c: {  	_ =	shalt  }
0x4d: {  	_ =	shalt  }
0x4e: {  	_ =	shalt  }
0x4f: {  	_ =	shalt  }
0x50: {  	_ =	shalt  }
0x51: {  	_ =	shalt  }
0x52: {  	_ =	shalt  }
0x53: {  	_ =	shalt  }
0x54: {  	_ =	shalt  }
0x55: {  	_ =	shalt  }
0x56: {  	_ =	shalt  }
0x57: {  	_ =	shalt  }
0x58: {  	_ =	shalt  }
0x59: {  	_ =	shalt  }
0x5a: {  	_ =	shalt  }
0x5b: {  	_ =	shalt  }
0x5c: {  	_ =	shalt  }
0x5d: {  	_ =	shalt  }
0x5e: {  	_ =	shalt  }
0x5f: {  	_ =	shalt  }
0x60: {  	_ =	shalt  }
0x61: {  	_ =	shalt  }
0x62: {  	_ =	shalt  }
0x63: {  	_ =	shalt  }
0x64: {  	_ =	shalt  }
0x65: {  	_ =	shalt  }
0x66: {  	_ =	shalt  }
0x67: {  	_ =	shalt  }
0x68: {  	_ =	shalt  }
0x69: {  	_ =	shalt  }
0x6a: {  	_ =	shalt  }
0x6b: {  	_ =	shalt  }
0x6c: {  	_ =	shalt  }
0x6d: {  	_ =	shalt  }
0x6e: {  	_ =	shalt  }
0x6f: {  	_ =	shalt  }
0x70: {  	_ =	shalt  }
0x71: {  	_ =	shalt  }
0x72: {  	_ =	shalt  }
0x73: {  	_ =	shalt  }
0x74: {  	_ =	shalt  }
0x75: {  	_ =	shalt  }
0x76: {  	_ =	shalt  }
0x77: {  	_ =	shalt  }
0x78: {  	_ =	shalt  }
0x79: {  	_ =	shalt  }
0x7a: {  	_ =	shalt  }
0x7b: {  	_ =	shalt  }
0x7c: {  	_ =	shalt  }
0x7d: {  	_ =	shalt  }
0x7e: {  	_ =	shalt  }
0x7f: {  	_ =	shalt  }
0x80: {  	_ =	shalt  }
0x81: {  	_ =	shalt  }
0x82: {  	_ =	shalt  }
0x83: {  	_ =	shalt  }
0x84: {  	_ =	shalt  }
0x85: {  	_ =	shalt  }
0x86: {  	_ =	shalt  }
0x87: {  	_ =	shalt  }
.Lfunc_end0:
.L_simem_size_0:
called_computation.1_lowered:
.L_overlay_start_0:
0x88: {  	s2 =	sld [smem:$0x3FD9]  }
0x89: {  	s3 =	sld [smem:$0x3FFE];
	_ =	sdelay $0x1  }
0x8a: {  	s1 =	srdreg.scid  }
0x8b: {  	s0 =	sand.u32 $0x1, s1  }
0x8c: {  	s16 =	sshll.u32 s0, $0xA;
	s2 =	sadd.s32 s3, s2  }
0x8d: {  	s2 =	sadd.s32 s2, s16  }
0x8e: {  	[smem:$0x3FC2] =	sst s2  }
0x8f: {  	_ = 	snop  }
0x90: {  	(tm) =	ssettm $0x1  }
0x91: {  	s17 =	sld [smem:$0x3FFB];
	_ =	sdelay $0x3  }
0x92: {  	_ =	strace s17  }
0x93: {  	s2 =	sld [smem:$0x3FFC];
	_ =	sdelay $0x3  }
0x94: {  	_ =	strace s2  }
0x95: {  	s2 =	sld [smem:$0x3FFD];
	_ =	sdelay $0x3  }
0x96: {  	_ =	strace s2  }
0x97: {  	_ =	strace $0x8FFFFFFF  }
0x98: {  	s18 =	sld [smem:$0x3FDB];
	_ =	sdelay $0x1  }
0x99: {  	s19 =	simm.s32 $_scs_section_size  }
0x9a: {  	s4 =	simm.s32 $_size__tile_overlayer_lowered;
	s5 =	simm.s32 $_tile_overlayer_lowered  }
0x9b: {  	s22 =	simm.s32 $0x1BFF;
	s21 =	sshll.u32 s5, $0x1;
	s2 =	sadd.s32 s19, s18  }
0x9c: {  	s6 =	simm.s32 $0x0;
	s20 =	sshll.u32 s4, $0x1;
	s4 =	sadd.s32 s21, s2  }
0x9d: {  	[timem:s6], [sflag:s22] =	dma.local [hbm:s4], s20  }
0x9e: {  	_ =	swait.ge [sflag:s22], s20  }
0x9f: {  	s3 =	ssub.s32 $0x0, s20;
	[sflag:s22] =	ssyncset.done $0x0  }
0xa0: {  	[sflag:s22] =	ssyncadd.s32 s3;
	_ =	sdelay $0x1  }
0xa1: {  	s23 =	simm.s32 $0x1B8B  }
0xa2: {  	_ =	swait.ge [sflag:s23], $0x1  }
0xa3: {  	[sflag:s23] =	ssyncset.done $0x0  }
0xa4: {  	s25 =	simm.s32 $0x1B8E;
	s24 =	sld [smem:$0x3FFE];
	[sflag:s23] =	ssyncadd.s32 $0xFFFFFFFF  }
0xa5: {  	s26 =	simm.s32 $execute0_lowered;
	[smem:$0x3FD2] =	sst s25  }
0xa6: {  	s4 =	sshll.u32 s26, $0x1;
	_ =	strace $0x80000046;
	[dreg:$0x1] =	wrdreg $0xFFFFFFFF  }
0xa7: {  	s28 =	simm.s32 $_size_execute0_lowered;
	s2 =	sadd.s32 s2, s4;
	[dreg:$0x0] =	wrdreg $0x0  }
0xa8: {  	s4 =	sshll.u32 s28, $0x1;
	[dreg:$0x2] =	wrdreg s2  }
0xa9: {  	[dreg:$0x3] =	wrdreg s4  }
0xaa: {  	[dreg:$0x4] =	wrdreg $0xC0  }
0xab: {  	_ =	task [dreg:s6], $0x5FFFF  }
0xac: {  	[dreg:$0x1] =	wrdreg $0xFFFFFFFF  }
0xad: {  	[dreg:$0x0] =	wrdreg $0x60  }
0xae: {  	[dreg:$0x2] =	wrdreg s24  }
0xaf: {  	[dreg:$0x3] =	wrdreg $0x9  }
0xb0: {  	_ =	task.clear_ibuf [dreg:s6], $0x4FFFF;
	_ =	strace $0x90000046  }
0xb1: {  	s29 =	simm.s32 $0x9;
	_ =	strace $0x80000048  }
0xb2: {  	_ =	swait.ge [sflag:s29], $0x1  }
0xb3: {  	[sflag:s29] =	ssyncadd.s32 $0xFFFFFFFF  }
0xb4: {  	_ =	strace $0x90000048  }
0xb5: {  	_ =	sfence  }
0xb6: {  	s30 =	sld [smem:$0x0];
	_ =	sdelay $0x2  }
0xb7: {  	s31 =	sshll.u32 s1, $0xD;
	s1 =	sshrl.u32 s1, $0x2  }
0xb8: {  	s3 =	sand.u32 $0x4000, s31;
	s1 =	sadd.s32 s1, s30  }
0xb9: {  	s0 =	sor.u32 s3, s0;
	s1 =	sshll.u32 s1, $0x11  }
0xba: {  	s0 =	sor.u32 s1, s0  }
0xbb: {  	s0 =	sadd.s32 $0x8F2B, s0  }
0xbc: {  	[sflag:s0] =	ssyncadd.remote.s32 $0x1  }
0xbd: {  	_ =	sfence.sel $0xFFFF  }
0xbe: {  	[dreg:$0x0] =	wrdreg $0xFFFFFFFF;
	(pc) =	sbr.abs _section_cstart, $3  }
0xbf: {  	[dreg:$0x1] =	wrdreg $0xFFFFFFFF  }
0xc0: {  	_ =	task.clear_ibuf [dreg:s6], $0x2FFFF;
	_ =	strace $0x9FFFFFFF  }
0xc1: {  	(tm) =	ssettm $0x7FFFFFFF  }
tec
execute0_lowered:
.L_overlay_start_1:
0x0: {  	(tag) =	ssettag $0x1  }
0x1: {  	s3 =	rddreg [dreg:$0x0]  }
0x2: {  	s0 =	rddreg [dreg:$0x1];
	s1 =	stileid.u32  }
0x3: {  	s4 =	srdreg.scid;
	s5 =	smul.u32 $0x1900, s1  }
0x4: {  	s2 =	simm.s32 $0x0;
	s4 =	sand.u32 $0x1, s4;
	s29 =	smul.u32 $0xC800, s1  }
0x5: {  	[smem:$0x7FF] =	sst s2;
	s6 =	smul.u32 $0xC80, s4  }
0x6: {  	_ =	strace $0x80000047;
	s7 =	ssub.s32 $0x2, s4;
	s9 =	smul.u32 $0x6400, s4  }
0x7: {  	s8 =	sshrl.u32 s7, $0x1;
	s30 =	sadd.s32 s29, s3;
	s5 =	sadd.s32 s6, s5  }
0x8: {  	s31 =	ssub.s32 s7, s8;
	s7 =	simm.s32 $0x2;
	s5 =	sshrl.u32 s5, $0x3  }
0x9: {  	s8 =	simm.s32 $0x140;
	s4 =	smax.u32 s31, $0x1;
	s10 =	sadd.s32 s5, s3  }
0xa: {  	s3 =	sadd.s32 $0xF5FC00, s3;
	s5 =	sadd.s32 s9, s30;
	s9 =	simm.s32 $0x1  }
0xb: {  	s5 =	sadd.s32 $0x1D600, s5;
	s6 =	sadd.s32 $0x4600, s10;
	s10 =	simm.s32 $0x0  }
.LBB2_1:
0xc: {  	s11 =	sand.u32 $0x1, s2  }
0xd: {  	s12 =	smul.u32 $0x500, s11;
	_ =	sdelay $0x1  }
0xe: {  	s11 =	smul.u32 $0x14000, s11;
	s12 =	sshrl.u32 s12, $0x2  }
0xf: {  	[tilespmem:s12], [sflag:$0x2] =	stream.linear.gather [hbm4b:s6+s2], $0x140, $0x38;
	[tilespmem:$0xA280] =	vst v63  }
0x10: {  	_ =	swait.ge [sflag:s7], $0x140  }
0x11: {  	s11 =	sshrl.u32 s11, $0x2;
	[sflag:s7] =	ssyncset.done $0x0  }
0x12: {  	s11 =	sor.u32 $0x280, s11;
	[sflag:s7] =	ssyncadd.s32 $0xFFFFFEC0  }
0x13: {  	[tilespmem:s11], [sflag:$0x1] =	stream.indirect.gather [hbm4b:s3+s8], $0x40, s12, s8, $0xb8;
	[tilespmem:$0xA280] =	vst v63  }
0x14: {  	_ =	swait.ge [sflag:s9], $0x5000  }
0x15: {  	s31 =	simm.s32 $0x1;
	[sflag:s9] =	ssyncset.done $0x0  }
0x16: {  	s14 =	sand.u32 $0x1, s31;
	[sflag:s9] =	ssyncadd.s32 $0xFFFFB000  }
0x17: {  	[hbm4b:s5+s2] =	stream.linear.scatter [tilespmem:s11], [sflag:$0x2], $0x5000, $0x38;
	[tilespmem:$0xA280] =	vst v63  }
0x18: {  	s15 =	simm.s32 $0x2;
	s13 =	smul.u32 $0x500, s14;
	_ =	swait.ge [sflag:s7], $0x5000  }
0x19: {  	s12 =	sadd.s32 $0x28, s6;
	s11 =	sadd.s32 $0xA00, s5;
	[sflag:s7] =	ssyncset.done $0x0  }
.LBB2_2:
0x1a: {  	s14 =	smul.u32 $0x14000, s14  }
0x1b: {  	[sflag:s7] =	ssyncadd.s32 $0xFFFFB000;
	s16 =	smov.u32 s15;
	s17 =	sadd.s32 $0x1, s15  }
0x1c: {  	p0 =	sne.s32 s15, $0x9;
	s13 =	sshrl.u32 s13, $0x2  }
0x1d: {  	[tilespmem:s13], [sflag:$0x2] =	stream.linear.gather [hbm4b:s12+s2], $0x140, $0x38;
	[tilespmem:$0xA280] =	vst v63  }
0x1e: {  	s14 =	sshrl.u32 s14, $0x2;
	_ =	swait.ge [sflag:s7], $0x140  }
0x1f: {  	[sflag:s7] =	ssyncset.done $0x0  }
0x20: {  	s14 =	sor.u32 $0x280, s14;
	[sflag:s7] =	ssyncadd.s32 $0xFFFFFEC0  }
0x21: {  	[tilespmem:s14], [sflag:$0x1] =	stream.indirect.gather [hbm4b:s3+s8], $0x40, s13, s8, $0xb8;
	[tilespmem:$0xA280] =	vst v63  }
0x22: {  	_ =	swait.ge [sflag:s9], $0x5000  }
.Ltmp0:
0x23: {  	[sflag:s9] =	ssyncset.done $0x0;
	(pc) =	sbr.rel @p0 .LBB2_2-.Ltmp0, $4  }
0x24: {  	s15 =	smov.u32 s17;
	[sflag:s9] =	ssyncadd.s32 $0xFFFFB000  }
0x25: {  	[hbm4b:s11+s2] =	stream.linear.scatter [tilespmem:s14], [sflag:$0x2], $0x5000, $0x38;
	[tilespmem:$0xA280] =	vst v63  }
0x26: {  	s12 =	sadd.s32 $0x28, s12;
	s14 =	sand.u32 $0x1, s16;
	_ =	swait.ge [sflag:s7], $0x5000  }
0x27: {  	s11 =	sadd.s32 $0xA00, s11;
	s13 =	smul.u32 $0x500, s14;
	[sflag:s7] =	ssyncset.done $0x0  }
0x28: {  	_ = 	snop  }
0x29: {  	s14 =	smul.u32 $0x14000, s14;
	[sflag:s7] =	ssyncadd.s32 $0xFFFFB000;
	s13 =	sshrl.u32 s13, $0x2  }
0x2a: {  	[tilespmem:s13], [sflag:$0x2] =	stream.linear.gather [hbm4b:s12+s2], $0x140, $0x38;
	[tilespmem:$0xA280] =	vst v63  }
0x2b: {  	_ =	swait.ge [sflag:s7], $0x140  }
0x2c: {  	s31 =	sshrl.u32 s14, $0x2;
	[sflag:s7] =	ssyncset.done $0x0  }
0x2d: {  	s12 =	sor.u32 $0x280, s31;
	[sflag:s7] =	ssyncadd.s32 $0xFFFFFEC0  }
0x2e: {  	[tilespmem:s12], [sflag:$0x1] =	stream.indirect.gather [hbm4b:s3+s8], $0x40, s13, s8, $0xb8;
	[tilespmem:$0xA280] =	vst v63  }
0x2f: {  	s10 =	sadd.s32 $0x1, s10;
	_ =	swait.ge [sflag:s9], $0x5000  }
0x30: {  	p0 =	sne.s32 s10, s4;
	[sflag:s9] =	ssyncset.done $0x0  }
.Ltmp1:
0x31: {  	[sflag:s9] =	ssyncadd.s32 $0xFFFFB000;
	(pc) =	sbr.rel @p0 .LBB2_1-.Ltmp1, $4  }
0x32: {  	[hbm4b:s11+s2] =	stream.linear.scatter [tilespmem:s12], [sflag:$0x2], $0x5000, $0x38;
	[tilespmem:$0xA280] =	vst v63  }
0x33: {  	_ =	swait.ge [sflag:s7], $0x5000  }
0x34: {  	[sflag:s7] =	ssyncset.done $0x0  }
0x35: {  	[sflag:s7] =	ssyncadd.s32 $0xFFFFB000  }
0x36: {  	_ =	sfence.sel $0x180000  }
0x37: {  	[bflag:$0x0] =	sbarrier.arrive $0xFFFF  }
0x38: {  	p0 =	sne.s32 s1, $0x0;
	_ =	strace $0x90000047  }
0x39: {  	s0 =	sadd.s32 @!p0 $0x100000, s0;
	[bflag:$0x2] =	sbarrier.arrive $0xFFFF  }
0x3a: {  	[sflag:s0] =	ssyncadd.tile.s32 @!p0 $0x1;
	_ =	shalt  }
.Lfunc_end2:
_tile_overlayer_lowered:
.L_overlay_start_2:
0x3b: {  	(tag) =	ssettag $0x2  }
0x3c: {  	s0 =	rddreg [dreg:$0x0];
	s2 =	stileid.u32  }
0x3d: {  	s1 =	rddreg [dreg:$0x1];
	p0 =	sne.s32 s2, $0x0  }
0x3e: {  	s3 =	rddreg [dreg:$0x2];
	[bflag:$0x3] =	sbarrier.arrive $0xFFFF;
	s2 =	simm.s32 @!p0 $0x1C02  }
0x3f: {  	[timem:s3], [sflag:s2] =	dma.local @!p0 [hbm:s0], s1  }
0x40: {  	s0 =	simm.s32 @!p0 $0x2  }
0x41: {  	_ =	swait.ge @!p0 [sflag:s0], s1  }
0x42: {  	s1 =	ssub.s32 @!p0 $0x0, s1;
	[sflag:s0] =	ssyncset.done @!p0 $0x0  }
0x43: {  	[sflag:s0] =	ssyncadd.s32 @!p0 s1  }
0x44: {  	[bflag:$0x3] =	sbarrier.arrive $0xFFFF  }
0x45: {  	_ =	shalt  }

// kernel: kernel.21.cloned.1.call-start
scs
__scs_entry_jumppad:
0x0: {  	(pc) =	sbr.rel $0x88, $3  }
0x1: {  	(tag) =	ssettag $0x0;
	lr =	simm.s32 $0x1  }
0x2: {  	[smem:$0x3F9B] =	sst lr;
	_ =	strace $0xD0000000  }
0x3: {  	_ = 	snop  }
0x4: {  	_ = 	snop  }
0x5: {  	_ = 	snop  }
0x6: {  	_ = 	snop  }
0x7: {  	_ = 	snop  }
__scs_overlays_trampoline_lowered:
0x8: {  	[smem:$0x3FAA] =	sst s0  }
0x9: {  	[smem:$0x3FAB] =	sst s1  }
0xa: {  	[smem:$0x3FAC] =	sst s2  }
0xb: {  	[smem:$0x3FAD] =	sst s3  }
0xc: {  	[smem:$0x3FAE] =	sst s4  }
0xd: {  	[smem:$0x3FAF] =	sst s5  }
0xe: {  	[smem:$0x3FB0] =	sst s6  }
0xf: {  	[smem:$0x3FB1] =	sst s7  }
0x10: {  	[smem:$0x3FB2] =	sst s8  }
0x11: {  	[smem:$0x3FB3] =	sst s9;
	s0 =	simm.s32 @!p0 $0x0  }
0x12: {  	s1 =	sld [smem:$0x3F99];
	s0 =	simm.s32 @p0 $0x1  }
0x13: {  	[smem:$0x3FB4] =	sst s0;
	s0 =	simm.s32 @!p1 $0x0  }
0x14: {  	s2 =	sld [smem:$0x3F98];
	s0 =	simm.s32 @p1 $0x1  }
0x15: {  	[smem:$0x3FB5] =	sst s0;
	s0 =	simm.s32 @!p2 $0x0  }
0x16: {  	s3 =	sld [smem:$0x3FDB];
	s0 =	simm.s32 @p2 $0x1  }
0x17: {  	s4 =	simm.s32 $0x1BF5;
	[smem:$0x3FB7] =	sst s0  }
0x18: {  	s0 =	sld [smem:$0x3F9A];
	_ =	swait.ge [sflag:s4], $0x0  }
0x19: {  	s7 =	sld [smem:$0x3F9B]  }
0x1a: {  	s8 =	sadd.s32 $0xFFFFE003, lr  }
0x1b: {  	s9 =	sadd.s32 $0xFFFFFEF7, lr;
	s5 =	simm.s32 $0xFFFFFFFF;
	p2 =	slt.u32 s8, $0xFFFFF086  }
0x1c: {  	p1 =	slt.u32 s9, $0xF7A;
	s5 =	simm.s32 @!p2 $0x0  }
0x1d: {  	s5 =	simm.s32 @p1 $0x1;
	p0 =	seq.s32 s7, s2  }
0x1e: {  	s7 =	smul.u32 @!p0 $0xF7A, s2;
	p2 =	seq.s32 @!p0 s5, $0x0  }
0x1f: {  	s9 =	smul.u32 $0xF7A, s1;
	s8 =	simm.s32 @!p0 $0x1BF5;
	p2 =	por !p2, p0  }
0x20: {  	[sflag:s8] =	ssyncset.s32 @!p0 $0xFFFFF086;
	s6 =	sadd.s32 @!p0 s3, s7;
	s7 =	simm.s32 @!p0 $0x108  }
0x21: {  	s3 =	sadd.s32 s3, s9;
	s6 =	sadd.s32 @!p0 $0x88, s6;
	s7 =	simm.s32 @p2 $0x1082  }
0x22: {  	[simem:s7], [sflag:s8] =	dma.local @!p0 [hbm:s6], $0xF7A  }
0x23: {  	s9 =	sor.u32 $0xD0000000, s2;
	s6 =	simm.s32 $0x108;
	_ =	swait.ge @!p0 [sflag:s8], $0x0  }
0x24: {  	s3 =	sadd.s32 $0x88, s3;
	s6 =	simm.s32 @!p1 $0x1082;
	[sflag:s4] =	ssyncset.s32 $0xFFFFF086  }
0x25: {  	[simem:s6], [sflag:s4] =	dma.local [hbm:s3], $0xF7A  }
0x26: {  	[smem:$0x3F9B] =	sst s1;
	(tag) =	ssettag s2;
	_ =	strace s9  }
0x27: {  	s1 =	sld [smem:$0x3FAB]  }
0x28: {  	s2 =	sld [smem:$0x3FAC]  }
0x29: {  	s4 =	sld [smem:$0x3FAE]  }
0x2a: {  	p0 =	seq.s32 s5, $0x0;
	s5 =	sld [smem:$0x3FAF]  }
0x2b: {  	s6 =	sld [smem:$0x3FB0]  }
0x2c: {  	s7 =	sld [smem:$0x3FB1]  }
0x2d: {  	s3 =	simm.s32 $0x108;
	s8 =	sld [smem:$0x3FB2]  }
0x2e: {  	s3 =	simm.s32 @!p0 $0x1082;
	s9 =	sld [smem:$0x3FB3]  }
0x2f: {  	lr =	sadd.s32 s0, s3;
	s0 =	sld [smem:$0x3FAA]  }
0x30: {  	s3 =	sld [smem:$0x3FAD]  }
0x31: {  	[smem:$0x3FB6] =	sst s10  }
0x32: {  	s10 =	sld [smem:$0x3FB4];
	_ =	sdelay $0x3  }
0x33: {  	p0 =	seq.s32 s10, $0x1;
	s10 =	sld [smem:$0x3FB6];
	_ =	sdelay $0x3  }
0x34: {  	[smem:$0x3FB6] =	sst s10  }
0x35: {  	s10 =	sld [smem:$0x3FB5];
	_ =	sdelay $0x3  }
0x36: {  	p1 =	seq.s32 s10, $0x1;
	s10 =	sld [smem:$0x3FB6];
	_ =	sdelay $0x3  }
0x37: {  	[smem:$0x3FB6] =	sst s10  }
0x38: {  	s10 =	sld [smem:$0x3FB7]  }
0x39: {  	_ = 	snop;
	(pc) =	sbr.ind lr, $3  }
0x3a: {  	_ = 	snop  }
0x3b: {  	_ = 	snop  }
0x3c: {  	p2 =	seq.s32 s10, $0x1;
	s10 =	sld [smem:$0x3FB6]  }
0x3d: {  	_ =	shalt  }
0x3e: {  	_ =	shalt  }
0x3f: {  	_ =	shalt  }
0x40: {  	_ =	shalt  }
0x41: {  	_ =	shalt  }
0x42: {  	_ =	shalt  }
0x43: {  	_ =	shalt  }
0x44: {  	_ =	shalt  }
0x45: {  	_ =	shalt  }
0x46: {  	_ =	shalt  }
0x47: {  	_ =	shalt  }
0x48: {  	_ =	shalt  }
0x49: {  	_ =	shalt  }
0x4a: {  	_ =	shalt  }
0x4b: {  	_ =	shalt  }
0x4c: {  	_ =	shalt  }
0x4d: {  	_ =	shalt  }
0x4e: {  	_ =	shalt  }
0x4f: {  	_ =	shalt  }
0x50: {  	_ =	shalt  }
0x51: {  	_ =	shalt  }
0x52: {  	_ =	shalt  }
0x53: {  	_ =	shalt  }
0x54: {  	_ =	shalt  }
0x55: {  	_ =	shalt  }
0x56: {  	_ =	shalt  }
0x57: {  	_ =	shalt  }
0x58: {  	_ =	shalt  }
0x59: {  	_ =	shalt  }
0x5a: {  	_ =	shalt  }
0x5b: {  	_ =	shalt  }
0x5c: {  	_ =	shalt  }
0x5d: {  	_ =	shalt  }
0x5e: {  	_ =	shalt  }
0x5f: {  	_ =	shalt  }
0x60: {  	_ =	shalt  }
0x61: {  	_ =	shalt  }
0x62: {  	_ =	shalt  }
0x63: {  	_ =	shalt  }
0x64: {  	_ =	shalt  }
0x65: {  	_ =	shalt  }
0x66: {  	_ =	shalt  }
0x67: {  	_ =	shalt  }
0x68: {  	_ =	shalt  }
0x69: {  	_ =	shalt  }
0x6a: {  	_ =	shalt  }
0x6b: {  	_ =	shalt  }
0x6c: {  	_ =	shalt  }
0x6d: {  	_ =	shalt  }
0x6e: {  	_ =	shalt  }
0x6f: {  	_ =	shalt  }
0x70: {  	_ =	shalt  }
0x71: {  	_ =	shalt  }
0x72: {  	_ =	shalt  }
0x73: {  	_ =	shalt  }
0x74: {  	_ =	shalt  }
0x75: {  	_ =	shalt  }
0x76: {  	_ =	shalt  }
0x77: {  	_ =	shalt  }
0x78: {  	_ =	shalt  }
0x79: {  	_ =	shalt  }
0x7a: {  	_ =	shalt  }
0x7b: {  	_ =	shalt  }
0x7c: {  	_ =	shalt  }
0x7d: {  	_ =	shalt  }
0x7e: {  	_ =	shalt  }
0x7f: {  	_ =	shalt  }
0x80: {  	_ =	shalt  }
0x81: {  	_ =	shalt  }
0x82: {  	_ =	shalt  }
0x83: {  	_ =	shalt  }
0x84: {  	_ =	shalt  }
0x85: {  	_ =	shalt  }
0x86: {  	_ =	shalt  }
0x87: {  	_ =	shalt  }
.Lfunc_end0:
.L_simem_size_0:
called_computation.2_lowered:
.L_overlay_start_0:
0x88: {  	s2 =	sld [smem:$0x3FD9]  }
0x89: {  	s3 =	sld [smem:$0x3FFE];
	_ =	sdelay $0x1  }
0x8a: {  	s1 =	srdreg.scid  }
0x8b: {  	s0 =	sand.u32 $0x1, s1  }
0x8c: {  	s17 =	sshll.u32 s0, $0xA;
	s2 =	sadd.s32 s3, s2  }
0x8d: {  	s2 =	sadd.s32 s2, s17  }
0x8e: {  	[smem:$0x3FC2] =	sst s2  }
0x8f: {  	_ = 	snop  }
0x90: {  	(tm) =	ssettm $0x1  }
0x91: {  	s18 =	sld [smem:$0x3FFB];
	_ =	sdelay $0x3  }
0x92: {  	_ =	strace s18  }
0x93: {  	s2 =	sld [smem:$0x3FFC];
	_ =	sdelay $0x3  }
0x94: {  	_ =	strace s2  }
0x95: {  	s2 =	sld [smem:$0x3FFD];
	_ =	sdelay $0x3  }
0x96: {  	_ =	strace s2  }
0x97: {  	_ =	strace $0x8FFFFFFF  }
0x98: {  	s19 =	sld [smem:$0x3FDB];
	_ =	sdelay $0x1  }
0x99: {  	s20 =	simm.s32 $_scs_section_size  }
0x9a: {  	s4 =	simm.s32 $_size__tile_overlayer_lowered;
	s5 =	simm.s32 $_tile_overlayer_lowered  }
0x9b: {  	s6 =	simm.s32 $0x1BFF;
	s21 =	sshll.u32 s5, $0x1;
	s3 =	sadd.s32 s20, s19  }
0x9c: {  	s22 =	simm.s32 $0x0;
	s4 =	sshll.u32 s4, $0x1;
	s5 =	sadd.s32 s21, s3  }
0x9d: {  	[timem:s22], [sflag:s6] =	dma.local [hbm:s5], s4  }
0x9e: {  	_ =	swait.ge [sflag:s6], s4  }
0x9f: {  	s4 =	ssub.s32 $0x0, s4;
	[sflag:s6] =	ssyncset.done $0x0  }
0xa0: {  	[sflag:s6] =	ssyncadd.s32 s4;
	_ =	sdelay $0x1  }
0xa1: {  	s23 =	simm.s32 $0x1B8B  }
0xa2: {  	_ =	swait.ge [sflag:s23], $0x1  }
0xa3: {  	[sflag:s23] =	ssyncset.done $0x0  }
0xa4: {  	[sflag:s23] =	ssyncadd.s32 $0xFFFFFFFF  }
0xa5: {  	s4 =	sld [smem:$0x0]  }
0xa6: {  	s5 =	sand.u32 $0xFFFFFFFE, s1  }
0xa7: {  	p0 =	sne.s32 s1, s5  }
0xa8: {  	s5 =	sshll.u32 @p0 s5, $0xE  }
0xa9: {  	s5 =	sadd.s32 @p0 $0x11B8D, s5;
	s6 =	sshll.u32 @p0 s4, $0x11  }
0xaa: {  	s5 =	sor.u32 @p0 s6, s5  }
0xab: {  	[sflag:s5] =	ssyncadd.remote.s32 @p0 $0x1;
	_ =	sdelay $0x1  }
0xac: {  	s5 =	simm.s32 @p0 $0x1B8D  }
0xad: {  	_ =	swait.eq @p0 [sflag:s5], $0x1  }
0xae: {  	[sflag:s5] =	ssyncadd.s32 @p0 $0xFFFFFFFF  }
0xaf: {  	s6 =	sshll.u32 @!p0 s1, $0xE  }
0xb0: {  	s6 =	sor.u32 @!p0 $0x4000, s6;
	s5 =	simm.s32 @!p0 $0x1B8D  }
0xb1: {  	s4 =	sshll.u32 @!p0 s4, $0x11;
	s6 =	sadd.s32 @!p0 $0x11B8D, s6;
	_ =	swait.eq @!p0 [sflag:s5], $0x1  }
0xb2: {  	s4 =	sor.u32 @!p0 s4, s6;
	[sflag:s5] =	ssyncadd.s32 @!p0 $0xFFFFFFFF  }
0xb3: {  	s25 =	simm.s32 $0x1B8E;
	s24 =	sld [smem:$0x3FFE];
	[sflag:s4] =	ssyncadd.remote.s32 @!p0 $0x1  }
0xb4: {  	s26 =	simm.s32 $execute0_lowered;
	[smem:$0x3FD2] =	sst s25  }
0xb5: {  	s5 =	sshll.u32 s26, $0x1;
	_ =	strace $0x80000049;
	[dreg:$0x1] =	wrdreg $0xFFFFFFFF  }
0xb6: {  	s28 =	simm.s32 $_size_execute0_lowered;
	s3 =	sadd.s32 s3, s5;
	[dreg:$0x0] =	wrdreg $0x0  }
0xb7: {  	s5 =	sshll.u32 s28, $0x1;
	[dreg:$0x2] =	wrdreg s3  }
0xb8: {  	[dreg:$0x3] =	wrdreg s5  }
0xb9: {  	[dreg:$0x4] =	wrdreg $0xC0  }
0xba: {  	_ =	task [dreg:s22], $0x5FFFF  }
0xbb: {  	[dreg:$0x1] =	wrdreg $0xFFFFFFFF  }
0xbc: {  	[dreg:$0x0] =	wrdreg $0x60  }
0xbd: {  	[dreg:$0x2] =	wrdreg s24  }
0xbe: {  	[dreg:$0x3] =	wrdreg $0xA  }
0xbf: {  	_ =	task.clear_ibuf [dreg:s22], $0x4FFFF;
	_ =	strace $0x90000049  }
0xc0: {  	s29 =	simm.s32 $0xA;
	_ =	strace $0x8000004B  }
0xc1: {  	_ =	swait.ge [sflag:s29], $0x1  }
0xc2: {  	[sflag:s29] =	ssyncadd.s32 $0xFFFFFFFF  }
0xc3: {  	_ =	strace $0x9000004B  }
0xc4: {  	_ =	sfence  }
0xc5: {  	s30 =	sld [smem:$0x0];
	_ =	sdelay $0x2  }
0xc6: {  	s31 =	sshll.u32 s1, $0xD;
	s1 =	sshrl.u32 s1, $0x2  }
0xc7: {  	s4 =	sand.u32 $0x4000, s31;
	s1 =	sadd.s32 s1, s30  }
0xc8: {  	s0 =	sor.u32 s4, s0;
	s1 =	sshll.u32 s1, $0x11  }
0xc9: {  	s0 =	sor.u32 s1, s0  }
0xca: {  	s0 =	sadd.s32 $0x8F2B, s0  }
0xcb: {  	[sflag:s0] =	ssyncadd.remote.s32 $0x1  }
0xcc: {  	_ =	sfence.sel $0xFFFF  }
0xcd: {  	[dreg:$0x0] =	wrdreg $0xFFFFFFFF;
	(pc) =	sbr.abs _section_cstart, $3  }
0xce: {  	[dreg:$0x1] =	wrdreg $0xFFFFFFFF  }
0xcf: {  	_ =	task.clear_ibuf [dreg:s22], $0x2FFFF;
	_ =	strace $0x9FFFFFFF  }
0xd0: {  	(tm) =	ssettm $0x7FFFFFFF  }
0xd1: {  	_ =	shalt  }
tec
execute0_lowered:
.L_overlay_start_1:
0x0: {  	(tag) =	ssettag $0x1  }
0x1: {  	s1 =	srdreg.scid  }
0x2: {  	s0 =	stileid.u32;
	s3 =	rddreg [dreg:$0x0]  }
0x3: {  	s2 =	simm.s32 $0x0;
	s4 =	sand.u32 $0x1, s1;
	s5 =	smul.u32 $0x1900, s0  }
0x4: {  	[smem:$0x7FF] =	sst s2;
	s6 =	smul.u32 $0xC80, s4  }
0x5: {  	s1 =	rddreg [dreg:$0x1];
	s29 =	smul.u32 $0xC800, s0;
	_ =	strace $0x8000004A  }
0x6: {  	s7 =	ssub.s32 $0x2, s4;
	s9 =	smul.u32 $0x6400, s4;
	s5 =	sadd.s32 s6, s5  }
0x7: {  	s8 =	sshrl.u32 s7, $0x1;
	s30 =	sadd.s32 s29, s3;
	s5 =	sadd.s32 $0x19000, s5  }
0x8: {  	s31 =	ssub.s32 s7, s8;
	s7 =	simm.s32 $0x2;
	s5 =	sshrl.u32 s5, $0x3  }
0x9: {  	s8 =	simm.s32 $0x140;
	s4 =	smax.u32 s31, $0x1;
	s10 =	sadd.s32 s5, s3  }
0xa: {  	s3 =	sadd.s32 $0xF5FC00, s3;
	s5 =	sadd.s32 s9, s30;
	s9 =	simm.s32 $0x1  }
0xb: {  	s5 =	sadd.s32 $0xE5600, s5;
	s6 =	sadd.s32 $0x4600, s10;
	s10 =	simm.s32 $0x0  }
.LBB2_1:
0xc: {  	s11 =	sand.u32 $0x1, s2  }
0xd: {  	s12 =	smul.u32 $0x500, s11;
	_ =	sdelay $0x1  }
0xe: {  	s11 =	smul.u32 $0x14000, s11;
	s12 =	sshrl.u32 s12, $0x2  }
0xf: {  	[tilespmem:s12], [sflag:$0x2] =	stream.linear.gather [hbm4b:s6+s2], $0x140, $0x38;
	[tilespmem:$0xA280] =	vst v63  }
0x10: {  	_ =	swait.ge [sflag:s7], $0x140  }
0x11: {  	s11 =	sshrl.u32 s11, $0x2;
	[sflag:s7] =	ssyncset.done $0x0  }
0x12: {  	s11 =	sor.u32 $0x280, s11;
	[sflag:s7] =	ssyncadd.s32 $0xFFFFFEC0  }
0x13: {  	[tilespmem:s11], [sflag:$0x1] =	stream.indirect.gather [hbm4b:s3+s8], $0x40, s12, s8, $0xb8;
	[tilespmem:$0xA280] =	vst v63  }
0x14: {  	_ =	swait.ge [sflag:s9], $0x5000  }
0x15: {  	s31 =	simm.s32 $0x1;
	[sflag:s9] =	ssyncset.done $0x0  }
0x16: {  	s14 =	sand.u32 $0x1, s31;
	[sflag:s9] =	ssyncadd.s32 $0xFFFFB000  }
0x17: {  	[hbm4b:s5+s2] =	stream.linear.scatter [tilespmem:s11], [sflag:$0x2], $0x5000, $0x38;
	[tilespmem:$0xA280] =	vst v63  }
0x18: {  	s15 =	simm.s32 $0x2;
	s13 =	smul.u32 $0x500, s14;
	_ =	swait.ge [sflag:s7], $0x5000  }
0x19: {  	s12 =	sadd.s32 $0x28, s6;
	s11 =	sadd.s32 $0xA00, s5;
	[sflag:s7] =	ssyncset.done $0x0  }
.LBB2_2:
0x1a: {  	s14 =	smul.u32 $0x14000, s14  }
0x1b: {  	[sflag:s7] =	ssyncadd.s32 $0xFFFFB000;
	s16 =	smov.u32 s15;
	s17 =	sadd.s32 $0x1, s15  }
0x1c: {  	p0 =	sne.s32 s15, $0x9;
	s13 =	sshrl.u32 s13, $0x2  }
0x1d: {  	[tilespmem:s13], [sflag:$0x2] =	stream.linear.gather [hbm4b:s12+s2], $0x140, $0x38;
	[tilespmem:$0xA280] =	vst v63  }
0x1e: {  	s14 =	sshrl.u32 s14, $0x2;
	_ =	swait.ge [sflag:s7], $0x140  }
0x1f: {  	[sflag:s7] =	ssyncset.done $0x0  }
0x20: {  	s14 =	sor.u32 $0x280, s14;
	[sflag:s7] =	ssyncadd.s32 $0xFFFFFEC0  }
0x21: {  	[tilespmem:s14], [sflag:$0x1] =	stream.indirect.gather [hbm4b:s3+s8], $0x40, s13, s8, $0xb8;
	[tilespmem:$0xA280] =	vst v63  }
0x22: {  	_ =	swait.ge [sflag:s9], $0x5000  }
.Ltmp0:
0x23: {  	[sflag:s9] =	ssyncset.done $0x0;
	(pc) =	sbr.rel @p0 .LBB2_2-.Ltmp0, $4  }
0x24: {  	s15 =	smov.u32 s17;
	[sflag:s9] =	ssyncadd.s32 $0xFFFFB000  }
0x25: {  	[hbm4b:s11+s2] =	stream.linear.scatter [tilespmem:s14], [sflag:$0x2], $0x5000, $0x38;
	[tilespmem:$0xA280] =	vst v63  }
0x26: {  	s12 =	sadd.s32 $0x28, s12;
	s14 =	sand.u32 $0x1, s16;
	_ =	swait.ge [sflag:s7], $0x5000  }
0x27: {  	s11 =	sadd.s32 $0xA00, s11;
	s13 =	smul.u32 $0x500, s14;
	[sflag:s7] =	ssyncset.done $0x0  }
0x28: {  	_ = 	snop  }
0x29: {  	s14 =	smul.u32 $0x14000, s14;
	[sflag:s7] =	ssyncadd.s32 $0xFFFFB000;
	s13 =	sshrl.u32 s13, $0x2  }
0x2a: {  	[tilespmem:s13], [sflag:$0x2] =	stream.linear.gather [hbm4b:s12+s2], $0x140, $0x38;
	[tilespmem:$0xA280] =	vst v63  }
0x2b: {  	_ =	swait.ge [sflag:s7], $0x140  }
0x2c: {  	s31 =	sshrl.u32 s14, $0x2;
	[sflag:s7] =	ssyncset.done $0x0  }
0x2d: {  	s12 =	sor.u32 $0x280, s31;
	[sflag:s7] =	ssyncadd.s32 $0xFFFFFEC0  }
0x2e: {  	[tilespmem:s12], [sflag:$0x1] =	stream.indirect.gather [hbm4b:s3+s8], $0x40, s13, s8, $0xb8;
	[tilespmem:$0xA280] =	vst v63  }
0x2f: {  	s10 =	sadd.s32 $0x1, s10;
	_ =	swait.ge [sflag:s9], $0x5000  }
0x30: {  	p0 =	sne.s32 s10, s4;
	[sflag:s9] =	ssyncset.done $0x0  }
.Ltmp1:
0x31: {  	[sflag:s9] =	ssyncadd.s32 $0xFFFFB000;
	(pc) =	sbr.rel @p0 .LBB2_1-.Ltmp1, $4  }
0x32: {  	[hbm4b:s11+s2] =	stream.linear.scatter [tilespmem:s12], [sflag:$0x2], $0x5000, $0x38;
	[tilespmem:$0xA280] =	vst v63  }
0x33: {  	_ =	swait.ge [sflag:s7], $0x5000  }
0x34: {  	[sflag:s7] =	ssyncset.done $0x0  }
0x35: {  	[sflag:s7] =	ssyncadd.s32 $0xFFFFB000  }
0x36: {  	_ =	sfence.sel $0x180000  }
0x37: {  	[bflag:$0x0] =	sbarrier.arrive $0xFFFF  }
0x38: {  	p0 =	sne.s32 s0, $0x0;
	_ =	strace $0x9000004A  }
0x39: {  	s0 =	sadd.s32 @!p0 $0x100000, s1;
	[bflag:$0x2] =	sbarrier.arrive $0xFFFF  }
0x3a: {  	[sflag:s0] =	ssyncadd.tile.s32 @!p0 $0x1;
	_ =	shalt  }
.Lfunc_end2:
_tile_overlayer_lowered:
.L_overlay_start_2:
0x3b: {  	(tag) =	ssettag $0x2  }
0x3c: {  	s0 =	rddreg [dreg:$0x0];
	s2 =	stileid.u32  }
0x3d: {  	s1 =	rddreg [dreg:$0x1];
	p0 =	sne.s32 s2, $0x0  }
0x3e: {  	s3 =	rddreg [dreg:$0x2];
	[bflag:$0x3] =	sbarrier.arrive $0xFFFF;
	s2 =	simm.s32 @!p0 $0x1C02  }
0x3f: {  	[timem:s3], [sflag:s2] =	dma.local @!p0 [hbm:s0], s1  }
0x40: {  	s0 =	simm.s32 @!p0 $0x2  }
0x41: {  	_ =	swait.ge @!p0 [sflag:s0], s1  }
0x42: {  	s1 =	ssub.s32 @!p0 $0x0, s1;
	[sflag:s0] =	ssyncset.done @!p0 $0x0  }
0x43: {  	[sflag:s0] =	ssyncadd.s32 @!p0 s1  }
0x44: {  	[bflag:$0x3] =	sbarrier.arrive $0xFFFF  }
0x45: {  	_ =	shalt  }

// kernel: kernel.24.cloned.1.call-start
scs
__scs_entry_jumppad:
0x0: {  	(pc) =	sbr.rel $0x88, $3  }
0x1: {  	(tag) =	ssettag $0x0;
	lr =	simm.s32 $0x1  }
0x2: {  	[smem:$0x3F9B] =	sst lr;
	_ =	strace $0xD0000000  }
0x3: {  	_ = 	snop  }
0x4: {  	_ = 	snop  }
0x5: {  	_ = 	snop  }
0x6: {  	_ = 	snop  }
0x7: {  	_ = 	snop  }
__scs_overlays_trampoline_lowered:
0x8: {  	[smem:$0x3FAA] =	sst s0  }
0x9: {  	[smem:$0x3FAB] =	sst s1  }
0xa: {  	[smem:$0x3FAC] =	sst s2  }
0xb: {  	[smem:$0x3FAD] =	sst s3  }
0xc: {  	[smem:$0x3FAE] =	sst s4  }
0xd: {  	[smem:$0x3FAF] =	sst s5  }
0xe: {  	[smem:$0x3FB0] =	sst s6  }
0xf: {  	[smem:$0x3FB1] =	sst s7  }
0x10: {  	[smem:$0x3FB2] =	sst s8  }
0x11: {  	[smem:$0x3FB3] =	sst s9;
	s0 =	simm.s32 @!p0 $0x0  }
0x12: {  	s1 =	sld [smem:$0x3F99];
	s0 =	simm.s32 @p0 $0x1  }
0x13: {  	[smem:$0x3FB4] =	sst s0;
	s0 =	simm.s32 @!p1 $0x0  }
0x14: {  	s2 =	sld [smem:$0x3F98];
	s0 =	simm.s32 @p1 $0x1  }
0x15: {  	[smem:$0x3FB5] =	sst s0;
	s0 =	simm.s32 @!p2 $0x0  }
0x16: {  	s3 =	sld [smem:$0x3FDB];
	s0 =	simm.s32 @p2 $0x1  }
0x17: {  	s4 =	simm.s32 $0x1BF5;
	[smem:$0x3FB7] =	sst s0  }
0x18: {  	s0 =	sld [smem:$0x3F9A];
	_ =	swait.ge [sflag:s4], $0x0  }
0x19: {  	s7 =	sld [smem:$0x3F9B]  }
0x1a: {  	s8 =	sadd.s32 $0xFFFFE003, lr  }
0x1b: {  	s9 =	sadd.s32 $0xFFFFFEF7, lr;
	s5 =	simm.s32 $0xFFFFFFFF;
	p2 =	slt.u32 s8, $0xFFFFF086  }
0x1c: {  	p1 =	slt.u32 s9, $0xF7A;
	s5 =	simm.s32 @!p2 $0x0  }
0x1d: {  	s5 =	simm.s32 @p1 $0x1;
	p0 =	seq.s32 s7, s2  }
0x1e: {  	s7 =	smul.u32 @!p0 $0xF7A, s2;
	p2 =	seq.s32 @!p0 s5, $0x0  }
0x1f: {  	s9 =	smul.u32 $0xF7A, s1;
	s8 =	simm.s32 @!p0 $0x1BF5;
	p2 =	por !p2, p0  }
0x20: {  	[sflag:s8] =	ssyncset.s32 @!p0 $0xFFFFF086;
	s6 =	sadd.s32 @!p0 s3, s7;
	s7 =	simm.s32 @!p0 $0x108  }
0x21: {  	s3 =	sadd.s32 s3, s9;
	s6 =	sadd.s32 @!p0 $0x88, s6;
	s7 =	simm.s32 @p2 $0x1082  }
0x22: {  	[simem:s7], [sflag:s8] =	dma.local @!p0 [hbm:s6], $0xF7A  }
0x23: {  	s9 =	sor.u32 $0xD0000000, s2;
	s6 =	simm.s32 $0x108;
	_ =	swait.ge @!p0 [sflag:s8], $0x0  }
0x24: {  	s3 =	sadd.s32 $0x88, s3;
	s6 =	simm.s32 @!p1 $0x1082;
	[sflag:s4] =	ssyncset.s32 $0xFFFFF086  }
0x25: {  	[simem:s6], [sflag:s4] =	dma.local [hbm:s3], $0xF7A  }
0x26: {  	[smem:$0x3F9B] =	sst s1;
	(tag) =	ssettag s2;
	_ =	strace s9  }
0x27: {  	s1 =	sld [smem:$0x3FAB]  }
0x28: {  	s2 =	sld [smem:$0x3FAC]  }
0x29: {  	s4 =	sld [smem:$0x3FAE]  }
0x2a: {  	p0 =	seq.s32 s5, $0x0;
	s5 =	sld [smem:$0x3FAF]  }
0x2b: {  	s6 =	sld [smem:$0x3FB0]  }
0x2c: {  	s7 =	sld [smem:$0x3FB1]  }
0x2d: {  	s3 =	simm.s32 $0x108;
	s8 =	sld [smem:$0x3FB2]  }
0x2e: {  	s3 =	simm.s32 @!p0 $0x1082;
	s9 =	sld [smem:$0x3FB3]  }
0x2f: {  	lr =	sadd.s32 s0, s3;
	s0 =	sld [smem:$0x3FAA]  }
0x30: {  	s3 =	sld [smem:$0x3FAD]  }
0x31: {  	[smem:$0x3FB6] =	sst s10  }
0x32: {  	s10 =	sld [smem:$0x3FB4];
	_ =	sdelay $0x3  }
0x33: {  	p0 =	seq.s32 s10, $0x1;
	s10 =	sld [smem:$0x3FB6];
	_ =	sdelay $0x3  }
0x34: {  	[smem:$0x3FB6] =	sst s10  }
0x35: {  	s10 =	sld [smem:$0x3FB5];
	_ =	sdelay $0x3  }
0x36: {  	p1 =	seq.s32 s10, $0x1;
	s10 =	sld [smem:$0x3FB6];
	_ =	sdelay $0x3  }
0x37: {  	[smem:$0x3FB6] =	sst s10  }
0x38: {  	s10 =	sld [smem:$0x3FB7]  }
0x39: {  	_ = 	snop;
	(pc) =	sbr.ind lr, $3  }
0x3a: {  	_ = 	snop  }
0x3b: {  	_ = 	snop  }
0x3c: {  	p2 =	seq.s32 s10, $0x1;
	s10 =	sld [smem:$0x3FB6]  }
0x3d: {  	_ =	shalt  }
0x3e: {  	_ =	shalt  }
0x3f: {  	_ =	shalt  }
0x40: {  	_ =	shalt  }
0x41: {  	_ =	shalt  }
0x42: {  	_ =	shalt  }
0x43: {  	_ =	shalt  }
0x44: {  	_ =	shalt  }
0x45: {  	_ =	shalt  }
0x46: {  	_ =	shalt  }
0x47: {  	_ =	shalt  }
0x48: {  	_ =	shalt  }
0x49: {  	_ =	shalt  }
0x4a: {  	_ =	shalt  }
0x4b: {  	_ =	shalt  }
0x4c: {  	_ =	shalt  }
0x4d: {  	_ =	shalt  }
0x4e: {  	_ =	shalt  }
0x4f: {  	_ =	shalt  }
0x50: {  	_ =	shalt  }
0x51: {  	_ =	shalt  }
0x52: {  	_ =	shalt  }
0x53: {  	_ =	shalt  }
0x54: {  	_ =	shalt  }
0x55: {  	_ =	shalt  }
0x56: {  	_ =	shalt  }
0x57: {  	_ =	shalt  }
0x58: {  	_ =	shalt  }
0x59: {  	_ =	shalt  }
0x5a: {  	_ =	shalt  }
0x5b: {  	_ =	shalt  }
0x5c: {  	_ =	shalt  }
0x5d: {  	_ =	shalt  }
0x5e: {  	_ =	shalt  }
0x5f: {  	_ =	shalt  }
0x60: {  	_ =	shalt  }
0x61: {  	_ =	shalt  }
0x62: {  	_ =	shalt  }
0x63: {  	_ =	shalt  }
0x64: {  	_ =	shalt  }
0x65: {  	_ =	shalt  }
0x66: {  	_ =	shalt  }
0x67: {  	_ =	shalt  }
0x68: {  	_ =	shalt  }
0x69: {  	_ =	shalt  }
0x6a: {  	_ =	shalt  }
0x6b: {  	_ =	shalt  }
0x6c: {  	_ =	shalt  }
0x6d: {  	_ =	shalt  }
0x6e: {  	_ =	shalt  }
0x6f: {  	_ =	shalt  }
0x70: {  	_ =	shalt  }
0x71: {  	_ =	shalt  }
0x72: {  	_ =	shalt  }
0x73: {  	_ =	shalt  }
0x74: {  	_ =	shalt  }
0x75: {  	_ =	shalt  }
0x76: {  	_ =	shalt  }
0x77: {  	_ =	shalt  }
0x78: {  	_ =	shalt  }
0x79: {  	_ =	shalt  }
0x7a: {  	_ =	shalt  }
0x7b: {  	_ =	shalt  }
0x7c: {  	_ =	shalt  }
0x7d: {  	_ =	shalt  }
0x7e: {  	_ =	shalt  }
0x7f: {  	_ =	shalt  }
0x80: {  	_ =	shalt  }
0x81: {  	_ =	shalt  }
0x82: {  	_ =	shalt  }
0x83: {  	_ =	shalt  }
0x84: {  	_ =	shalt  }
0x85: {  	_ =	shalt  }
0x86: {  	_ =	shalt  }
0x87: {  	_ =	shalt  }
.Lfunc_end0:
.L_simem_size_0:
called_computation.3_lowered:
.L_overlay_start_0:
0x88: {  	s2 =	sld [smem:$0x3FD9]  }
0x89: {  	s3 =	sld [smem:$0x3FFE];
	_ =	sdelay $0x1  }
0x8a: {  	s1 =	srdreg.scid  }
0x8b: {  	s0 =	sand.u32 $0x1, s1  }
0x8c: {  	s17 =	sshll.u32 s0, $0xA;
	s2 =	sadd.s32 s3, s2  }
0x8d: {  	s2 =	sadd.s32 s2, s17  }
0x8e: {  	[smem:$0x3FC2] =	sst s2  }
0x8f: {  	_ = 	snop  }
0x90: {  	(tm) =	ssettm $0x1  }
0x91: {  	s18 =	sld [smem:$0x3FFB];
	_ =	sdelay $0x3  }
0x92: {  	_ =	strace s18  }
0x93: {  	s2 =	sld [smem:$0x3FFC];
	_ =	sdelay $0x3  }
0x94: {  	_ =	strace s2  }
0x95: {  	s2 =	sld [smem:$0x3FFD];
	_ =	sdelay $0x3  }
0x96: {  	_ =	strace s2  }
0x97: {  	_ =	strace $0x8FFFFFFF  }
0x98: {  	s19 =	sld [smem:$0x3FDB];
	_ =	sdelay $0x1  }
0x99: {  	s20 =	simm.s32 $_scs_section_size  }
0x9a: {  	s4 =	simm.s32 $_size__tile_overlayer_lowered;
	s5 =	simm.s32 $_tile_overlayer_lowered  }
0x9b: {  	s6 =	simm.s32 $0x1BFF;
	s21 =	sshll.u32 s5, $0x1;
	s3 =	sadd.s32 s20, s19  }
0x9c: {  	s22 =	simm.s32 $0x0;
	s4 =	sshll.u32 s4, $0x1;
	s5 =	sadd.s32 s21, s3  }
0x9d: {  	[timem:s22], [sflag:s6] =	dma.local [hbm:s5], s4  }
0x9e: {  	_ =	swait.ge [sflag:s6], s4  }
0x9f: {  	s4 =	ssub.s32 $0x0, s4;
	[sflag:s6] =	ssyncset.done $0x0  }
0xa0: {  	[sflag:s6] =	ssyncadd.s32 s4;
	_ =	sdelay $0x1  }
0xa1: {  	s23 =	simm.s32 $0x1B8B  }
0xa2: {  	_ =	swait.ge [sflag:s23], $0x1  }
0xa3: {  	[sflag:s23] =	ssyncset.done $0x0  }
0xa4: {  	[sflag:s23] =	ssyncadd.s32 $0xFFFFFFFF  }
0xa5: {  	s4 =	sld [smem:$0x0]  }
0xa6: {  	s5 =	sand.u32 $0xFFFFFFFE, s1  }
0xa7: {  	p0 =	sne.s32 s1, s5  }
0xa8: {  	s5 =	sshll.u32 @p0 s5, $0xE  }
0xa9: {  	s5 =	sadd.s32 @p0 $0x11B8D, s5;
	s6 =	sshll.u32 @p0 s4, $0x11  }
0xaa: {  	s5 =	sor.u32 @p0 s6, s5  }
0xab: {  	[sflag:s5] =	ssyncadd.remote.s32 @p0 $0x1;
	_ =	sdelay $0x1  }
0xac: {  	s5 =	simm.s32 @p0 $0x1B8D  }
0xad: {  	_ =	swait.eq @p0 [sflag:s5], $0x1  }
0xae: {  	[sflag:s5] =	ssyncadd.s32 @p0 $0xFFFFFFFF  }
0xaf: {  	s6 =	sshll.u32 @!p0 s1, $0xE  }
0xb0: {  	s6 =	sor.u32 @!p0 $0x4000, s6;
	s5 =	simm.s32 @!p0 $0x1B8D  }
0xb1: {  	s4 =	sshll.u32 @!p0 s4, $0x11;
	s6 =	sadd.s32 @!p0 $0x11B8D, s6;
	_ =	swait.eq @!p0 [sflag:s5], $0x1  }
0xb2: {  	s4 =	sor.u32 @!p0 s4, s6;
	[sflag:s5] =	ssyncadd.s32 @!p0 $0xFFFFFFFF  }
0xb3: {  	s25 =	simm.s32 $0x1B8E;
	s24 =	sld [smem:$0x3FFE];
	[sflag:s4] =	ssyncadd.remote.s32 @!p0 $0x1  }
0xb4: {  	s26 =	simm.s32 $execute0_lowered;
	[smem:$0x3FD2] =	sst s25  }
0xb5: {  	s5 =	sshll.u32 s26, $0x1;
	_ =	strace $0x8000004C;
	[dreg:$0x1] =	wrdreg $0xFFFFFFFF  }
0xb6: {  	s28 =	simm.s32 $_size_execute0_lowered;
	s3 =	sadd.s32 s3, s5;
	[dreg:$0x0] =	wrdreg $0x0  }
0xb7: {  	s5 =	sshll.u32 s28, $0x1;
	[dreg:$0x2] =	wrdreg s3  }
0xb8: {  	[dreg:$0x3] =	wrdreg s5  }
0xb9: {  	[dreg:$0x4] =	wrdreg $0xC0  }
0xba: {  	_ =	task [dreg:s22], $0x5FFFF  }
0xbb: {  	[dreg:$0x1] =	wrdreg $0xFFFFFFFF  }
0xbc: {  	[dreg:$0x0] =	wrdreg $0x60  }
0xbd: {  	[dreg:$0x2] =	wrdreg s24  }
0xbe: {  	[dreg:$0x3] =	wrdreg $0xB  }
0xbf: {  	_ =	task.clear_ibuf [dreg:s22], $0x4FFFF;
	_ =	strace $0x9000004C  }
0xc0: {  	s29 =	simm.s32 $0xB;
	_ =	strace $0x8000004E  }
0xc1: {  	_ =	swait.ge [sflag:s29], $0x1  }
0xc2: {  	[sflag:s29] =	ssyncadd.s32 $0xFFFFFFFF  }
0xc3: {  	_ =	strace $0x9000004E  }
0xc4: {  	_ =	sfence  }
0xc5: {  	s30 =	sld [smem:$0x0];
	_ =	sdelay $0x2  }
0xc6: {  	s31 =	sshll.u32 s1, $0xD;
	s1 =	sshrl.u32 s1, $0x2  }
0xc7: {  	s4 =	sand.u32 $0x4000, s31;
	s1 =	sadd.s32 s1, s30  }
0xc8: {  	s0 =	sor.u32 s4, s0;
	s1 =	sshll.u32 s1, $0x11  }
0xc9: {  	s0 =	sor.u32 s1, s0  }
0xca: {  	s0 =	sadd.s32 $0x8F2B, s0  }
0xcb: {  	[sflag:s0] =	ssyncadd.remote.s32 $0x1  }
0xcc: {  	_ =	sfence.sel $0xFFFF  }
0xcd: {  	[dreg:$0x0] =	wrdreg $0xFFFFFFFF;
	(pc) =	sbr.abs _section_cstart, $3  }
0xce: {  	[dreg:$0x1] =	wrdreg $0xFFFFFFFF  }
0xcf: {  	_ =	task.clear_ibuf [dreg:s22], $0x2FFFF;
	_ =	strace $0x9FFFFFFF  }
0xd0: {  	(tm) =	ssettm $0x7FFFFFFF  }
0xd1: {  	_ =	shalt  }
tec
execute0_lowered:
.L_overlay_start_1:
0x0: {  	(tag) =	ssettag $0x1  }
0x1: {  	s1 =	srdreg.scid  }
0x2: {  	s0 =	stileid.u32;
	s3 =	rddreg [dreg:$0x0]  }
0x3: {  	s2 =	simm.s32 $0x0;
	s4 =	sand.u32 $0x1, s1;
	s5 =	smul.u32 $0x1900, s0  }
0x4: {  	[smem:$0x7FF] =	sst s2;
	s6 =	smul.u32 $0xC80, s4  }
0x5: {  	s1 =	rddreg [dreg:$0x1];
	s29 =	smul.u32 $0xC800, s0;
	_ =	strace $0x8000004D  }
0x6: {  	s7 =	ssub.s32 $0x2, s4;
	s9 =	smul.u32 $0x6400, s4;
	s5 =	sadd.s32 s6, s5  }
0x7: {  	s8 =	sshrl.u32 s7, $0x1;
	s30 =	sadd.s32 s29, s3;
	s5 =	sadd.s32 $0x32000, s5  }
0x8: {  	s31 =	ssub.s32 s7, s8;
	s7 =	simm.s32 $0x2;
	s5 =	sshrl.u32 s5, $0x3  }
0x9: {  	s8 =	simm.s32 $0x140;
	s4 =	smax.u32 s31, $0x1;
	s10 =	sadd.s32 s5, s3  }
0xa: {  	s3 =	sadd.s32 $0xF5FC00, s3;
	s5 =	sadd.s32 s9, s30;
	s9 =	simm.s32 $0x1  }
0xb: {  	s5 =	sadd.s32 $0x1AD600, s5;
	s6 =	sadd.s32 $0x4600, s10;
	s10 =	simm.s32 $0x0  }
.LBB2_1:
0xc: {  	s11 =	sand.u32 $0x1, s2  }
0xd: {  	s12 =	smul.u32 $0x500, s11;
	_ =	sdelay $0x1  }
0xe: {  	s11 =	smul.u32 $0x14000, s11;
	s12 =	sshrl.u32 s12, $0x2  }
0xf: {  	[tilespmem:s12], [sflag:$0x2] =	stream.linear.gather [hbm4b:s6+s2], $0x140, $0x38;
	[tilespmem:$0xA280] =	vst v63  }
0x10: {  	_ =	swait.ge [sflag:s7], $0x140  }
0x11: {  	s11 =	sshrl.u32 s11, $0x2;
	[sflag:s7] =	ssyncset.done $0x0  }
0x12: {  	s11 =	sor.u32 $0x280, s11;
	[sflag:s7] =	ssyncadd.s32 $0xFFFFFEC0  }
0x13: {  	[tilespmem:s11], [sflag:$0x1] =	stream.indirect.gather [hbm4b:s3+s8], $0x40, s12, s8, $0xb8;
	[tilespmem:$0xA280] =	vst v63  }
0x14: {  	_ =	swait.ge [sflag:s9], $0x5000  }
0x15: {  	s31 =	simm.s32 $0x1;
	[sflag:s9] =	ssyncset.done $0x0  }
0x16: {  	s14 =	sand.u32 $0x1, s31;
	[sflag:s9] =	ssyncadd.s32 $0xFFFFB000  }
0x17: {  	[hbm4b:s5+s2] =	stream.linear.scatter [tilespmem:s11], [sflag:$0x2], $0x5000, $0x38;
	[tilespmem:$0xA280] =	vst v63  }
0x18: {  	s15 =	simm.s32 $0x2;
	s13 =	smul.u32 $0x500, s14;
	_ =	swait.ge [sflag:s7], $0x5000  }
0x19: {  	s12 =	sadd.s32 $0x28, s6;
	s11 =	sadd.s32 $0xA00, s5;
	[sflag:s7] =	ssyncset.done $0x0  }
.LBB2_2:
0x1a: {  	s14 =	smul.u32 $0x14000, s14  }
0x1b: {  	[sflag:s7] =	ssyncadd.s32 $0xFFFFB000;
	s16 =	smov.u32 s15;
	s17 =	sadd.s32 $0x1, s15  }
0x1c: {  	p0 =	sne.s32 s15, $0x9;
	s13 =	sshrl.u32 s13, $0x2  }
0x1d: {  	[tilespmem:s13], [sflag:$0x2] =	stream.linear.gather [hbm4b:s12+s2], $0x140, $0x38;
	[tilespmem:$0xA280] =	vst v63  }
0x1e: {  	s14 =	sshrl.u32 s14, $0x2;
	_ =	swait.ge [sflag:s7], $0x140  }
0x1f: {  	[sflag:s7] =	ssyncset.done $0x0  }
0x20: {  	s14 =	sor.u32 $0x280, s14;
	[sflag:s7] =	ssyncadd.s32 $0xFFFFFEC0  }
0x21: {  	[tilespmem:s14], [sflag:$0x1] =	stream.indirect.gather [hbm4b:s3+s8], $0x40, s13, s8, $0xb8;
	[tilespmem:$0xA280] =	vst v63  }
0x22: {  	_ =	swait.ge [sflag:s9], $0x5000  }
.Ltmp0:
0x23: {  	[sflag:s9] =	ssyncset.done $0x0;
	(pc) =	sbr.rel @p0 .LBB2_2-.Ltmp0, $4  }
0x24: {  	s15 =	smov.u32 s17;
	[sflag:s9] =	ssyncadd.s32 $0xFFFFB000  }
0x25: {  	[hbm4b:s11+s2] =	stream.linear.scatter [tilespmem:s14], [sflag:$0x2], $0x5000, $0x38;
	[tilespmem:$0xA280] =	vst v63  }
0x26: {  	s12 =	sadd.s32 $0x28, s12;
	s14 =	sand.u32 $0x1, s16;
	_ =	swait.ge [sflag:s7], $0x5000  }
0x27: {  	s11 =	sadd.s32 $0xA00, s11;
	s13 =	smul.u32 $0x500, s14;
	[sflag:s7] =	ssyncset.done $0x0  }
0x28: {  	_ = 	snop  }
0x29: {  	s14 =	smul.u32 $0x14000, s14;
	[sflag:s7] =	ssyncadd.s32 $0xFFFFB000;
	s13 =	sshrl.u32 s13, $0x2  }
0x2a: {  	[tilespmem:s13], [sflag:$0x2] =	stream.linear.gather [hbm4b:s12+s2], $0x140, $0x38;
	[tilespmem:$0xA280] =	vst v63  }
0x2b: {  	_ =	swait.ge [sflag:s7], $0x140  }
0x2c: {  	s31 =	sshrl.u32 s14, $0x2;
	[sflag:s7] =	ssyncset.done $0x0  }
0x2d: {  	s12 =	sor.u32 $0x280, s31;
	[sflag:s7] =	ssyncadd.s32 $0xFFFFFEC0  }
0x2e: {  	[tilespmem:s12], [sflag:$0x1] =	stream.indirect.gather [hbm4b:s3+s8], $0x40, s13, s8, $0xb8;
	[tilespmem:$0xA280] =	vst v63  }
0x2f: {  	s10 =	sadd.s32 $0x1, s10;
	_ =	swait.ge [sflag:s9], $0x5000  }
0x30: {  	p0 =	sne.s32 s10, s4;
	[sflag:s9] =	ssyncset.done $0x0  }
.Ltmp1:
0x31: {  	[sflag:s9] =	ssyncadd.s32 $0xFFFFB000;
	(pc) =	sbr.rel @p0 .LBB2_1-.Ltmp1, $4  }
0x32: {  	[hbm4b:s11+s2] =	stream.linear.scatter [tilespmem:s12], [sflag:$0x2], $0x5000, $0x38;
	[tilespmem:$0xA280] =	vst v63  }
0x33: {  	_ =	swait.ge [sflag:s7], $0x5000  }
0x34: {  	[sflag:s7] =	ssyncset.done $0x0  }
0x35: {  	[sflag:s7] =	ssyncadd.s32 $0xFFFFB000  }
0x36: {  	_ =	sfence.sel $0x180000  }
0x37: {  	[bflag:$0x0] =	sbarrier.arrive $0xFFFF  }
0x38: {  	p0 =	sne.s32 s0, $0x0;
	_ =	strace $0x9000004D  }
0x39: {  	s0 =	sadd.s32 @!p0 $0x100000, s1;
	[bflag:$0x2] =	sbarrier.arrive $0xFFFF  }
0x3a: {  	[sflag:s0] =	ssyncadd.tile.s32 @!p0 $0x1;
	_ =	shalt  }
.Lfunc_end2:
_tile_overlayer_lowered:
.L_overlay_start_2:
0x3b: {  	(tag) =	ssettag $0x2  }
0x3c: {  	s0 =	rddreg [dreg:$0x0];
	s2 =	stileid.u32  }
0x3d: {  	s1 =	rddreg [dreg:$0x1];
	p0 =	sne.s32 s2, $0x0  }
0x3e: {  	s3 =	rddreg [dreg:$0x2];
	[bflag:$0x3] =	sbarrier.arrive $0xFFFF;
	s2 =	simm.s32 @!p0 $0x1C02  }
0x3f: {  	[timem:s3], [sflag:s2] =	dma.local @!p0 [hbm:s0], s1  }
0x40: {  	s0 =	simm.s32 @!p0 $0x2  }
0x41: {  	_ =	swait.ge @!p0 [sflag:s0], s1  }
0x42: {  	s1 =	ssub.s32 @!p0 $0x0, s1;
	[sflag:s0] =	ssyncset.done @!p0 $0x0  }
0x43: {  	[sflag:s0] =	ssyncadd.s32 @!p0 s1  }
0x44: {  	[bflag:$0x3] =	sbarrier.arrive $0xFFFF  }
0x45: {  	_ =	shalt  }

// kernel: kernel.27.cloned.1.call-start
scs
__scs_entry_jumppad:
0x0: {  	(pc) =	sbr.rel $0x88, $3  }
0x1: {  	(tag) =	ssettag $0x0;
	lr =	simm.s32 $0x1  }
0x2: {  	[smem:$0x3F9B] =	sst lr;
	_ =	strace $0xD0000000  }
0x3: {  	_ = 	snop  }
0x4: {  	_ = 	snop  }
0x5: {  	_ = 	snop  }
0x6: {  	_ = 	snop  }
0x7: {  	_ = 	snop  }
__scs_overlays_trampoline_lowered:
0x8: {  	[smem:$0x3FAA] =	sst s0  }
0x9: {  	[smem:$0x3FAB] =	sst s1  }
0xa: {  	[smem:$0x3FAC] =	sst s2  }
0xb: {  	[smem:$0x3FAD] =	sst s3  }
0xc: {  	[smem:$0x3FAE] =	sst s4  }
0xd: {  	[smem:$0x3FAF] =	sst s5  }
0xe: {  	[smem:$0x3FB0] =	sst s6  }
0xf: {  	[smem:$0x3FB1] =	sst s7  }
0x10: {  	[smem:$0x3FB2] =	sst s8  }
0x11: {  	[smem:$0x3FB3] =	sst s9;
	s0 =	simm.s32 @!p0 $0x0  }
0x12: {  	s1 =	sld [smem:$0x3F99];
	s0 =	simm.s32 @p0 $0x1  }
0x13: {  	[smem:$0x3FB4] =	sst s0;
	s0 =	simm.s32 @!p1 $0x0  }
0x14: {  	s2 =	sld [smem:$0x3F98];
	s0 =	simm.s32 @p1 $0x1  }
0x15: {  	[smem:$0x3FB5] =	sst s0;
	s0 =	simm.s32 @!p2 $0x0  }
0x16: {  	s3 =	sld [smem:$0x3FDB];
	s0 =	simm.s32 @p2 $0x1  }
0x17: {  	s4 =	simm.s32 $0x1BF5;
	[smem:$0x3FB7] =	sst s0  }
0x18: {  	s0 =	sld [smem:$0x3F9A];
	_ =	swait.ge [sflag:s4], $0x0  }
0x19: {  	s7 =	sld [smem:$0x3F9B]  }
0x1a: {  	s8 =	sadd.s32 $0xFFFFE003, lr  }
0x1b: {  	s9 =	sadd.s32 $0xFFFFFEF7, lr;
	s5 =	simm.s32 $0xFFFFFFFF;
	p2 =	slt.u32 s8, $0xFFFFF086  }
0x1c: {  	p1 =	slt.u32 s9, $0xF7A;
	s5 =	simm.s32 @!p2 $0x0  }
0x1d: {  	s5 =	simm.s32 @p1 $0x1;
	p0 =	seq.s32 s7, s2  }
0x1e: {  	s7 =	smul.u32 @!p0 $0xF7A, s2;
	p2 =	seq.s32 @!p0 s5, $0x0  }
0x1f: {  	s9 =	smul.u32 $0xF7A, s1;
	s8 =	simm.s32 @!p0 $0x1BF5;
	p2 =	por !p2, p0  }
0x20: {  	[sflag:s8] =	ssyncset.s32 @!p0 $0xFFFFF086;
	s6 =	sadd.s32 @!p0 s3, s7;
	s7 =	simm.s32 @!p0 $0x108  }
0x21: {  	s3 =	sadd.s32 s3, s9;
	s6 =	sadd.s32 @!p0 $0x88, s6;
	s7 =	simm.s32 @p2 $0x1082  }
0x22: {  	[simem:s7], [sflag:s8] =	dma.local @!p0 [hbm:s6], $0xF7A  }
0x23: {  	s9 =	sor.u32 $0xD0000000, s2;
	s6 =	simm.s32 $0x108;
	_ =	swait.ge @!p0 [sflag:s8], $0x0  }
0x24: {  	s3 =	sadd.s32 $0x88, s3;
	s6 =	simm.s32 @!p1 $0x1082;
	[sflag:s4] =	ssyncset.s32 $0xFFFFF086  }
0x25: {  	[simem:s6], [sflag:s4] =	dma.local [hbm:s3], $0xF7A  }
0x26: {  	[smem:$0x3F9B] =	sst s1;
	(tag) =	ssettag s2;
	_ =	strace s9  }
0x27: {  	s1 =	sld [smem:$0x3FAB]  }
0x28: {  	s2 =	sld [smem:$0x3FAC]  }
0x29: {  	s4 =	sld [smem:$0x3FAE]  }
0x2a: {  	p0 =	seq.s32 s5, $0x0;
	s5 =	sld [smem:$0x3FAF]  }
0x2b: {  	s6 =	sld [smem:$0x3FB0]  }
0x2c: {  	s7 =	sld [smem:$0x3FB1]  }
0x2d: {  	s3 =	simm.s32 $0x108;
	s8 =	sld [smem:$0x3FB2]  }
0x2e: {  	s3 =	simm.s32 @!p0 $0x1082;
	s9 =	sld [smem:$0x3FB3]  }
0x2f: {  	lr =	sadd.s32 s0, s3;
	s0 =	sld [smem:$0x3FAA]  }
0x30: {  	s3 =	sld [smem:$0x3FAD]  }
0x31: {  	[smem:$0x3FB6] =	sst s10  }
0x32: {  	s10 =	sld [smem:$0x3FB4];
	_ =	sdelay $0x3  }
0x33: {  	p0 =	seq.s32 s10, $0x1;
	s10 =	sld [smem:$0x3FB6];
	_ =	sdelay $0x3  }
0x34: {  	[smem:$0x3FB6] =	sst s10  }
0x35: {  	s10 =	sld [smem:$0x3FB5];
	_ =	sdelay $0x3  }
0x36: {  	p1 =	seq.s32 s10, $0x1;
	s10 =	sld [smem:$0x3FB6];
	_ =	sdelay $0x3  }
0x37: {  	[smem:$0x3FB6] =	sst s10  }
0x38: {  	s10 =	sld [smem:$0x3FB7]  }
0x39: {  	_ = 	snop;
	(pc) =	sbr.ind lr, $3  }
0x3a: {  	_ = 	snop  }
0x3b: {  	_ = 	snop  }
0x3c: {  	p2 =	seq.s32 s10, $0x1;
	s10 =	sld [smem:$0x3FB6]  }
0x3d: {  	_ =	shalt  }
0x3e: {  	_ =	shalt  }
0x3f: {  	_ =	shalt  }
0x40: {  	_ =	shalt  }
0x41: {  	_ =	shalt  }
0x42: {  	_ =	shalt  }
0x43: {  	_ =	shalt  }
0x44: {  	_ =	shalt  }
0x45: {  	_ =	shalt  }
0x46: {  	_ =	shalt  }
0x47: {  	_ =	shalt  }
0x48: {  	_ =	shalt  }
0x49: {  	_ =	shalt  }
0x4a: {  	_ =	shalt  }
0x4b: {  	_ =	shalt  }
0x4c: {  	_ =	shalt  }
0x4d: {  	_ =	shalt  }
0x4e: {  	_ =	shalt  }
0x4f: {  	_ =	shalt  }
0x50: {  	_ =	shalt  }
0x51: {  	_ =	shalt  }
0x52: {  	_ =	shalt  }
0x53: {  	_ =	shalt  }
0x54: {  	_ =	shalt  }
0x55: {  	_ =	shalt  }
0x56: {  	_ =	shalt  }
0x57: {  	_ =	shalt  }
0x58: {  	_ =	shalt  }
0x59: {  	_ =	shalt  }
0x5a: {  	_ =	shalt  }
0x5b: {  	_ =	shalt  }
0x5c: {  	_ =	shalt  }
0x5d: {  	_ =	shalt  }
0x5e: {  	_ =	shalt  }
0x5f: {  	_ =	shalt  }
0x60: {  	_ =	shalt  }
0x61: {  	_ =	shalt  }
0x62: {  	_ =	shalt  }
0x63: {  	_ =	shalt  }
0x64: {  	_ =	shalt  }
0x65: {  	_ =	shalt  }
0x66: {  	_ =	shalt  }
0x67: {  	_ =	shalt  }
0x68: {  	_ =	shalt  }
0x69: {  	_ =	shalt  }
0x6a: {  	_ =	shalt  }
0x6b: {  	_ =	shalt  }
0x6c: {  	_ =	shalt  }
0x6d: {  	_ =	shalt  }
0x6e: {  	_ =	shalt  }
0x6f: {  	_ =	shalt  }
0x70: {  	_ =	shalt  }
0x71: {  	_ =	shalt  }
0x72: {  	_ =	shalt  }
0x73: {  	_ =	shalt  }
0x74: {  	_ =	shalt  }
0x75: {  	_ =	shalt  }
0x76: {  	_ =	shalt  }
0x77: {  	_ =	shalt  }
0x78: {  	_ =	shalt  }
0x79: {  	_ =	shalt  }
0x7a: {  	_ =	shalt  }
0x7b: {  	_ =	shalt  }
0x7c: {  	_ =	shalt  }
0x7d: {  	_ =	shalt  }
0x7e: {  	_ =	shalt  }
0x7f: {  	_ =	shalt  }
0x80: {  	_ =	shalt  }
0x81: {  	_ =	shalt  }
0x82: {  	_ =	shalt  }
0x83: {  	_ =	shalt  }
0x84: {  	_ =	shalt  }
0x85: {  	_ =	shalt  }
0x86: {  	_ =	shalt  }
0x87: {  	_ =	shalt  }
.Lfunc_end0:
.L_simem_size_0:
called_computation.4_lowered:
.L_overlay_start_0:
0x88: {  	s2 =	sld [smem:$0x3FD9]  }
0x89: {  	s3 =	sld [smem:$0x3FFE];
	_ =	sdelay $0x1  }
0x8a: {  	s1 =	srdreg.scid  }
0x8b: {  	s0 =	sand.u32 $0x1, s1  }
0x8c: {  	s17 =	sshll.u32 s0, $0xA;
	s2 =	sadd.s32 s3, s2  }
0x8d: {  	s2 =	sadd.s32 s2, s17  }
0x8e: {  	[smem:$0x3FC2] =	sst s2  }
0x8f: {  	_ = 	snop  }
0x90: {  	(tm) =	ssettm $0x1  }
0x91: {  	s18 =	sld [smem:$0x3FFB];
	_ =	sdelay $0x3  }
0x92: {  	_ =	strace s18  }
0x93: {  	s2 =	sld [smem:$0x3FFC];
	_ =	sdelay $0x3  }
0x94: {  	_ =	strace s2  }
0x95: {  	s2 =	sld [smem:$0x3FFD];
	_ =	sdelay $0x3  }
0x96: {  	_ =	strace s2  }
0x97: {  	_ =	strace $0x8FFFFFFF  }
0x98: {  	s19 =	sld [smem:$0x3FDB];
	_ =	sdelay $0x1  }
0x99: {  	s20 =	simm.s32 $_scs_section_size  }
0x9a: {  	s4 =	simm.s32 $_size__tile_overlayer_lowered;
	s5 =	simm.s32 $_tile_overlayer_lowered  }
0x9b: {  	s6 =	simm.s32 $0x1BFF;
	s21 =	sshll.u32 s5, $0x1;
	s3 =	sadd.s32 s20, s19  }
0x9c: {  	s22 =	simm.s32 $0x0;
	s4 =	sshll.u32 s4, $0x1;
	s5 =	sadd.s32 s21, s3  }
0x9d: {  	[timem:s22], [sflag:s6] =	dma.local [hbm:s5], s4  }
0x9e: {  	_ =	swait.ge [sflag:s6], s4  }
0x9f: {  	s4 =	ssub.s32 $0x0, s4;
	[sflag:s6] =	ssyncset.done $0x0  }
0xa0: {  	[sflag:s6] =	ssyncadd.s32 s4;
	_ =	sdelay $0x1  }
0xa1: {  	s23 =	simm.s32 $0x1B8B  }
0xa2: {  	_ =	swait.ge [sflag:s23], $0x1  }
0xa3: {  	[sflag:s23] =	ssyncset.done $0x0  }
0xa4: {  	[sflag:s23] =	ssyncadd.s32 $0xFFFFFFFF  }
0xa5: {  	s4 =	sld [smem:$0x0]  }
0xa6: {  	s5 =	sand.u32 $0xFFFFFFFE, s1  }
0xa7: {  	p0 =	sne.s32 s1, s5  }
0xa8: {  	s5 =	sshll.u32 @p0 s5, $0xE  }
0xa9: {  	s5 =	sadd.s32 @p0 $0x11B8D, s5;
	s6 =	sshll.u32 @p0 s4, $0x11  }
0xaa: {  	s5 =	sor.u32 @p0 s6, s5  }
0xab: {  	[sflag:s5] =	ssyncadd.remote.s32 @p0 $0x1;
	_ =	sdelay $0x1  }
0xac: {  	s5 =	simm.s32 @p0 $0x1B8D  }
0xad: {  	_ =	swait.eq @p0 [sflag:s5], $0x1  }
0xae: {  	[sflag:s5] =	ssyncadd.s32 @p0 $0xFFFFFFFF  }
0xaf: {  	s6 =	sshll.u32 @!p0 s1, $0xE  }
0xb0: {  	s6 =	sor.u32 @!p0 $0x4000, s6;
	s5 =	simm.s32 @!p0 $0x1B8D  }
0xb1: {  	s4 =	sshll.u32 @!p0 s4, $0x11;
	s6 =	sadd.s32 @!p0 $0x11B8D, s6;
	_ =	swait.eq @!p0 [sflag:s5], $0x1  }
0xb2: {  	s4 =	sor.u32 @!p0 s4, s6;
	[sflag:s5] =	ssyncadd.s32 @!p0 $0xFFFFFFFF  }
0xb3: {  	s25 =	simm.s32 $0x1B8E;
	s24 =	sld [smem:$0x3FFE];
	[sflag:s4] =	ssyncadd.remote.s32 @!p0 $0x1  }
0xb4: {  	s26 =	simm.s32 $execute0_lowered;
	[smem:$0x3FD2] =	sst s25  }
0xb5: {  	s5 =	sshll.u32 s26, $0x1;
	_ =	strace $0x8000004F;
	[dreg:$0x1] =	wrdreg $0xFFFFFFFF  }
0xb6: {  	s28 =	simm.s32 $_size_execute0_lowered;
	s3 =	sadd.s32 s3, s5;
	[dreg:$0x0] =	wrdreg $0x0  }
0xb7: {  	s5 =	sshll.u32 s28, $0x1;
	[dreg:$0x2] =	wrdreg s3  }
0xb8: {  	[dreg:$0x3] =	wrdreg s5  }
0xb9: {  	[dreg:$0x4] =	wrdreg $0xC0  }
0xba: {  	_ =	task [dreg:s22], $0x5FFFF  }
0xbb: {  	[dreg:$0x1] =	wrdreg $0xFFFFFFFF  }
0xbc: {  	[dreg:$0x0] =	wrdreg $0x60  }
0xbd: {  	[dreg:$0x2] =	wrdreg s24  }
0xbe: {  	[dreg:$0x3] =	wrdreg $0xC  }
0xbf: {  	_ =	task.clear_ibuf [dreg:s22], $0x4FFFF;
	_ =	strace $0x9000004F  }
0xc0: {  	s29 =	simm.s32 $0xC;
	_ =	strace $0x80000051  }
0xc1: {  	_ =	swait.ge [sflag:s29], $0x1  }
0xc2: {  	[sflag:s29] =	ssyncadd.s32 $0xFFFFFFFF  }
0xc3: {  	_ =	strace $0x90000051  }
0xc4: {  	_ =	sfence  }
0xc5: {  	s30 =	sld [smem:$0x0];
	_ =	sdelay $0x2  }
0xc6: {  	s31 =	sshll.u32 s1, $0xD;
	s1 =	sshrl.u32 s1, $0x2  }
0xc7: {  	s4 =	sand.u32 $0x4000, s31;
	s1 =	sadd.s32 s1, s30  }
0xc8: {  	s0 =	sor.u32 s4, s0;
	s1 =	sshll.u32 s1, $0x11  }
0xc9: {  	s0 =	sor.u32 s1, s0  }
0xca: {  	s0 =	sadd.s32 $0x8F2B, s0  }
0xcb: {  	[sflag:s0] =	ssyncadd.remote.s32 $0x1  }
0xcc: {  	_ =	sfence.sel $0xFFFF  }
0xcd: {  	[dreg:$0x0] =	wrdreg $0xFFFFFFFF;
	(pc) =	sbr.abs _section_cstart, $3  }
0xce: {  	[dreg:$0x1] =	wrdreg $0xFFFFFFFF  }
0xcf: {  	_ =	task.clear_ibuf [dreg:s22], $0x2FFFF;
	_ =	strace $0x9FFFFFFF  }
0xd0: {  	(tm) =	ssettm $0x7FFFFFFF  }
0xd1: {  	_ =	shalt  }
tec
execute0_lowered:
.L_overlay_start_1:
0x0: {  	(tag) =	ssettag $0x1  }
0x1: {  	s1 =	srdreg.scid  }
0x2: {  	s0 =	stileid.u32;
	s3 =	rddreg [dreg:$0x0]  }
0x3: {  	s2 =	simm.s32 $0x0;
	s4 =	sand.u32 $0x1, s1;
	s5 =	smul.u32 $0x1900, s0  }
0x4: {  	[smem:$0x7FF] =	sst s2;
	s6 =	smul.u32 $0xC80, s4  }
0x5: {  	s1 =	rddreg [dreg:$0x1];
	s29 =	smul.u32 $0xC800, s0;
	_ =	strace $0x80000050  }
0x6: {  	s7 =	ssub.s32 $0x2, s4;
	s9 =	smul.u32 $0x6400, s4;
	s5 =	sadd.s32 s6, s5  }
0x7: {  	s8 =	sshrl.u32 s7, $0x1;
	s30 =	sadd.s32 s29, s3;
	s5 =	sadd.s32 $0x4B000, s5  }
0x8: {  	s31 =	ssub.s32 s7, s8;
	s7 =	simm.s32 $0x2;
	s5 =	sshrl.u32 s5, $0x3  }
0x9: {  	s8 =	simm.s32 $0x140;
	s4 =	smax.u32 s31, $0x1;
	s10 =	sadd.s32 s5, s3  }
0xa: {  	s3 =	sadd.s32 $0xF5FC00, s3;
	s5 =	sadd.s32 s9, s30;
	s9 =	simm.s32 $0x1  }
0xb: {  	s5 =	sadd.s32 $0x275600, s5;
	s6 =	sadd.s32 $0x4600, s10;
	s10 =	simm.s32 $0x0  }
.LBB2_1:
0xc: {  	s11 =	sand.u32 $0x1, s2  }
0xd: {  	s12 =	smul.u32 $0x500, s11;
	_ =	sdelay $0x1  }
0xe: {  	s11 =	smul.u32 $0x14000, s11;
	s12 =	sshrl.u32 s12, $0x2  }
0xf: {  	[tilespmem:s12], [sflag:$0x2] =	stream.linear.gather [hbm4b:s6+s2], $0x140, $0x38;
	[tilespmem:$0xA280] =	vst v63  }
0x10: {  	_ =	swait.ge [sflag:s7], $0x140  }
0x11: {  	s11 =	sshrl.u32 s11, $0x2;
	[sflag:s7] =	ssyncset.done $0x0  }
0x12: {  	s11 =	sor.u32 $0x280, s11;
	[sflag:s7] =	ssyncadd.s32 $0xFFFFFEC0  }
0x13: {  	[tilespmem:s11], [sflag:$0x1] =	stream.indirect.gather [hbm4b:s3+s8], $0x40, s12, s8, $0xb8;
	[tilespmem:$0xA280] =	vst v63  }
0x14: {  	_ =	swait.ge [sflag:s9], $0x5000  }
0x15: {  	s31 =	simm.s32 $0x1;
	[sflag:s9] =	ssyncset.done $0x0  }
0x16: {  	s14 =	sand.u32 $0x1, s31;
	[sflag:s9] =	ssyncadd.s32 $0xFFFFB000  }
0x17: {  	[hbm4b:s5+s2] =	stream.linear.scatter [tilespmem:s11], [sflag:$0x2], $0x5000, $0x38;
	[tilespmem:$0xA280] =	vst v63  }
0x18: {  	s15 =	simm.s32 $0x2;
	s13 =	smul.u32 $0x500, s14;
	_ =	swait.ge [sflag:s7], $0x5000  }
0x19: {  	s12 =	sadd.s32 $0x28, s6;
	s11 =	sadd.s32 $0xA00, s5;
	[sflag:s7] =	ssyncset.done $0x0  }
.LBB2_2:
0x1a: {  	s14 =	smul.u32 $0x14000, s14  }
0x1b: {  	[sflag:s7] =	ssyncadd.s32 $0xFFFFB000;
	s16 =	smov.u32 s15;
	s17 =	sadd.s32 $0x1, s15  }
0x1c: {  	p0 =	sne.s32 s15, $0x9;
	s13 =	sshrl.u32 s13, $0x2  }
0x1d: {  	[tilespmem:s13], [sflag:$0x2] =	stream.linear.gather [hbm4b:s12+s2], $0x140, $0x38;
	[tilespmem:$0xA280] =	vst v63  }
0x1e: {  	s14 =	sshrl.u32 s14, $0x2;
	_ =	swait.ge [sflag:s7], $0x140  }
0x1f: {  	[sflag:s7] =	ssyncset.done $0x0  }
0x20: {  	s14 =	sor.u32 $0x280, s14;
	[sflag:s7] =	ssyncadd.s32 $0xFFFFFEC0  }
0x21: {  	[tilespmem:s14], [sflag:$0x1] =	stream.indirect.gather [hbm4b:s3+s8], $0x40, s13, s8, $0xb8;
	[tilespmem:$0xA280] =	vst v63  }
0x22: {  	_ =	swait.ge [sflag:s9], $0x5000  }
.Ltmp0:
0x23: {  	[sflag:s9] =	ssyncset.done $0x0;
	(pc) =	sbr.rel @p0 .LBB2_2-.Ltmp0, $4  }
0x24: {  	s15 =	smov.u32 s17;
	[sflag:s9] =	ssyncadd.s32 $0xFFFFB000  }
0x25: {  	[hbm4b:s11+s2] =	stream.linear.scatter [tilespmem:s14], [sflag:$0x2], $0x5000, $0x38;
	[tilespmem:$0xA280] =	vst v63  }
0x26: {  	s12 =	sadd.s32 $0x28, s12;
	s14 =	sand.u32 $0x1, s16;
	_ =	swait.ge [sflag:s7], $0x5000  }
0x27: {  	s11 =	sadd.s32 $0xA00, s11;
	s13 =	smul.u32 $0x500, s14;
	[sflag:s7] =	ssyncset.done $0x0  }
0x28: {  	_ = 	snop  }
0x29: {  	s14 =	smul.u32 $0x14000, s14;
	[sflag:s7] =	ssyncadd.s32 $0xFFFFB000;
	s13 =	sshrl.u32 s13, $0x2  }
0x2a: {  	[tilespmem:s13], [sflag:$0x2] =	stream.linear.gather [hbm4b:s12+s2], $0x140, $0x38;
	[tilespmem:$0xA280] =	vst v63  }
0x2b: {  	_ =	swait.ge [sflag:s7], $0x140  }
0x2c: {  	s31 =	sshrl.u32 s14, $0x2;
	[sflag:s7] =	ssyncset.done $0x0  }
0x2d: {  	s12 =	sor.u32 $0x280, s31;
	[sflag:s7] =	ssyncadd.s32 $0xFFFFFEC0  }
0x2e: {  	[tilespmem:s12], [sflag:$0x1] =	stream.indirect.gather [hbm4b:s3+s8], $0x40, s13, s8, $0xb8;
	[tilespmem:$0xA280] =	vst v63  }
0x2f: {  	s10 =	sadd.s32 $0x1, s10;
	_ =	swait.ge [sflag:s9], $0x5000  }
0x30: {  	p0 =	sne.s32 s10, s4;
	[sflag:s9] =	ssyncset.done $0x0  }
.Ltmp1:
0x31: {  	[sflag:s9] =	ssyncadd.s32 $0xFFFFB000;
	(pc) =	sbr.rel @p0 .LBB2_1-.Ltmp1, $4  }
0x32: {  	[hbm4b:s11+s2] =	stream.linear.scatter [tilespmem:s12], [sflag:$0x2], $0x5000, $0x38;
	[tilespmem:$0xA280] =	vst v63  }
0x33: {  	_ =	swait.ge [sflag:s7], $0x5000  }
0x34: {  	[sflag:s7] =	ssyncset.done $0x0  }
0x35: {  	[sflag:s7] =	ssyncadd.s32 $0xFFFFB000  }
0x36: {  	_ =	sfence.sel $0x180000  }
0x37: {  	[bflag:$0x0] =	sbarrier.arrive $0xFFFF  }
0x38: {  	p0 =	sne.s32 s0, $0x0;
	_ =	strace $0x90000050  }
0x39: {  	s0 =	sadd.s32 @!p0 $0x100000, s1;
	[bflag:$0x2] =	sbarrier.arrive $0xFFFF  }
0x3a: {  	[sflag:s0] =	ssyncadd.tile.s32 @!p0 $0x1;
	_ =	shalt  }
.Lfunc_end2:
_tile_overlayer_lowered:
.L_overlay_start_2:
0x3b: {  	(tag) =	ssettag $0x2  }
0x3c: {  	s0 =	rddreg [dreg:$0x0];
	s2 =	stileid.u32  }
0x3d: {  	s1 =	rddreg [dreg:$0x1];
	p0 =	sne.s32 s2, $0x0  }
0x3e: {  	s3 =	rddreg [dreg:$0x2];
	[bflag:$0x3] =	sbarrier.arrive $0xFFFF;
	s2 =	simm.s32 @!p0 $0x1C02  }
0x3f: {  	[timem:s3], [sflag:s2] =	dma.local @!p0 [hbm:s0], s1  }
0x40: {  	s0 =	simm.s32 @!p0 $0x2  }
0x41: {  	_ =	swait.ge @!p0 [sflag:s0], s1  }
0x42: {  	s1 =	ssub.s32 @!p0 $0x0, s1;
	[sflag:s0] =	ssyncset.done @!p0 $0x0  }
0x43: {  	[sflag:s0] =	ssyncadd.s32 @!p0 s1  }
0x44: {  	[bflag:$0x3] =	sbarrier.arrive $0xFFFF  }
0x45: {  	_ =	shalt  }

// kernel: kernel.30.cloned.1.call-start
scs
__scs_entry_jumppad:
0x0: {  	(pc) =	sbr.rel $0x88, $3  }
0x1: {  	(tag) =	ssettag $0x0;
	lr =	simm.s32 $0x1  }
0x2: {  	[smem:$0x3F9B] =	sst lr;
	_ =	strace $0xD0000000  }
0x3: {  	_ = 	snop  }
0x4: {  	_ = 	snop  }
0x5: {  	_ = 	snop  }
0x6: {  	_ = 	snop  }
0x7: {  	_ = 	snop  }
__scs_overlays_trampoline_lowered:
0x8: {  	[smem:$0x3FAA] =	sst s0  }
0x9: {  	[smem:$0x3FAB] =	sst s1  }
0xa: {  	[smem:$0x3FAC] =	sst s2  }
0xb: {  	[smem:$0x3FAD] =	sst s3  }
0xc: {  	[smem:$0x3FAE] =	sst s4  }
0xd: {  	[smem:$0x3FAF] =	sst s5  }
0xe: {  	[smem:$0x3FB0] =	sst s6  }
0xf: {  	[smem:$0x3FB1] =	sst s7  }
0x10: {  	[smem:$0x3FB2] =	sst s8  }
0x11: {  	[smem:$0x3FB3] =	sst s9;
	s0 =	simm.s32 @!p0 $0x0  }
0x12: {  	s1 =	sld [smem:$0x3F99];
	s0 =	simm.s32 @p0 $0x1  }
0x13: {  	[smem:$0x3FB4] =	sst s0;
	s0 =	simm.s32 @!p1 $0x0  }
0x14: {  	s2 =	sld [smem:$0x3F98];
	s0 =	simm.s32 @p1 $0x1  }
0x15: {  	[smem:$0x3FB5] =	sst s0;
	s0 =	simm.s32 @!p2 $0x0  }
0x16: {  	s3 =	sld [smem:$0x3FDB];
	s0 =	simm.s32 @p2 $0x1  }
0x17: {  	s4 =	simm.s32 $0x1BF5;
	[smem:$0x3FB7] =	sst s0  }
0x18: {  	s0 =	sld [smem:$0x3F9A];
	_ =	swait.ge [sflag:s4], $0x0  }
0x19: {  	s7 =	sld [smem:$0x3F9B]  }
0x1a: {  	s8 =	sadd.s32 $0xFFFFE003, lr  }
0x1b: {  	s9 =	sadd.s32 $0xFFFFFEF7, lr;
	s5 =	simm.s32 $0xFFFFFFFF;
	p2 =	slt.u32 s8, $0xFFFFF086  }
0x1c: {  	p1 =	slt.u32 s9, $0xF7A;
	s5 =	simm.s32 @!p2 $0x0  }
0x1d: {  	s5 =	simm.s32 @p1 $0x1;
	p0 =	seq.s32 s7, s2  }
0x1e: {  	s7 =	smul.u32 @!p0 $0xF7A, s2;
	p2 =	seq.s32 @!p0 s5, $0x0  }
0x1f: {  	s9 =	smul.u32 $0xF7A, s1;
	s8 =	simm.s32 @!p0 $0x1BF5;
	p2 =	por !p2, p0  }
0x20: {  	[sflag:s8] =	ssyncset.s32 @!p0 $0xFFFFF086;
	s6 =	sadd.s32 @!p0 s3, s7;
	s7 =	simm.s32 @!p0 $0x108  }
0x21: {  	s3 =	sadd.s32 s3, s9;
	s6 =	sadd.s32 @!p0 $0x88, s6;
	s7 =	simm.s32 @p2 $0x1082  }
0x22: {  	[simem:s7], [sflag:s8] =	dma.local @!p0 [hbm:s6], $0xF7A  }
0x23: {  	s9 =	sor.u32 $0xD0000000, s2;
	s6 =	simm.s32 $0x108;
	_ =	swait.ge @!p0 [sflag:s8], $0x0  }
0x24: {  	s3 =	sadd.s32 $0x88, s3;
	s6 =	simm.s32 @!p1 $0x1082;
	[sflag:s4] =	ssyncset.s32 $0xFFFFF086  }
0x25: {  	[simem:s6], [sflag:s4] =	dma.local [hbm:s3], $0xF7A  }
0x26: {  	[smem:$0x3F9B] =	sst s1;
	(tag) =	ssettag s2;
	_ =	strace s9  }
0x27: {  	s1 =	sld [smem:$0x3FAB]  }
0x28: {  	s2 =	sld [smem:$0x3FAC]  }
0x29: {  	s4 =	sld [smem:$0x3FAE]  }
0x2a: {  	p0 =	seq.s32 s5, $0x0;
	s5 =	sld [smem:$0x3FAF]  }
0x2b: {  	s6 =	sld [smem:$0x3FB0]  }
0x2c: {  	s7 =	sld [smem:$0x3FB1]  }
0x2d: {  	s3 =	simm.s32 $0x108;
	s8 =	sld [smem:$0x3FB2]  }
0x2e: {  	s3 =	simm.s32 @!p0 $0x1082;
	s9 =	sld [smem:$0x3FB3]  }
0x2f: {  	lr =	sadd.s32 s0, s3;
	s0 =	sld [smem:$0x3FAA]  }
0x30: {  	s3 =	sld [smem:$0x3FAD]  }
0x31: {  	[smem:$0x3FB6] =	sst s10  }
0x32: {  	s10 =	sld [smem:$0x3FB4];
	_ =	sdelay $0x3  }
0x33: {  	p0 =	seq.s32 s10, $0x1;
	s10 =	sld [smem:$0x3FB6];
	_ =	sdelay $0x3  }
0x34: {  	[smem:$0x3FB6] =	sst s10  }
0x35: {  	s10 =	sld [smem:$0x3FB5];
	_ =	sdelay $0x3  }
0x36: {  	p1 =	seq.s32 s10, $0x1;
	s10 =	sld [smem:$0x3FB6];
	_ =	sdelay $0x3  }
0x37: {  	[smem:$0x3FB6] =	sst s10  }
0x38: {  	s10 =	sld [smem:$0x3FB7]  }
0x39: {  	_ = 	snop;
	(pc) =	sbr.ind lr, $3  }
0x3a: {  	_ = 	snop  }
0x3b: {  	_ = 	snop  }
0x3c: {  	p2 =	seq.s32 s10, $0x1;
	s10 =	sld [smem:$0x3FB6]  }
0x3d: {  	_ =	shalt  }
0x3e: {  	_ =	shalt  }
0x3f: {  	_ =	shalt  }
0x40: {  	_ =	shalt  }
0x41: {  	_ =	shalt  }
0x42: {  	_ =	shalt  }
0x43: {  	_ =	shalt  }
0x44: {  	_ =	shalt  }
0x45: {  	_ =	shalt  }
0x46: {  	_ =	shalt  }
0x47: {  	_ =	shalt  }
0x48: {  	_ =	shalt  }
0x49: {  	_ =	shalt  }
0x4a: {  	_ =	shalt  }
0x4b: {  	_ =	shalt  }
0x4c: {  	_ =	shalt  }
0x4d: {  	_ =	shalt  }
0x4e: {  	_ =	shalt  }
0x4f: {  	_ =	shalt  }
0x50: {  	_ =	shalt  }
0x51: {  	_ =	shalt  }
0x52: {  	_ =	shalt  }
0x53: {  	_ =	shalt  }
0x54: {  	_ =	shalt  }
0x55: {  	_ =	shalt  }
0x56: {  	_ =	shalt  }
0x57: {  	_ =	shalt  }
0x58: {  	_ =	shalt  }
0x59: {  	_ =	shalt  }
0x5a: {  	_ =	shalt  }
0x5b: {  	_ =	shalt  }
0x5c: {  	_ =	shalt  }
0x5d: {  	_ =	shalt  }
0x5e: {  	_ =	shalt  }
0x5f: {  	_ =	shalt  }
0x60: {  	_ =	shalt  }
0x61: {  	_ =	shalt  }
0x62: {  	_ =	shalt  }
0x63: {  	_ =	shalt  }
0x64: {  	_ =	shalt  }
0x65: {  	_ =	shalt  }
0x66: {  	_ =	shalt  }
0x67: {  	_ =	shalt  }
0x68: {  	_ =	shalt  }
0x69: {  	_ =	shalt  }
0x6a: {  	_ =	shalt  }
0x6b: {  	_ =	shalt  }
0x6c: {  	_ =	shalt  }
0x6d: {  	_ =	shalt  }
0x6e: {  	_ =	shalt  }
0x6f: {  	_ =	shalt  }
0x70: {  	_ =	shalt  }
0x71: {  	_ =	shalt  }
0x72: {  	_ =	shalt  }
0x73: {  	_ =	shalt  }
0x74: {  	_ =	shalt  }
0x75: {  	_ =	shalt  }
0x76: {  	_ =	shalt  }
0x77: {  	_ =	shalt  }
0x78: {  	_ =	shalt  }
0x79: {  	_ =	shalt  }
0x7a: {  	_ =	shalt  }
0x7b: {  	_ =	shalt  }
0x7c: {  	_ =	shalt  }
0x7d: {  	_ =	shalt  }
0x7e: {  	_ =	shalt  }
0x7f: {  	_ =	shalt  }
0x80: {  	_ =	shalt  }
0x81: {  	_ =	shalt  }
0x82: {  	_ =	shalt  }
0x83: {  	_ =	shalt  }
0x84: {  	_ =	shalt  }
0x85: {  	_ =	shalt  }
0x86: {  	_ =	shalt  }
0x87: {  	_ =	shalt  }
.Lfunc_end0:
.L_simem_size_0:
called_computation.5_lowered:
.L_overlay_start_0:
0x88: {  	s2 =	sld [smem:$0x3FD9]  }
0x89: {  	s3 =	sld [smem:$0x3FFE];
	_ =	sdelay $0x1  }
0x8a: {  	s1 =	srdreg.scid  }
0x8b: {  	s0 =	sand.u32 $0x1, s1  }
0x8c: {  	s17 =	sshll.u32 s0, $0xA;
	s2 =	sadd.s32 s3, s2  }
0x8d: {  	s2 =	sadd.s32 s2, s17  }
0x8e: {  	[smem:$0x3FC2] =	sst s2  }
0x8f: {  	_ = 	snop  }
0x90: {  	(tm) =	ssettm $0x1  }
0x91: {  	s18 =	sld [smem:$0x3FFB];
	_ =	sdelay $0x3  }
0x92: {  	_ =	strace s18  }
0x93: {  	s2 =	sld [smem:$0x3FFC];
	_ =	sdelay $0x3  }
0x94: {  	_ =	strace s2  }
0x95: {  	s2 =	sld [smem:$0x3FFD];
	_ =	sdelay $0x3  }
0x96: {  	_ =	strace s2  }
0x97: {  	_ =	strace $0x8FFFFFFF  }
0x98: {  	s19 =	sld [smem:$0x3FDB];
	_ =	sdelay $0x1  }
0x99: {  	s20 =	simm.s32 $_scs_section_size  }
0x9a: {  	s4 =	simm.s32 $_size__tile_overlayer_lowered;
	s5 =	simm.s32 $_tile_overlayer_lowered  }
0x9b: {  	s6 =	simm.s32 $0x1BFF;
	s21 =	sshll.u32 s5, $0x1;
	s3 =	sadd.s32 s20, s19  }
0x9c: {  	s22 =	simm.s32 $0x0;
	s4 =	sshll.u32 s4, $0x1;
	s5 =	sadd.s32 s21, s3  }
0x9d: {  	[timem:s22], [sflag:s6] =	dma.local [hbm:s5], s4  }
0x9e: {  	_ =	swait.ge [sflag:s6], s4  }
0x9f: {  	s4 =	ssub.s32 $0x0, s4;
	[sflag:s6] =	ssyncset.done $0x0  }
0xa0: {  	[sflag:s6] =	ssyncadd.s32 s4;
	_ =	sdelay $0x1  }
0xa1: {  	s23 =	simm.s32 $0x1B8B  }
0xa2: {  	_ =	swait.ge [sflag:s23], $0x1  }
0xa3: {  	[sflag:s23] =	ssyncset.done $0x0  }
0xa4: {  	[sflag:s23] =	ssyncadd.s32 $0xFFFFFFFF  }
0xa5: {  	s4 =	sld [smem:$0x0]  }
0xa6: {  	s5 =	sand.u32 $0xFFFFFFFE, s1  }
0xa7: {  	p0 =	sne.s32 s1, s5  }
0xa8: {  	s5 =	sshll.u32 @p0 s5, $0xE  }
0xa9: {  	s5 =	sadd.s32 @p0 $0x11B8D, s5;
	s6 =	sshll.u32 @p0 s4, $0x11  }
0xaa: {  	s5 =	sor.u32 @p0 s6, s5  }
0xab: {  	[sflag:s5] =	ssyncadd.remote.s32 @p0 $0x1;
	_ =	sdelay $0x1  }
0xac: {  	s5 =	simm.s32 @p0 $0x1B8D  }
0xad: {  	_ =	swait.eq @p0 [sflag:s5], $0x1  }
0xae: {  	[sflag:s5] =	ssyncadd.s32 @p0 $0xFFFFFFFF  }
0xaf: {  	s6 =	sshll.u32 @!p0 s1, $0xE  }
0xb0: {  	s6 =	sor.u32 @!p0 $0x4000, s6;
	s5 =	simm.s32 @!p0 $0x1B8D  }
0xb1: {  	s4 =	sshll.u32 @!p0 s4, $0x11;
	s6 =	sadd.s32 @!p0 $0x11B8D, s6;
	_ =	swait.eq @!p0 [sflag:s5], $0x1  }
0xb2: {  	s4 =	sor.u32 @!p0 s4, s6;
	[sflag:s5] =	ssyncadd.s32 @!p0 $0xFFFFFFFF  }
0xb3: {  	s25 =	simm.s32 $0x1B8E;
	s24 =	sld [smem:$0x3FFE];
	[sflag:s4] =	ssyncadd.remote.s32 @!p0 $0x1  }
0xb4: {  	s26 =	simm.s32 $execute0_lowered;
	[smem:$0x3FD2] =	sst s25  }
0xb5: {  	s5 =	sshll.u32 s26, $0x1;
	_ =	strace $0x80000052;
	[dreg:$0x1] =	wrdreg $0xFFFFFFFF  }
0xb6: {  	s28 =	simm.s32 $_size_execute0_lowered;
	s3 =	sadd.s32 s3, s5;
	[dreg:$0x0] =	wrdreg $0x0  }
0xb7: {  	s5 =	sshll.u32 s28, $0x1;
	[dreg:$0x2] =	wrdreg s3  }
0xb8: {  	[dreg:$0x3] =	wrdreg s5  }
0xb9: {  	[dreg:$0x4] =	wrdreg $0xC0  }
0xba: {  	_ =	task [dreg:s22], $0x5FFFF  }
0xbb: {  	[dreg:$0x1] =	wrdreg $0xFFFFFFFF  }
0xbc: {  	[dreg:$0x0] =	wrdreg $0x60  }
0xbd: {  	[dreg:$0x2] =	wrdreg s24  }
0xbe: {  	[dreg:$0x3] =	wrdreg $0xD  }
0xbf: {  	_ =	task.clear_ibuf [dreg:s22], $0x4FFFF;
	_ =	strace $0x90000052  }
0xc0: {  	s29 =	simm.s32 $0xD;
	_ =	strace $0x80000054  }
0xc1: {  	_ =	swait.ge [sflag:s29], $0x1  }
0xc2: {  	[sflag:s29] =	ssyncadd.s32 $0xFFFFFFFF  }
0xc3: {  	_ =	strace $0x90000054  }
0xc4: {  	_ =	sfence  }
0xc5: {  	s30 =	sld [smem:$0x0];
	_ =	sdelay $0x2  }
0xc6: {  	s31 =	sshll.u32 s1, $0xD;
	s1 =	sshrl.u32 s1, $0x2  }
0xc7: {  	s4 =	sand.u32 $0x4000, s31;
	s1 =	sadd.s32 s1, s30  }
0xc8: {  	s0 =	sor.u32 s4, s0;
	s1 =	sshll.u32 s1, $0x11  }
0xc9: {  	s0 =	sor.u32 s1, s0  }
0xca: {  	s0 =	sadd.s32 $0x8F2B, s0  }
0xcb: {  	[sflag:s0] =	ssyncadd.remote.s32 $0x1  }
0xcc: {  	_ =	sfence.sel $0xFFFF  }
0xcd: {  	[dreg:$0x0] =	wrdreg $0xFFFFFFFF;
	(pc) =	sbr.abs _section_cstart, $3  }
0xce: {  	[dreg:$0x1] =	wrdreg $0xFFFFFFFF  }
0xcf: {  	_ =	task.clear_ibuf [dreg:s22], $0x2FFFF;
	_ =	strace $0x9FFFFFFF  }
0xd0: {  	(tm) =	ssettm $0x7FFFFFFF  }
0xd1: {  	_ =	shalt  }
tec
execute0_lowered:
.L_overlay_start_1:
0x0: {  	(tag) =	ssettag $0x1  }
0x1: {  	s1 =	srdreg.scid  }
0x2: {  	s0 =	stileid.u32;
	s3 =	rddreg [dreg:$0x0]  }
0x3: {  	s2 =	simm.s32 $0x0;
	s4 =	sand.u32 $0x1, s1;
	s5 =	smul.u32 $0x1900, s0  }
0x4: {  	[smem:$0x7FF] =	sst s2;
	s6 =	smul.u32 $0xC80, s4  }
0x5: {  	s1 =	rddreg [dreg:$0x1];
	s29 =	smul.u32 $0xC800, s0;
	_ =	strace $0x80000053  }
0x6: {  	s7 =	ssub.s32 $0x2, s4;
	s9 =	smul.u32 $0x6400, s4;
	s5 =	sadd.s32 s6, s5  }
0x7: {  	s8 =	sshrl.u32 s7, $0x1;
	s30 =	sadd.s32 s29, s3;
	s5 =	sadd.s32 $0x64000, s5  }
0x8: {  	s31 =	ssub.s32 s7, s8;
	s7 =	simm.s32 $0x2;
	s5 =	sshrl.u32 s5, $0x3  }
0x9: {  	s8 =	simm.s32 $0x140;
	s4 =	smax.u32 s31, $0x1;
	s10 =	sadd.s32 s5, s3  }
0xa: {  	s3 =	sadd.s32 $0xF5FC00, s3;
	s5 =	sadd.s32 s9, s30;
	s9 =	simm.s32 $0x1  }
0xb: {  	s5 =	sadd.s32 $0x33D600, s5;
	s6 =	sadd.s32 $0x4600, s10;
	s10 =	simm.s32 $0x0  }
.LBB2_1:
0xc: {  	s11 =	sand.u32 $0x1, s2  }
0xd: {  	s12 =	smul.u32 $0x500, s11;
	_ =	sdelay $0x1  }
0xe: {  	s11 =	smul.u32 $0x14000, s11;
	s12 =	sshrl.u32 s12, $0x2  }
0xf: {  	[tilespmem:s12], [sflag:$0x2] =	stream.linear.gather [hbm4b:s6+s2], $0x140, $0x38;
	[tilespmem:$0xA280] =	vst v63  }
0x10: {  	_ =	swait.ge [sflag:s7], $0x140  }
0x11: {  	s11 =	sshrl.u32 s11, $0x2;
	[sflag:s7] =	ssyncset.done $0x0  }
0x12: {  	s11 =	sor.u32 $0x280, s11;
	[sflag:s7] =	ssyncadd.s32 $0xFFFFFEC0  }
0x13: {  	[tilespmem:s11], [sflag:$0x1] =	stream.indirect.gather [hbm4b:s3+s8], $0x40, s12, s8, $0xb8;
	[tilespmem:$0xA280] =	vst v63  }
0x14: {  	_ =	swait.ge [sflag:s9], $0x5000  }
0x15: {  	s31 =	simm.s32 $0x1;
	[sflag:s9] =	ssyncset.done $0x0  }
0x16: {  	s14 =	sand.u32 $0x1, s31;
	[sflag:s9] =	ssyncadd.s32 $0xFFFFB000  }
0x17: {  	[hbm4b:s5+s2] =	stream.linear.scatter [tilespmem:s11], [sflag:$0x2], $0x5000, $0x38;
	[tilespmem:$0xA280] =	vst v63  }
0x18: {  	s15 =	simm.s32 $0x2;
	s13 =	smul.u32 $0x500, s14;
	_ =	swait.ge [sflag:s7], $0x5000  }
0x19: {  	s12 =	sadd.s32 $0x28, s6;
	s11 =	sadd.s32 $0xA00, s5;
	[sflag:s7] =	ssyncset.done $0x0  }
.LBB2_2:
0x1a: {  	s14 =	smul.u32 $0x14000, s14  }
0x1b: {  	[sflag:s7] =	ssyncadd.s32 $0xFFFFB000;
	s16 =	smov.u32 s15;
	s17 =	sadd.s32 $0x1, s15  }
0x1c: {  	p0 =	sne.s32 s15, $0x9;
	s13 =	sshrl.u32 s13, $0x2  }
0x1d: {  	[tilespmem:s13], [sflag:$0x2] =	stream.linear.gather [hbm4b:s12+s2], $0x140, $0x38;
	[tilespmem:$0xA280] =	vst v63  }
0x1e: {  	s14 =	sshrl.u32 s14, $0x2;
	_ =	swait.ge [sflag:s7], $0x140  }
0x1f: {  	[sflag:s7] =	ssyncset.done $0x0  }
0x20: {  	s14 =	sor.u32 $0x280, s14;
	[sflag:s7] =	ssyncadd.s32 $0xFFFFFEC0  }
0x21: {  	[tilespmem:s14], [sflag:$0x1] =	stream.indirect.gather [hbm4b:s3+s8], $0x40, s13, s8, $0xb8;
	[tilespmem:$0xA280] =	vst v63  }
0x22: {  	_ =	swait.ge [sflag:s9], $0x5000  }
.Ltmp0:
0x23: {  	[sflag:s9] =	ssyncset.done $0x0;
	(pc) =	sbr.rel @p0 .LBB2_2-.Ltmp0, $4  }
0x24: {  	s15 =	smov.u32 s17;
	[sflag:s9] =	ssyncadd.s32 $0xFFFFB000  }
0x25: {  	[hbm4b:s11+s2] =	stream.linear.scatter [tilespmem:s14], [sflag:$0x2], $0x5000, $0x38;
	[tilespmem:$0xA280] =	vst v63  }
0x26: {  	s12 =	sadd.s32 $0x28, s12;
	s14 =	sand.u32 $0x1, s16;
	_ =	swait.ge [sflag:s7], $0x5000  }
0x27: {  	s11 =	sadd.s32 $0xA00, s11;
	s13 =	smul.u32 $0x500, s14;
	[sflag:s7] =	ssyncset.done $0x0  }
0x28: {  	_ = 	snop  }
0x29: {  	s14 =	smul.u32 $0x14000, s14;
	[sflag:s7] =	ssyncadd.s32 $0xFFFFB000;
	s13 =	sshrl.u32 s13, $0x2  }
0x2a: {  	[tilespmem:s13], [sflag:$0x2] =	stream.linear.gather [hbm4b:s12+s2], $0x140, $0x38;
	[tilespmem:$0xA280] =	vst v63  }
0x2b: {  	_ =	swait.ge [sflag:s7], $0x140  }
0x2c: {  	s31 =	sshrl.u32 s14, $0x2;
	[sflag:s7] =	ssyncset.done $0x0  }
0x2d: {  	s12 =	sor.u32 $0x280, s31;
	[sflag:s7] =	ssyncadd.s32 $0xFFFFFEC0  }
0x2e: {  	[tilespmem:s12], [sflag:$0x1] =	stream.indirect.gather [hbm4b:s3+s8], $0x40, s13, s8, $0xb8;
	[tilespmem:$0xA280] =	vst v63  }
0x2f: {  	s10 =	sadd.s32 $0x1, s10;
	_ =	swait.ge [sflag:s9], $0x5000  }
0x30: {  	p0 =	sne.s32 s10, s4;
	[sflag:s9] =	ssyncset.done $0x0  }
.Ltmp1:
0x31: {  	[sflag:s9] =	ssyncadd.s32 $0xFFFFB000;
	(pc) =	sbr.rel @p0 .LBB2_1-.Ltmp1, $4  }
0x32: {  	[hbm4b:s11+s2] =	stream.linear.scatter [tilespmem:s12], [sflag:$0x2], $0x5000, $0x38;
	[tilespmem:$0xA280] =	vst v63  }
0x33: {  	_ =	swait.ge [sflag:s7], $0x5000  }
0x34: {  	[sflag:s7] =	ssyncset.done $0x0  }
0x35: {  	[sflag:s7] =	ssyncadd.s32 $0xFFFFB000  }
0x36: {  	_ =	sfence.sel $0x180000  }
0x37: {  	[bflag:$0x0] =	sbarrier.arrive $0xFFFF  }
0x38: {  	p0 =	sne.s32 s0, $0x0;
	_ =	strace $0x90000053  }
0x39: {  	s0 =	sadd.s32 @!p0 $0x100000, s1;
	[bflag:$0x2] =	sbarrier.arrive $0xFFFF  }
0x3a: {  	[sflag:s0] =	ssyncadd.tile.s32 @!p0 $0x1;
	_ =	shalt  }
.Lfunc_end2:
_tile_overlayer_lowered:
.L_overlay_start_2:
0x3b: {  	(tag) =	ssettag $0x2  }
0x3c: {  	s0 =	rddreg [dreg:$0x0];
	s2 =	stileid.u32  }
0x3d: {  	s1 =	rddreg [dreg:$0x1];
	p0 =	sne.s32 s2, $0x0  }
0x3e: {  	s3 =	rddreg [dreg:$0x2];
	[bflag:$0x3] =	sbarrier.arrive $0xFFFF;
	s2 =	simm.s32 @!p0 $0x1C02  }
0x3f: {  	[timem:s3], [sflag:s2] =	dma.local @!p0 [hbm:s0], s1  }
0x40: {  	s0 =	simm.s32 @!p0 $0x2  }
0x41: {  	_ =	swait.ge @!p0 [sflag:s0], s1  }
0x42: {  	s1 =	ssub.s32 @!p0 $0x0, s1;
	[sflag:s0] =	ssyncset.done @!p0 $0x0  }
0x43: {  	[sflag:s0] =	ssyncadd.s32 @!p0 s1  }
0x44: {  	[bflag:$0x3] =	sbarrier.arrive $0xFFFF  }
0x45: {  	_ =	shalt  }

// kernel: kernel.33.cloned.1.call-start
scs
__scs_entry_jumppad:
0x0: {  	(pc) =	sbr.rel $0x88, $3  }
0x1: {  	(tag) =	ssettag $0x0;
	lr =	simm.s32 $0x1  }
0x2: {  	[smem:$0x3F9B] =	sst lr;
	_ =	strace $0xD0000000  }
0x3: {  	_ = 	snop  }
0x4: {  	_ = 	snop  }
0x5: {  	_ = 	snop  }
0x6: {  	_ = 	snop  }
0x7: {  	_ = 	snop  }
__scs_overlays_trampoline_lowered:
0x8: {  	[smem:$0x3FAA] =	sst s0  }
0x9: {  	[smem:$0x3FAB] =	sst s1  }
0xa: {  	[smem:$0x3FAC] =	sst s2  }
0xb: {  	[smem:$0x3FAD] =	sst s3  }
0xc: {  	[smem:$0x3FAE] =	sst s4  }
0xd: {  	[smem:$0x3FAF] =	sst s5  }
0xe: {  	[smem:$0x3FB0] =	sst s6  }
0xf: {  	[smem:$0x3FB1] =	sst s7  }
0x10: {  	[smem:$0x3FB2] =	sst s8  }
0x11: {  	[smem:$0x3FB3] =	sst s9;
	s0 =	simm.s32 @!p0 $0x0  }
0x12: {  	s1 =	sld [smem:$0x3F99];
	s0 =	simm.s32 @p0 $0x1  }
0x13: {  	[smem:$0x3FB4] =	sst s0;
	s0 =	simm.s32 @!p1 $0x0  }
0x14: {  	s2 =	sld [smem:$0x3F98];
	s0 =	simm.s32 @p1 $0x1  }
0x15: {  	[smem:$0x3FB5] =	sst s0;
	s0 =	simm.s32 @!p2 $0x0  }
0x16: {  	s3 =	sld [smem:$0x3FDB];
	s0 =	simm.s32 @p2 $0x1  }
0x17: {  	s4 =	simm.s32 $0x1BF5;
	[smem:$0x3FB7] =	sst s0  }
0x18: {  	s0 =	sld [smem:$0x3F9A];
	_ =	swait.ge [sflag:s4], $0x0  }
0x19: {  	s7 =	sld [smem:$0x3F9B]  }
0x1a: {  	s8 =	sadd.s32 $0xFFFFE003, lr  }
0x1b: {  	s9 =	sadd.s32 $0xFFFFFEF7, lr;
	s5 =	simm.s32 $0xFFFFFFFF;
	p2 =	slt.u32 s8, $0xFFFFF086  }
0x1c: {  	p1 =	slt.u32 s9, $0xF7A;
	s5 =	simm.s32 @!p2 $0x0  }
0x1d: {  	s5 =	simm.s32 @p1 $0x1;
	p0 =	seq.s32 s7, s2  }
0x1e: {  	s7 =	smul.u32 @!p0 $0xF7A, s2;
	p2 =	seq.s32 @!p0 s5, $0x0  }
0x1f: {  	s9 =	smul.u32 $0xF7A, s1;
	s8 =	simm.s32 @!p0 $0x1BF5;
	p2 =	por !p2, p0  }
0x20: {  	[sflag:s8] =	ssyncset.s32 @!p0 $0xFFFFF086;
	s6 =	sadd.s32 @!p0 s3, s7;
	s7 =	simm.s32 @!p0 $0x108  }
0x21: {  	s3 =	sadd.s32 s3, s9;
	s6 =	sadd.s32 @!p0 $0x88, s6;
	s7 =	simm.s32 @p2 $0x1082  }
0x22: {  	[simem:s7], [sflag:s8] =	dma.local @!p0 [hbm:s6], $0xF7A  }
0x23: {  	s9 =	sor.u32 $0xD0000000, s2;
	s6 =	simm.s32 $0x108;
	_ =	swait.ge @!p0 [sflag:s8], $0x0  }
0x24: {  	s3 =	sadd.s32 $0x88, s3;
	s6 =	simm.s32 @!p1 $0x1082;
	[sflag:s4] =	ssyncset.s32 $0xFFFFF086  }
0x25: {  	[simem:s6], [sflag:s4] =	dma.local [hbm:s3], $0xF7A  }
0x26: {  	[smem:$0x3F9B] =	sst s1;
	(tag) =	ssettag s2;
	_ =	strace s9  }
0x27: {  	s1 =	sld [smem:$0x3FAB]  }
0x28: {  	s2 =	sld [smem:$0x3FAC]  }
0x29: {  	s4 =	sld [smem:$0x3FAE]  }
0x2a: {  	p0 =	seq.s32 s5, $0x0;
	s5 =	sld [smem:$0x3FAF]  }
0x2b: {  	s6 =	sld [smem:$0x3FB0]  }
0x2c: {  	s7 =	sld [smem:$0x3FB1]  }
0x2d: {  	s3 =	simm.s32 $0x108;
	s8 =	sld [smem:$0x3FB2]  }
0x2e: {  	s3 =	simm.s32 @!p0 $0x1082;
	s9 =	sld [smem:$0x3FB3]  }
0x2f: {  	lr =	sadd.s32 s0, s3;
	s0 =	sld [smem:$0x3FAA]  }
0x30: {  	s3 =	sld [smem:$0x3FAD]  }
0x31: {  	[smem:$0x3FB6] =	sst s10  }
0x32: {  	s10 =	sld [smem:$0x3FB4];
	_ =	sdelay $0x3  }
0x33: {  	p0 =	seq.s32 s10, $0x1;
	s10 =	sld [smem:$0x3FB6];
	_ =	sdelay $0x3  }
0x34: {  	[smem:$0x3FB6] =	sst s10  }
0x35: {  	s10 =	sld [smem:$0x3FB5];
	_ =	sdelay $0x3  }
0x36: {  	p1 =	seq.s32 s10, $0x1;
	s10 =	sld [smem:$0x3FB6];
	_ =	sdelay $0x3  }
0x37: {  	[smem:$0x3FB6] =	sst s10  }
0x38: {  	s10 =	sld [smem:$0x3FB7]  }
0x39: {  	_ = 	snop;
	(pc) =	sbr.ind lr, $3  }
0x3a: {  	_ = 	snop  }
0x3b: {  	_ = 	snop  }
0x3c: {  	p2 =	seq.s32 s10, $0x1;
	s10 =	sld [smem:$0x3FB6]  }
0x3d: {  	_ =	shalt  }
0x3e: {  	_ =	shalt  }
0x3f: {  	_ =	shalt  }
0x40: {  	_ =	shalt  }
0x41: {  	_ =	shalt  }
0x42: {  	_ =	shalt  }
0x43: {  	_ =	shalt  }
0x44: {  	_ =	shalt  }
0x45: {  	_ =	shalt  }
0x46: {  	_ =	shalt  }
0x47: {  	_ =	shalt  }
0x48: {  	_ =	shalt  }
0x49: {  	_ =	shalt  }
0x4a: {  	_ =	shalt  }
0x4b: {  	_ =	shalt  }
0x4c: {  	_ =	shalt  }
0x4d: {  	_ =	shalt  }
0x4e: {  	_ =	shalt  }
0x4f: {  	_ =	shalt  }
0x50: {  	_ =	shalt  }
0x51: {  	_ =	shalt  }
0x52: {  	_ =	shalt  }
0x53: {  	_ =	shalt  }
0x54: {  	_ =	shalt  }
0x55: {  	_ =	shalt  }
0x56: {  	_ =	shalt  }
0x57: {  	_ =	shalt  }
0x58: {  	_ =	shalt  }
0x59: {  	_ =	shalt  }
0x5a: {  	_ =	shalt  }
0x5b: {  	_ =	shalt  }
0x5c: {  	_ =	shalt  }
0x5d: {  	_ =	shalt  }
0x5e: {  	_ =	shalt  }
0x5f: {  	_ =	shalt  }
0x60: {  	_ =	shalt  }
0x61: {  	_ =	shalt  }
0x62: {  	_ =	shalt  }
0x63: {  	_ =	shalt  }
0x64: {  	_ =	shalt  }
0x65: {  	_ =	shalt  }
0x66: {  	_ =	shalt  }
0x67: {  	_ =	shalt  }
0x68: {  	_ =	shalt  }
0x69: {  	_ =	shalt  }
0x6a: {  	_ =	shalt  }
0x6b: {  	_ =	shalt  }
0x6c: {  	_ =	shalt  }
0x6d: {  	_ =	shalt  }
0x6e: {  	_ =	shalt  }
0x6f: {  	_ =	shalt  }
0x70: {  	_ =	shalt  }
0x71: {  	_ =	shalt  }
0x72: {  	_ =	shalt  }
0x73: {  	_ =	shalt  }
0x74: {  	_ =	shalt  }
0x75: {  	_ =	shalt  }
0x76: {  	_ =	shalt  }
0x77: {  	_ =	shalt  }
0x78: {  	_ =	shalt  }
0x79: {  	_ =	shalt  }
0x7a: {  	_ =	shalt  }
0x7b: {  	_ =	shalt  }
0x7c: {  	_ =	shalt  }
0x7d: {  	_ =	shalt  }
0x7e: {  	_ =	shalt  }
0x7f: {  	_ =	shalt  }
0x80: {  	_ =	shalt  }
0x81: {  	_ =	shalt  }
0x82: {  	_ =	shalt  }
0x83: {  	_ =	shalt  }
0x84: {  	_ =	shalt  }
0x85: {  	_ =	shalt  }
0x86: {  	_ =	shalt  }
0x87: {  	_ =	shalt  }
.Lfunc_end0:
.L_simem_size_0:
called_computation.6_lowered:
.L_overlay_start_0:
0x88: {  	s2 =	sld [smem:$0x3FD9]  }
0x89: {  	s3 =	sld [smem:$0x3FFE];
	_ =	sdelay $0x1  }
0x8a: {  	s1 =	srdreg.scid  }
0x8b: {  	s0 =	sand.u32 $0x1, s1  }
0x8c: {  	s17 =	sshll.u32 s0, $0xA;
	s2 =	sadd.s32 s3, s2  }
0x8d: {  	s2 =	sadd.s32 s2, s17  }
0x8e: {  	[smem:$0x3FC2] =	sst s2  }
0x8f: {  	_ = 	snop  }
0x90: {  	(tm) =	ssettm $0x1  }
0x91: {  	s18 =	sld [smem:$0x3FFB];
	_ =	sdelay $0x3  }
0x92: {  	_ =	strace s18  }
0x93: {  	s2 =	sld [smem:$0x3FFC];
	_ =	sdelay $0x3  }
0x94: {  	_ =	strace s2  }
0x95: {  	s2 =	sld [smem:$0x3FFD];
	_ =	sdelay $0x3  }
0x96: {  	_ =	strace s2  }
0x97: {  	_ =	strace $0x8FFFFFFF  }
0x98: {  	s19 =	sld [smem:$0x3FDB];
	_ =	sdelay $0x1  }
0x99: {  	s20 =	simm.s32 $_scs_section_size  }
0x9a: {  	s4 =	simm.s32 $_size__tile_overlayer_lowered;
	s5 =	simm.s32 $_tile_overlayer_lowered  }
0x9b: {  	s6 =	simm.s32 $0x1BFF;
	s21 =	sshll.u32 s5, $0x1;
	s3 =	sadd.s32 s20, s19  }
0x9c: {  	s22 =	simm.s32 $0x0;
	s4 =	sshll.u32 s4, $0x1;
	s5 =	sadd.s32 s21, s3  }
0x9d: {  	[timem:s22], [sflag:s6] =	dma.local [hbm:s5], s4  }
0x9e: {  	_ =	swait.ge [sflag:s6], s4  }
0x9f: {  	s4 =	ssub.s32 $0x0, s4;
	[sflag:s6] =	ssyncset.done $0x0  }
0xa0: {  	[sflag:s6] =	ssyncadd.s32 s4;
	_ =	sdelay $0x1  }
0xa1: {  	s23 =	simm.s32 $0x1B8B  }
0xa2: {  	_ =	swait.ge [sflag:s23], $0x1  }
0xa3: {  	[sflag:s23] =	ssyncset.done $0x0  }
0xa4: {  	[sflag:s23] =	ssyncadd.s32 $0xFFFFFFFF  }
0xa5: {  	s4 =	sld [smem:$0x0]  }
0xa6: {  	s5 =	sand.u32 $0xFFFFFFFE, s1  }
0xa7: {  	p0 =	sne.s32 s1, s5  }
0xa8: {  	s5 =	sshll.u32 @p0 s5, $0xE  }
0xa9: {  	s5 =	sadd.s32 @p0 $0x11B8D, s5;
	s6 =	sshll.u32 @p0 s4, $0x11  }
0xaa: {  	s5 =	sor.u32 @p0 s6, s5  }
0xab: {  	[sflag:s5] =	ssyncadd.remote.s32 @p0 $0x1;
	_ =	sdelay $0x1  }
0xac: {  	s5 =	simm.s32 @p0 $0x1B8D  }
0xad: {  	_ =	swait.eq @p0 [sflag:s5], $0x1  }
0xae: {  	[sflag:s5] =	ssyncadd.s32 @p0 $0xFFFFFFFF  }
0xaf: {  	s6 =	sshll.u32 @!p0 s1, $0xE  }
0xb0: {  	s6 =	sor.u32 @!p0 $0x4000, s6;
	s5 =	simm.s32 @!p0 $0x1B8D  }
0xb1: {  	s4 =	sshll.u32 @!p0 s4, $0x11;
	s6 =	sadd.s32 @!p0 $0x11B8D, s6;
	_ =	swait.eq @!p0 [sflag:s5], $0x1  }
0xb2: {  	s4 =	sor.u32 @!p0 s4, s6;
	[sflag:s5] =	ssyncadd.s32 @!p0 $0xFFFFFFFF  }
0xb3: {  	s25 =	simm.s32 $0x1B8E;
	s24 =	sld [smem:$0x3FFE];
	[sflag:s4] =	ssyncadd.remote.s32 @!p0 $0x1  }
0xb4: {  	s26 =	simm.s32 $execute0_lowered;
	[smem:$0x3FD2] =	sst s25  }
0xb5: {  	s5 =	sshll.u32 s26, $0x1;
	_ =	strace $0x80000055;
	[dreg:$0x1] =	wrdreg $0xFFFFFFFF  }
0xb6: {  	s28 =	simm.s32 $_size_execute0_lowered;
	s3 =	sadd.s32 s3, s5;
	[dreg:$0x0] =	wrdreg $0x0  }
0xb7: {  	s5 =	sshll.u32 s28, $0x1;
	[dreg:$0x2] =	wrdreg s3  }
0xb8: {  	[dreg:$0x3] =	wrdreg s5  }
0xb9: {  	[dreg:$0x4] =	wrdreg $0xC0  }
0xba: {  	_ =	task [dreg:s22], $0x5FFFF  }
0xbb: {  	[dreg:$0x1] =	wrdreg $0xFFFFFFFF  }
0xbc: {  	[dreg:$0x0] =	wrdreg $0x60  }
0xbd: {  	[dreg:$0x2] =	wrdreg s24  }
0xbe: {  	[dreg:$0x3] =	wrdreg $0xE  }
0xbf: {  	_ =	task.clear_ibuf [dreg:s22], $0x4FFFF;
	_ =	strace $0x90000055  }
0xc0: {  	s29 =	simm.s32 $0xE;
	_ =	strace $0x80000057  }
0xc1: {  	_ =	swait.ge [sflag:s29], $0x1  }
0xc2: {  	[sflag:s29] =	ssyncadd.s32 $0xFFFFFFFF  }
0xc3: {  	_ =	strace $0x90000057  }
0xc4: {  	_ =	sfence  }
0xc5: {  	s30 =	sld [smem:$0x0];
	_ =	sdelay $0x2  }
0xc6: {  	s31 =	sshll.u32 s1, $0xD;
	s1 =	sshrl.u32 s1, $0x2  }
0xc7: {  	s4 =	sand.u32 $0x4000, s31;
	s1 =	sadd.s32 s1, s30  }
0xc8: {  	s0 =	sor.u32 s4, s0;
	s1 =	sshll.u32 s1, $0x11  }
0xc9: {  	s0 =	sor.u32 s1, s0  }
0xca: {  	s0 =	sadd.s32 $0x8F2B, s0  }
0xcb: {  	[sflag:s0] =	ssyncadd.remote.s32 $0x1  }
0xcc: {  	_ =	sfence.sel $0xFFFF  }
0xcd: {  	[dreg:$0x0] =	wrdreg $0xFFFFFFFF;
	(pc) =	sbr.abs _section_cstart, $3  }
0xce: {  	[dreg:$0x1] =	wrdreg $0xFFFFFFFF  }
0xcf: {  	_ =	task.clear_ibuf [dreg:s22], $0x2FFFF;
	_ =	strace $0x9FFFFFFF  }
0xd0: {  	(tm) =	ssettm $0x7FFFFFFF  }
0xd1: {  	_ =	shalt  }
tec
execute0_lowered:
.L_overlay_start_1:
0x0: {  	(tag) =	ssettag $0x1  }
0x1: {  	s1 =	srdreg.scid  }
0x2: {  	s0 =	stileid.u32;
	s3 =	rddreg [dreg:$0x0]  }
0x3: {  	s2 =	simm.s32 $0x0;
	s4 =	sand.u32 $0x1, s1;
	s5 =	smul.u32 $0x1900, s0  }
0x4: {  	[smem:$0x7FF] =	sst s2;
	s6 =	smul.u32 $0xC80, s4  }
0x5: {  	s1 =	rddreg [dreg:$0x1];
	s29 =	smul.u32 $0xC800, s0;
	_ =	strace $0x80000056  }
0x6: {  	s7 =	ssub.s32 $0x2, s4;
	s9 =	smul.u32 $0x6400, s4;
	s5 =	sadd.s32 s6, s5  }
0x7: {  	s8 =	sshrl.u32 s7, $0x1;
	s30 =	sadd.s32 s29, s3;
	s5 =	sadd.s32 $0x7D000, s5  }
0x8: {  	s31 =	ssub.s32 s7, s8;
	s7 =	simm.s32 $0x2;
	s5 =	sshrl.u32 s5, $0x3  }
0x9: {  	s8 =	simm.s32 $0x140;
	s4 =	smax.u32 s31, $0x1;
	s10 =	sadd.s32 s5, s3  }
0xa: {  	s3 =	sadd.s32 $0xF5FC00, s3;
	s5 =	sadd.s32 s9, s30;
	s9 =	simm.s32 $0x1  }
0xb: {  	s5 =	sadd.s32 $0x405600, s5;
	s6 =	sadd.s32 $0x4600, s10;
	s10 =	simm.s32 $0x0  }
.LBB2_1:
0xc: {  	s11 =	sand.u32 $0x1, s2  }
0xd: {  	s12 =	smul.u32 $0x500, s11;
	_ =	sdelay $0x1  }
0xe: {  	s11 =	smul.u32 $0x14000, s11;
	s12 =	sshrl.u32 s12, $0x2  }
0xf: {  	[tilespmem:s12], [sflag:$0x2] =	stream.linear.gather [hbm4b:s6+s2], $0x140, $0x38;
	[tilespmem:$0xA280] =	vst v63  }
0x10: {  	_ =	swait.ge [sflag:s7], $0x140  }
0x11: {  	s11 =	sshrl.u32 s11, $0x2;
	[sflag:s7] =	ssyncset.done $0x0  }
0x12: {  	s11 =	sor.u32 $0x280, s11;
	[sflag:s7] =	ssyncadd.s32 $0xFFFFFEC0  }
0x13: {  	[tilespmem:s11], [sflag:$0x1] =	stream.indirect.gather [hbm4b:s3+s8], $0x40, s12, s8, $0xb8;
	[tilespmem:$0xA280] =	vst v63  }
0x14: {  	_ =	swait.ge [sflag:s9], $0x5000  }
0x15: {  	s31 =	simm.s32 $0x1;
	[sflag:s9] =	ssyncset.done $0x0  }
0x16: {  	s14 =	sand.u32 $0x1, s31;
	[sflag:s9] =	ssyncadd.s32 $0xFFFFB000  }
0x17: {  	[hbm4b:s5+s2] =	stream.linear.scatter [tilespmem:s11], [sflag:$0x2], $0x5000, $0x38;
	[tilespmem:$0xA280] =	vst v63  }
0x18: {  	s15 =	simm.s32 $0x2;
	s13 =	smul.u32 $0x500, s14;
	_ =	swait.ge [sflag:s7], $0x5000  }
0x19: {  	s12 =	sadd.s32 $0x28, s6;
	s11 =	sadd.s32 $0xA00, s5;
	[sflag:s7] =	ssyncset.done $0x0  }
.LBB2_2:
0x1a: {  	s14 =	smul.u32 $0x14000, s14  }
0x1b: {  	[sflag:s7] =	ssyncadd.s32 $0xFFFFB000;
	s16 =	smov.u32 s15;
	s17 =	sadd.s32 $0x1, s15  }
0x1c: {  	p0 =	sne.s32 s15, $0x9;
	s13 =	sshrl.u32 s13, $0x2  }
0x1d: {  	[tilespmem:s13], [sflag:$0x2] =	stream.linear.gather [hbm4b:s12+s2], $0x140, $0x38;
	[tilespmem:$0xA280] =	vst v63  }
0x1e: {  	s14 =	sshrl.u32 s14, $0x2;
	_ =	swait.ge [sflag:s7], $0x140  }
0x1f: {  	[sflag:s7] =	ssyncset.done $0x0  }
0x20: {  	s14 =	sor.u32 $0x280, s14;
	[sflag:s7] =	ssyncadd.s32 $0xFFFFFEC0  }
0x21: {  	[tilespmem:s14], [sflag:$0x1] =	stream.indirect.gather [hbm4b:s3+s8], $0x40, s13, s8, $0xb8;
	[tilespmem:$0xA280] =	vst v63  }
0x22: {  	_ =	swait.ge [sflag:s9], $0x5000  }
.Ltmp0:
0x23: {  	[sflag:s9] =	ssyncset.done $0x0;
	(pc) =	sbr.rel @p0 .LBB2_2-.Ltmp0, $4  }
0x24: {  	s15 =	smov.u32 s17;
	[sflag:s9] =	ssyncadd.s32 $0xFFFFB000  }
0x25: {  	[hbm4b:s11+s2] =	stream.linear.scatter [tilespmem:s14], [sflag:$0x2], $0x5000, $0x38;
	[tilespmem:$0xA280] =	vst v63  }
0x26: {  	s12 =	sadd.s32 $0x28, s12;
	s14 =	sand.u32 $0x1, s16;
	_ =	swait.ge [sflag:s7], $0x5000  }
0x27: {  	s11 =	sadd.s32 $0xA00, s11;
	s13 =	smul.u32 $0x500, s14;
	[sflag:s7] =	ssyncset.done $0x0  }
0x28: {  	_ = 	snop  }
0x29: {  	s14 =	smul.u32 $0x14000, s14;
	[sflag:s7] =	ssyncadd.s32 $0xFFFFB000;
	s13 =	sshrl.u32 s13, $0x2  }
0x2a: {  	[tilespmem:s13], [sflag:$0x2] =	stream.linear.gather [hbm4b:s12+s2], $0x140, $0x38;
	[tilespmem:$0xA280] =	vst v63  }
0x2b: {  	_ =	swait.ge [sflag:s7], $0x140  }
0x2c: {  	s31 =	sshrl.u32 s14, $0x2;
	[sflag:s7] =	ssyncset.done $0x0  }
0x2d: {  	s12 =	sor.u32 $0x280, s31;
	[sflag:s7] =	ssyncadd.s32 $0xFFFFFEC0  }
0x2e: {  	[tilespmem:s12], [sflag:$0x1] =	stream.indirect.gather [hbm4b:s3+s8], $0x40, s13, s8, $0xb8;
	[tilespmem:$0xA280] =	vst v63  }
0x2f: {  	s10 =	sadd.s32 $0x1, s10;
	_ =	swait.ge [sflag:s9], $0x5000  }
0x30: {  	p0 =	sne.s32 s10, s4;
	[sflag:s9] =	ssyncset.done $0x0  }
.Ltmp1:
0x31: {  	[sflag:s9] =	ssyncadd.s32 $0xFFFFB000;
	(pc) =	sbr.rel @p0 .LBB2_1-.Ltmp1, $4  }
0x32: {  	[hbm4b:s11+s2] =	stream.linear.scatter [tilespmem:s12], [sflag:$0x2], $0x5000, $0x38;
	[tilespmem:$0xA280] =	vst v63  }
0x33: {  	_ =	swait.ge [sflag:s7], $0x5000  }
0x34: {  	[sflag:s7] =	ssyncset.done $0x0  }
0x35: {  	[sflag:s7] =	ssyncadd.s32 $0xFFFFB000  }
0x36: {  	_ =	sfence.sel $0x180000  }
0x37: {  	[bflag:$0x0] =	sbarrier.arrive $0xFFFF  }
0x38: {  	p0 =	sne.s32 s0, $0x0;
	_ =	strace $0x90000056  }
0x39: {  	s0 =	sadd.s32 @!p0 $0x100000, s1;
	[bflag:$0x2] =	sbarrier.arrive $0xFFFF  }
0x3a: {  	[sflag:s0] =	ssyncadd.tile.s32 @!p0 $0x1;
	_ =	shalt  }
.Lfunc_end2:
_tile_overlayer_lowered:
.L_overlay_start_2:
0x3b: {  	(tag) =	ssettag $0x2  }
0x3c: {  	s0 =	rddreg [dreg:$0x0];
	s2 =	stileid.u32  }
0x3d: {  	s1 =	rddreg [dreg:$0x1];
	p0 =	sne.s32 s2, $0x0  }
0x3e: {  	s3 =	rddreg [dreg:$0x2];
	[bflag:$0x3] =	sbarrier.arrive $0xFFFF;
	s2 =	simm.s32 @!p0 $0x1C02  }
0x3f: {  	[timem:s3], [sflag:s2] =	dma.local @!p0 [hbm:s0], s1  }
0x40: {  	s0 =	simm.s32 @!p0 $0x2  }
0x41: {  	_ =	swait.ge @!p0 [sflag:s0], s1  }
0x42: {  	s1 =	ssub.s32 @!p0 $0x0, s1;
	[sflag:s0] =	ssyncset.done @!p0 $0x0  }
0x43: {  	[sflag:s0] =	ssyncadd.s32 @!p0 s1  }
0x44: {  	[bflag:$0x3] =	sbarrier.arrive $0xFFFF  }
0x45: {  	_ =	shalt  }

// kernel: kernel.36.cloned.1.call-start
scs
__scs_entry_jumppad:
0x0: {  	(pc) =	sbr.rel $0x88, $3  }
0x1: {  	(tag) =	ssettag $0x0;
	lr =	simm.s32 $0x1  }
0x2: {  	[smem:$0x3F9B] =	sst lr;
	_ =	strace $0xD0000000  }
0x3: {  	_ = 	snop  }
0x4: {  	_ = 	snop  }
0x5: {  	_ = 	snop  }
0x6: {  	_ = 	snop  }
0x7: {  	_ = 	snop  }
__scs_overlays_trampoline_lowered:
0x8: {  	[smem:$0x3FAA] =	sst s0  }
0x9: {  	[smem:$0x3FAB] =	sst s1  }
0xa: {  	[smem:$0x3FAC] =	sst s2  }
0xb: {  	[smem:$0x3FAD] =	sst s3  }
0xc: {  	[smem:$0x3FAE] =	sst s4  }
0xd: {  	[smem:$0x3FAF] =	sst s5  }
0xe: {  	[smem:$0x3FB0] =	sst s6  }
0xf: {  	[smem:$0x3FB1] =	sst s7  }
0x10: {  	[smem:$0x3FB2] =	sst s8  }
0x11: {  	[smem:$0x3FB3] =	sst s9;
	s0 =	simm.s32 @!p0 $0x0  }
0x12: {  	s1 =	sld [smem:$0x3F99];
	s0 =	simm.s32 @p0 $0x1  }
0x13: {  	[smem:$0x3FB4] =	sst s0;
	s0 =	simm.s32 @!p1 $0x0  }
0x14: {  	s2 =	sld [smem:$0x3F98];
	s0 =	simm.s32 @p1 $0x1  }
0x15: {  	[smem:$0x3FB5] =	sst s0;
	s0 =	simm.s32 @!p2 $0x0  }
0x16: {  	s3 =	sld [smem:$0x3FDB];
	s0 =	simm.s32 @p2 $0x1  }
0x17: {  	s4 =	simm.s32 $0x1BF5;
	[smem:$0x3FB7] =	sst s0  }
0x18: {  	s0 =	sld [smem:$0x3F9A];
	_ =	swait.ge [sflag:s4], $0x0  }
0x19: {  	s7 =	sld [smem:$0x3F9B]  }
0x1a: {  	s8 =	sadd.s32 $0xFFFFE003, lr  }
0x1b: {  	s9 =	sadd.s32 $0xFFFFFEF7, lr;
	s5 =	simm.s32 $0xFFFFFFFF;
	p2 =	slt.u32 s8, $0xFFFFF086  }
0x1c: {  	p1 =	slt.u32 s9, $0xF7A;
	s5 =	simm.s32 @!p2 $0x0  }
0x1d: {  	s5 =	simm.s32 @p1 $0x1;
	p0 =	seq.s32 s7, s2  }
0x1e: {  	s7 =	smul.u32 @!p0 $0xF7A, s2;
	p2 =	seq.s32 @!p0 s5, $0x0  }
0x1f: {  	s9 =	smul.u32 $0xF7A, s1;
	s8 =	simm.s32 @!p0 $0x1BF5;
	p2 =	por !p2, p0  }
0x20: {  	[sflag:s8] =	ssyncset.s32 @!p0 $0xFFFFF086;
	s6 =	sadd.s32 @!p0 s3, s7;
	s7 =	simm.s32 @!p0 $0x108  }
0x21: {  	s3 =	sadd.s32 s3, s9;
	s6 =	sadd.s32 @!p0 $0x88, s6;
	s7 =	simm.s32 @p2 $0x1082  }
0x22: {  	[simem:s7], [sflag:s8] =	dma.local @!p0 [hbm:s6], $0xF7A  }
0x23: {  	s9 =	sor.u32 $0xD0000000, s2;
	s6 =	simm.s32 $0x108;
	_ =	swait.ge @!p0 [sflag:s8], $0x0  }
0x24: {  	s3 =	sadd.s32 $0x88, s3;
	s6 =	simm.s32 @!p1 $0x1082;
	[sflag:s4] =	ssyncset.s32 $0xFFFFF086  }
0x25: {  	[simem:s6], [sflag:s4] =	dma.local [hbm:s3], $0xF7A  }
0x26: {  	[smem:$0x3F9B] =	sst s1;
	(tag) =	ssettag s2;
	_ =	strace s9  }
0x27: {  	s1 =	sld [smem:$0x3FAB]  }
0x28: {  	s2 =	sld [smem:$0x3FAC]  }
0x29: {  	s4 =	sld [smem:$0x3FAE]  }
0x2a: {  	p0 =	seq.s32 s5, $0x0;
	s5 =	sld [smem:$0x3FAF]  }
0x2b: {  	s6 =	sld [smem:$0x3FB0]  }
0x2c: {  	s7 =	sld [smem:$0x3FB1]  }
0x2d: {  	s3 =	simm.s32 $0x108;
	s8 =	sld [smem:$0x3FB2]  }
0x2e: {  	s3 =	simm.s32 @!p0 $0x1082;
	s9 =	sld [smem:$0x3FB3]  }
0x2f: {  	lr =	sadd.s32 s0, s3;
	s0 =	sld [smem:$0x3FAA]  }
0x30: {  	s3 =	sld [smem:$0x3FAD]  }
0x31: {  	[smem:$0x3FB6] =	sst s10  }
0x32: {  	s10 =	sld [smem:$0x3FB4];
	_ =	sdelay $0x3  }
0x33: {  	p0 =	seq.s32 s10, $0x1;
	s10 =	sld [smem:$0x3FB6];
	_ =	sdelay $0x3  }
0x34: {  	[smem:$0x3FB6] =	sst s10  }
0x35: {  	s10 =	sld [smem:$0x3FB5];
	_ =	sdelay $0x3  }
0x36: {  	p1 =	seq.s32 s10, $0x1;
	s10 =	sld [smem:$0x3FB6];
	_ =	sdelay $0x3  }
0x37: {  	[smem:$0x3FB6] =	sst s10  }
0x38: {  	s10 =	sld [smem:$0x3FB7]  }
0x39: {  	_ = 	snop;
	(pc) =	sbr.ind lr, $3  }
0x3a: {  	_ = 	snop  }
0x3b: {  	_ = 	snop  }
0x3c: {  	p2 =	seq.s32 s10, $0x1;
	s10 =	sld [smem:$0x3FB6]  }
0x3d: {  	_ =	shalt  }
0x3e: {  	_ =	shalt  }
0x3f: {  	_ =	shalt  }
0x40: {  	_ =	shalt  }
0x41: {  	_ =	shalt  }
0x42: {  	_ =	shalt  }
0x43: {  	_ =	shalt  }
0x44: {  	_ =	shalt  }
0x45: {  	_ =	shalt  }
0x46: {  	_ =	shalt  }
0x47: {  	_ =	shalt  }
0x48: {  	_ =	shalt  }
0x49: {  	_ =	shalt  }
0x4a: {  	_ =	shalt  }
0x4b: {  	_ =	shalt  }
0x4c: {  	_ =	shalt  }
0x4d: {  	_ =	shalt  }
0x4e: {  	_ =	shalt  }
0x4f: {  	_ =	shalt  }
0x50: {  	_ =	shalt  }
0x51: {  	_ =	shalt  }
0x52: {  	_ =	shalt  }
0x53: {  	_ =	shalt  }
0x54: {  	_ =	shalt  }
0x55: {  	_ =	shalt  }
0x56: {  	_ =	shalt  }
0x57: {  	_ =	shalt  }
0x58: {  	_ =	shalt  }
0x59: {  	_ =	shalt  }
0x5a: {  	_ =	shalt  }
0x5b: {  	_ =	shalt  }
0x5c: {  	_ =	shalt  }
0x5d: {  	_ =	shalt  }
0x5e: {  	_ =	shalt  }
0x5f: {  	_ =	shalt  }
0x60: {  	_ =	shalt  }
0x61: {  	_ =	shalt  }
0x62: {  	_ =	shalt  }
0x63: {  	_ =	shalt  }
0x64: {  	_ =	shalt  }
0x65: {  	_ =	shalt  }
0x66: {  	_ =	shalt  }
0x67: {  	_ =	shalt  }
0x68: {  	_ =	shalt  }
0x69: {  	_ =	shalt  }
0x6a: {  	_ =	shalt  }
0x6b: {  	_ =	shalt  }
0x6c: {  	_ =	shalt  }
0x6d: {  	_ =	shalt  }
0x6e: {  	_ =	shalt  }
0x6f: {  	_ =	shalt  }
0x70: {  	_ =	shalt  }
0x71: {  	_ =	shalt  }
0x72: {  	_ =	shalt  }
0x73: {  	_ =	shalt  }
0x74: {  	_ =	shalt  }
0x75: {  	_ =	shalt  }
0x76: {  	_ =	shalt  }
0x77: {  	_ =	shalt  }
0x78: {  	_ =	shalt  }
0x79: {  	_ =	shalt  }
0x7a: {  	_ =	shalt  }
0x7b: {  	_ =	shalt  }
0x7c: {  	_ =	shalt  }
0x7d: {  	_ =	shalt  }
0x7e: {  	_ =	shalt  }
0x7f: {  	_ =	shalt  }
0x80: {  	_ =	shalt  }
0x81: {  	_ =	shalt  }
0x82: {  	_ =	shalt  }
0x83: {  	_ =	shalt  }
0x84: {  	_ =	shalt  }
0x85: {  	_ =	shalt  }
0x86: {  	_ =	shalt  }
0x87: {  	_ =	shalt  }
.Lfunc_end0:
.L_simem_size_0:
called_computation.7_lowered:
.L_overlay_start_0:
0x88: {  	s2 =	sld [smem:$0x3FD9]  }
0x89: {  	s3 =	sld [smem:$0x3FFE];
	_ =	sdelay $0x1  }
0x8a: {  	s1 =	srdreg.scid  }
0x8b: {  	s0 =	sand.u32 $0x1, s1  }
0x8c: {  	s17 =	sshll.u32 s0, $0xA;
	s2 =	sadd.s32 s3, s2  }
0x8d: {  	s2 =	sadd.s32 s2, s17  }
0x8e: {  	[smem:$0x3FC2] =	sst s2  }
0x8f: {  	_ = 	snop  }
0x90: {  	(tm) =	ssettm $0x1  }
0x91: {  	s18 =	sld [smem:$0x3FFB];
	_ =	sdelay $0x3  }
0x92: {  	_ =	strace s18  }
0x93: {  	s2 =	sld [smem:$0x3FFC];
	_ =	sdelay $0x3  }
0x94: {  	_ =	strace s2  }
0x95: {  	s2 =	sld [smem:$0x3FFD];
	_ =	sdelay $0x3  }
0x96: {  	_ =	strace s2  }
0x97: {  	_ =	strace $0x8FFFFFFF  }
0x98: {  	s19 =	sld [smem:$0x3FDB];
	_ =	sdelay $0x1  }
0x99: {  	s20 =	simm.s32 $_scs_section_size  }
0x9a: {  	s4 =	simm.s32 $_size__tile_overlayer_lowered;
	s5 =	simm.s32 $_tile_overlayer_lowered  }
0x9b: {  	s6 =	simm.s32 $0x1BFF;
	s21 =	sshll.u32 s5, $0x1;
	s3 =	sadd.s32 s20, s19  }
0x9c: {  	s22 =	simm.s32 $0x0;
	s4 =	sshll.u32 s4, $0x1;
	s5 =	sadd.s32 s21, s3  }
0x9d: {  	[timem:s22], [sflag:s6] =	dma.local [hbm:s5], s4  }
0x9e: {  	_ =	swait.ge [sflag:s6], s4  }
0x9f: {  	s4 =	ssub.s32 $0x0, s4;
	[sflag:s6] =	ssyncset.done $0x0  }
0xa0: {  	[sflag:s6] =	ssyncadd.s32 s4;
	_ =	sdelay $0x1  }
0xa1: {  	s23 =	simm.s32 $0x1B8B  }
0xa2: {  	_ =	swait.ge [sflag:s23], $0x1  }
0xa3: {  	[sflag:s23] =	ssyncset.done $0x0  }
0xa4: {  	[sflag:s23] =	ssyncadd.s32 $0xFFFFFFFF  }
0xa5: {  	s4 =	sld [smem:$0x0]  }
0xa6: {  	s5 =	sand.u32 $0xFFFFFFFE, s1  }
0xa7: {  	p0 =	sne.s32 s1, s5  }
0xa8: {  	s5 =	sshll.u32 @p0 s5, $0xE  }
0xa9: {  	s5 =	sadd.s32 @p0 $0x11B8D, s5;
	s6 =	sshll.u32 @p0 s4, $0x11  }
0xaa: {  	s5 =	sor.u32 @p0 s6, s5  }
0xab: {  	[sflag:s5] =	ssyncadd.remote.s32 @p0 $0x1;
	_ =	sdelay $0x1  }
0xac: {  	s5 =	simm.s32 @p0 $0x1B8D  }
0xad: {  	_ =	swait.eq @p0 [sflag:s5], $0x1  }
0xae: {  	[sflag:s5] =	ssyncadd.s32 @p0 $0xFFFFFFFF  }
0xaf: {  	s6 =	sshll.u32 @!p0 s1, $0xE  }
0xb0: {  	s6 =	sor.u32 @!p0 $0x4000, s6;
	s5 =	simm.s32 @!p0 $0x1B8D  }
0xb1: {  	s4 =	sshll.u32 @!p0 s4, $0x11;
	s6 =	sadd.s32 @!p0 $0x11B8D, s6;
	_ =	swait.eq @!p0 [sflag:s5], $0x1  }
0xb2: {  	s4 =	sor.u32 @!p0 s4, s6;
	[sflag:s5] =	ssyncadd.s32 @!p0 $0xFFFFFFFF  }
0xb3: {  	s25 =	simm.s32 $0x1B8E;
	s24 =	sld [smem:$0x3FFE];
	[sflag:s4] =	ssyncadd.remote.s32 @!p0 $0x1  }
0xb4: {  	s26 =	simm.s32 $execute0_lowered;
	[smem:$0x3FD2] =	sst s25  }
0xb5: {  	s5 =	sshll.u32 s26, $0x1;
	_ =	strace $0x80000058;
	[dreg:$0x1] =	wrdreg $0xFFFFFFFF  }
0xb6: {  	s28 =	simm.s32 $_size_execute0_lowered;
	s3 =	sadd.s32 s3, s5;
	[dreg:$0x0] =	wrdreg $0x0  }
0xb7: {  	s5 =	sshll.u32 s28, $0x1;
	[dreg:$0x2] =	wrdreg s3  }
0xb8: {  	[dreg:$0x3] =	wrdreg s5  }
0xb9: {  	[dreg:$0x4] =	wrdreg $0xC0  }
0xba: {  	_ =	task [dreg:s22], $0x5FFFF  }
0xbb: {  	[dreg:$0x1] =	wrdreg $0xFFFFFFFF  }
0xbc: {  	[dreg:$0x0] =	wrdreg $0x60  }
0xbd: {  	[dreg:$0x2] =	wrdreg s24  }
0xbe: {  	[dreg:$0x3] =	wrdreg $0xF  }
0xbf: {  	_ =	task.clear_ibuf [dreg:s22], $0x4FFFF;
	_ =	strace $0x90000058  }
0xc0: {  	s29 =	simm.s32 $0xF;
	_ =	strace $0x8000005A  }
0xc1: {  	_ =	swait.ge [sflag:s29], $0x1  }
0xc2: {  	[sflag:s29] =	ssyncadd.s32 $0xFFFFFFFF  }
0xc3: {  	_ =	strace $0x9000005A  }
0xc4: {  	_ =	sfence  }
0xc5: {  	s30 =	sld [smem:$0x0];
	_ =	sdelay $0x2  }
0xc6: {  	s31 =	sshll.u32 s1, $0xD;
	s1 =	sshrl.u32 s1, $0x2  }
0xc7: {  	s4 =	sand.u32 $0x4000, s31;
	s1 =	sadd.s32 s1, s30  }
0xc8: {  	s0 =	sor.u32 s4, s0;
	s1 =	sshll.u32 s1, $0x11  }
0xc9: {  	s0 =	sor.u32 s1, s0  }
0xca: {  	s0 =	sadd.s32 $0x8F2B, s0  }
0xcb: {  	[sflag:s0] =	ssyncadd.remote.s32 $0x1  }
0xcc: {  	_ =	sfence.sel $0xFFFF  }
0xcd: {  	[dreg:$0x0] =	wrdreg $0xFFFFFFFF;
	(pc) =	sbr.abs _section_cstart, $3  }
0xce: {  	[dreg:$0x1] =	wrdreg $0xFFFFFFFF  }
0xcf: {  	_ =	task.clear_ibuf [dreg:s22], $0x2FFFF;
	_ =	strace $0x9FFFFFFF  }
0xd0: {  	(tm) =	ssettm $0x7FFFFFFF  }
0xd1: {  	_ =	shalt  }
tec
execute0_lowered:
.L_overlay_start_1:
0x0: {  	(tag) =	ssettag $0x1  }
0x1: {  	s1 =	srdreg.scid  }
0x2: {  	s0 =	stileid.u32;
	s3 =	rddreg [dreg:$0x0]  }
0x3: {  	s2 =	simm.s32 $0x0;
	s4 =	sand.u32 $0x1, s1;
	s5 =	smul.u32 $0x1900, s0  }
0x4: {  	[smem:$0x7FF] =	sst s2;
	s6 =	smul.u32 $0xC80, s4  }
0x5: {  	s1 =	rddreg [dreg:$0x1];
	s29 =	smul.u32 $0xC800, s0;
	_ =	strace $0x80000059  }
0x6: {  	s7 =	ssub.s32 $0x2, s4;
	s9 =	smul.u32 $0x6400, s4;
	s5 =	sadd.s32 s6, s5  }
0x7: {  	s8 =	sshrl.u32 s7, $0x1;
	s30 =	sadd.s32 s29, s3;
	s5 =	sadd.s32 $0x96000, s5  }
0x8: {  	s31 =	ssub.s32 s7, s8;
	s7 =	simm.s32 $0x2;
	s5 =	sshrl.u32 s5, $0x3  }
0x9: {  	s8 =	simm.s32 $0x140;
	s4 =	smax.u32 s31, $0x1;
	s10 =	sadd.s32 s5, s3  }
0xa: {  	s3 =	sadd.s32 $0xF5FC00, s3;
	s5 =	sadd.s32 s9, s30;
	s9 =	simm.s32 $0x1  }
0xb: {  	s5 =	sadd.s32 $0x4CD600, s5;
	s6 =	sadd.s32 $0x4600, s10;
	s10 =	simm.s32 $0x0  }
.LBB2_1:
0xc: {  	s11 =	sand.u32 $0x1, s2  }
0xd: {  	s12 =	smul.u32 $0x500, s11;
	_ =	sdelay $0x1  }
0xe: {  	s11 =	smul.u32 $0x14000, s11;
	s12 =	sshrl.u32 s12, $0x2  }
0xf: {  	[tilespmem:s12], [sflag:$0x2] =	stream.linear.gather [hbm4b:s6+s2], $0x140, $0x38;
	[tilespmem:$0xA280] =	vst v63  }
0x10: {  	_ =	swait.ge [sflag:s7], $0x140  }
0x11: {  	s11 =	sshrl.u32 s11, $0x2;
	[sflag:s7] =	ssyncset.done $0x0  }
0x12: {  	s11 =	sor.u32 $0x280, s11;
	[sflag:s7] =	ssyncadd.s32 $0xFFFFFEC0  }
0x13: {  	[tilespmem:s11], [sflag:$0x1] =	stream.indirect.gather [hbm4b:s3+s8], $0x40, s12, s8, $0xb8;
	[tilespmem:$0xA280] =	vst v63  }
0x14: {  	_ =	swait.ge [sflag:s9], $0x5000  }
0x15: {  	s31 =	simm.s32 $0x1;
	[sflag:s9] =	ssyncset.done $0x0  }
0x16: {  	s14 =	sand.u32 $0x1, s31;
	[sflag:s9] =	ssyncadd.s32 $0xFFFFB000  }
0x17: {  	[hbm4b:s5+s2] =	stream.linear.scatter [tilespmem:s11], [sflag:$0x2], $0x5000, $0x38;
	[tilespmem:$0xA280] =	vst v63  }
0x18: {  	s15 =	simm.s32 $0x2;
	s13 =	smul.u32 $0x500, s14;
	_ =	swait.ge [sflag:s7], $0x5000  }
0x19: {  	s12 =	sadd.s32 $0x28, s6;
	s11 =	sadd.s32 $0xA00, s5;
	[sflag:s7] =	ssyncset.done $0x0  }
.LBB2_2:
0x1a: {  	s14 =	smul.u32 $0x14000, s14  }
0x1b: {  	[sflag:s7] =	ssyncadd.s32 $0xFFFFB000;
	s16 =	smov.u32 s15;
	s17 =	sadd.s32 $0x1, s15  }
0x1c: {  	p0 =	sne.s32 s15, $0x9;
	s13 =	sshrl.u32 s13, $0x2  }
0x1d: {  	[tilespmem:s13], [sflag:$0x2] =	stream.linear.gather [hbm4b:s12+s2], $0x140, $0x38;
	[tilespmem:$0xA280] =	vst v63  }
0x1e: {  	s14 =	sshrl.u32 s14, $0x2;
	_ =	swait.ge [sflag:s7], $0x140  }
0x1f: {  	[sflag:s7] =	ssyncset.done $0x0  }
0x20: {  	s14 =	sor.u32 $0x280, s14;
	[sflag:s7] =	ssyncadd.s32 $0xFFFFFEC0  }
0x21: {  	[tilespmem:s14], [sflag:$0x1] =	stream.indirect.gather [hbm4b:s3+s8], $0x40, s13, s8, $0xb8;
	[tilespmem:$0xA280] =	vst v63  }
0x22: {  	_ =	swait.ge [sflag:s9], $0x5000  }
.Ltmp0:
0x23: {  	[sflag:s9] =	ssyncset.done $0x0;
	(pc) =	sbr.rel @p0 .LBB2_2-.Ltmp0, $4  }
0x24: {  	s15 =	smov.u32 s17;
	[sflag:s9] =	ssyncadd.s32 $0xFFFFB000  }
0x25: {  	[hbm4b:s11+s2] =	stream.linear.scatter [tilespmem:s14], [sflag:$0x2], $0x5000, $0x38;
	[tilespmem:$0xA280] =	vst v63  }
0x26: {  	s12 =	sadd.s32 $0x28, s12;
	s14 =	sand.u32 $0x1, s16;
	_ =	swait.ge [sflag:s7], $0x5000  }
0x27: {  	s11 =	sadd.s32 $0xA00, s11;
	s13 =	smul.u32 $0x500, s14;
	[sflag:s7] =	ssyncset.done $0x0  }
0x28: {  	_ = 	snop  }
0x29: {  	s14 =	smul.u32 $0x14000, s14;
	[sflag:s7] =	ssyncadd.s32 $0xFFFFB000;
	s13 =	sshrl.u32 s13, $0x2  }
0x2a: {  	[tilespmem:s13], [sflag:$0x2] =	stream.linear.gather [hbm4b:s12+s2], $0x140, $0x38;
	[tilespmem:$0xA280] =	vst v63  }
0x2b: {  	_ =	swait.ge [sflag:s7], $0x140  }
0x2c: {  	s31 =	sshrl.u32 s14, $0x2;
	[sflag:s7] =	ssyncset.done $0x0  }
0x2d: {  	s12 =	sor.u32 $0x280, s31;
	[sflag:s7] =	ssyncadd.s32 $0xFFFFFEC0  }
0x2e: {  	[tilespmem:s12], [sflag:$0x1] =	stream.indirect.gather [hbm4b:s3+s8], $0x40, s13, s8, $0xb8;
	[tilespmem:$0xA280] =	vst v63  }
0x2f: {  	s10 =	sadd.s32 $0x1, s10;
	_ =	swait.ge [sflag:s9], $0x5000  }
0x30: {  	p0 =	sne.s32 s10, s4;
	[sflag:s9] =	ssyncset.done $0x0  }
.Ltmp1:
0x31: {  	[sflag:s9] =	ssyncadd.s32 $0xFFFFB000;
	(pc) =	sbr.rel @p0 .LBB2_1-.Ltmp1, $4  }
0x32: {  	[hbm4b:s11+s2] =	stream.linear.scatter [tilespmem:s12], [sflag:$0x2], $0x5000, $0x38;
	[tilespmem:$0xA280] =	vst v63  }
0x33: {  	_ =	swait.ge [sflag:s7], $0x5000  }
0x34: {  	[sflag:s7] =	ssyncset.done $0x0  }
0x35: {  	[sflag:s7] =	ssyncadd.s32 $0xFFFFB000  }
0x36: {  	_ =	sfence.sel $0x180000  }
0x37: {  	[bflag:$0x0] =	sbarrier.arrive $0xFFFF  }
0x38: {  	p0 =	sne.s32 s0, $0x0;
	_ =	strace $0x90000059  }
0x39: {  	s0 =	sadd.s32 @!p0 $0x100000, s1;
	[bflag:$0x2] =	sbarrier.arrive $0xFFFF  }
0x3a: {  	[sflag:s0] =	ssyncadd.tile.s32 @!p0 $0x1;
	_ =	shalt  }
.Lfunc_end2:
_tile_overlayer_lowered:
.L_overlay_start_2:
0x3b: {  	(tag) =	ssettag $0x2  }
0x3c: {  	s0 =	rddreg [dreg:$0x0];
	s2 =	stileid.u32  }
0x3d: {  	s1 =	rddreg [dreg:$0x1];
	p0 =	sne.s32 s2, $0x0  }
0x3e: {  	s3 =	rddreg [dreg:$0x2];
	[bflag:$0x3] =	sbarrier.arrive $0xFFFF;
	s2 =	simm.s32 @!p0 $0x1C02  }
0x3f: {  	[timem:s3], [sflag:s2] =	dma.local @!p0 [hbm:s0], s1  }
0x40: {  	s0 =	simm.s32 @!p0 $0x2  }
0x41: {  	_ =	swait.ge @!p0 [sflag:s0], s1  }
0x42: {  	s1 =	ssub.s32 @!p0 $0x0, s1;
	[sflag:s0] =	ssyncset.done @!p0 $0x0  }
0x43: {  	[sflag:s0] =	ssyncadd.s32 @!p0 s1  }
0x44: {  	[bflag:$0x3] =	sbarrier.arrive $0xFFFF  }
0x45: {  	_ =	shalt  }

// kernel: kernel.39.cloned.1.call-start
scs
__scs_entry_jumppad:
0x0: {  	(pc) =	sbr.rel $0x88, $3  }
0x1: {  	(tag) =	ssettag $0x0;
	lr =	simm.s32 $0x1  }
0x2: {  	[smem:$0x3F9B] =	sst lr;
	_ =	strace $0xD0000000  }
0x3: {  	_ = 	snop  }
0x4: {  	_ = 	snop  }
0x5: {  	_ = 	snop  }
0x6: {  	_ = 	snop  }
0x7: {  	_ = 	snop  }
__scs_overlays_trampoline_lowered:
0x8: {  	[smem:$0x3FAA] =	sst s0  }
0x9: {  	[smem:$0x3FAB] =	sst s1  }
0xa: {  	[smem:$0x3FAC] =	sst s2  }
0xb: {  	[smem:$0x3FAD] =	sst s3  }
0xc: {  	[smem:$0x3FAE] =	sst s4  }
0xd: {  	[smem:$0x3FAF] =	sst s5  }
0xe: {  	[smem:$0x3FB0] =	sst s6  }
0xf: {  	[smem:$0x3FB1] =	sst s7  }
0x10: {  	[smem:$0x3FB2] =	sst s8  }
0x11: {  	[smem:$0x3FB3] =	sst s9;
	s0 =	simm.s32 @!p0 $0x0  }
0x12: {  	s1 =	sld [smem:$0x3F99];
	s0 =	simm.s32 @p0 $0x1  }
0x13: {  	[smem:$0x3FB4] =	sst s0;
	s0 =	simm.s32 @!p1 $0x0  }
0x14: {  	s2 =	sld [smem:$0x3F98];
	s0 =	simm.s32 @p1 $0x1  }
0x15: {  	[smem:$0x3FB5] =	sst s0;
	s0 =	simm.s32 @!p2 $0x0  }
0x16: {  	s3 =	sld [smem:$0x3FDB];
	s0 =	simm.s32 @p2 $0x1  }
0x17: {  	s4 =	simm.s32 $0x1BF5;
	[smem:$0x3FB7] =	sst s0  }
0x18: {  	s0 =	sld [smem:$0x3F9A];
	_ =	swait.ge [sflag:s4], $0x0  }
0x19: {  	s7 =	sld [smem:$0x3F9B]  }
0x1a: {  	s8 =	sadd.s32 $0xFFFFE003, lr  }
0x1b: {  	s9 =	sadd.s32 $0xFFFFFEF7, lr;
	s5 =	simm.s32 $0xFFFFFFFF;
	p2 =	slt.u32 s8, $0xFFFFF086  }
0x1c: {  	p1 =	slt.u32 s9, $0xF7A;
	s5 =	simm.s32 @!p2 $0x0  }
0x1d: {  	s5 =	simm.s32 @p1 $0x1;
	p0 =	seq.s32 s7, s2  }
0x1e: {  	s7 =	smul.u32 @!p0 $0xF7A, s2;
	p2 =	seq.s32 @!p0 s5, $0x0  }
0x1f: {  	s9 =	smul.u32 $0xF7A, s1;
	s8 =	simm.s32 @!p0 $0x1BF5;
	p2 =	por !p2, p0  }
0x20: {  	[sflag:s8] =	ssyncset.s32 @!p0 $0xFFFFF086;
	s6 =	sadd.s32 @!p0 s3, s7;
	s7 =	simm.s32 @!p0 $0x108  }
0x21: {  	s3 =	sadd.s32 s3, s9;
	s6 =	sadd.s32 @!p0 $0x88, s6;
	s7 =	simm.s32 @p2 $0x1082  }
0x22: {  	[simem:s7], [sflag:s8] =	dma.local @!p0 [hbm:s6], $0xF7A  }
0x23: {  	s9 =	sor.u32 $0xD0000000, s2;
	s6 =	simm.s32 $0x108;
	_ =	swait.ge @!p0 [sflag:s8], $0x0  }
0x24: {  	s3 =	sadd.s32 $0x88, s3;
	s6 =	simm.s32 @!p1 $0x1082;
	[sflag:s4] =	ssyncset.s32 $0xFFFFF086  }
0x25: {  	[simem:s6], [sflag:s4] =	dma.local [hbm:s3], $0xF7A  }
0x26: {  	[smem:$0x3F9B] =	sst s1;
	(tag) =	ssettag s2;
	_ =	strace s9  }
0x27: {  	s1 =	sld [smem:$0x3FAB]  }
0x28: {  	s2 =	sld [smem:$0x3FAC]  }
0x29: {  	s4 =	sld [smem:$0x3FAE]  }
0x2a: {  	p0 =	seq.s32 s5, $0x0;
	s5 =	sld [smem:$0x3FAF]  }
0x2b: {  	s6 =	sld [smem:$0x3FB0]  }
0x2c: {  	s7 =	sld [smem:$0x3FB1]  }
0x2d: {  	s3 =	simm.s32 $0x108;
	s8 =	sld [smem:$0x3FB2]  }
0x2e: {  	s3 =	simm.s32 @!p0 $0x1082;
	s9 =	sld [smem:$0x3FB3]  }
0x2f: {  	lr =	sadd.s32 s0, s3;
	s0 =	sld [smem:$0x3FAA]  }
0x30: {  	s3 =	sld [smem:$0x3FAD]  }
0x31: {  	[smem:$0x3FB6] =	sst s10  }
0x32: {  	s10 =	sld [smem:$0x3FB4];
	_ =	sdelay $0x3  }
0x33: {  	p0 =	seq.s32 s10, $0x1;
	s10 =	sld [smem:$0x3FB6];
	_ =	sdelay $0x3  }
0x34: {  	[smem:$0x3FB6] =	sst s10  }
0x35: {  	s10 =	sld [smem:$0x3FB5];
	_ =	sdelay $0x3  }
0x36: {  	p1 =	seq.s32 s10, $0x1;
	s10 =	sld [smem:$0x3FB6];
	_ =	sdelay $0x3  }
0x37: {  	[smem:$0x3FB6] =	sst s10  }
0x38: {  	s10 =	sld [smem:$0x3FB7]  }
0x39: {  	_ = 	snop;
	(pc) =	sbr.ind lr, $3  }
0x3a: {  	_ = 	snop  }
0x3b: {  	_ = 	snop  }
0x3c: {  	p2 =	seq.s32 s10, $0x1;
	s10 =	sld [smem:$0x3FB6]  }
0x3d: {  	_ =	shalt  }
0x3e: {  	_ =	shalt  }
0x3f: {  	_ =	shalt  }
0x40: {  	_ =	shalt  }
0x41: {  	_ =	shalt  }
0x42: {  	_ =	shalt  }
0x43: {  	_ =	shalt  }
0x44: {  	_ =	shalt  }
0x45: {  	_ =	shalt  }
0x46: {  	_ =	shalt  }
0x47: {  	_ =	shalt  }
0x48: {  	_ =	shalt  }
0x49: {  	_ =	shalt  }
0x4a: {  	_ =	shalt  }
0x4b: {  	_ =	shalt  }
0x4c: {  	_ =	shalt  }
0x4d: {  	_ =	shalt  }
0x4e: {  	_ =	shalt  }
0x4f: {  	_ =	shalt  }
0x50: {  	_ =	shalt  }
0x51: {  	_ =	shalt  }
0x52: {  	_ =	shalt  }
0x53: {  	_ =	shalt  }
0x54: {  	_ =	shalt  }
0x55: {  	_ =	shalt  }
0x56: {  	_ =	shalt  }
0x57: {  	_ =	shalt  }
0x58: {  	_ =	shalt  }
0x59: {  	_ =	shalt  }
0x5a: {  	_ =	shalt  }
0x5b: {  	_ =	shalt  }
0x5c: {  	_ =	shalt  }
0x5d: {  	_ =	shalt  }
0x5e: {  	_ =	shalt  }
0x5f: {  	_ =	shalt  }
0x60: {  	_ =	shalt  }
0x61: {  	_ =	shalt  }
0x62: {  	_ =	shalt  }
0x63: {  	_ =	shalt  }
0x64: {  	_ =	shalt  }
0x65: {  	_ =	shalt  }
0x66: {  	_ =	shalt  }
0x67: {  	_ =	shalt  }
0x68: {  	_ =	shalt  }
0x69: {  	_ =	shalt  }
0x6a: {  	_ =	shalt  }
0x6b: {  	_ =	shalt  }
0x6c: {  	_ =	shalt  }
0x6d: {  	_ =	shalt  }
0x6e: {  	_ =	shalt  }
0x6f: {  	_ =	shalt  }
0x70: {  	_ =	shalt  }
0x71: {  	_ =	shalt  }
0x72: {  	_ =	shalt  }
0x73: {  	_ =	shalt  }
0x74: {  	_ =	shalt  }
0x75: {  	_ =	shalt  }
0x76: {  	_ =	shalt  }
0x77: {  	_ =	shalt  }
0x78: {  	_ =	shalt  }
0x79: {  	_ =	shalt  }
0x7a: {  	_ =	shalt  }
0x7b: {  	_ =	shalt  }
0x7c: {  	_ =	shalt  }
0x7d: {  	_ =	shalt  }
0x7e: {  	_ =	shalt  }
0x7f: {  	_ =	shalt  }
0x80: {  	_ =	shalt  }
0x81: {  	_ =	shalt  }
0x82: {  	_ =	shalt  }
0x83: {  	_ =	shalt  }
0x84: {  	_ =	shalt  }
0x85: {  	_ =	shalt  }
0x86: {  	_ =	shalt  }
0x87: {  	_ =	shalt  }
.Lfunc_end0:
.L_simem_size_0:
called_computation.8_lowered:
.L_overlay_start_0:
0x88: {  	s2 =	sld [smem:$0x3FD9]  }
0x89: {  	s3 =	sld [smem:$0x3FFE];
	_ =	sdelay $0x1  }
0x8a: {  	s1 =	srdreg.scid  }
0x8b: {  	s0 =	sand.u32 $0x1, s1  }
0x8c: {  	s17 =	sshll.u32 s0, $0xA;
	s2 =	sadd.s32 s3, s2  }
0x8d: {  	s2 =	sadd.s32 s2, s17  }
0x8e: {  	[smem:$0x3FC2] =	sst s2  }
0x8f: {  	_ = 	snop  }
0x90: {  	s18 =	sld [smem:$0x3FD0];
	(tm) =	ssettm $0x1  }
0x91: {  	s19 =	sld [smem:$0x3FFB];
	_ =	sdelay $0x3  }
0x92: {  	_ =	strace s19  }
0x93: {  	s2 =	sld [smem:$0x3FFC];
	_ =	sdelay $0x3  }
0x94: {  	_ =	strace s2  }
0x95: {  	s2 =	sld [smem:$0x3FFD];
	_ =	sdelay $0x3  }
0x96: {  	_ =	strace s2  }
0x97: {  	_ =	strace $0x8FFFFFFF  }
0x98: {  	s20 =	sld [smem:$0x3FDB];
	_ =	sdelay $0x1  }
0x99: {  	s4 =	simm.s32 $_scs_section_size  }
0x9a: {  	s5 =	simm.s32 $_size__tile_overlayer_lowered;
	s6 =	simm.s32 $_tile_overlayer_lowered  }
0x9b: {  	s7 =	simm.s32 $0x1BFF;
	s21 =	sshll.u32 s6, $0x1;
	s4 =	sadd.s32 s4, s20  }
0x9c: {  	s22 =	simm.s32 $0x0;
	s5 =	sshll.u32 s5, $0x1;
	s6 =	sadd.s32 s21, s4  }
0x9d: {  	[timem:s22], [sflag:s7] =	dma.local [hbm:s6], s5  }
0x9e: {  	_ =	swait.ge [sflag:s7], s5  }
0x9f: {  	s5 =	ssub.s32 $0x0, s5;
	[sflag:s7] =	ssyncset.done $0x0  }
0xa0: {  	[sflag:s7] =	ssyncadd.s32 s5;
	_ =	sdelay $0x1  }
0xa1: {  	s23 =	simm.s32 $0x1B8B  }
0xa2: {  	_ =	swait.ge [sflag:s23], $0x1  }
0xa3: {  	[sflag:s23] =	ssyncset.done $0x0  }
0xa4: {  	[sflag:s23] =	ssyncadd.s32 $0xFFFFFFFF  }
0xa5: {  	s5 =	sld [smem:$0x0]  }
0xa6: {  	s6 =	sand.u32 $0xFFFFFFFE, s1  }
0xa7: {  	p0 =	sne.s32 s1, s6  }
0xa8: {  	s6 =	sshll.u32 @p0 s6, $0xE  }
0xa9: {  	s6 =	sadd.s32 @p0 $0x11B8D, s6;
	s7 =	sshll.u32 @p0 s5, $0x11  }
0xaa: {  	s6 =	sor.u32 @p0 s7, s6  }
0xab: {  	[sflag:s6] =	ssyncadd.remote.s32 @p0 $0x1;
	_ =	sdelay $0x1  }
0xac: {  	s6 =	simm.s32 @p0 $0x1B8D  }
0xad: {  	_ =	swait.eq @p0 [sflag:s6], $0x1  }
0xae: {  	[sflag:s6] =	ssyncadd.s32 @p0 $0xFFFFFFFF  }
0xaf: {  	s7 =	sshll.u32 @!p0 s1, $0xE  }
0xb0: {  	s7 =	sor.u32 @!p0 $0x4000, s7;
	s6 =	simm.s32 @!p0 $0x1B8D  }
0xb1: {  	s5 =	sshll.u32 @!p0 s5, $0x11;
	s7 =	sadd.s32 @!p0 $0x11B8D, s7;
	_ =	swait.eq @!p0 [sflag:s6], $0x1  }
0xb2: {  	s5 =	sor.u32 @!p0 s5, s7;
	[sflag:s6] =	ssyncadd.s32 @!p0 $0xFFFFFFFF  }
0xb3: {  	s25 =	simm.s32 $0x1B8E;
	s24 =	sld [smem:$0x3FFE];
	[sflag:s5] =	ssyncadd.remote.s32 @!p0 $0x1  }
0xb4: {  	s26 =	simm.s32 $execute0_lowered;
	[smem:$0x3FD2] =	sst s25  }
0xb5: {  	s6 =	sshll.u32 s26, $0x1;
	_ =	strace $0x8000005B;
	[dreg:$0x1] =	wrdreg $0xFFFFFFFF  }
0xb6: {  	s28 =	simm.s32 $_size_execute0_lowered;
	s4 =	sadd.s32 s4, s6;
	[dreg:$0x0] =	wrdreg $0x0  }
0xb7: {  	s6 =	sshll.u32 s28, $0x1;
	[dreg:$0x2] =	wrdreg s4  }
0xb8: {  	[dreg:$0x3] =	wrdreg s6  }
0xb9: {  	[dreg:$0x4] =	wrdreg $0xC0  }
0xba: {  	_ =	task [dreg:s22], $0x5FFFF  }
0xbb: {  	[dreg:$0x1] =	wrdreg $0xFFFFFFFF  }
0xbc: {  	[dreg:$0x0] =	wrdreg $0x60  }
0xbd: {  	[dreg:$0x2] =	wrdreg s24  }
0xbe: {  	[dreg:$0x3] =	wrdreg s18  }
0xbf: {  	[dreg:$0x4] =	wrdreg $0x10  }
0xc0: {  	_ =	task.clear_ibuf [dreg:s22], $0x5FFFF;
	_ =	strace $0x9000005B  }
0xc1: {  	s29 =	simm.s32 $0x10;
	_ =	strace $0x8000005D  }
0xc2: {  	_ =	swait.ge [sflag:s29], $0x1  }
0xc3: {  	[sflag:s29] =	ssyncadd.s32 $0xFFFFFFFF  }
0xc4: {  	_ =	strace $0x9000005D  }
0xc5: {  	_ =	sfence  }
0xc6: {  	s30 =	sld [smem:$0x0];
	_ =	sdelay $0x2  }
0xc7: {  	s31 =	sshll.u32 s1, $0xD;
	s1 =	sshrl.u32 s1, $0x2  }
0xc8: {  	s4 =	sand.u32 $0x4000, s31;
	s1 =	sadd.s32 s1, s30  }
0xc9: {  	s0 =	sor.u32 s4, s0;
	s1 =	sshll.u32 s1, $0x11  }
0xca: {  	s0 =	sor.u32 s1, s0  }
0xcb: {  	s0 =	sadd.s32 $0x8F2B, s0  }
0xcc: {  	[sflag:s0] =	ssyncadd.remote.s32 $0x1  }
0xcd: {  	_ =	sfence.sel $0xFFFF  }
0xce: {  	[dreg:$0x0] =	wrdreg $0xFFFFFFFF;
	(pc) =	sbr.abs _section_cstart, $3  }
0xcf: {  	[dreg:$0x1] =	wrdreg $0xFFFFFFFF  }
0xd0: {  	_ =	task.clear_ibuf [dreg:s22], $0x2FFFF;
	_ =	strace $0x9FFFFFFF  }
0xd1: {  	(tm) =	ssettm $0x7FFFFFFF  }
tec
execute0_lowered:
.L_overlay_start_1:
0x0: {  	(tag) =	ssettag $0x1  }
0x1: {  	s1 =	srdreg.scid  }
0x2: {  	s0 =	stileid.u32;
	s3 =	rddreg [dreg:$0x0]  }
0x3: {  	s6 =	rddreg [dreg:$0x1];
	s2 =	simm.s32 $0x0;
	s5 =	smul.u32 $0x1900, s0  }
0x4: {  	s4 =	sand.u32 $0x1, s1;
	s1 =	rddreg [dreg:$0x2];
	s9 =	smul.u32 $0xC800, s0  }
0x5: {  	[smem:$0x7FF] =	sst s2;
	s7 =	smul.u32 $0xC80, s4  }
0x6: {  	_ =	strace $0x8000005C;
	s28 =	ssub.s32 $0x2, s4;
	s30 =	smul.u32 $0x6400, s4  }
0x7: {  	s8 =	sshrl.u32 s28, $0x1;
	s31 =	sadd.s32 s9, s6;
	s5 =	sadd.s32 s7, s5  }
0x8: {  	s9 =	simm.s32 $0x1;
	s29 =	ssub.s32 s28, s8;
	s5 =	sadd.s32 $0xAF000, s5  }
0x9: {  	s7 =	simm.s32 $0x2;
	s8 =	simm.s32 $0x140;
	s5 =	sshrl.u32 s5, $0x3  }
0xa: {  	s4 =	smax.u32 s29, $0x1;
	s10 =	sadd.s32 s5, s3;
	s3 =	sadd.s32 $0xF5FC00, s3  }
0xb: {  	s5 =	sadd.s32 s30, s31;
	s6 =	sadd.s32 $0x4600, s10;
	s10 =	simm.s32 $0x0  }
.LBB2_1:
0xc: {  	s11 =	sand.u32 $0x1, s2  }
0xd: {  	s12 =	smul.u32 $0x500, s11;
	_ =	sdelay $0x1  }
0xe: {  	s11 =	smul.u32 $0x14000, s11;
	s12 =	sshrl.u32 s12, $0x2  }
0xf: {  	[tilespmem:s12], [sflag:$0x2] =	stream.linear.gather [hbm4b:s6+s2], $0x140, $0x38;
	[tilespmem:$0xA280] =	vst v63  }
0x10: {  	_ =	swait.ge [sflag:s7], $0x140  }
0x11: {  	s11 =	sshrl.u32 s11, $0x2;
	[sflag:s7] =	ssyncset.done $0x0  }
0x12: {  	s11 =	sor.u32 $0x280, s11;
	[sflag:s7] =	ssyncadd.s32 $0xFFFFFEC0  }
0x13: {  	[tilespmem:s11], [sflag:$0x1] =	stream.indirect.gather [hbm4b:s3+s8], $0x40, s12, s8, $0xb8;
	[tilespmem:$0xA280] =	vst v63  }
0x14: {  	_ =	swait.ge [sflag:s9], $0x5000  }
0x15: {  	s31 =	simm.s32 $0x1;
	[sflag:s9] =	ssyncset.done $0x0  }
0x16: {  	s14 =	sand.u32 $0x1, s31;
	[sflag:s9] =	ssyncadd.s32 $0xFFFFB000  }
0x17: {  	[hbm4b:s5+s2] =	stream.linear.scatter [tilespmem:s11], [sflag:$0x2], $0x5000, $0x38;
	[tilespmem:$0xA280] =	vst v63  }
0x18: {  	s15 =	simm.s32 $0x2;
	s13 =	smul.u32 $0x500, s14;
	_ =	swait.ge [sflag:s7], $0x5000  }
0x19: {  	s12 =	sadd.s32 $0x28, s6;
	s11 =	sadd.s32 $0xA00, s5;
	[sflag:s7] =	ssyncset.done $0x0  }
.LBB2_2:
0x1a: {  	s14 =	smul.u32 $0x14000, s14  }
0x1b: {  	[sflag:s7] =	ssyncadd.s32 $0xFFFFB000;
	s16 =	smov.u32 s15;
	s17 =	sadd.s32 $0x1, s15  }
0x1c: {  	p0 =	sne.s32 s15, $0x9;
	s13 =	sshrl.u32 s13, $0x2  }
0x1d: {  	[tilespmem:s13], [sflag:$0x2] =	stream.linear.gather [hbm4b:s12+s2], $0x140, $0x38;
	[tilespmem:$0xA280] =	vst v63  }
0x1e: {  	s14 =	sshrl.u32 s14, $0x2;
	_ =	swait.ge [sflag:s7], $0x140  }
0x1f: {  	[sflag:s7] =	ssyncset.done $0x0  }
0x20: {  	s14 =	sor.u32 $0x280, s14;
	[sflag:s7] =	ssyncadd.s32 $0xFFFFFEC0  }
0x21: {  	[tilespmem:s14], [sflag:$0x1] =	stream.indirect.gather [hbm4b:s3+s8], $0x40, s13, s8, $0xb8;
	[tilespmem:$0xA280] =	vst v63  }
0x22: {  	_ =	swait.ge [sflag:s9], $0x5000  }
.Ltmp0:
0x23: {  	[sflag:s9] =	ssyncset.done $0x0;
	(pc) =	sbr.rel @p0 .LBB2_2-.Ltmp0, $4  }
0x24: {  	s15 =	smov.u32 s17;
	[sflag:s9] =	ssyncadd.s32 $0xFFFFB000  }
0x25: {  	[hbm4b:s11+s2] =	stream.linear.scatter [tilespmem:s14], [sflag:$0x2], $0x5000, $0x38;
	[tilespmem:$0xA280] =	vst v63  }
0x26: {  	s12 =	sadd.s32 $0x28, s12;
	s14 =	sand.u32 $0x1, s16;
	_ =	swait.ge [sflag:s7], $0x5000  }
0x27: {  	s11 =	sadd.s32 $0xA00, s11;
	s13 =	smul.u32 $0x500, s14;
	[sflag:s7] =	ssyncset.done $0x0  }
0x28: {  	_ = 	snop  }
0x29: {  	s14 =	smul.u32 $0x14000, s14;
	[sflag:s7] =	ssyncadd.s32 $0xFFFFB000;
	s13 =	sshrl.u32 s13, $0x2  }
0x2a: {  	[tilespmem:s13], [sflag:$0x2] =	stream.linear.gather [hbm4b:s12+s2], $0x140, $0x38;
	[tilespmem:$0xA280] =	vst v63  }
0x2b: {  	_ =	swait.ge [sflag:s7], $0x140  }
0x2c: {  	s31 =	sshrl.u32 s14, $0x2;
	[sflag:s7] =	ssyncset.done $0x0  }
0x2d: {  	s12 =	sor.u32 $0x280, s31;
	[sflag:s7] =	ssyncadd.s32 $0xFFFFFEC0  }
0x2e: {  	[tilespmem:s12], [sflag:$0x1] =	stream.indirect.gather [hbm4b:s3+s8], $0x40, s13, s8, $0xb8;
	[tilespmem:$0xA280] =	vst v63  }
0x2f: {  	s10 =	sadd.s32 $0x1, s10;
	_ =	swait.ge [sflag:s9], $0x5000  }
0x30: {  	p0 =	sne.s32 s10, s4;
	[sflag:s9] =	ssyncset.done $0x0  }
.Ltmp1:
0x31: {  	[sflag:s9] =	ssyncadd.s32 $0xFFFFB000;
	(pc) =	sbr.rel @p0 .LBB2_1-.Ltmp1, $4  }
0x32: {  	[hbm4b:s11+s2] =	stream.linear.scatter [tilespmem:s12], [sflag:$0x2], $0x5000, $0x38;
	[tilespmem:$0xA280] =	vst v63  }
0x33: {  	_ =	swait.ge [sflag:s7], $0x5000  }
0x34: {  	[sflag:s7] =	ssyncset.done $0x0  }
0x35: {  	[sflag:s7] =	ssyncadd.s32 $0xFFFFB000  }
0x36: {  	_ =	sfence.sel $0x180000  }
0x37: {  	[bflag:$0x0] =	sbarrier.arrive $0xFFFF  }
0x38: {  	p0 =	sne.s32 s0, $0x0;
	_ =	strace $0x9000005C  }
0x39: {  	s0 =	sadd.s32 @!p0 $0x100000, s1;
	[bflag:$0x2] =	sbarrier.arrive $0xFFFF  }
0x3a: {  	[sflag:s0] =	ssyncadd.tile.s32 @!p0 $0x1;
	_ =	shalt  }
.Lfunc_end2:
_tile_overlayer_lowered:
.L_overlay_start_2:
0x3b: {  	(tag) =	ssettag $0x2  }
0x3c: {  	s0 =	rddreg [dreg:$0x0];
	s2 =	stileid.u32  }
0x3d: {  	s1 =	rddreg [dreg:$0x1];
	p0 =	sne.s32 s2, $0x0  }
0x3e: {  	s3 =	rddreg [dreg:$0x2];
	[bflag:$0x3] =	sbarrier.arrive $0xFFFF;
	s2 =	simm.s32 @!p0 $0x1C02  }
0x3f: {  	[timem:s3], [sflag:s2] =	dma.local @!p0 [hbm:s0], s1  }
0x40: {  	s0 =	simm.s32 @!p0 $0x2  }
0x41: {  	_ =	swait.ge @!p0 [sflag:s0], s1  }
0x42: {  	s1 =	ssub.s32 @!p0 $0x0, s1;
	[sflag:s0] =	ssyncset.done @!p0 $0x0  }
0x43: {  	[sflag:s0] =	ssyncadd.s32 @!p0 s1  }
0x44: {  	[bflag:$0x3] =	sbarrier.arrive $0xFFFF  }
0x45: {  	_ =	shalt  }

// kernel: sparse-core-data-format-call.cloned.1.call-start
scs
called_computation_lowered:
.L_overlay_start_0:
0x0: {  	s2 =	sld [smem:$0x3FD9]  }
0x1: {  	s3 =	sld [smem:$0x3FFE];
	_ =	sdelay $0x1  }
0x2: {  	s1 =	srdreg.scid  }
0x3: {  	s0 =	sand.u32 $0x1, s1  }
0x4: {  	s18 =	sshll.u32 s0, $0xA;
	s2 =	sadd.s32 s3, s2  }
0x5: {  	s2 =	sadd.s32 s2, s18  }
0x6: {  	[smem:$0x3FC2] =	sst s2  }
0x7: {  	_ = 	snop  }
0x8: {  	s2 =	sld [smem:$0x3FD0];
	(tm) =	ssettm $0x1  }
0x9: {  	s19 =	sld [smem:$0x3FFB];
	_ =	sdelay $0x3  }
0xa: {  	_ =	strace s19  }
0xb: {  	s3 =	sld [smem:$0x3FFC];
	_ =	sdelay $0x3  }
0xc: {  	_ =	strace s3  }
0xd: {  	s3 =	sld [smem:$0x3FFD];
	_ =	sdelay $0x3  }
0xe: {  	_ =	strace s3  }
0xf: {  	_ =	strace $0x8FFFFFFF  }
0x10: {  	s20 =	sld [smem:$0x3FDB];
	_ =	sdelay $0x1  }
0x11: {  	s4 =	simm.s32 $_scs_section_size  }
0x12: {  	s5 =	simm.s32 $_size__tile_overlayer_lowered;
	s6 =	simm.s32 $_tile_overlayer_lowered  }
0x13: {  	s23 =	simm.s32 $0x1BFF;
	s22 =	sshll.u32 s6, $0x1;
	s3 =	sadd.s32 s4, s20  }
0x14: {  	s7 =	simm.s32 $0x0;
	s21 =	sshll.u32 s5, $0x1;
	s5 =	sadd.s32 s22, s3  }
0x15: {  	[timem:s7], [sflag:s23] =	dma.local [hbm:s5], s21  }
0x16: {  	_ =	swait.ge [sflag:s23], s21  }
0x17: {  	s4 =	ssub.s32 $0x0, s21;
	[sflag:s23] =	ssyncset.done $0x0  }
0x18: {  	[sflag:s23] =	ssyncadd.s32 s4;
	_ =	sdelay $0x1  }
0x19: {  	s24 =	simm.s32 $0x1B8B  }
0x1a: {  	_ =	swait.ge [sflag:s24], $0x1  }
0x1b: {  	[sflag:s24] =	ssyncset.done $0x0  }
0x1c: {  	s26 =	simm.s32 $0x1B8E;
	s25 =	sld [smem:$0x3FFE];
	[sflag:s24] =	ssyncadd.s32 $0xFFFFFFFF  }
0x1d: {  	s27 =	simm.s32 $execute0_lowered;
	[smem:$0x3FD2] =	sst s26  }
0x1e: {  	s5 =	sshll.u32 s27, $0x1;
	_ =	strace $0x8000005E;
	[dreg:$0x1] =	wrdreg $0xFFFFFFFF  }
0x1f: {  	s28 =	simm.s32 $_size_execute0_lowered;
	s3 =	sadd.s32 s3, s5;
	[dreg:$0x0] =	wrdreg $0x0  }
0x20: {  	s5 =	sshll.u32 s28, $0x1;
	[dreg:$0x2] =	wrdreg s3  }
0x21: {  	[dreg:$0x3] =	wrdreg s5  }
0x22: {  	[dreg:$0x4] =	wrdreg $0xC0  }
0x23: {  	_ =	task [dreg:s7], $0x5FFFF  }
0x24: {  	[dreg:$0x1] =	wrdreg $0xFFFFFFFF  }
0x25: {  	[dreg:$0x0] =	wrdreg $0x60  }
0x26: {  	[dreg:$0x2] =	wrdreg s25  }
0x27: {  	[dreg:$0x3] =	wrdreg s2  }
0x28: {  	[dreg:$0x4] =	wrdreg $0x9  }
0x29: {  	_ =	task.clear_ibuf [dreg:s7], $0x5FFFF;
	_ =	strace $0x9000005E  }
0x2a: {  	s29 =	simm.s32 $0x9;
	_ =	strace $0x80000060  }
0x2b: {  	_ =	swait.ge [sflag:s29], $0x1  }
0x2c: {  	[sflag:s29] =	ssyncadd.s32 $0xFFFFFFFF  }
0x2d: {  	_ =	strace $0x90000060  }
0x2e: {  	_ =	sfence  }
0x2f: {  	s30 =	sld [smem:$0x0];
	_ =	sdelay $0x2  }
0x30: {  	s31 =	sshll.u32 s1, $0xD;
	s1 =	sshrl.u32 s1, $0x2  }
0x31: {  	s3 =	sand.u32 $0x4000, s31;
	s1 =	sadd.s32 s1, s30  }
0x32: {  	s0 =	sor.u32 s3, s0;
	s1 =	sshll.u32 s1, $0x11  }
0x33: {  	s0 =	sor.u32 s1, s0  }
0x34: {  	s0 =	sadd.s32 $0x8F2B, s0  }
0x35: {  	[sflag:s0] =	ssyncadd.remote.s32 $0x1  }
0x36: {  	_ =	sfence.sel $0xFFFF  }
0x37: {  	[dreg:$0x0] =	wrdreg $0xFFFFFFFF;
	(pc) =	sbr.abs _section_cstart, $3  }
0x38: {  	[dreg:$0x1] =	wrdreg $0xFFFFFFFF  }
0x39: {  	_ =	task.clear_ibuf [dreg:s7], $0x2FFFF;
	_ =	strace $0x9FFFFFFF  }
0x3a: {  	(tm) =	ssettm $0x7FFFFFFF  }
0x3b: {  	_ =	shalt  }
tec
execute0_lowered:
.L_overlay_start_1:
0x0: {  	(tag) =	ssettag $0x1  }
0x1: {  	s0 =	srdreg.scid  }
0x2: {  	s1 =	sshll.u32 s0, $0x4  }
0x3: {  	s0 =	stileid.u32;
	s1 =	sand.u32 $0x10, s1  }
0x4: {  	s1 =	sor.u32 s0, s1  }
0x5: {  	s6 =	rddreg [dreg:$0x0];
	s4 =	simm.s32 $0x1;
	s2 =	sshll.u32 s1, $0x7  }
0x6: {  	s7 =	simm.s32 $0x2;
	s12 =	simm.s32 $0x0;
	s1 =	ssub.s32 $0x1000, s2  }
0x7: {  	s8 =	simm.s32 $0x8000;
	s13 =	simm.s32 $0x0;
	s3 =	sand.u32 $0xF80, s1  }
0x8: {  	s9 =	simm.s32 $0x0;
	s5 =	sshrl.u32 s1, $0xC;
	p0 =	sne.s32 s3, $0x0  }
.Ltmp0:
0x9: {  	s1 =	rddreg [dreg:$0x2];
	s4 =	simm.s32 @!p0 $0x0;
	(pc) =	sbr.rel .LBB1_1-.Ltmp0, $4  }
0xa: {  	s11 =	simm.s32 $0x0;
	s3 =	rddreg [dreg:$0x1];
	s5 =	sadd.s32 s4, s5  }
0xb: {  	_ =	strace $0x8000005F;
	s4 =	simm.s32 $0x1;
	s5 =	smul.u32 $0xC8, s5  }
0xc: {  	s6 =	sadd.s32 $0x1701000, s6;
	s10 =	smov.u32 s2;
	[sflag:s4] =	ssyncpa.u1 $0x0  }
0xd: {  	p0 =	por $0x0, $0x0;
	[sflag:s7] =	ssyncpa.u1 $0x0;
	s7 =	sor.u32 $0x1, s5  }
.LBB1_4:
0xe: {  	s16 =	sshll.u32 s13, $0x3;
	s17 =	sand.u32 $0x78, s13  }
0xf: {  	s30 =	sand.u32 $0x7E00, s13;
	s12 =	sshll.u32 s12, $0xF;
	s16 =	sand.u32 $0xC00, s16  }
0x10: {  	[tilespmem:s15+$0x810 ss:$0x81] =	vst.msk $0xffff, v2;
	s31 =	sand.u32 $0x7, s13;
	s16 =	sor.u32 s17, s16;
	s17 =	sadd.s32 s3, s30  }
0x11: {  	[tilespmem:s15+$0x1020 ss:$0x81] =	vst.msk $0xffff, v0;
	s13 =	sshll.u32 s31, $0x12;
	s12 =	sadd.s32 s12, s17;
	s16 =	sshrl.u32 s16, $0x3  }
0x12: {  	[tilespmem:s15+$0x0 ss:$0x81] =	vst.msk $0xffff, v1;
	s13 =	sor.u32 $0x400, s13;
	s12 =	sadd.s32 s16, s12  }
0x13: {  	[hbm4b:s12+s13] =	stream.strided.scatter [tilespmem:s14], [sflag:$0x2], $0x2000, s8, s13, $0x20;
	[tilespmem:$0x8080] =	vst v63  }
.LBB1_5:
0x14: {  	s14 =	sadd.s32 $0x1, s9  }
0x15: {  	s12 =	sadd.s32 $0x1000, s10;
	s16 =	smov.u32 s10;
	p2 =	sgt.s32 s14, $0xC7  }
0x16: {  	s16 =	smov.u32 @p2 s12  }
0x17: {  	s14 =	simm.s32 @p2 $0x0;
	p2 =	sgt.s32 s16, $0xFFF  }
0x18: {  	s16 =	smov.u32 @p2 s2;
	p2 =	sne.s32 s11, s7  }
.Ltmp1:
0x19: {  	p1 =	slt.u32 s11, $0x2;
	(pc) =	sbr.rel @!p2 .LBB1_6-.Ltmp1, $4  }
0x1a: {  	s15 =	simm.s32 @!p1 $0x2  }
0x1b: {  	s13 =	smov.u32 s10;
	p0 =	por !p0, !p0;
	_ =	swait.ge @!p1 [sflag:s15], $0x2000  }
0x1c: {  	s12 =	smov.u32 s9;
	[sflag:s15] =	ssyncset.done @!p1 $0x0;
	s9 =	smov.u32 s14  }
0x1d: {  	s11 =	sadd.s32 $0x1, s11;
	[sflag:s15] =	ssyncadd.s32 @!p1 $0xFFFFE000;
	s10 =	smov.u32 s16  }
.LBB1_1:
0x1e: {  	p1 =	sge.u32 s11, s5  }
0x1f: {  	s14 =	sand.u32 @!p1 $0x1FFFFFF, s9  }
0x20: {  	s15 =	smulhi.u32 @!p1 $0x147AE15, s14;
	_ =	sdelay $0x1  }
0x21: {  	s15 =	smul.u32 @!p1 $0xC8, s15  }
0x22: {  	s16 =	sxor.u32 @!p1 $0xFFFFFFFF, s11;
	s17 =	smul.u32 @!p1 $0xC80, s10  }
0x23: {  	s31 =	sadd.s32 $0xFFFFFFFF, s11;
	s16 =	sshll.u32 @!p1 s16, $0xD;
	s14 =	ssub.s32 @!p1 s14, s15  }
0x24: {  	s15 =	sand.u32 @!p1 $0x2000, s16;
	s16 =	sadd.s32 @!p1 s6, s17;
	s14 =	sshll.u32 @!p1 s14, $0x4  }
0x25: {  	s17 =	simm.s32 @!p1 $0x6400;
	s14 =	sadd.s32 @!p1 s14, s16;
	s16 =	simm.s32 @!p1 $0x40  }
0x26: {  	[tilespmem:s15], [sflag:$0x1] =	stream.strided.gather @!p1 [hbm4b:s14+s16], $0x2000, s17, s16, $0x38;
	[tilespmem:$0x8080] =	vst v63  }
0x27: {  	p1 =	sge.u32 s31, s5  }
.Ltmp2:
0x28: {  	_ = 	snop;
	(pc) =	sbr.rel @p1 .LBB1_5-.Ltmp2, $1  }
0x29: {  	_ =	sdelay $0x3  }
0x2a: {  	s14 =	simm.s32 $0x1  }
0x2b: {  	_ =	swait.ge [sflag:s4], $0x2000;
	s14 =	simm.s32 @!p0 $0x0  }
0x2c: {  	[sflag:s4] =	ssyncset.done $0x0;
	s15 =	sshll.u32 s14, $0xD  }
0x2d: {  	[sflag:s4] =	ssyncadd.s32 $0xFFFFE000;
	s18 =	sor.u32 $0x20, s15  }
0x2e: {  	s14 =	smul.u32 $0x8100, s14;
	v3 =	vld [tilespmem:s18+$0x10]  }
0x2f: {  	s30 =	sand.u32 $0x1, s11;
	v2 =	vld [tilespmem:s18+$0xFFFFFFF0]  }
0x30: {  	s15 =	smul.u32 $0x8100, s30;
	s14 =	sshrl.u32 s14, $0x2;
	v0 =	vld [tilespmem:s18+$0x0]  }
0x31: {  	v1 =	vld [tilespmem:s18+$0xFFFFFFE0];
	s16 =	sor.u32 $0x4000, s14  }
0x32: {  	s31 =	sshrl.u32 s15, $0x2;
	s15 =	sadd.s32 $0x0, s16  }
0x33: {  	s17 =	simm.s32 $0x4;
	s18 =	sadd.s32 $0x40, s18;
	s14 =	sor.u32 $0x4000, s31;
	[tilespmem:s15+$0x1830 ss:$0x81] =	vst.msk $0xffff, v3  }
.LBB1_3:
0x34: {  	v3 =	vld [tilespmem:s18+$0x10];
	p1 =	sne.s32 s17, $0x1FC;
	[tilespmem:s15+$0x810 ss:$0x81] =	vst.msk $0xffff, v2;
	s19 =	smov.u32 s17;
	s17 =	sadd.s32 $0x4, s17  }
.Ltmp3:
0x35: {  	v2 =	vld [tilespmem:s18+$0xFFFFFFF0];
	[tilespmem:s15+$0x1020 ss:$0x81] =	vst.msk $0xffff, v0;
	(pc) =	sbr.rel @p1 .LBB1_3-.Ltmp3, $4  }
0x36: {  	v0 =	vld [tilespmem:s18+$0x0];
	[tilespmem:s15+$0x0 ss:$0x81] =	vst.msk $0xffff, v1  }
0x37: {  	s15 =	sshra.s32 s19, $0x2;
	v1 =	vld [tilespmem:s18+$0xFFFFFFE0]  }
0x38: {  	s15 =	sadd.s32 s15, s16  }
0x39: {  	s18 =	sadd.s32 $0x40, s18;
	[tilespmem:s15+$0x1830 ss:$0x81] =	vst.msk $0xffff, v3  }
.Ltmp4:
0x3a: {  	_ = 	snop;
	(pc) =	sbr.rel .LBB1_4-.Ltmp4, $1  }
0x3b: {  	_ =	sdelay $0x3  }
.LBB1_6:
0x3c: {  	_ =	sfence.sel $0x180000  }
0x3d: {  	s2 =	simm.s32 $0x1;
	[bflag:$0x0] =	sbarrier.arrive $0xFFFF  }
0x3e: {  	s31 =	simm.s32 $0x2;
	[sflag:s2] =	ssyncpa.u1 $0x1  }
0x3f: {  	[sflag:s31] =	ssyncpa.u1 $0x1  }
0x40: {  	p0 =	sne.s32 s0, $0x0;
	_ =	strace $0x9000005F  }
0x41: {  	s0 =	sadd.s32 @!p0 $0x100000, s1;
	[bflag:$0x2] =	sbarrier.arrive $0xFFFF  }
0x42: {  	[sflag:s0] =	ssyncadd.tile.s32 @!p0 $0x1;
	_ =	shalt  }
.Lfunc_end1:
_tile_overlayer_lowered:
.L_overlay_start_2:
0x43: {  	(tag) =	ssettag $0x2  }
0x44: {  	s0 =	rddreg [dreg:$0x0];
	s2 =	stileid.u32  }
0x45: {  	s1 =	rddreg [dreg:$0x1];
	p0 =	sne.s32 s2, $0x0  }
0x46: {  	s3 =	rddreg [dreg:$0x2];
	[bflag:$0x3] =	sbarrier.arrive $0xFFFF;
	s2 =	simm.s32 @!p0 $0x1C01  }
0x47: {  	[timem:s3], [sflag:s2] =	dma.local @!p0 [hbm:s0], s1  }
0x48: {  	s0 =	simm.s32 @!p0 $0x1  }
0x49: {  	_ =	swait.ge @!p0 [sflag:s0], s1  }
0x4a: {  	s1 =	ssub.s32 @!p0 $0x0, s1;
	[sflag:s0] =	ssyncset.done @!p0 $0x0  }
0x4b: {  	[sflag:s0] =	ssyncadd.s32 @!p0 s1  }
0x4c: {  	[bflag:$0x3] =	sbarrier.arrive $0xFFFF  }
0x4d: {  	_ =	shalt  }

</sc_bundles>
